<compile_context>
chip_gen: v7x
topology: tpu7x:2x2x1
jax: 0.10.2.dev20260603
libtpu: 0.0.44.dev20260713+nightly
codegen_flags: <defaults>
</compile_context>

<pallas_src>
import jax
import jax.numpy as jnp
from jax import lax
from jax.experimental import pallas as pl
from jax.experimental.pallas import tpu as pltpu
from jax.experimental.pallas import tpu_sc as plsc

NUM_CLASSES = 100000
HIDDEN_DIM = 128
BATCH = 16384

_INFO = plsc.get_sparse_core_info()
_NC = _INFO.num_cores
_NS = _INFO.num_subcores
_L = _INFO.num_lanes
_NW = _NC * _NS
_BPW = BATCH // _NW
_K = 128
_NCH = _BPW // _K
_GPC = _K // _L
_NCOL = HIDDEN_DIM // _L


def _sc_kernel(labels_hbm, drops_hbm, table_hbm, out_hbm, idx_v, drop_v,
               rows_v, row0_v, *sems):
    gsem, osem = sems[:_NCH], sems[_NCH]
    wid = lax.axis_index("s") * _NC + lax.axis_index("c")
    base = wid * _BPW

    lab_copy = pltpu.async_copy(
        labels_hbm.at[pl.ds(wid * _NCH, _NCH)], idx_v, gsem[0])
    drop_copy = pltpu.async_copy(
        drops_hbm.at[pl.ds(wid * _NCH, _NCH)], drop_v, gsem[1])
    row0_copy = pltpu.async_copy(table_hbm.at[pl.ds(0, 1)], row0_v, osem)
    lab_copy.wait()
    drop_copy.wait()

    lane = lax.iota(jnp.int32, _L)
    gathers = []
    for j in range(_NCH):
        for g in range(_GPC):
            sl = pl.ds(g * _L, _L)
            pos = lane + j * _K + g * _L
            idx_v[j, sl] = jnp.where(drop_v[j, sl] == 1, pos + base,
                                     idx_v[j, sl])
        gathers.append(pltpu.async_copy(
            table_hbm.at[idx_v.at[j]], rows_v.at[pl.ds(j * _K, _K)],
            gsem[j]))

    row0_copy.wait()
    r0 = [row0_v[0, pl.ds(c * _L, _L)] for c in range(_NCOL)]

    out_copies = []
    for j in range(_NCH):
        gathers[j].wait()

        def _fill(g, carry, j=j):
            drop16 = drop_v[j, pl.ds(g * _L, _L)]
            pos = lane + j * _K + g * _L
            tgt = jnp.where(drop16 == 1, pos, _BPW)
            for k in range(_L):
                r = tgt[k]
                for c in range(_NCOL):
                    rows_v[r, pl.ds(c * _L, _L)] = carry[c]
            return carry

        lax.fori_loop(0, _GPC, _fill, tuple(r0))
        out_copies.append(pltpu.async_copy(
            rows_v.at[pl.ds(j * _K, _K)],
            out_hbm.at[pl.ds(base + j * _K, _K)], osem))
    for c in out_copies:
        c.wait()


@jax.jit
def _embed(labels, force_drop_ids, embedding_table):
    mesh = plsc.VectorSubcoreMesh(core_axis_name="c", subcore_axis_name="s")
    return pl.kernel(
        _sc_kernel,
        mesh=mesh,
        out_type=jax.ShapeDtypeStruct((BATCH, HIDDEN_DIM), jnp.float32),
        scratch_types=[
            pltpu.VMEM((_NCH, _K), jnp.int32),
            pltpu.VMEM((_NCH, _K), jnp.int32),
            pltpu.VMEM((_BPW + 1, HIDDEN_DIM), jnp.float32),
            pltpu.VMEM((1, HIDDEN_DIM), jnp.float32),
        ] + [pltpu.SemaphoreType.DMA] * (_NCH + 1),
    )(labels.reshape(BATCH // _K, _K), force_drop_ids.reshape(BATCH // _K, _K),
      embedding_table)


def kernel(labels, train, force_drop_ids, embedding_table):
    del train
    return _embed(labels.astype(jnp.int32), force_drop_ids.astype(jnp.int32),
                  embedding_table)

# --- scband reference (transcript-rebuilt; emitter-appended) ---
"""Pipeline reference for scband-label-embedder-9706626090097 (READ-ONLY COPY).

The authoritative reference and input builder live on the scoring server;
editing this copy changes nothing except your own understanding.
"""

import jax, jax.numpy as jnp
import numpy as np

NUM_CLASSES = 100000
HIDDEN_DIM = 128
BATCH = 16384

def setup_inputs(seed: int = 0) -> dict:
    key = jax.random.key(seed)
    k1, k2, k3 = jax.random.split(key, 3)
    labels = jax.random.randint(k1, (BATCH,), 0, NUM_CLASSES, dtype=jnp.int64 if jax.config.jax_enable_x64 else jnp.int32)
    force_drop_ids = jax.random.randint(k2, (BATCH,), 0, 2, dtype=jnp.int32)
    # embedding table: num_classes + 1 (CFG null-class row, since dropout_prob > 0)
    embedding_table = jax.random.normal(k3, (NUM_CLASSES + 1, HIDDEN_DIM), dtype=jnp.float32)
    return {"labels": labels, "train": 0, "force_drop_ids": force_drop_ids, "embedding_table": embedding_table}

def reference(labels, train, force_drop_ids, embedding_table):
    # dropout_prob = 0.1 > 0 -> use_dropout is True
    # forward: if (train and use_dropout) or force_drop_ids is not None -> token_drop
    # force_drop_ids is provided, so token_drop is applied deterministically.
    drop_ids = force_drop_ids == 1
    labels = jnp.where(drop_ids, 0, labels)
    embeddings = jnp.take(embedding_table, labels, axis=0)
    return embeddings

if __name__ == "__main__":
    import jax
    _d = setup_inputs()
    print(jax.jit(kernel)(*tuple(_d.values())))

</pallas_src>

<mosaic_0001>
#map = affine_map<(d0, d1) -> (0, 0)>
module attributes {stable_mosaic.version = 14 : i64} {
  func.func @_sc_kernel(%arg0: i32, %arg1: i32, %arg2: memref<128x128xi32, #tpu.memory_space<hbm>>, %arg3: memref<128x128xi32, #tpu.memory_space<hbm>>, %arg4: memref<100001x128xf32, #tpu.memory_space<hbm>>, %arg5: memref<16384x128xf32, #tpu.memory_space<hbm>>, %arg6: memref<4x128xi32, #tpu.memory_space<vmem>>, %arg7: memref<4x128xi32, #tpu.memory_space<vmem>>, %arg8: memref<513x128xf32, #tpu.memory_space<vmem>>, %arg9: memref<1x128xf32, #tpu.memory_space<vmem>>, %arg10: memref<!tpu.dma_semaphore, #tpu.memory_space<semaphore_mem>>, %arg11: memref<!tpu.dma_semaphore, #tpu.memory_space<semaphore_mem>>, %arg12: memref<!tpu.dma_semaphore, #tpu.memory_space<semaphore_mem>>, %arg13: memref<!tpu.dma_semaphore, #tpu.memory_space<semaphore_mem>>, %arg14: memref<!tpu.dma_semaphore, #tpu.memory_space<semaphore_mem>>) attributes {dimension_semantics = [#tpu.dimension_semantics<core_parallel>, #tpu.dimension_semantics<subcore_parallel>], iteration_bounds = array<i64: 2, 16>, scalar_prefetch = 0 : i64, scratch_operands = 9 : i64, tpu.core_type = #tpu.core_type<sc_vector_subcore>, window_params = [{transform_indices = #map}, {transform_indices = #map}, {transform_indices = #map}, {transform_indices = #map}]} {
    %mul3A = arith.constant 2 : i32
    %mul3A_0 = arith.muli %arg1, %mul3A : i32
    %add3A = arith.addi %mul3A_0, %arg0 : i32
    %mul3A_1 = arith.constant 512 : i32
    %mul3A_2 = arith.muli %add3A, %mul3A_1 : i32
    %mul3A_3 = arith.constant 4 : i32
    %mul3A_4 = arith.muli %add3A, %mul3A_3 : i32
    %dma_start3A = arith.constant 0 : i32
    %dma_start3A_5 = tpu.memref_slice %arg2[%mul3A_4, %dma_start3A] : memref<128x128xi32, #tpu.memory_space<hbm>> -> memref<4x128xi32, #tpu.memory_space<hbm>>
    %dma_start3A_6 = arith.constant 0 : i32
    %dma_start3A_7 = tpu.memref_slice %arg2[%mul3A_4, %dma_start3A_6] : memref<128x128xi32, #tpu.memory_space<hbm>> -> memref<4x128xi32, #tpu.memory_space<hbm>>
    tpu.enqueue_dma source(%dma_start3A_7 : memref<4x128xi32, #tpu.memory_space<hbm>>) target(%arg6 : memref<4x128xi32, #tpu.memory_space<vmem>>) target_semaphore(%arg10 : memref<!tpu.dma_semaphore, #tpu.memory_space<semaphore_mem>>)
    %mul3A_8 = arith.constant 4 : i32
    %mul3A_9 = arith.muli %add3A, %mul3A_8 : i32
    %dma_start3A_10 = arith.constant 0 : i32
    %dma_start3A_11 = tpu.memref_slice %arg3[%mul3A_9, %dma_start3A_10] : memref<128x128xi32, #tpu.memory_space<hbm>> -> memref<4x128xi32, #tpu.memory_space<hbm>>
    %dma_start3A_12 = arith.constant 0 : i32
    %dma_start3A_13 = tpu.memref_slice %arg3[%mul3A_9, %dma_start3A_12] : memref<128x128xi32, #tpu.memory_space<hbm>> -> memref<4x128xi32, #tpu.memory_space<hbm>>
    tpu.enqueue_dma source(%dma_start3A_13 : memref<4x128xi32, #tpu.memory_space<hbm>>) target(%arg7 : memref<4x128xi32, #tpu.memory_space<vmem>>) target_semaphore(%arg11 : memref<!tpu.dma_semaphore, #tpu.memory_space<semaphore_mem>>)
    %dma_start3A_14 = arith.constant 0 : i32
    %dma_start3A_15 = arith.constant 0 : i32
    %dma_start3A_16 = tpu.memref_slice %arg4[%dma_start3A_14, %dma_start3A_15] : memref<100001x128xf32, #tpu.memory_space<hbm>> -> memref<1x128xf32, #tpu.memory_space<hbm>>
    %dma_start3A_17 = arith.constant 0 : i32
    %dma_start3A_18 = arith.constant 0 : i32
    %dma_start3A_19 = tpu.memref_slice %arg4[%dma_start3A_17, %dma_start3A_18] : memref<100001x128xf32, #tpu.memory_space<hbm>> -> memref<1x128xf32, #tpu.memory_space<hbm>>
    tpu.enqueue_dma source(%dma_start3A_19 : memref<1x128xf32, #tpu.memory_space<hbm>>) target(%arg9 : memref<1x128xf32, #tpu.memory_space<vmem>>) target_semaphore(%arg14 : memref<!tpu.dma_semaphore, #tpu.memory_space<semaphore_mem>>)
    %dma_wait3A = arith.constant 0 : i32
    %dma_wait3A_20 = tpu.memref_slice %arg2[%mul3A_4, %dma_wait3A] : memref<128x128xi32, #tpu.memory_space<hbm>> -> memref<4x128xi32, #tpu.memory_space<hbm>>
    %dma_wait3A_21 = arith.constant 0 : i32
    %dma_wait3A_22 = tpu.memref_slice %arg2[%mul3A_4, %dma_wait3A_21] : memref<128x128xi32, #tpu.memory_space<hbm>> -> memref<4x128xi32, #tpu.memory_space<hbm>>
    tpu.wait_dma2 semaphore(%arg10 : memref<!tpu.dma_semaphore, #tpu.memory_space<semaphore_mem>>) src(%dma_wait3A_22 : memref<4x128xi32, #tpu.memory_space<hbm>>) dst(%arg6 : memref<4x128xi32, #tpu.memory_space<vmem>>)
    %dma_wait3A_23 = arith.constant 0 : i32
    %dma_wait3A_24 = tpu.memref_slice %arg3[%mul3A_9, %dma_wait3A_23] : memref<128x128xi32, #tpu.memory_space<hbm>> -> memref<4x128xi32, #tpu.memory_space<hbm>>
    %dma_wait3A_25 = arith.constant 0 : i32
    %dma_wait3A_26 = tpu.memref_slice %arg3[%mul3A_9, %dma_wait3A_25] : memref<128x128xi32, #tpu.memory_space<hbm>> -> memref<4x128xi32, #tpu.memory_space<hbm>>
    tpu.wait_dma2 semaphore(%arg11 : memref<!tpu.dma_semaphore, #tpu.memory_space<semaphore_mem>>) src(%dma_wait3A_26 : memref<4x128xi32, #tpu.memory_space<hbm>>) dst(%arg7 : memref<4x128xi32, #tpu.memory_space<vmem>>)
    %iota3A = tpu.iota {dimensions = array<i32: 0>} : vector<16xi32>
    %add3A_27 = arith.constant 0 : i32
    %add3A_28 = vector.broadcast %add3A_27 : i32 to vector<16xi32>
    %add3A_29 = arith.addi %iota3A, %add3A_28 : vector<16xi32>
    %add3A_30 = arith.constant 0 : i32
    %add3A_31 = vector.broadcast %add3A_30 : i32 to vector<16xi32>
    %add3A_32 = arith.addi %add3A_29, %add3A_31 : vector<16xi32>
    %get3A = arith.constant 0 : i32
    %get3A_33 = arith.index_cast %get3A : i32 to index
    %get3A_34 = arith.constant 0 : index
    %get3A_35 = tpu.vector_load %arg7[%get3A_33, %get3A_34] {strides = array<i32>} : memref<4x128xi32, #tpu.memory_space<vmem>>, vector<1x16xi32>,
    %get3A_36 = vector.shape_cast %get3A_35 : vector<1x16xi32> to vector<16xi32>
    %eq3A = arith.constant 1 : i32
    %eq3A_37 = vector.broadcast %eq3A : i32 to vector<16xi32>
    %eq3A_38 = arith.cmpi eq, %get3A_36, %eq3A_37 : vector<16xi32>
    %add3A_39 = vector.broadcast %mul3A_2 : i32 to vector<16xi32>
    %add3A_40 = arith.addi %add3A_32, %add3A_39 : vector<16xi32>
    %get3A_41 = arith.constant 0 : i32
    %get3A_42 = arith.index_cast %get3A_41 : i32 to index
    %get3A_43 = arith.constant 0 : index
    %get3A_44 = tpu.vector_load %arg6[%get3A_42, %get3A_43] {strides = array<i32>} : memref<4x128xi32, #tpu.memory_space<vmem>>, vector<1x16xi32>,
    %get3A_45 = vector.shape_cast %get3A_44 : vector<1x16xi32> to vector<16xi32>
    %select_n3A = arith.select %eq3A_38, %add3A_40, %get3A_45 : vector<16xi1>, vector<16xi32>
    %swap3A = arith.constant 0 : i32
    %swap3A_46 = arith.index_cast %swap3A : i32 to index
    %swap3A_47 = arith.constant 0 : index
    %swap3A_48 = tpu.vector_load %arg6[%swap3A_46, %swap3A_47] {strides = array<i32>} : memref<4x128xi32, #tpu.memory_space<vmem>>, vector<1x16xi32>,
    %swap3A_49 = vector.shape_cast %swap3A_48 : vector<1x16xi32> to vector<16xi32>
    %swap3A_50 = vector.shape_cast %select_n3A : vector<16xi32> to vector<1x16xi32>
    tpu.vector_store %arg6[%swap3A_46, %swap3A_47], %swap3A_50 {strides = array<i32>} : memref<4x128xi32, #tpu.memory_space<vmem>>, vector<1x16xi32>,
    %add3A_51 = arith.constant 0 : i32
    %add3A_52 = vector.broadcast %add3A_51 : i32 to vector<16xi32>
    %add3A_53 = arith.addi %iota3A, %add3A_52 : vector<16xi32>
    %add3A_54 = arith.constant 16 : i32
    %add3A_55 = vector.broadcast %add3A_54 : i32 to vector<16xi32>
    %add3A_56 = arith.addi %add3A_53, %add3A_55 : vector<16xi32>
    %get3A_57 = arith.constant 0 : i32
    %get3A_58 = arith.index_cast %get3A_57 : i32 to index
    %get3A_59 = arith.constant 16 : index
    %get3A_60 = tpu.vector_load %arg7[%get3A_58, %get3A_59] {strides = array<i32>} : memref<4x128xi32, #tpu.memory_space<vmem>>, vector<1x16xi32>,
    %get3A_61 = vector.shape_cast %get3A_60 : vector<1x16xi32> to vector<16xi32>
    %eq3A_62 = arith.constant 1 : i32
    %eq3A_63 = vector.broadcast %eq3A_62 : i32 to vector<16xi32>
    %eq3A_64 = arith.cmpi eq, %get3A_61, %eq3A_63 : vector<16xi32>
    %add3A_65 = vector.broadcast %mul3A_2 : i32 to vector<16xi32>
    %add3A_66 = arith.addi %add3A_56, %add3A_65 : vector<16xi32>
    %get3A_67 = arith.constant 0 : i32
    %get3A_68 = arith.index_cast %get3A_67 : i32 to index
    %get3A_69 = arith.constant 16 : index
    %get3A_70 = tpu.vector_load %arg6[%get3A_68, %get3A_69] {strides = array<i32>} : memref<4x128xi32, #tpu.memory_space<vmem>>, vector<1x16xi32>,
    %get3A_71 = vector.shape_cast %get3A_70 : vector<1x16xi32> to vector<16xi32>
    %select_n3A_72 = arith.select %eq3A_64, %add3A_66, %get3A_71 : vector<16xi1>, vector<16xi32>
    %swap3A_73 = arith.constant 0 : i32
    %swap3A_74 = arith.index_cast %swap3A_73 : i32 to index
    %swap3A_75 = arith.constant 16 : index
    %swap3A_76 = tpu.vector_load %arg6[%swap3A_74, %swap3A_75] {strides = array<i32>} : memref<4x128xi32, #tpu.memory_space<vmem>>, vector<1x16xi32>,
    %swap3A_77 = vector.shape_cast %swap3A_76 : vector<1x16xi32> to vector<16xi32>
    %swap3A_78 = vector.shape_cast %select_n3A_72 : vector<16xi32> to vector<1x16xi32>
    tpu.vector_store %arg6[%swap3A_74, %swap3A_75], %swap3A_78 {strides = array<i32>} : memref<4x128xi32, #tpu.memory_space<vmem>>, vector<1x16xi32>,
    %add3A_79 = arith.constant 0 : i32
    %add3A_80 = vector.broadcast %add3A_79 : i32 to vector<16xi32>
    %add3A_81 = arith.addi %iota3A, %add3A_80 : vector<16xi32>
    %add3A_82 = arith.constant 32 : i32
    %add3A_83 = vector.broadcast %add3A_82 : i32 to vector<16xi32>
    %add3A_84 = arith.addi %add3A_81, %add3A_83 : vector<16xi32>
    %get3A_85 = arith.constant 0 : i32
    %get3A_86 = arith.index_cast %get3A_85 : i32 to index
    %get3A_87 = arith.constant 32 : index
    %get3A_88 = tpu.vector_load %arg7[%get3A_86, %get3A_87] {strides = array<i32>} : memref<4x128xi32, #tpu.memory_space<vmem>>, vector<1x16xi32>,
    %get3A_89 = vector.shape_cast %get3A_88 : vector<1x16xi32> to vector<16xi32>
    %eq3A_90 = arith.constant 1 : i32
    %eq3A_91 = vector.broadcast %eq3A_90 : i32 to vector<16xi32>
    %eq3A_92 = arith.cmpi eq, %get3A_89, %eq3A_91 : vector<16xi32>
    %add3A_93 = vector.broadcast %mul3A_2 : i32 to vector<16xi32>
    %add3A_94 = arith.addi %add3A_84, %add3A_93 : vector<16xi32>
    %get3A_95 = arith.constant 0 : i32
    %get3A_96 = arith.index_cast %get3A_95 : i32 to index
    %get3A_97 = arith.constant 32 : index
    %get3A_98 = tpu.vector_load %arg6[%get3A_96, %get3A_97] {strides = array<i32>} : memref<4x128xi32, #tpu.memory_space<vmem>>, vector<1x16xi32>,
    %get3A_99 = vector.shape_cast %get3A_98 : vector<1x16xi32> to vector<16xi32>
    %select_n3A_100 = arith.select %eq3A_92, %add3A_94, %get3A_99 : vector<16xi1>, vector<16xi32>
    %swap3A_101 = arith.constant 0 : i32
    %swap3A_102 = arith.index_cast %swap3A_101 : i32 to index
    %swap3A_103 = arith.constant 32 : index
    %swap3A_104 = tpu.vector_load %arg6[%swap3A_102, %swap3A_103] {strides = array<i32>} : memref<4x128xi32, #tpu.memory_space<vmem>>, vector<1x16xi32>,
    %swap3A_105 = vector.shape_cast %swap3A_104 : vector<1x16xi32> to vector<16xi32>
    %swap3A_106 = vector.shape_cast %select_n3A_100 : vector<16xi32> to vector<1x16xi32>
    tpu.vector_store %arg6[%swap3A_102, %swap3A_103], %swap3A_106 {strides = array<i32>} : memref<4x128xi32, #tpu.memory_space<vmem>>, vector<1x16xi32>,
    %add3A_107 = arith.constant 0 : i32
    %add3A_108 = vector.broadcast %add3A_107 : i32 to vector<16xi32>
    %add3A_109 = arith.addi %iota3A, %add3A_108 : vector<16xi32>
    %add3A_110 = arith.constant 48 : i32
    %add3A_111 = vector.broadcast %add3A_110 : i32 to vector<16xi32>
    %add3A_112 = arith.addi %add3A_109, %add3A_111 : vector<16xi32>
    %get3A_113 = arith.constant 0 : i32
    %get3A_114 = arith.index_cast %get3A_113 : i32 to index
    %get3A_115 = arith.constant 48 : index
    %get3A_116 = tpu.vector_load %arg7[%get3A_114, %get3A_115] {strides = array<i32>} : memref<4x128xi32, #tpu.memory_space<vmem>>, vector<1x16xi32>,
    %get3A_117 = vector.shape_cast %get3A_116 : vector<1x16xi32> to vector<16xi32>
    %eq3A_118 = arith.constant 1 : i32
    %eq3A_119 = vector.broadcast %eq3A_118 : i32 to vector<16xi32>
    %eq3A_120 = arith.cmpi eq, %get3A_117, %eq3A_119 : vector<16xi32>
    %add3A_121 = vector.broadcast %mul3A_2 : i32 to vector<16xi32>
    %add3A_122 = arith.addi %add3A_112, %add3A_121 : vector<16xi32>
    %get3A_123 = arith.constant 0 : i32
    %get3A_124 = arith.index_cast %get3A_123 : i32 to index
    %get3A_125 = arith.constant 48 : index
    %get3A_126 = tpu.vector_load %arg6[%get3A_124, %get3A_125] {strides = array<i32>} : memref<4x128xi32, #tpu.memory_space<vmem>>, vector<1x16xi32>,
    %get3A_127 = vector.shape_cast %get3A_126 : vector<1x16xi32> to vector<16xi32>
    %select_n3A_128 = arith.select %eq3A_120, %add3A_122, %get3A_127 : vector<16xi1>, vector<16xi32>
    %swap3A_129 = arith.constant 0 : i32
    %swap3A_130 = arith.index_cast %swap3A_129 : i32 to index
    %swap3A_131 = arith.constant 48 : index
    %swap3A_132 = tpu.vector_load %arg6[%swap3A_130, %swap3A_131] {strides = array<i32>} : memref<4x128xi32, #tpu.memory_space<vmem>>, vector<1x16xi32>,
    %swap3A_133 = vector.shape_cast %swap3A_132 : vector<1x16xi32> to vector<16xi32>
    %swap3A_134 = vector.shape_cast %select_n3A_128 : vector<16xi32> to vector<1x16xi32>
    tpu.vector_store %arg6[%swap3A_130, %swap3A_131], %swap3A_134 {strides = array<i32>} : memref<4x128xi32, #tpu.memory_space<vmem>>, vector<1x16xi32>,
    %add3A_135 = arith.constant 0 : i32
    %add3A_136 = vector.broadcast %add3A_135 : i32 to vector<16xi32>
    %add3A_137 = arith.addi %iota3A, %add3A_136 : vector<16xi32>
    %add3A_138 = arith.constant 64 : i32
    %add3A_139 = vector.broadcast %add3A_138 : i32 to vector<16xi32>
    %add3A_140 = arith.addi %add3A_137, %add3A_139 : vector<16xi32>
    %get3A_141 = arith.constant 0 : i32
    %get3A_142 = arith.index_cast %get3A_141 : i32 to index
    %get3A_143 = arith.constant 64 : index
    %get3A_144 = tpu.vector_load %arg7[%get3A_142, %get3A_143] {strides = array<i32>} : memref<4x128xi32, #tpu.memory_space<vmem>>, vector<1x16xi32>,
    %get3A_145 = vector.shape_cast %get3A_144 : vector<1x16xi32> to vector<16xi32>
    %eq3A_146 = arith.constant 1 : i32
    %eq3A_147 = vector.broadcast %eq3A_146 : i32 to vector<16xi32>
    %eq3A_148 = arith.cmpi eq, %get3A_145, %eq3A_147 : vector<16xi32>
    %add3A_149 = vector.broadcast %mul3A_2 : i32 to vector<16xi32>
    %add3A_150 = arith.addi %add3A_140, %add3A_149 : vector<16xi32>
    %get3A_151 = arith.constant 0 : i32
    %get3A_152 = arith.index_cast %get3A_151 : i32 to index
    %get3A_153 = arith.constant 64 : index
    %get3A_154 = tpu.vector_load %arg6[%get3A_152, %get3A_153] {strides = array<i32>} : memref<4x128xi32, #tpu.memory_space<vmem>>, vector<1x16xi32>,
    %get3A_155 = vector.shape_cast %get3A_154 : vector<1x16xi32> to vector<16xi32>
    %select_n3A_156 = arith.select %eq3A_148, %add3A_150, %get3A_155 : vector<16xi1>, vector<16xi32>
    %swap3A_157 = arith.constant 0 : i32
    %swap3A_158 = arith.index_cast %swap3A_157 : i32 to index
    %swap3A_159 = arith.constant 64 : index
    %swap3A_160 = tpu.vector_load %arg6[%swap3A_158, %swap3A_159] {strides = array<i32>} : memref<4x128xi32, #tpu.memory_space<vmem>>, vector<1x16xi32>,
    %swap3A_161 = vector.shape_cast %swap3A_160 : vector<1x16xi32> to vector<16xi32>
    %swap3A_162 = vector.shape_cast %select_n3A_156 : vector<16xi32> to vector<1x16xi32>
    tpu.vector_store %arg6[%swap3A_158, %swap3A_159], %swap3A_162 {strides = array<i32>} : memref<4x128xi32, #tpu.memory_space<vmem>>, vector<1x16xi32>,
    %add3A_163 = arith.constant 0 : i32
    %add3A_164 = vector.broadcast %add3A_163 : i32 to vector<16xi32>
    %add3A_165 = arith.addi %iota3A, %add3A_164 : vector<16xi32>
    %add3A_166 = arith.constant 80 : i32
    %add3A_167 = vector.broadcast %add3A_166 : i32 to vector<16xi32>
    %add3A_168 = arith.addi %add3A_165, %add3A_167 : vector<16xi32>
    %get3A_169 = arith.constant 0 : i32
    %get3A_170 = arith.index_cast %get3A_169 : i32 to index
    %get3A_171 = arith.constant 80 : index
    %get3A_172 = tpu.vector_load %arg7[%get3A_170, %get3A_171] {strides = array<i32>} : memref<4x128xi32, #tpu.memory_space<vmem>>, vector<1x16xi32>,
    %get3A_173 = vector.shape_cast %get3A_172 : vector<1x16xi32> to vector<16xi32>
    %eq3A_174 = arith.constant 1 : i32
    %eq3A_175 = vector.broadcast %eq3A_174 : i32 to vector<16xi32>
    %eq3A_176 = arith.cmpi eq, %get3A_173, %eq3A_175 : vector<16xi32>
    %add3A_177 = vector.broadcast %mul3A_2 : i32 to vector<16xi32>
    %add3A_178 = arith.addi %add3A_168, %add3A_177 : vector<16xi32>
    %get3A_179 = arith.constant 0 : i32
    %get3A_180 = arith.index_cast %get3A_179 : i32 to index
    %get3A_181 = arith.constant 80 : index
    %get3A_182 = tpu.vector_load %arg6[%get3A_180, %get3A_181] {strides = array<i32>} : memref<4x128xi32, #tpu.memory_space<vmem>>, vector<1x16xi32>,
    %get3A_183 = vector.shape_cast %get3A_182 : vector<1x16xi32> to vector<16xi32>
    %select_n3A_184 = arith.select %eq3A_176, %add3A_178, %get3A_183 : vector<16xi1>, vector<16xi32>
    %swap3A_185 = arith.constant 0 : i32
    %swap3A_186 = arith.index_cast %swap3A_185 : i32 to index
    %swap3A_187 = arith.constant 80 : index
    %swap3A_188 = tpu.vector_load %arg6[%swap3A_186, %swap3A_187] {strides = array<i32>} : memref<4x128xi32, #tpu.memory_space<vmem>>, vector<1x16xi32>,
    %swap3A_189 = vector.shape_cast %swap3A_188 : vector<1x16xi32> to vector<16xi32>
    %swap3A_190 = vector.shape_cast %select_n3A_184 : vector<16xi32> to vector<1x16xi32>
    tpu.vector_store %arg6[%swap3A_186, %swap3A_187], %swap3A_190 {strides = array<i32>} : memref<4x128xi32, #tpu.memory_space<vmem>>, vector<1x16xi32>,
    %add3A_191 = arith.constant 0 : i32
    %add3A_192 = vector.broadcast %add3A_191 : i32 to vector<16xi32>
    %add3A_193 = arith.addi %iota3A, %add3A_192 : vector<16xi32>
    %add3A_194 = arith.constant 96 : i32
    %add3A_195 = vector.broadcast %add3A_194 : i32 to vector<16xi32>
    %add3A_196 = arith.addi %add3A_193, %add3A_195 : vector<16xi32>
    %get3A_197 = arith.constant 0 : i32
    %get3A_198 = arith.index_cast %get3A_197 : i32 to index
    %get3A_199 = arith.constant 96 : index
    %get3A_200 = tpu.vector_load %arg7[%get3A_198, %get3A_199] {strides = array<i32>} : memref<4x128xi32, #tpu.memory_space<vmem>>, vector<1x16xi32>,
    %get3A_201 = vector.shape_cast %get3A_200 : vector<1x16xi32> to vector<16xi32>
    %eq3A_202 = arith.constant 1 : i32
    %eq3A_203 = vector.broadcast %eq3A_202 : i32 to vector<16xi32>
    %eq3A_204 = arith.cmpi eq, %get3A_201, %eq3A_203 : vector<16xi32>
    %add3A_205 = vector.broadcast %mul3A_2 : i32 to vector<16xi32>
    %add3A_206 = arith.addi %add3A_196, %add3A_205 : vector<16xi32>
    %get3A_207 = arith.constant 0 : i32
    %get3A_208 = arith.index_cast %get3A_207 : i32 to index
    %get3A_209 = arith.constant 96 : index
    %get3A_210 = tpu.vector_load %arg6[%get3A_208, %get3A_209] {strides = array<i32>} : memref<4x128xi32, #tpu.memory_space<vmem>>, vector<1x16xi32>,
    %get3A_211 = vector.shape_cast %get3A_210 : vector<1x16xi32> to vector<16xi32>
    %select_n3A_212 = arith.select %eq3A_204, %add3A_206, %get3A_211 : vector<16xi1>, vector<16xi32>
    %swap3A_213 = arith.constant 0 : i32
    %swap3A_214 = arith.index_cast %swap3A_213 : i32 to index
    %swap3A_215 = arith.constant 96 : index
    %swap3A_216 = tpu.vector_load %arg6[%swap3A_214, %swap3A_215] {strides = array<i32>} : memref<4x128xi32, #tpu.memory_space<vmem>>, vector<1x16xi32>,
    %swap3A_217 = vector.shape_cast %swap3A_216 : vector<1x16xi32> to vector<16xi32>
    %swap3A_218 = vector.shape_cast %select_n3A_212 : vector<16xi32> to vector<1x16xi32>
    tpu.vector_store %arg6[%swap3A_214, %swap3A_215], %swap3A_218 {strides = array<i32>} : memref<4x128xi32, #tpu.memory_space<vmem>>, vector<1x16xi32>,
    %add3A_219 = arith.constant 0 : i32
    %add3A_220 = vector.broadcast %add3A_219 : i32 to vector<16xi32>
    %add3A_221 = arith.addi %iota3A, %add3A_220 : vector<16xi32>
    %add3A_222 = arith.constant 112 : i32
    %add3A_223 = vector.broadcast %add3A_222 : i32 to vector<16xi32>
    %add3A_224 = arith.addi %add3A_221, %add3A_223 : vector<16xi32>
    %get3A_225 = arith.constant 0 : i32
    %get3A_226 = arith.index_cast %get3A_225 : i32 to index
    %get3A_227 = arith.constant 112 : index
    %get3A_228 = tpu.vector_load %arg7[%get3A_226, %get3A_227] {strides = array<i32>} : memref<4x128xi32, #tpu.memory_space<vmem>>, vector<1x16xi32>,
    %get3A_229 = vector.shape_cast %get3A_228 : vector<1x16xi32> to vector<16xi32>
    %eq3A_230 = arith.constant 1 : i32
    %eq3A_231 = vector.broadcast %eq3A_230 : i32 to vector<16xi32>
    %eq3A_232 = arith.cmpi eq, %get3A_229, %eq3A_231 : vector<16xi32>
    %add3A_233 = vector.broadcast %mul3A_2 : i32 to vector<16xi32>
    %add3A_234 = arith.addi %add3A_224, %add3A_233 : vector<16xi32>
    %get3A_235 = arith.constant 0 : i32
    %get3A_236 = arith.index_cast %get3A_235 : i32 to index
    %get3A_237 = arith.constant 112 : index
    %get3A_238 = tpu.vector_load %arg6[%get3A_236, %get3A_237] {strides = array<i32>} : memref<4x128xi32, #tpu.memory_space<vmem>>, vector<1x16xi32>,
    %get3A_239 = vector.shape_cast %get3A_238 : vector<1x16xi32> to vector<16xi32>
    %select_n3A_240 = arith.select %eq3A_232, %add3A_234, %get3A_239 : vector<16xi1>, vector<16xi32>
    %swap3A_241 = arith.constant 0 : i32
    %swap3A_242 = arith.index_cast %swap3A_241 : i32 to index
    %swap3A_243 = arith.constant 112 : index
    %swap3A_244 = tpu.vector_load %arg6[%swap3A_242, %swap3A_243] {strides = array<i32>} : memref<4x128xi32, #tpu.memory_space<vmem>>, vector<1x16xi32>,
    %swap3A_245 = vector.shape_cast %swap3A_244 : vector<1x16xi32> to vector<16xi32>
    %swap3A_246 = vector.shape_cast %select_n3A_240 : vector<16xi32> to vector<1x16xi32>
    tpu.vector_store %arg6[%swap3A_242, %swap3A_243], %swap3A_246 {strides = array<i32>} : memref<4x128xi32, #tpu.memory_space<vmem>>, vector<1x16xi32>,
    %dma_start3A_247 = arith.constant 0 : i32
    %dma_start3A_248 = arith.constant 0 : i32
    %dma_start3A_249 = arith.constant 0 : i32
    %dma_start3A_250 = tpu.memref_slice %arg8[%dma_start3A_248, %dma_start3A_249] : memref<513x128xf32, #tpu.memory_space<vmem>> -> memref<128x128xf32, #tpu.memory_space<vmem>>
    %dma_start3A_251 = arith.constant 0 : i32
    %dma_start3A_252 = tpu.memref_slice %arg6[%dma_start3A_247, %dma_start3A_251] : memref<4x128xi32, #tpu.memory_space<vmem>> -> memref<1x128xi32, #tpu.memory_space<vmem>>
    %dma_start3A_253 = tpu.memref_squeeze %dma_start3A_252 : memref<1x128xi32, #tpu.memory_space<vmem>> -> memref<128xi32, #tpu.memory_space<vmem>>
    %dma_start3A_254 = arith.constant 0 : i32
    %dma_start3A_255 = arith.constant 0 : i32
    %dma_start3A_256 = tpu.memref_slice %arg4[%dma_start3A_254, %dma_start3A_255] : memref<100001x128xf32, #tpu.memory_space<hbm>> -> memref<100001x128xf32, #tpu.memory_space<hbm>>
    tpu.enqueue_indirect_dma source(%dma_start3A_256 : memref<100001x128xf32, #tpu.memory_space<hbm>>) target(%dma_start3A_250 : memref<128x128xf32, #tpu.memory_space<vmem>>) offsets(%dma_start3A_253 : memref<128xi32, #tpu.memory_space<vmem>>) semaphore(%arg10 : memref<!tpu.dma_semaphore, #tpu.memory_space<semaphore_mem>>)
    %add3A_257 = arith.constant 128 : i32
    %add3A_258 = vector.broadcast %add3A_257 : i32 to vector<16xi32>
    %add3A_259 = arith.addi %iota3A, %add3A_258 : vector<16xi32>
    %add3A_260 = arith.constant 0 : i32
    %add3A_261 = vector.broadcast %add3A_260 : i32 to vector<16xi32>
    %add3A_262 = arith.addi %add3A_259, %add3A_261 : vector<16xi32>
    %get3A_263 = arith.constant 1 : i32
    %get3A_264 = arith.index_cast %get3A_263 : i32 to index
    %get3A_265 = arith.constant 0 : index
    %get3A_266 = tpu.vector_load %arg7[%get3A_264, %get3A_265] {strides = array<i32>} : memref<4x128xi32, #tpu.memory_space<vmem>>, vector<1x16xi32>,
    %get3A_267 = vector.shape_cast %get3A_266 : vector<1x16xi32> to vector<16xi32>
    %eq3A_268 = arith.constant 1 : i32
    %eq3A_269 = vector.broadcast %eq3A_268 : i32 to vector<16xi32>
    %eq3A_270 = arith.cmpi eq, %get3A_267, %eq3A_269 : vector<16xi32>
    %add3A_271 = vector.broadcast %mul3A_2 : i32 to vector<16xi32>
    %add3A_272 = arith.addi %add3A_262, %add3A_271 : vector<16xi32>
    %get3A_273 = arith.constant 1 : i32
    %get3A_274 = arith.index_cast %get3A_273 : i32 to index
    %get3A_275 = arith.constant 0 : index
    %get3A_276 = tpu.vector_load %arg6[%get3A_274, %get3A_275] {strides = array<i32>} : memref<4x128xi32, #tpu.memory_space<vmem>>, vector<1x16xi32>,
    %get3A_277 = vector.shape_cast %get3A_276 : vector<1x16xi32> to vector<16xi32>
    %select_n3A_278 = arith.select %eq3A_270, %add3A_272, %get3A_277 : vector<16xi1>, vector<16xi32>
    %swap3A_279 = arith.constant 1 : i32
    %swap3A_280 = arith.index_cast %swap3A_279 : i32 to index
    %swap3A_281 = arith.constant 0 : index
    %swap3A_282 = tpu.vector_load %arg6[%swap3A_280, %swap3A_281] {strides = array<i32>} : memref<4x128xi32, #tpu.memory_space<vmem>>, vector<1x16xi32>,
    %swap3A_283 = vector.shape_cast %swap3A_282 : vector<1x16xi32> to vector<16xi32>
    %swap3A_284 = vector.shape_cast %select_n3A_278 : vector<16xi32> to vector<1x16xi32>
    tpu.vector_store %arg6[%swap3A_280, %swap3A_281], %swap3A_284 {strides = array<i32>} : memref<4x128xi32, #tpu.memory_space<vmem>>, vector<1x16xi32>,
    %add3A_285 = arith.constant 128 : i32
    %add3A_286 = vector.broadcast %add3A_285 : i32 to vector<16xi32>
    %add3A_287 = arith.addi %iota3A, %add3A_286 : vector<16xi32>
    %add3A_288 = arith.constant 16 : i32
    %add3A_289 = vector.broadcast %add3A_288 : i32 to vector<16xi32>
    %add3A_290 = arith.addi %add3A_287, %add3A_289 : vector<16xi32>
    %get3A_291 = arith.constant 1 : i32
    %get3A_292 = arith.index_cast %get3A_291 : i32 to index
    %get3A_293 = arith.constant 16 : index
    %get3A_294 = tpu.vector_load %arg7[%get3A_292, %get3A_293] {strides = array<i32>} : memref<4x128xi32, #tpu.memory_space<vmem>>, vector<1x16xi32>,
    %get3A_295 = vector.shape_cast %get3A_294 : vector<1x16xi32> to vector<16xi32>
    %eq3A_296 = arith.constant 1 : i32
    %eq3A_297 = vector.broadcast %eq3A_296 : i32 to vector<16xi32>
    %eq3A_298 = arith.cmpi eq, %get3A_295, %eq3A_297 : vector<16xi32>
    %add3A_299 = vector.broadcast %mul3A_2 : i32 to vector<16xi32>
    %add3A_300 = arith.addi %add3A_290, %add3A_299 : vector<16xi32>
    %get3A_301 = arith.constant 1 : i32
    %get3A_302 = arith.index_cast %get3A_301 : i32 to index
    %get3A_303 = arith.constant 16 : index
    %get3A_304 = tpu.vector_load %arg6[%get3A_302, %get3A_303] {strides = array<i32>} : memref<4x128xi32, #tpu.memory_space<vmem>>, vector<1x16xi32>,
    %get3A_305 = vector.shape_cast %get3A_304 : vector<1x16xi32> to vector<16xi32>
    %select_n3A_306 = arith.select %eq3A_298, %add3A_300, %get3A_305 : vector<16xi1>, vector<16xi32>
    %swap3A_307 = arith.constant 1 : i32
    %swap3A_308 = arith.index_cast %swap3A_307 : i32 to index
    %swap3A_309 = arith.constant 16 : index
    %swap3A_310 = tpu.vector_load %arg6[%swap3A_308, %swap3A_309] {strides = array<i32>} : memref<4x128xi32, #tpu.memory_space<vmem>>, vector<1x16xi32>,
    %swap3A_311 = vector.shape_cast %swap3A_310 : vector<1x16xi32> to vector<16xi32>
    %swap3A_312 = vector.shape_cast %select_n3A_306 : vector<16xi32> to vector<1x16xi32>
    tpu.vector_store %arg6[%swap3A_308, %swap3A_309], %swap3A_312 {strides = array<i32>} : memref<4x128xi32, #tpu.memory_space<vmem>>, vector<1x16xi32>,
    %add3A_313 = arith.constant 128 : i32
    %add3A_314 = vector.broadcast %add3A_313 : i32 to vector<16xi32>
    %add3A_315 = arith.addi %iota3A, %add3A_314 : vector<16xi32>
    %add3A_316 = arith.constant 32 : i32
    %add3A_317 = vector.broadcast %add3A_316 : i32 to vector<16xi32>
    %add3A_318 = arith.addi %add3A_315, %add3A_317 : vector<16xi32>
    %get3A_319 = arith.constant 1 : i32
    %get3A_320 = arith.index_cast %get3A_319 : i32 to index
    %get3A_321 = arith.constant 32 : index
    %get3A_322 = tpu.vector_load %arg7[%get3A_320, %get3A_321] {strides = array<i32>} : memref<4x128xi32, #tpu.memory_space<vmem>>, vector<1x16xi32>,
    %get3A_323 = vector.shape_cast %get3A_322 : vector<1x16xi32> to vector<16xi32>
    %eq3A_324 = arith.constant 1 : i32
    %eq3A_325 = vector.broadcast %eq3A_324 : i32 to vector<16xi32>
    %eq3A_326 = arith.cmpi eq, %get3A_323, %eq3A_325 : vector<16xi32>
    %add3A_327 = vector.broadcast %mul3A_2 : i32 to vector<16xi32>
    %add3A_328 = arith.addi %add3A_318, %add3A_327 : vector<16xi32>
    %get3A_329 = arith.constant 1 : i32
    %get3A_330 = arith.index_cast %get3A_329 : i32 to index
    %get3A_331 = arith.constant 32 : index
    %get3A_332 = tpu.vector_load %arg6[%get3A_330, %get3A_331] {strides = array<i32>} : memref<4x128xi32, #tpu.memory_space<vmem>>, vector<1x16xi32>,
    %get3A_333 = vector.shape_cast %get3A_332 : vector<1x16xi32> to vector<16xi32>
    %select_n3A_334 = arith.select %eq3A_326, %add3A_328, %get3A_333 : vector<16xi1>, vector<16xi32>
    %swap3A_335 = arith.constant 1 : i32
    %swap3A_336 = arith.index_cast %swap3A_335 : i32 to index
    %swap3A_337 = arith.constant 32 : index
    %swap3A_338 = tpu.vector_load %arg6[%swap3A_336, %swap3A_337] {strides = array<i32>} : memref<4x128xi32, #tpu.memory_space<vmem>>, vector<1x16xi32>,
    %swap3A_339 = vector.shape_cast %swap3A_338 : vector<1x16xi32> to vector<16xi32>
    %swap3A_340 = vector.shape_cast %select_n3A_334 : vector<16xi32> to vector<1x16xi32>
    tpu.vector_store %arg6[%swap3A_336, %swap3A_337], %swap3A_340 {strides = array<i32>} : memref<4x128xi32, #tpu.memory_space<vmem>>, vector<1x16xi32>,
    %add3A_341 = arith.constant 128 : i32
    %add3A_342 = vector.broadcast %add3A_341 : i32 to vector<16xi32>
    %add3A_343 = arith.addi %iota3A, %add3A_342 : vector<16xi32>
    %add3A_344 = arith.constant 48 : i32
    %add3A_345 = vector.broadcast %add3A_344 : i32 to vector<16xi32>
    %add3A_346 = arith.addi %add3A_343, %add3A_345 : vector<16xi32>
    %get3A_347 = arith.constant 1 : i32
    %get3A_348 = arith.index_cast %get3A_347 : i32 to index
    %get3A_349 = arith.constant 48 : index
    %get3A_350 = tpu.vector_load %arg7[%get3A_348, %get3A_349] {strides = array<i32>} : memref<4x128xi32, #tpu.memory_space<vmem>>, vector<1x16xi32>,
    %get3A_351 = vector.shape_cast %get3A_350 : vector<1x16xi32> to vector<16xi32>
    %eq3A_352 = arith.constant 1 : i32
    %eq3A_353 = vector.broadcast %eq3A_352 : i32 to vector<16xi32>
    %eq3A_354 = arith.cmpi eq, %get3A_351, %eq3A_353 : vector<16xi32>
    %add3A_355 = vector.broadcast %mul3A_2 : i32 to vector<16xi32>
    %add3A_356 = arith.addi %add3A_346, %add3A_355 : vector<16xi32>
    %get3A_357 = arith.constant 1 : i32
    %get3A_358 = arith.index_cast %get3A_357 : i32 to index
    %get3A_359 = arith.constant 48 : index
    %get3A_360 = tpu.vector_load %arg6[%get3A_358, %get3A_359] {strides = array<i32>} : memref<4x128xi32, #tpu.memory_space<vmem>>, vector<1x16xi32>,
    %get3A_361 = vector.shape_cast %get3A_360 : vector<1x16xi32> to vector<16xi32>
    %select_n3A_362 = arith.select %eq3A_354, %add3A_356, %get3A_361 : vector<16xi1>, vector<16xi32>
    %swap3A_363 = arith.constant 1 : i32
    %swap3A_364 = arith.index_cast %swap3A_363 : i32 to index
    %swap3A_365 = arith.constant 48 : index
    %swap3A_366 = tpu.vector_load %arg6[%swap3A_364, %swap3A_365] {strides = array<i32>} : memref<4x128xi32, #tpu.memory_space<vmem>>, vector<1x16xi32>,
    %swap3A_367 = vector.shape_cast %swap3A_366 : vector<1x16xi32> to vector<16xi32>
    %swap3A_368 = vector.shape_cast %select_n3A_362 : vector<16xi32> to vector<1x16xi32>
    tpu.vector_store %arg6[%swap3A_364, %swap3A_365], %swap3A_368 {strides = array<i32>} : memref<4x128xi32, #tpu.memory_space<vmem>>, vector<1x16xi32>,
    %add3A_369 = arith.constant 128 : i32
    %add3A_370 = vector.broadcast %add3A_369 : i32 to vector<16xi32>
    %add3A_371 = arith.addi %iota3A, %add3A_370 : vector<16xi32>
    %add3A_372 = arith.constant 64 : i32
    %add3A_373 = vector.broadcast %add3A_372 : i32 to vector<16xi32>
    %add3A_374 = arith.addi %add3A_371, %add3A_373 : vector<16xi32>
    %get3A_375 = arith.constant 1 : i32
    %get3A_376 = arith.index_cast %get3A_375 : i32 to index
    %get3A_377 = arith.constant 64 : index
    %get3A_378 = tpu.vector_load %arg7[%get3A_376, %get3A_377] {strides = array<i32>} : memref<4x128xi32, #tpu.memory_space<vmem>>, vector<1x16xi32>,
    %get3A_379 = vector.shape_cast %get3A_378 : vector<1x16xi32> to vector<16xi32>
    %eq3A_380 = arith.constant 1 : i32
    %eq3A_381 = vector.broadcast %eq3A_380 : i32 to vector<16xi32>
    %eq3A_382 = arith.cmpi eq, %get3A_379, %eq3A_381 : vector<16xi32>
    %add3A_383 = vector.broadcast %mul3A_2 : i32 to vector<16xi32>
    %add3A_384 = arith.addi %add3A_374, %add3A_383 : vector<16xi32>
    %get3A_385 = arith.constant 1 : i32
    %get3A_386 = arith.index_cast %get3A_385 : i32 to index
    %get3A_387 = arith.constant 64 : index
    %get3A_388 = tpu.vector_load %arg6[%get3A_386, %get3A_387] {strides = array<i32>} : memref<4x128xi32, #tpu.memory_space<vmem>>, vector<1x16xi32>,
    %get3A_389 = vector.shape_cast %get3A_388 : vector<1x16xi32> to vector<16xi32>
    %select_n3A_390 = arith.select %eq3A_382, %add3A_384, %get3A_389 : vector<16xi1>, vector<16xi32>
    %swap3A_391 = arith.constant 1 : i32
    %swap3A_392 = arith.index_cast %swap3A_391 : i32 to index
    %swap3A_393 = arith.constant 64 : index
    %swap3A_394 = tpu.vector_load %arg6[%swap3A_392, %swap3A_393] {strides = array<i32>} : memref<4x128xi32, #tpu.memory_space<vmem>>, vector<1x16xi32>,
    %swap3A_395 = vector.shape_cast %swap3A_394 : vector<1x16xi32> to vector<16xi32>
    %swap3A_396 = vector.shape_cast %select_n3A_390 : vector<16xi32> to vector<1x16xi32>
    tpu.vector_store %arg6[%swap3A_392, %swap3A_393], %swap3A_396 {strides = array<i32>} : memref<4x128xi32, #tpu.memory_space<vmem>>, vector<1x16xi32>,
    %add3A_397 = arith.constant 128 : i32
    %add3A_398 = vector.broadcast %add3A_397 : i32 to vector<16xi32>
    %add3A_399 = arith.addi %iota3A, %add3A_398 : vector<16xi32>
    %add3A_400 = arith.constant 80 : i32
    %add3A_401 = vector.broadcast %add3A_400 : i32 to vector<16xi32>
    %add3A_402 = arith.addi %add3A_399, %add3A_401 : vector<16xi32>
    %get3A_403 = arith.constant 1 : i32
    %get3A_404 = arith.index_cast %get3A_403 : i32 to index
    %get3A_405 = arith.constant 80 : index
    %get3A_406 = tpu.vector_load %arg7[%get3A_404, %get3A_405] {strides = array<i32>} : memref<4x128xi32, #tpu.memory_space<vmem>>, vector<1x16xi32>,
    %get3A_407 = vector.shape_cast %get3A_406 : vector<1x16xi32> to vector<16xi32>
    %eq3A_408 = arith.constant 1 : i32
    %eq3A_409 = vector.broadcast %eq3A_408 : i32 to vector<16xi32>
    %eq3A_410 = arith.cmpi eq, %get3A_407, %eq3A_409 : vector<16xi32>
    %add3A_411 = vector.broadcast %mul3A_2 : i32 to vector<16xi32>
    %add3A_412 = arith.addi %add3A_402, %add3A_411 : vector<16xi32>
    %get3A_413 = arith.constant 1 : i32
    %get3A_414 = arith.index_cast %get3A_413 : i32 to index
    %get3A_415 = arith.constant 80 : index
    %get3A_416 = tpu.vector_load %arg6[%get3A_414, %get3A_415] {strides = array<i32>} : memref<4x128xi32, #tpu.memory_space<vmem>>, vector<1x16xi32>,
    %get3A_417 = vector.shape_cast %get3A_416 : vector<1x16xi32> to vector<16xi32>
    %select_n3A_418 = arith.select %eq3A_410, %add3A_412, %get3A_417 : vector<16xi1>, vector<16xi32>
    %swap3A_419 = arith.constant 1 : i32
    %swap3A_420 = arith.index_cast %swap3A_419 : i32 to index
    %swap3A_421 = arith.constant 80 : index
    %swap3A_422 = tpu.vector_load %arg6[%swap3A_420, %swap3A_421] {strides = array<i32>} : memref<4x128xi32, #tpu.memory_space<vmem>>, vector<1x16xi32>,
    %swap3A_423 = vector.shape_cast %swap3A_422 : vector<1x16xi32> to vector<16xi32>
    %swap3A_424 = vector.shape_cast %select_n3A_418 : vector<16xi32> to vector<1x16xi32>
    tpu.vector_store %arg6[%swap3A_420, %swap3A_421], %swap3A_424 {strides = array<i32>} : memref<4x128xi32, #tpu.memory_space<vmem>>, vector<1x16xi32>,
    %add3A_425 = arith.constant 128 : i32
    %add3A_426 = vector.broadcast %add3A_425 : i32 to vector<16xi32>
    %add3A_427 = arith.addi %iota3A, %add3A_426 : vector<16xi32>
    %add3A_428 = arith.constant 96 : i32
    %add3A_429 = vector.broadcast %add3A_428 : i32 to vector<16xi32>
    %add3A_430 = arith.addi %add3A_427, %add3A_429 : vector<16xi32>
    %get3A_431 = arith.constant 1 : i32
    %get3A_432 = arith.index_cast %get3A_431 : i32 to index
    %get3A_433 = arith.constant 96 : index
    %get3A_434 = tpu.vector_load %arg7[%get3A_432, %get3A_433] {strides = array<i32>} : memref<4x128xi32, #tpu.memory_space<vmem>>, vector<1x16xi32>,
    %get3A_435 = vector.shape_cast %get3A_434 : vector<1x16xi32> to vector<16xi32>
    %eq3A_436 = arith.constant 1 : i32
    %eq3A_437 = vector.broadcast %eq3A_436 : i32 to vector<16xi32>
    %eq3A_438 = arith.cmpi eq, %get3A_435, %eq3A_437 : vector<16xi32>
    %add3A_439 = vector.broadcast %mul3A_2 : i32 to vector<16xi32>
    %add3A_440 = arith.addi %add3A_430, %add3A_439 : vector<16xi32>
    %get3A_441 = arith.constant 1 : i32
    %get3A_442 = arith.index_cast %get3A_441 : i32 to index
    %get3A_443 = arith.constant 96 : index
    %get3A_444 = tpu.vector_load %arg6[%get3A_442, %get3A_443] {strides = array<i32>} : memref<4x128xi32, #tpu.memory_space<vmem>>, vector<1x16xi32>,
    %get3A_445 = vector.shape_cast %get3A_444 : vector<1x16xi32> to vector<16xi32>
    %select_n3A_446 = arith.select %eq3A_438, %add3A_440, %get3A_445 : vector<16xi1>, vector<16xi32>
    %swap3A_447 = arith.constant 1 : i32
    %swap3A_448 = arith.index_cast %swap3A_447 : i32 to index
    %swap3A_449 = arith.constant 96 : index
    %swap3A_450 = tpu.vector_load %arg6[%swap3A_448, %swap3A_449] {strides = array<i32>} : memref<4x128xi32, #tpu.memory_space<vmem>>, vector<1x16xi32>,
    %swap3A_451 = vector.shape_cast %swap3A_450 : vector<1x16xi32> to vector<16xi32>
    %swap3A_452 = vector.shape_cast %select_n3A_446 : vector<16xi32> to vector<1x16xi32>
    tpu.vector_store %arg6[%swap3A_448, %swap3A_449], %swap3A_452 {strides = array<i32>} : memref<4x128xi32, #tpu.memory_space<vmem>>, vector<1x16xi32>,
    %add3A_453 = arith.constant 128 : i32
    %add3A_454 = vector.broadcast %add3A_453 : i32 to vector<16xi32>
    %add3A_455 = arith.addi %iota3A, %add3A_454 : vector<16xi32>
    %add3A_456 = arith.constant 112 : i32
    %add3A_457 = vector.broadcast %add3A_456 : i32 to vector<16xi32>
    %add3A_458 = arith.addi %add3A_455, %add3A_457 : vector<16xi32>
    %get3A_459 = arith.constant 1 : i32
    %get3A_460 = arith.index_cast %get3A_459 : i32 to index
    %get3A_461 = arith.constant 112 : index
    %get3A_462 = tpu.vector_load %arg7[%get3A_460, %get3A_461] {strides = array<i32>} : memref<4x128xi32, #tpu.memory_space<vmem>>, vector<1x16xi32>,
    %get3A_463 = vector.shape_cast %get3A_462 : vector<1x16xi32> to vector<16xi32>
    %eq3A_464 = arith.constant 1 : i32
    %eq3A_465 = vector.broadcast %eq3A_464 : i32 to vector<16xi32>
    %eq3A_466 = arith.cmpi eq, %get3A_463, %eq3A_465 : vector<16xi32>
    %add3A_467 = vector.broadcast %mul3A_2 : i32 to vector<16xi32>
    %add3A_468 = arith.addi %add3A_458, %add3A_467 : vector<16xi32>
    %get3A_469 = arith.constant 1 : i32
    %get3A_470 = arith.index_cast %get3A_469 : i32 to index
    %get3A_471 = arith.constant 112 : index
    %get3A_472 = tpu.vector_load %arg6[%get3A_470, %get3A_471] {strides = array<i32>} : memref<4x128xi32, #tpu.memory_space<vmem>>, vector<1x16xi32>,
    %get3A_473 = vector.shape_cast %get3A_472 : vector<1x16xi32> to vector<16xi32>
    %select_n3A_474 = arith.select %eq3A_466, %add3A_468, %get3A_473 : vector<16xi1>, vector<16xi32>
    %swap3A_475 = arith.constant 1 : i32
    %swap3A_476 = arith.index_cast %swap3A_475 : i32 to index
    %swap3A_477 = arith.constant 112 : index
    %swap3A_478 = tpu.vector_load %arg6[%swap3A_476, %swap3A_477] {strides = array<i32>} : memref<4x128xi32, #tpu.memory_space<vmem>>, vector<1x16xi32>,
    %swap3A_479 = vector.shape_cast %swap3A_478 : vector<1x16xi32> to vector<16xi32>
    %swap3A_480 = vector.shape_cast %select_n3A_474 : vector<16xi32> to vector<1x16xi32>
    tpu.vector_store %arg6[%swap3A_476, %swap3A_477], %swap3A_480 {strides = array<i32>} : memref<4x128xi32, #tpu.memory_space<vmem>>, vector<1x16xi32>,
    %dma_start3A_481 = arith.constant 1 : i32
    %dma_start3A_482 = arith.constant 128 : i32
    %dma_start3A_483 = arith.constant 0 : i32
    %dma_start3A_484 = tpu.memref_slice %arg8[%dma_start3A_482, %dma_start3A_483] : memref<513x128xf32, #tpu.memory_space<vmem>> -> memref<128x128xf32, #tpu.memory_space<vmem>>
    %dma_start3A_485 = arith.constant 0 : i32
    %dma_start3A_486 = tpu.memref_slice %arg6[%dma_start3A_481, %dma_start3A_485] : memref<4x128xi32, #tpu.memory_space<vmem>> -> memref<1x128xi32, #tpu.memory_space<vmem>>
    %dma_start3A_487 = tpu.memref_squeeze %dma_start3A_486 : memref<1x128xi32, #tpu.memory_space<vmem>> -> memref<128xi32, #tpu.memory_space<vmem>>
    %dma_start3A_488 = arith.constant 0 : i32
    %dma_start3A_489 = arith.constant 0 : i32
    %dma_start3A_490 = tpu.memref_slice %arg4[%dma_start3A_488, %dma_start3A_489] : memref<100001x128xf32, #tpu.memory_space<hbm>> -> memref<100001x128xf32, #tpu.memory_space<hbm>>
    tpu.enqueue_indirect_dma source(%dma_start3A_490 : memref<100001x128xf32, #tpu.memory_space<hbm>>) target(%dma_start3A_484 : memref<128x128xf32, #tpu.memory_space<vmem>>) offsets(%dma_start3A_487 : memref<128xi32, #tpu.memory_space<vmem>>) semaphore(%arg11 : memref<!tpu.dma_semaphore, #tpu.memory_space<semaphore_mem>>)
    %add3A_491 = arith.constant 256 : i32
    %add3A_492 = vector.broadcast %add3A_491 : i32 to vector<16xi32>
    %add3A_493 = arith.addi %iota3A, %add3A_492 : vector<16xi32>
    %add3A_494 = arith.constant 0 : i32
    %add3A_495 = vector.broadcast %add3A_494 : i32 to vector<16xi32>
    %add3A_496 = arith.addi %add3A_493, %add3A_495 : vector<16xi32>
    %get3A_497 = arith.constant 2 : i32
    %get3A_498 = arith.index_cast %get3A_497 : i32 to index
    %get3A_499 = arith.constant 0 : index
    %get3A_500 = tpu.vector_load %arg7[%get3A_498, %get3A_499] {strides = array<i32>} : memref<4x128xi32, #tpu.memory_space<vmem>>, vector<1x16xi32>,
    %get3A_501 = vector.shape_cast %get3A_500 : vector<1x16xi32> to vector<16xi32>
    %eq3A_502 = arith.constant 1 : i32
    %eq3A_503 = vector.broadcast %eq3A_502 : i32 to vector<16xi32>
    %eq3A_504 = arith.cmpi eq, %get3A_501, %eq3A_503 : vector<16xi32>
    %add3A_505 = vector.broadcast %mul3A_2 : i32 to vector<16xi32>
    %add3A_506 = arith.addi %add3A_496, %add3A_505 : vector<16xi32>
    %get3A_507 = arith.constant 2 : i32
    %get3A_508 = arith.index_cast %get3A_507 : i32 to index
    %get3A_509 = arith.constant 0 : index
    %get3A_510 = tpu.vector_load %arg6[%get3A_508, %get3A_509] {strides = array<i32>} : memref<4x128xi32, #tpu.memory_space<vmem>>, vector<1x16xi32>,
    %get3A_511 = vector.shape_cast %get3A_510 : vector<1x16xi32> to vector<16xi32>
    %select_n3A_512 = arith.select %eq3A_504, %add3A_506, %get3A_511 : vector<16xi1>, vector<16xi32>
    %swap3A_513 = arith.constant 2 : i32
    %swap3A_514 = arith.index_cast %swap3A_513 : i32 to index
    %swap3A_515 = arith.constant 0 : index
    %swap3A_516 = tpu.vector_load %arg6[%swap3A_514, %swap3A_515] {strides = array<i32>} : memref<4x128xi32, #tpu.memory_space<vmem>>, vector<1x16xi32>,
    %swap3A_517 = vector.shape_cast %swap3A_516 : vector<1x16xi32> to vector<16xi32>
    %swap3A_518 = vector.shape_cast %select_n3A_512 : vector<16xi32> to vector<1x16xi32>
    tpu.vector_store %arg6[%swap3A_514, %swap3A_515], %swap3A_518 {strides = array<i32>} : memref<4x128xi32, #tpu.memory_space<vmem>>, vector<1x16xi32>,
    %add3A_519 = arith.constant 256 : i32
    %add3A_520 = vector.broadcast %add3A_519 : i32 to vector<16xi32>
    %add3A_521 = arith.addi %iota3A, %add3A_520 : vector<16xi32>
    %add3A_522 = arith.constant 16 : i32
    %add3A_523 = vector.broadcast %add3A_522 : i32 to vector<16xi32>
    %add3A_524 = arith.addi %add3A_521, %add3A_523 : vector<16xi32>
    %get3A_525 = arith.constant 2 : i32
    %get3A_526 = arith.index_cast %get3A_525 : i32 to index
    %get3A_527 = arith.constant 16 : index
    %get3A_528 = tpu.vector_load %arg7[%get3A_526, %get3A_527] {strides = array<i32>} : memref<4x128xi32, #tpu.memory_space<vmem>>, vector<1x16xi32>,
    %get3A_529 = vector.shape_cast %get3A_528 : vector<1x16xi32> to vector<16xi32>
    %eq3A_530 = arith.constant 1 : i32
    %eq3A_531 = vector.broadcast %eq3A_530 : i32 to vector<16xi32>
    %eq3A_532 = arith.cmpi eq, %get3A_529, %eq3A_531 : vector<16xi32>
    %add3A_533 = vector.broadcast %mul3A_2 : i32 to vector<16xi32>
    %add3A_534 = arith.addi %add3A_524, %add3A_533 : vector<16xi32>
    %get3A_535 = arith.constant 2 : i32
    %get3A_536 = arith.index_cast %get3A_535 : i32 to index
    %get3A_537 = arith.constant 16 : index
    %get3A_538 = tpu.vector_load %arg6[%get3A_536, %get3A_537] {strides = array<i32>} : memref<4x128xi32, #tpu.memory_space<vmem>>, vector<1x16xi32>,
    %get3A_539 = vector.shape_cast %get3A_538 : vector<1x16xi32> to vector<16xi32>
    %select_n3A_540 = arith.select %eq3A_532, %add3A_534, %get3A_539 : vector<16xi1>, vector<16xi32>
    %swap3A_541 = arith.constant 2 : i32
    %swap3A_542 = arith.index_cast %swap3A_541 : i32 to index
    %swap3A_543 = arith.constant 16 : index
    %swap3A_544 = tpu.vector_load %arg6[%swap3A_542, %swap3A_543] {strides = array<i32>} : memref<4x128xi32, #tpu.memory_space<vmem>>, vector<1x16xi32>,
    %swap3A_545 = vector.shape_cast %swap3A_544 : vector<1x16xi32> to vector<16xi32>
    %swap3A_546 = vector.shape_cast %select_n3A_540 : vector<16xi32> to vector<1x16xi32>
    tpu.vector_store %arg6[%swap3A_542, %swap3A_543], %swap3A_546 {strides = array<i32>} : memref<4x128xi32, #tpu.memory_space<vmem>>, vector<1x16xi32>,
    %add3A_547 = arith.constant 256 : i32
    %add3A_548 = vector.broadcast %add3A_547 : i32 to vector<16xi32>
    %add3A_549 = arith.addi %iota3A, %add3A_548 : vector<16xi32>
    %add3A_550 = arith.constant 32 : i32
    %add3A_551 = vector.broadcast %add3A_550 : i32 to vector<16xi32>
    %add3A_552 = arith.addi %add3A_549, %add3A_551 : vector<16xi32>
    %get3A_553 = arith.constant 2 : i32
    %get3A_554 = arith.index_cast %get3A_553 : i32 to index
    %get3A_555 = arith.constant 32 : index
    %get3A_556 = tpu.vector_load %arg7[%get3A_554, %get3A_555] {strides = array<i32>} : memref<4x128xi32, #tpu.memory_space<vmem>>, vector<1x16xi32>,
    %get3A_557 = vector.shape_cast %get3A_556 : vector<1x16xi32> to vector<16xi32>
    %eq3A_558 = arith.constant 1 : i32
    %eq3A_559 = vector.broadcast %eq3A_558 : i32 to vector<16xi32>
    %eq3A_560 = arith.cmpi eq, %get3A_557, %eq3A_559 : vector<16xi32>
    %add3A_561 = vector.broadcast %mul3A_2 : i32 to vector<16xi32>
    %add3A_562 = arith.addi %add3A_552, %add3A_561 : vector<16xi32>
    %get3A_563 = arith.constant 2 : i32
    %get3A_564 = arith.index_cast %get3A_563 : i32 to index
    %get3A_565 = arith.constant 32 : index
    %get3A_566 = tpu.vector_load %arg6[%get3A_564, %get3A_565] {strides = array<i32>} : memref<4x128xi32, #tpu.memory_space<vmem>>, vector<1x16xi32>,
    %get3A_567 = vector.shape_cast %get3A_566 : vector<1x16xi32> to vector<16xi32>
    %select_n3A_568 = arith.select %eq3A_560, %add3A_562, %get3A_567 : vector<16xi1>, vector<16xi32>
    %swap3A_569 = arith.constant 2 : i32
    %swap3A_570 = arith.index_cast %swap3A_569 : i32 to index
    %swap3A_571 = arith.constant 32 : index
    %swap3A_572 = tpu.vector_load %arg6[%swap3A_570, %swap3A_571] {strides = array<i32>} : memref<4x128xi32, #tpu.memory_space<vmem>>, vector<1x16xi32>,
    %swap3A_573 = vector.shape_cast %swap3A_572 : vector<1x16xi32> to vector<16xi32>
    %swap3A_574 = vector.shape_cast %select_n3A_568 : vector<16xi32> to vector<1x16xi32>
    tpu.vector_store %arg6[%swap3A_570, %swap3A_571], %swap3A_574 {strides = array<i32>} : memref<4x128xi32, #tpu.memory_space<vmem>>, vector<1x16xi32>,
    %add3A_575 = arith.constant 256 : i32
    %add3A_576 = vector.broadcast %add3A_575 : i32 to vector<16xi32>
    %add3A_577 = arith.addi %iota3A, %add3A_576 : vector<16xi32>
    %add3A_578 = arith.constant 48 : i32
    %add3A_579 = vector.broadcast %add3A_578 : i32 to vector<16xi32>
    %add3A_580 = arith.addi %add3A_577, %add3A_579 : vector<16xi32>
    %get3A_581 = arith.constant 2 : i32
    %get3A_582 = arith.index_cast %get3A_581 : i32 to index
    %get3A_583 = arith.constant 48 : index
    %get3A_584 = tpu.vector_load %arg7[%get3A_582, %get3A_583] {strides = array<i32>} : memref<4x128xi32, #tpu.memory_space<vmem>>, vector<1x16xi32>,
    %get3A_585 = vector.shape_cast %get3A_584 : vector<1x16xi32> to vector<16xi32>
    %eq3A_586 = arith.constant 1 : i32
    %eq3A_587 = vector.broadcast %eq3A_586 : i32 to vector<16xi32>
    %eq3A_588 = arith.cmpi eq, %get3A_585, %eq3A_587 : vector<16xi32>
    %add3A_589 = vector.broadcast %mul3A_2 : i32 to vector<16xi32>
    %add3A_590 = arith.addi %add3A_580, %add3A_589 : vector<16xi32>
    %get3A_591 = arith.constant 2 : i32
    %get3A_592 = arith.index_cast %get3A_591 : i32 to index
    %get3A_593 = arith.constant 48 : index
    %get3A_594 = tpu.vector_load %arg6[%get3A_592, %get3A_593] {strides = array<i32>} : memref<4x128xi32, #tpu.memory_space<vmem>>, vector<1x16xi32>,
    %get3A_595 = vector.shape_cast %get3A_594 : vector<1x16xi32> to vector<16xi32>
    %select_n3A_596 = arith.select %eq3A_588, %add3A_590, %get3A_595 : vector<16xi1>, vector<16xi32>
    %swap3A_597 = arith.constant 2 : i32
    %swap3A_598 = arith.index_cast %swap3A_597 : i32 to index
    %swap3A_599 = arith.constant 48 : index
    %swap3A_600 = tpu.vector_load %arg6[%swap3A_598, %swap3A_599] {strides = array<i32>} : memref<4x128xi32, #tpu.memory_space<vmem>>, vector<1x16xi32>,
    %swap3A_601 = vector.shape_cast %swap3A_600 : vector<1x16xi32> to vector<16xi32>
    %swap3A_602 = vector.shape_cast %select_n3A_596 : vector<16xi32> to vector<1x16xi32>
    tpu.vector_store %arg6[%swap3A_598, %swap3A_599], %swap3A_602 {strides = array<i32>} : memref<4x128xi32, #tpu.memory_space<vmem>>, vector<1x16xi32>,
    %add3A_603 = arith.constant 256 : i32
    %add3A_604 = vector.broadcast %add3A_603 : i32 to vector<16xi32>
    %add3A_605 = arith.addi %iota3A, %add3A_604 : vector<16xi32>
    %add3A_606 = arith.constant 64 : i32
    %add3A_607 = vector.broadcast %add3A_606 : i32 to vector<16xi32>
    %add3A_608 = arith.addi %add3A_605, %add3A_607 : vector<16xi32>
    %get3A_609 = arith.constant 2 : i32
    %get3A_610 = arith.index_cast %get3A_609 : i32 to index
    %get3A_611 = arith.constant 64 : index
    %get3A_612 = tpu.vector_load %arg7[%get3A_610, %get3A_611] {strides = array<i32>} : memref<4x128xi32, #tpu.memory_space<vmem>>, vector<1x16xi32>,
    %get3A_613 = vector.shape_cast %get3A_612 : vector<1x16xi32> to vector<16xi32>
    %eq3A_614 = arith.constant 1 : i32
    %eq3A_615 = vector.broadcast %eq3A_614 : i32 to vector<16xi32>
    %eq3A_616 = arith.cmpi eq, %get3A_613, %eq3A_615 : vector<16xi32>
    %add3A_617 = vector.broadcast %mul3A_2 : i32 to vector<16xi32>
    %add3A_618 = arith.addi %add3A_608, %add3A_617 : vector<16xi32>
    %get3A_619 = arith.constant 2 : i32
    %get3A_620 = arith.index_cast %get3A_619 : i32 to index
    %get3A_621 = arith.constant 64 : index
    %get3A_622 = tpu.vector_load %arg6[%get3A_620, %get3A_621] {strides = array<i32>} : memref<4x128xi32, #tpu.memory_space<vmem>>, vector<1x16xi32>,
    %get3A_623 = vector.shape_cast %get3A_622 : vector<1x16xi32> to vector<16xi32>
    %select_n3A_624 = arith.select %eq3A_616, %add3A_618, %get3A_623 : vector<16xi1>, vector<16xi32>
    %swap3A_625 = arith.constant 2 : i32
    %swap3A_626 = arith.index_cast %swap3A_625 : i32 to index
    %swap3A_627 = arith.constant 64 : index
    %swap3A_628 = tpu.vector_load %arg6[%swap3A_626, %swap3A_627] {strides = array<i32>} : memref<4x128xi32, #tpu.memory_space<vmem>>, vector<1x16xi32>,
    %swap3A_629 = vector.shape_cast %swap3A_628 : vector<1x16xi32> to vector<16xi32>
    %swap3A_630 = vector.shape_cast %select_n3A_624 : vector<16xi32> to vector<1x16xi32>
    tpu.vector_store %arg6[%swap3A_626, %swap3A_627], %swap3A_630 {strides = array<i32>} : memref<4x128xi32, #tpu.memory_space<vmem>>, vector<1x16xi32>,
    %add3A_631 = arith.constant 256 : i32
    %add3A_632 = vector.broadcast %add3A_631 : i32 to vector<16xi32>
    %add3A_633 = arith.addi %iota3A, %add3A_632 : vector<16xi32>
    %add3A_634 = arith.constant 80 : i32
    %add3A_635 = vector.broadcast %add3A_634 : i32 to vector<16xi32>
    %add3A_636 = arith.addi %add3A_633, %add3A_635 : vector<16xi32>
    %get3A_637 = arith.constant 2 : i32
    %get3A_638 = arith.index_cast %get3A_637 : i32 to index
    %get3A_639 = arith.constant 80 : index
    %get3A_640 = tpu.vector_load %arg7[%get3A_638, %get3A_639] {strides = array<i32>} : memref<4x128xi32, #tpu.memory_space<vmem>>, vector<1x16xi32>,
    %get3A_641 = vector.shape_cast %get3A_640 : vector<1x16xi32> to vector<16xi32>
    %eq3A_642 = arith.constant 1 : i32
    %eq3A_643 = vector.broadcast %eq3A_642 : i32 to vector<16xi32>
    %eq3A_644 = arith.cmpi eq, %get3A_641, %eq3A_643 : vector<16xi32>
    %add3A_645 = vector.broadcast %mul3A_2 : i32 to vector<16xi32>
    %add3A_646 = arith.addi %add3A_636, %add3A_645 : vector<16xi32>
    %get3A_647 = arith.constant 2 : i32
    %get3A_648 = arith.index_cast %get3A_647 : i32 to index
    %get3A_649 = arith.constant 80 : index
    %get3A_650 = tpu.vector_load %arg6[%get3A_648, %get3A_649] {strides = array<i32>} : memref<4x128xi32, #tpu.memory_space<vmem>>, vector<1x16xi32>,
    %get3A_651 = vector.shape_cast %get3A_650 : vector<1x16xi32> to vector<16xi32>
    %select_n3A_652 = arith.select %eq3A_644, %add3A_646, %get3A_651 : vector<16xi1>, vector<16xi32>
    %swap3A_653 = arith.constant 2 : i32
    %swap3A_654 = arith.index_cast %swap3A_653 : i32 to index
    %swap3A_655 = arith.constant 80 : index
    %swap3A_656 = tpu.vector_load %arg6[%swap3A_654, %swap3A_655] {strides = array<i32>} : memref<4x128xi32, #tpu.memory_space<vmem>>, vector<1x16xi32>,
    %swap3A_657 = vector.shape_cast %swap3A_656 : vector<1x16xi32> to vector<16xi32>
    %swap3A_658 = vector.shape_cast %select_n3A_652 : vector<16xi32> to vector<1x16xi32>
    tpu.vector_store %arg6[%swap3A_654, %swap3A_655], %swap3A_658 {strides = array<i32>} : memref<4x128xi32, #tpu.memory_space<vmem>>, vector<1x16xi32>,
    %add3A_659 = arith.constant 256 : i32
    %add3A_660 = vector.broadcast %add3A_659 : i32 to vector<16xi32>
    %add3A_661 = arith.addi %iota3A, %add3A_660 : vector<16xi32>
    %add3A_662 = arith.constant 96 : i32
    %add3A_663 = vector.broadcast %add3A_662 : i32 to vector<16xi32>
    %add3A_664 = arith.addi %add3A_661, %add3A_663 : vector<16xi32>
    %get3A_665 = arith.constant 2 : i32
    %get3A_666 = arith.index_cast %get3A_665 : i32 to index
    %get3A_667 = arith.constant 96 : index
    %get3A_668 = tpu.vector_load %arg7[%get3A_666, %get3A_667] {strides = array<i32>} : memref<4x128xi32, #tpu.memory_space<vmem>>, vector<1x16xi32>,
    %get3A_669 = vector.shape_cast %get3A_668 : vector<1x16xi32> to vector<16xi32>
    %eq3A_670 = arith.constant 1 : i32
    %eq3A_671 = vector.broadcast %eq3A_670 : i32 to vector<16xi32>
    %eq3A_672 = arith.cmpi eq, %get3A_669, %eq3A_671 : vector<16xi32>
    %add3A_673 = vector.broadcast %mul3A_2 : i32 to vector<16xi32>
    %add3A_674 = arith.addi %add3A_664, %add3A_673 : vector<16xi32>
    %get3A_675 = arith.constant 2 : i32
    %get3A_676 = arith.index_cast %get3A_675 : i32 to index
    %get3A_677 = arith.constant 96 : index
    %get3A_678 = tpu.vector_load %arg6[%get3A_676, %get3A_677] {strides = array<i32>} : memref<4x128xi32, #tpu.memory_space<vmem>>, vector<1x16xi32>,
    %get3A_679 = vector.shape_cast %get3A_678 : vector<1x16xi32> to vector<16xi32>
    %select_n3A_680 = arith.select %eq3A_672, %add3A_674, %get3A_679 : vector<16xi1>, vector<16xi32>
    %swap3A_681 = arith.constant 2 : i32
    %swap3A_682 = arith.index_cast %swap3A_681 : i32 to index
    %swap3A_683 = arith.constant 96 : index
    %swap3A_684 = tpu.vector_load %arg6[%swap3A_682, %swap3A_683] {strides = array<i32>} : memref<4x128xi32, #tpu.memory_space<vmem>>, vector<1x16xi32>,
    %swap3A_685 = vector.shape_cast %swap3A_684 : vector<1x16xi32> to vector<16xi32>
    %swap3A_686 = vector.shape_cast %select_n3A_680 : vector<16xi32> to vector<1x16xi32>
    tpu.vector_store %arg6[%swap3A_682, %swap3A_683], %swap3A_686 {strides = array<i32>} : memref<4x128xi32, #tpu.memory_space<vmem>>, vector<1x16xi32>,
    %add3A_687 = arith.constant 256 : i32
    %add3A_688 = vector.broadcast %add3A_687 : i32 to vector<16xi32>
    %add3A_689 = arith.addi %iota3A, %add3A_688 : vector<16xi32>
    %add3A_690 = arith.constant 112 : i32
    %add3A_691 = vector.broadcast %add3A_690 : i32 to vector<16xi32>
    %add3A_692 = arith.addi %add3A_689, %add3A_691 : vector<16xi32>
    %get3A_693 = arith.constant 2 : i32
    %get3A_694 = arith.index_cast %get3A_693 : i32 to index
    %get3A_695 = arith.constant 112 : index
    %get3A_696 = tpu.vector_load %arg7[%get3A_694, %get3A_695] {strides = array<i32>} : memref<4x128xi32, #tpu.memory_space<vmem>>, vector<1x16xi32>,
    %get3A_697 = vector.shape_cast %get3A_696 : vector<1x16xi32> to vector<16xi32>
    %eq3A_698 = arith.constant 1 : i32
    %eq3A_699 = vector.broadcast %eq3A_698 : i32 to vector<16xi32>
    %eq3A_700 = arith.cmpi eq, %get3A_697, %eq3A_699 : vector<16xi32>
    %add3A_701 = vector.broadcast %mul3A_2 : i32 to vector<16xi32>
    %add3A_702 = arith.addi %add3A_692, %add3A_701 : vector<16xi32>
    %get3A_703 = arith.constant 2 : i32
    %get3A_704 = arith.index_cast %get3A_703 : i32 to index
    %get3A_705 = arith.constant 112 : index
    %get3A_706 = tpu.vector_load %arg6[%get3A_704, %get3A_705] {strides = array<i32>} : memref<4x128xi32, #tpu.memory_space<vmem>>, vector<1x16xi32>,
    %get3A_707 = vector.shape_cast %get3A_706 : vector<1x16xi32> to vector<16xi32>
    %select_n3A_708 = arith.select %eq3A_700, %add3A_702, %get3A_707 : vector<16xi1>, vector<16xi32>
    %swap3A_709 = arith.constant 2 : i32
    %swap3A_710 = arith.index_cast %swap3A_709 : i32 to index
    %swap3A_711 = arith.constant 112 : index
    %swap3A_712 = tpu.vector_load %arg6[%swap3A_710, %swap3A_711] {strides = array<i32>} : memref<4x128xi32, #tpu.memory_space<vmem>>, vector<1x16xi32>,
    %swap3A_713 = vector.shape_cast %swap3A_712 : vector<1x16xi32> to vector<16xi32>
    %swap3A_714 = vector.shape_cast %select_n3A_708 : vector<16xi32> to vector<1x16xi32>
    tpu.vector_store %arg6[%swap3A_710, %swap3A_711], %swap3A_714 {strides = array<i32>} : memref<4x128xi32, #tpu.memory_space<vmem>>, vector<1x16xi32>,
    %dma_start3A_715 = arith.constant 2 : i32
    %dma_start3A_716 = arith.constant 256 : i32
    %dma_start3A_717 = arith.constant 0 : i32
    %dma_start3A_718 = tpu.memref_slice %arg8[%dma_start3A_716, %dma_start3A_717] : memref<513x128xf32, #tpu.memory_space<vmem>> -> memref<128x128xf32, #tpu.memory_space<vmem>>
    %dma_start3A_719 = arith.constant 0 : i32
    %dma_start3A_720 = tpu.memref_slice %arg6[%dma_start3A_715, %dma_start3A_719] : memref<4x128xi32, #tpu.memory_space<vmem>> -> memref<1x128xi32, #tpu.memory_space<vmem>>
    %dma_start3A_721 = tpu.memref_squeeze %dma_start3A_720 : memref<1x128xi32, #tpu.memory_space<vmem>> -> memref<128xi32, #tpu.memory_space<vmem>>
    %dma_start3A_722 = arith.constant 0 : i32
    %dma_start3A_723 = arith.constant 0 : i32
    %dma_start3A_724 = tpu.memref_slice %arg4[%dma_start3A_722, %dma_start3A_723] : memref<100001x128xf32, #tpu.memory_space<hbm>> -> memref<100001x128xf32, #tpu.memory_space<hbm>>
    tpu.enqueue_indirect_dma source(%dma_start3A_724 : memref<100001x128xf32, #tpu.memory_space<hbm>>) target(%dma_start3A_718 : memref<128x128xf32, #tpu.memory_space<vmem>>) offsets(%dma_start3A_721 : memref<128xi32, #tpu.memory_space<vmem>>) semaphore(%arg12 : memref<!tpu.dma_semaphore, #tpu.memory_space<semaphore_mem>>)
    %add3A_725 = arith.constant 384 : i32
    %add3A_726 = vector.broadcast %add3A_725 : i32 to vector<16xi32>
    %add3A_727 = arith.addi %iota3A, %add3A_726 : vector<16xi32>
    %add3A_728 = arith.constant 0 : i32
    %add3A_729 = vector.broadcast %add3A_728 : i32 to vector<16xi32>
    %add3A_730 = arith.addi %add3A_727, %add3A_729 : vector<16xi32>
    %get3A_731 = arith.constant 3 : i32
    %get3A_732 = arith.index_cast %get3A_731 : i32 to index
    %get3A_733 = arith.constant 0 : index
    %get3A_734 = tpu.vector_load %arg7[%get3A_732, %get3A_733] {strides = array<i32>} : memref<4x128xi32, #tpu.memory_space<vmem>>, vector<1x16xi32>,
    %get3A_735 = vector.shape_cast %get3A_734 : vector<1x16xi32> to vector<16xi32>
    %eq3A_736 = arith.constant 1 : i32
    %eq3A_737 = vector.broadcast %eq3A_736 : i32 to vector<16xi32>
    %eq3A_738 = arith.cmpi eq, %get3A_735, %eq3A_737 : vector<16xi32>
    %add3A_739 = vector.broadcast %mul3A_2 : i32 to vector<16xi32>
    %add3A_740 = arith.addi %add3A_730, %add3A_739 : vector<16xi32>
    %get3A_741 = arith.constant 3 : i32
    %get3A_742 = arith.index_cast %get3A_741 : i32 to index
    %get3A_743 = arith.constant 0 : index
    %get3A_744 = tpu.vector_load %arg6[%get3A_742, %get3A_743] {strides = array<i32>} : memref<4x128xi32, #tpu.memory_space<vmem>>, vector<1x16xi32>,
    %get3A_745 = vector.shape_cast %get3A_744 : vector<1x16xi32> to vector<16xi32>
    %select_n3A_746 = arith.select %eq3A_738, %add3A_740, %get3A_745 : vector<16xi1>, vector<16xi32>
    %swap3A_747 = arith.constant 3 : i32
    %swap3A_748 = arith.index_cast %swap3A_747 : i32 to index
    %swap3A_749 = arith.constant 0 : index
    %swap3A_750 = tpu.vector_load %arg6[%swap3A_748, %swap3A_749] {strides = array<i32>} : memref<4x128xi32, #tpu.memory_space<vmem>>, vector<1x16xi32>,
    %swap3A_751 = vector.shape_cast %swap3A_750 : vector<1x16xi32> to vector<16xi32>
    %swap3A_752 = vector.shape_cast %select_n3A_746 : vector<16xi32> to vector<1x16xi32>
    tpu.vector_store %arg6[%swap3A_748, %swap3A_749], %swap3A_752 {strides = array<i32>} : memref<4x128xi32, #tpu.memory_space<vmem>>, vector<1x16xi32>,
    %add3A_753 = arith.constant 384 : i32
    %add3A_754 = vector.broadcast %add3A_753 : i32 to vector<16xi32>
    %add3A_755 = arith.addi %iota3A, %add3A_754 : vector<16xi32>
    %add3A_756 = arith.constant 16 : i32
    %add3A_757 = vector.broadcast %add3A_756 : i32 to vector<16xi32>
    %add3A_758 = arith.addi %add3A_755, %add3A_757 : vector<16xi32>
    %get3A_759 = arith.constant 3 : i32
    %get3A_760 = arith.index_cast %get3A_759 : i32 to index
    %get3A_761 = arith.constant 16 : index
    %get3A_762 = tpu.vector_load %arg7[%get3A_760, %get3A_761] {strides = array<i32>} : memref<4x128xi32, #tpu.memory_space<vmem>>, vector<1x16xi32>,
    %get3A_763 = vector.shape_cast %get3A_762 : vector<1x16xi32> to vector<16xi32>
    %eq3A_764 = arith.constant 1 : i32
    %eq3A_765 = vector.broadcast %eq3A_764 : i32 to vector<16xi32>
    %eq3A_766 = arith.cmpi eq, %get3A_763, %eq3A_765 : vector<16xi32>
    %add3A_767 = vector.broadcast %mul3A_2 : i32 to vector<16xi32>
    %add3A_768 = arith.addi %add3A_758, %add3A_767 : vector<16xi32>
    %get3A_769 = arith.constant 3 : i32
    %get3A_770 = arith.index_cast %get3A_769 : i32 to index
    %get3A_771 = arith.constant 16 : index
    %get3A_772 = tpu.vector_load %arg6[%get3A_770, %get3A_771] {strides = array<i32>} : memref<4x128xi32, #tpu.memory_space<vmem>>, vector<1x16xi32>,
    %get3A_773 = vector.shape_cast %get3A_772 : vector<1x16xi32> to vector<16xi32>
    %select_n3A_774 = arith.select %eq3A_766, %add3A_768, %get3A_773 : vector<16xi1>, vector<16xi32>
    %swap3A_775 = arith.constant 3 : i32
    %swap3A_776 = arith.index_cast %swap3A_775 : i32 to index
    %swap3A_777 = arith.constant 16 : index
    %swap3A_778 = tpu.vector_load %arg6[%swap3A_776, %swap3A_777] {strides = array<i32>} : memref<4x128xi32, #tpu.memory_space<vmem>>, vector<1x16xi32>,
    %swap3A_779 = vector.shape_cast %swap3A_778 : vector<1x16xi32> to vector<16xi32>
    %swap3A_780 = vector.shape_cast %select_n3A_774 : vector<16xi32> to vector<1x16xi32>
    tpu.vector_store %arg6[%swap3A_776, %swap3A_777], %swap3A_780 {strides = array<i32>} : memref<4x128xi32, #tpu.memory_space<vmem>>, vector<1x16xi32>,
    %add3A_781 = arith.constant 384 : i32
    %add3A_782 = vector.broadcast %add3A_781 : i32 to vector<16xi32>
    %add3A_783 = arith.addi %iota3A, %add3A_782 : vector<16xi32>
    %add3A_784 = arith.constant 32 : i32
    %add3A_785 = vector.broadcast %add3A_784 : i32 to vector<16xi32>
    %add3A_786 = arith.addi %add3A_783, %add3A_785 : vector<16xi32>
    %get3A_787 = arith.constant 3 : i32
    %get3A_788 = arith.index_cast %get3A_787 : i32 to index
    %get3A_789 = arith.constant 32 : index
    %get3A_790 = tpu.vector_load %arg7[%get3A_788, %get3A_789] {strides = array<i32>} : memref<4x128xi32, #tpu.memory_space<vmem>>, vector<1x16xi32>,
    %get3A_791 = vector.shape_cast %get3A_790 : vector<1x16xi32> to vector<16xi32>
    %eq3A_792 = arith.constant 1 : i32
    %eq3A_793 = vector.broadcast %eq3A_792 : i32 to vector<16xi32>
    %eq3A_794 = arith.cmpi eq, %get3A_791, %eq3A_793 : vector<16xi32>
    %add3A_795 = vector.broadcast %mul3A_2 : i32 to vector<16xi32>
    %add3A_796 = arith.addi %add3A_786, %add3A_795 : vector<16xi32>
    %get3A_797 = arith.constant 3 : i32
    %get3A_798 = arith.index_cast %get3A_797 : i32 to index
    %get3A_799 = arith.constant 32 : index
    %get3A_800 = tpu.vector_load %arg6[%get3A_798, %get3A_799] {strides = array<i32>} : memref<4x128xi32, #tpu.memory_space<vmem>>, vector<1x16xi32>,
    %get3A_801 = vector.shape_cast %get3A_800 : vector<1x16xi32> to vector<16xi32>
    %select_n3A_802 = arith.select %eq3A_794, %add3A_796, %get3A_801 : vector<16xi1>, vector<16xi32>
    %swap3A_803 = arith.constant 3 : i32
    %swap3A_804 = arith.index_cast %swap3A_803 : i32 to index
    %swap3A_805 = arith.constant 32 : index
    %swap3A_806 = tpu.vector_load %arg6[%swap3A_804, %swap3A_805] {strides = array<i32>} : memref<4x128xi32, #tpu.memory_space<vmem>>, vector<1x16xi32>,
    %swap3A_807 = vector.shape_cast %swap3A_806 : vector<1x16xi32> to vector<16xi32>
    %swap3A_808 = vector.shape_cast %select_n3A_802 : vector<16xi32> to vector<1x16xi32>
    tpu.vector_store %arg6[%swap3A_804, %swap3A_805], %swap3A_808 {strides = array<i32>} : memref<4x128xi32, #tpu.memory_space<vmem>>, vector<1x16xi32>,
    %add3A_809 = arith.constant 384 : i32
    %add3A_810 = vector.broadcast %add3A_809 : i32 to vector<16xi32>
    %add3A_811 = arith.addi %iota3A, %add3A_810 : vector<16xi32>
    %add3A_812 = arith.constant 48 : i32
    %add3A_813 = vector.broadcast %add3A_812 : i32 to vector<16xi32>
    %add3A_814 = arith.addi %add3A_811, %add3A_813 : vector<16xi32>
    %get3A_815 = arith.constant 3 : i32
    %get3A_816 = arith.index_cast %get3A_815 : i32 to index
    %get3A_817 = arith.constant 48 : index
    %get3A_818 = tpu.vector_load %arg7[%get3A_816, %get3A_817] {strides = array<i32>} : memref<4x128xi32, #tpu.memory_space<vmem>>, vector<1x16xi32>,
    %get3A_819 = vector.shape_cast %get3A_818 : vector<1x16xi32> to vector<16xi32>
    %eq3A_820 = arith.constant 1 : i32
    %eq3A_821 = vector.broadcast %eq3A_820 : i32 to vector<16xi32>
    %eq3A_822 = arith.cmpi eq, %get3A_819, %eq3A_821 : vector<16xi32>
    %add3A_823 = vector.broadcast %mul3A_2 : i32 to vector<16xi32>
    %add3A_824 = arith.addi %add3A_814, %add3A_823 : vector<16xi32>
    %get3A_825 = arith.constant 3 : i32
    %get3A_826 = arith.index_cast %get3A_825 : i32 to index
    %get3A_827 = arith.constant 48 : index
    %get3A_828 = tpu.vector_load %arg6[%get3A_826, %get3A_827] {strides = array<i32>} : memref<4x128xi32, #tpu.memory_space<vmem>>, vector<1x16xi32>,
    %get3A_829 = vector.shape_cast %get3A_828 : vector<1x16xi32> to vector<16xi32>
    %select_n3A_830 = arith.select %eq3A_822, %add3A_824, %get3A_829 : vector<16xi1>, vector<16xi32>
    %swap3A_831 = arith.constant 3 : i32
    %swap3A_832 = arith.index_cast %swap3A_831 : i32 to index
    %swap3A_833 = arith.constant 48 : index
    %swap3A_834 = tpu.vector_load %arg6[%swap3A_832, %swap3A_833] {strides = array<i32>} : memref<4x128xi32, #tpu.memory_space<vmem>>, vector<1x16xi32>,
    %swap3A_835 = vector.shape_cast %swap3A_834 : vector<1x16xi32> to vector<16xi32>
    %swap3A_836 = vector.shape_cast %select_n3A_830 : vector<16xi32> to vector<1x16xi32>
    tpu.vector_store %arg6[%swap3A_832, %swap3A_833], %swap3A_836 {strides = array<i32>} : memref<4x128xi32, #tpu.memory_space<vmem>>, vector<1x16xi32>,
    %add3A_837 = arith.constant 384 : i32
    %add3A_838 = vector.broadcast %add3A_837 : i32 to vector<16xi32>
    %add3A_839 = arith.addi %iota3A, %add3A_838 : vector<16xi32>
    %add3A_840 = arith.constant 64 : i32
    %add3A_841 = vector.broadcast %add3A_840 : i32 to vector<16xi32>
    %add3A_842 = arith.addi %add3A_839, %add3A_841 : vector<16xi32>
    %get3A_843 = arith.constant 3 : i32
    %get3A_844 = arith.index_cast %get3A_843 : i32 to index
    %get3A_845 = arith.constant 64 : index
    %get3A_846 = tpu.vector_load %arg7[%get3A_844, %get3A_845] {strides = array<i32>} : memref<4x128xi32, #tpu.memory_space<vmem>>, vector<1x16xi32>,
    %get3A_847 = vector.shape_cast %get3A_846 : vector<1x16xi32> to vector<16xi32>
    %eq3A_848 = arith.constant 1 : i32
    %eq3A_849 = vector.broadcast %eq3A_848 : i32 to vector<16xi32>
    %eq3A_850 = arith.cmpi eq, %get3A_847, %eq3A_849 : vector<16xi32>
    %add3A_851 = vector.broadcast %mul3A_2 : i32 to vector<16xi32>
    %add3A_852 = arith.addi %add3A_842, %add3A_851 : vector<16xi32>
    %get3A_853 = arith.constant 3 : i32
    %get3A_854 = arith.index_cast %get3A_853 : i32 to index
    %get3A_855 = arith.constant 64 : index
    %get3A_856 = tpu.vector_load %arg6[%get3A_854, %get3A_855] {strides = array<i32>} : memref<4x128xi32, #tpu.memory_space<vmem>>, vector<1x16xi32>,
    %get3A_857 = vector.shape_cast %get3A_856 : vector<1x16xi32> to vector<16xi32>
    %select_n3A_858 = arith.select %eq3A_850, %add3A_852, %get3A_857 : vector<16xi1>, vector<16xi32>
    %swap3A_859 = arith.constant 3 : i32
    %swap3A_860 = arith.index_cast %swap3A_859 : i32 to index
    %swap3A_861 = arith.constant 64 : index
    %swap3A_862 = tpu.vector_load %arg6[%swap3A_860, %swap3A_861] {strides = array<i32>} : memref<4x128xi32, #tpu.memory_space<vmem>>, vector<1x16xi32>,
    %swap3A_863 = vector.shape_cast %swap3A_862 : vector<1x16xi32> to vector<16xi32>
    %swap3A_864 = vector.shape_cast %select_n3A_858 : vector<16xi32> to vector<1x16xi32>
    tpu.vector_store %arg6[%swap3A_860, %swap3A_861], %swap3A_864 {strides = array<i32>} : memref<4x128xi32, #tpu.memory_space<vmem>>, vector<1x16xi32>,
    %add3A_865 = arith.constant 384 : i32
    %add3A_866 = vector.broadcast %add3A_865 : i32 to vector<16xi32>
    %add3A_867 = arith.addi %iota3A, %add3A_866 : vector<16xi32>
    %add3A_868 = arith.constant 80 : i32
    %add3A_869 = vector.broadcast %add3A_868 : i32 to vector<16xi32>
    %add3A_870 = arith.addi %add3A_867, %add3A_869 : vector<16xi32>
    %get3A_871 = arith.constant 3 : i32
    %get3A_872 = arith.index_cast %get3A_871 : i32 to index
    %get3A_873 = arith.constant 80 : index
    %get3A_874 = tpu.vector_load %arg7[%get3A_872, %get3A_873] {strides = array<i32>} : memref<4x128xi32, #tpu.memory_space<vmem>>, vector<1x16xi32>,
    %get3A_875 = vector.shape_cast %get3A_874 : vector<1x16xi32> to vector<16xi32>
    %eq3A_876 = arith.constant 1 : i32
    %eq3A_877 = vector.broadcast %eq3A_876 : i32 to vector<16xi32>
    %eq3A_878 = arith.cmpi eq, %get3A_875, %eq3A_877 : vector<16xi32>
    %add3A_879 = vector.broadcast %mul3A_2 : i32 to vector<16xi32>
    %add3A_880 = arith.addi %add3A_870, %add3A_879 : vector<16xi32>
    %get3A_881 = arith.constant 3 : i32
    %get3A_882 = arith.index_cast %get3A_881 : i32 to index
    %get3A_883 = arith.constant 80 : index
    %get3A_884 = tpu.vector_load %arg6[%get3A_882, %get3A_883] {strides = array<i32>} : memref<4x128xi32, #tpu.memory_space<vmem>>, vector<1x16xi32>,
    %get3A_885 = vector.shape_cast %get3A_884 : vector<1x16xi32> to vector<16xi32>
    %select_n3A_886 = arith.select %eq3A_878, %add3A_880, %get3A_885 : vector<16xi1>, vector<16xi32>
    %swap3A_887 = arith.constant 3 : i32
    %swap3A_888 = arith.index_cast %swap3A_887 : i32 to index
    %swap3A_889 = arith.constant 80 : index
    %swap3A_890 = tpu.vector_load %arg6[%swap3A_888, %swap3A_889] {strides = array<i32>} : memref<4x128xi32, #tpu.memory_space<vmem>>, vector<1x16xi32>,
    %swap3A_891 = vector.shape_cast %swap3A_890 : vector<1x16xi32> to vector<16xi32>
    %swap3A_892 = vector.shape_cast %select_n3A_886 : vector<16xi32> to vector<1x16xi32>
    tpu.vector_store %arg6[%swap3A_888, %swap3A_889], %swap3A_892 {strides = array<i32>} : memref<4x128xi32, #tpu.memory_space<vmem>>, vector<1x16xi32>,
    %add3A_893 = arith.constant 384 : i32
    %add3A_894 = vector.broadcast %add3A_893 : i32 to vector<16xi32>
    %add3A_895 = arith.addi %iota3A, %add3A_894 : vector<16xi32>
    %add3A_896 = arith.constant 96 : i32
    %add3A_897 = vector.broadcast %add3A_896 : i32 to vector<16xi32>
    %add3A_898 = arith.addi %add3A_895, %add3A_897 : vector<16xi32>
    %get3A_899 = arith.constant 3 : i32
    %get3A_900 = arith.index_cast %get3A_899 : i32 to index
    %get3A_901 = arith.constant 96 : index
    %get3A_902 = tpu.vector_load %arg7[%get3A_900, %get3A_901] {strides = array<i32>} : memref<4x128xi32, #tpu.memory_space<vmem>>, vector<1x16xi32>,
    %get3A_903 = vector.shape_cast %get3A_902 : vector<1x16xi32> to vector<16xi32>
    %eq3A_904 = arith.constant 1 : i32
    %eq3A_905 = vector.broadcast %eq3A_904 : i32 to vector<16xi32>
    %eq3A_906 = arith.cmpi eq, %get3A_903, %eq3A_905 : vector<16xi32>
    %add3A_907 = vector.broadcast %mul3A_2 : i32 to vector<16xi32>
    %add3A_908 = arith.addi %add3A_898, %add3A_907 : vector<16xi32>
    %get3A_909 = arith.constant 3 : i32
    %get3A_910 = arith.index_cast %get3A_909 : i32 to index
    %get3A_911 = arith.constant 96 : index
    %get3A_912 = tpu.vector_load %arg6[%get3A_910, %get3A_911] {strides = array<i32>} : memref<4x128xi32, #tpu.memory_space<vmem>>, vector<1x16xi32>,
    %get3A_913 = vector.shape_cast %get3A_912 : vector<1x16xi32> to vector<16xi32>
    %select_n3A_914 = arith.select %eq3A_906, %add3A_908, %get3A_913 : vector<16xi1>, vector<16xi32>
    %swap3A_915 = arith.constant 3 : i32
    %swap3A_916 = arith.index_cast %swap3A_915 : i32 to index
    %swap3A_917 = arith.constant 96 : index
    %swap3A_918 = tpu.vector_load %arg6[%swap3A_916, %swap3A_917] {strides = array<i32>} : memref<4x128xi32, #tpu.memory_space<vmem>>, vector<1x16xi32>,
    %swap3A_919 = vector.shape_cast %swap3A_918 : vector<1x16xi32> to vector<16xi32>
    %swap3A_920 = vector.shape_cast %select_n3A_914 : vector<16xi32> to vector<1x16xi32>
    tpu.vector_store %arg6[%swap3A_916, %swap3A_917], %swap3A_920 {strides = array<i32>} : memref<4x128xi32, #tpu.memory_space<vmem>>, vector<1x16xi32>,
    %add3A_921 = arith.constant 384 : i32
    %add3A_922 = vector.broadcast %add3A_921 : i32 to vector<16xi32>
    %add3A_923 = arith.addi %iota3A, %add3A_922 : vector<16xi32>
    %add3A_924 = arith.constant 112 : i32
    %add3A_925 = vector.broadcast %add3A_924 : i32 to vector<16xi32>
    %add3A_926 = arith.addi %add3A_923, %add3A_925 : vector<16xi32>
    %get3A_927 = arith.constant 3 : i32
    %get3A_928 = arith.index_cast %get3A_927 : i32 to index
    %get3A_929 = arith.constant 112 : index
    %get3A_930 = tpu.vector_load %arg7[%get3A_928, %get3A_929] {strides = array<i32>} : memref<4x128xi32, #tpu.memory_space<vmem>>, vector<1x16xi32>,
    %get3A_931 = vector.shape_cast %get3A_930 : vector<1x16xi32> to vector<16xi32>
    %eq3A_932 = arith.constant 1 : i32
    %eq3A_933 = vector.broadcast %eq3A_932 : i32 to vector<16xi32>
    %eq3A_934 = arith.cmpi eq, %get3A_931, %eq3A_933 : vector<16xi32>
    %add3A_935 = vector.broadcast %mul3A_2 : i32 to vector<16xi32>
    %add3A_936 = arith.addi %add3A_926, %add3A_935 : vector<16xi32>
    %get3A_937 = arith.constant 3 : i32
    %get3A_938 = arith.index_cast %get3A_937 : i32 to index
    %get3A_939 = arith.constant 112 : index
    %get3A_940 = tpu.vector_load %arg6[%get3A_938, %get3A_939] {strides = array<i32>} : memref<4x128xi32, #tpu.memory_space<vmem>>, vector<1x16xi32>,
    %get3A_941 = vector.shape_cast %get3A_940 : vector<1x16xi32> to vector<16xi32>
    %select_n3A_942 = arith.select %eq3A_934, %add3A_936, %get3A_941 : vector<16xi1>, vector<16xi32>
    %swap3A_943 = arith.constant 3 : i32
    %swap3A_944 = arith.index_cast %swap3A_943 : i32 to index
    %swap3A_945 = arith.constant 112 : index
    %swap3A_946 = tpu.vector_load %arg6[%swap3A_944, %swap3A_945] {strides = array<i32>} : memref<4x128xi32, #tpu.memory_space<vmem>>, vector<1x16xi32>,
    %swap3A_947 = vector.shape_cast %swap3A_946 : vector<1x16xi32> to vector<16xi32>
    %swap3A_948 = vector.shape_cast %select_n3A_942 : vector<16xi32> to vector<1x16xi32>
    tpu.vector_store %arg6[%swap3A_944, %swap3A_945], %swap3A_948 {strides = array<i32>} : memref<4x128xi32, #tpu.memory_space<vmem>>, vector<1x16xi32>,
    %dma_start3A_949 = arith.constant 3 : i32
    %dma_start3A_950 = arith.constant 384 : i32
    %dma_start3A_951 = arith.constant 0 : i32
    %dma_start3A_952 = tpu.memref_slice %arg8[%dma_start3A_950, %dma_start3A_951] : memref<513x128xf32, #tpu.memory_space<vmem>> -> memref<128x128xf32, #tpu.memory_space<vmem>>
    %dma_start3A_953 = arith.constant 0 : i32
    %dma_start3A_954 = tpu.memref_slice %arg6[%dma_start3A_949, %dma_start3A_953] : memref<4x128xi32, #tpu.memory_space<vmem>> -> memref<1x128xi32, #tpu.memory_space<vmem>>
    %dma_start3A_955 = tpu.memref_squeeze %dma_start3A_954 : memref<1x128xi32, #tpu.memory_space<vmem>> -> memref<128xi32, #tpu.memory_space<vmem>>
    %dma_start3A_956 = arith.constant 0 : i32
    %dma_start3A_957 = arith.constant 0 : i32
    %dma_start3A_958 = tpu.memref_slice %arg4[%dma_start3A_956, %dma_start3A_957] : memref<100001x128xf32, #tpu.memory_space<hbm>> -> memref<100001x128xf32, #tpu.memory_space<hbm>>
    tpu.enqueue_indirect_dma source(%dma_start3A_958 : memref<100001x128xf32, #tpu.memory_space<hbm>>) target(%dma_start3A_952 : memref<128x128xf32, #tpu.memory_space<vmem>>) offsets(%dma_start3A_955 : memref<128xi32, #tpu.memory_space<vmem>>) semaphore(%arg13 : memref<!tpu.dma_semaphore, #tpu.memory_space<semaphore_mem>>)
    %dma_wait3A_959 = arith.constant 0 : i32
    %dma_wait3A_960 = arith.constant 0 : i32
    %dma_wait3A_961 = tpu.memref_slice %arg4[%dma_wait3A_959, %dma_wait3A_960] : memref<100001x128xf32, #tpu.memory_space<hbm>> -> memref<1x128xf32, #tpu.memory_space<hbm>>
    %dma_wait3A_962 = arith.constant 0 : i32
    %dma_wait3A_963 = arith.constant 0 : i32
    %dma_wait3A_964 = tpu.memref_slice %arg4[%dma_wait3A_962, %dma_wait3A_963] : memref<100001x128xf32, #tpu.memory_space<hbm>> -> memref<1x128xf32, #tpu.memory_space<hbm>>
    tpu.wait_dma2 semaphore(%arg14 : memref<!tpu.dma_semaphore, #tpu.memory_space<semaphore_mem>>) src(%dma_wait3A_964 : memref<1x128xf32, #tpu.memory_space<hbm>>) dst(%arg9 : memref<1x128xf32, #tpu.memory_space<vmem>>)
    %get3A_965 = arith.constant 0 : i32
    %get3A_966 = arith.index_cast %get3A_965 : i32 to index
    %get3A_967 = arith.constant 0 : index
    %get3A_968 = tpu.vector_load %arg9[%get3A_966, %get3A_967] {strides = array<i32>} : memref<1x128xf32, #tpu.memory_space<vmem>>, vector<1x16xf32>,
    %get3A_969 = vector.shape_cast %get3A_968 : vector<1x16xf32> to vector<16xf32>
    %get3A_970 = arith.constant 0 : i32
    %get3A_971 = arith.index_cast %get3A_970 : i32 to index
    %get3A_972 = arith.constant 16 : index
    %get3A_973 = tpu.vector_load %arg9[%get3A_971, %get3A_972] {strides = array<i32>} : memref<1x128xf32, #tpu.memory_space<vmem>>, vector<1x16xf32>,
    %get3A_974 = vector.shape_cast %get3A_973 : vector<1x16xf32> to vector<16xf32>
    %get3A_975 = arith.constant 0 : i32
    %get3A_976 = arith.index_cast %get3A_975 : i32 to index
    %get3A_977 = arith.constant 32 : index
    %get3A_978 = tpu.vector_load %arg9[%get3A_976, %get3A_977] {strides = array<i32>} : memref<1x128xf32, #tpu.memory_space<vmem>>, vector<1x16xf32>,
    %get3A_979 = vector.shape_cast %get3A_978 : vector<1x16xf32> to vector<16xf32>
    %get3A_980 = arith.constant 0 : i32
    %get3A_981 = arith.index_cast %get3A_980 : i32 to index
    %get3A_982 = arith.constant 48 : index
    %get3A_983 = tpu.vector_load %arg9[%get3A_981, %get3A_982] {strides = array<i32>} : memref<1x128xf32, #tpu.memory_space<vmem>>, vector<1x16xf32>,
    %get3A_984 = vector.shape_cast %get3A_983 : vector<1x16xf32> to vector<16xf32>
    %get3A_985 = arith.constant 0 : i32
    %get3A_986 = arith.index_cast %get3A_985 : i32 to index
    %get3A_987 = arith.constant 64 : index
    %get3A_988 = tpu.vector_load %arg9[%get3A_986, %get3A_987] {strides = array<i32>} : memref<1x128xf32, #tpu.memory_space<vmem>>, vector<1x16xf32>,
    %get3A_989 = vector.shape_cast %get3A_988 : vector<1x16xf32> to vector<16xf32>
    %get3A_990 = arith.constant 0 : i32
    %get3A_991 = arith.index_cast %get3A_990 : i32 to index
    %get3A_992 = arith.constant 80 : index
    %get3A_993 = tpu.vector_load %arg9[%get3A_991, %get3A_992] {strides = array<i32>} : memref<1x128xf32, #tpu.memory_space<vmem>>, vector<1x16xf32>,
    %get3A_994 = vector.shape_cast %get3A_993 : vector<1x16xf32> to vector<16xf32>
    %get3A_995 = arith.constant 0 : i32
    %get3A_996 = arith.index_cast %get3A_995 : i32 to index
    %get3A_997 = arith.constant 96 : index
    %get3A_998 = tpu.vector_load %arg9[%get3A_996, %get3A_997] {strides = array<i32>} : memref<1x128xf32, #tpu.memory_space<vmem>>, vector<1x16xf32>,
    %get3A_999 = vector.shape_cast %get3A_998 : vector<1x16xf32> to vector<16xf32>
    %get3A_1000 = arith.constant 0 : i32
    %get3A_1001 = arith.index_cast %get3A_1000 : i32 to index
    %get3A_1002 = arith.constant 112 : index
    %get3A_1003 = tpu.vector_load %arg9[%get3A_1001, %get3A_1002] {strides = array<i32>} : memref<1x128xf32, #tpu.memory_space<vmem>>, vector<1x16xf32>,
    %get3A_1004 = vector.shape_cast %get3A_1003 : vector<1x16xf32> to vector<16xf32>
    %dma_wait3A_1005 = arith.constant 0 : i32
    %dma_wait3A_1006 = arith.constant 0 : i32
    %dma_wait3A_1007 = arith.constant 0 : i32
    %dma_wait3A_1008 = tpu.memref_slice %arg8[%dma_wait3A_1006, %dma_wait3A_1007] : memref<513x128xf32, #tpu.memory_space<vmem>> -> memref<128x128xf32, #tpu.memory_space<vmem>>
    %dma_wait3A_1009 = arith.constant 0 : i32
    %dma_wait3A_1010 = tpu.memref_slice %arg6[%dma_wait3A_1005, %dma_wait3A_1009] : memref<4x128xi32, #tpu.memory_space<vmem>> -> memref<1x128xi32, #tpu.memory_space<vmem>>
    %dma_wait3A_1011 = tpu.memref_squeeze %dma_wait3A_1010 : memref<1x128xi32, #tpu.memory_space<vmem>> -> memref<128xi32, #tpu.memory_space<vmem>>
    %dma_wait3A_1012 = arith.constant 0 : i32
    %dma_wait3A_1013 = arith.constant 0 : i32
    %dma_wait3A_1014 = tpu.memref_slice %arg4[%dma_wait3A_1012, %dma_wait3A_1013] : memref<100001x128xf32, #tpu.memory_space<hbm>> -> memref<100001x128xf32, #tpu.memory_space<hbm>>
    tpu.wait_indirect_dma semaphore(%arg10 : memref<!tpu.dma_semaphore, #tpu.memory_space<semaphore_mem>>) src(%dma_wait3A_1014 : memref<100001x128xf32, #tpu.memory_space<hbm>>) dst(%dma_wait3A_1008 : memref<128x128xf32, #tpu.memory_space<vmem>>)
    %scan3A = arith.constant 0 : i32
    %scan3A_1015 = arith.constant 8 : i32
    %scan3A_1016 = arith.addi %scan3A, %scan3A_1015 : i32
    %scan3A_1017 = arith.constant 1 : i32
    scf.for %scan3A_1152 = %scan3A to %scan3A_1016 step %scan3A_1017  : i32 {
      %mul3A_1153 = arith.constant 16 : i32
      %mul3A_1154 = arith.muli %scan3A_1152, %mul3A_1153 : i32
      %get3A_1155 = arith.constant 0 : i32
      %get3A_1156 = arith.index_cast %get3A_1155 : i32 to index
      %get3A_1157 = arith.index_cast %mul3A_1154 : i32 to index
      %get3A_1158 = tpu.vector_load %arg7[%get3A_1156, %get3A_1157] {strides = array<i32>} : memref<4x128xi32, #tpu.memory_space<vmem>>, vector<1x16xi32>,
      %get3A_1159 = vector.shape_cast %get3A_1158 : vector<1x16xi32> to vector<16xi32>
      %add3A_1160 = arith.constant 0 : i32
      %add3A_1161 = vector.broadcast %add3A_1160 : i32 to vector<16xi32>
      %add3A_1162 = arith.addi %iota3A, %add3A_1161 : vector<16xi32>
      %mul3A_1163 = arith.constant 16 : i32
      %mul3A_1164 = arith.muli %scan3A_1152, %mul3A_1163 : i32
      %add3A_1165 = vector.broadcast %mul3A_1164 : i32 to vector<16xi32>
      %add3A_1166 = arith.addi %add3A_1162, %add3A_1165 : vector<16xi32>
      %eq3A_1167 = arith.constant 1 : i32
      %eq3A_1168 = vector.broadcast %eq3A_1167 : i32 to vector<16xi32>
      %eq3A_1169 = arith.cmpi eq, %get3A_1159, %eq3A_1168 : vector<16xi32>
      %jit3A = arith.constant 512 : i32
      %broadcast_in_dim3A = vector.broadcast %jit3A : i32 to vector<16xi32>
      %select_n3A_1170 = arith.select %eq3A_1169, %add3A_1166, %broadcast_in_dim3A : vector<16xi1>, vector<16xi32>
      %slice3A = vector.extract_strided_slice %select_n3A_1170 {offsets = [0], sizes = [1], strides = [1]} : vector<16xi32> to vector<1xi32>
      %squeeze3A = vector.extract %slice3A[0] : i32 from vector<1xi32>
      %swap3A_1171 = arith.index_cast %squeeze3A : i32 to index
      %swap3A_1172 = arith.constant 0 : index
      %swap3A_1173 = tpu.vector_load %arg8[%swap3A_1171, %swap3A_1172] {strides = array<i32>} : memref<513x128xf32, #tpu.memory_space<vmem>>, vector<1x16xf32>,
      %swap3A_1174 = vector.shape_cast %swap3A_1173 : vector<1x16xf32> to vector<16xf32>
      %swap3A_1175 = vector.shape_cast %get3A_969 : vector<16xf32> to vector<1x16xf32>
      tpu.vector_store %arg8[%swap3A_1171, %swap3A_1172], %swap3A_1175 {strides = array<i32>} : memref<513x128xf32, #tpu.memory_space<vmem>>, vector<1x16xf32>,
      %swap3A_1176 = arith.index_cast %squeeze3A : i32 to index
      %swap3A_1177 = arith.constant 16 : index
      %swap3A_1178 = tpu.vector_load %arg8[%swap3A_1176, %swap3A_1177] {strides = array<i32>} : memref<513x128xf32, #tpu.memory_space<vmem>>, vector<1x16xf32>,
      %swap3A_1179 = vector.shape_cast %swap3A_1178 : vector<1x16xf32> to vector<16xf32>
      %swap3A_1180 = vector.shape_cast %get3A_974 : vector<16xf32> to vector<1x16xf32>
      tpu.vector_store %arg8[%swap3A_1176, %swap3A_1177], %swap3A_1180 {strides = array<i32>} : memref<513x128xf32, #tpu.memory_space<vmem>>, vector<1x16xf32>,
      %swap3A_1181 = arith.index_cast %squeeze3A : i32 to index
      %swap3A_1182 = arith.constant 32 : index
      %swap3A_1183 = tpu.vector_load %arg8[%swap3A_1181, %swap3A_1182] {strides = array<i32>} : memref<513x128xf32, #tpu.memory_space<vmem>>, vector<1x16xf32>,
      %swap3A_1184 = vector.shape_cast %swap3A_1183 : vector<1x16xf32> to vector<16xf32>
      %swap3A_1185 = vector.shape_cast %get3A_979 : vector<16xf32> to vector<1x16xf32>
      tpu.vector_store %arg8[%swap3A_1181, %swap3A_1182], %swap3A_1185 {strides = array<i32>} : memref<513x128xf32, #tpu.memory_space<vmem>>, vector<1x16xf32>,
      %swap3A_1186 = arith.index_cast %squeeze3A : i32 to index
      %swap3A_1187 = arith.constant 48 : index
      %swap3A_1188 = tpu.vector_load %arg8[%swap3A_1186, %swap3A_1187] {strides = array<i32>} : memref<513x128xf32, #tpu.memory_space<vmem>>, vector<1x16xf32>,
      %swap3A_1189 = vector.shape_cast %swap3A_1188 : vector<1x16xf32> to vector<16xf32>
      %swap3A_1190 = vector.shape_cast %get3A_984 : vector<16xf32> to vector<1x16xf32>
      tpu.vector_store %arg8[%swap3A_1186, %swap3A_1187], %swap3A_1190 {strides = array<i32>} : memref<513x128xf32, #tpu.memory_space<vmem>>, vector<1x16xf32>,
      %swap3A_1191 = arith.index_cast %squeeze3A : i32 to index
      %swap3A_1192 = arith.constant 64 : index
      %swap3A_1193 = tpu.vector_load %arg8[%swap3A_1191, %swap3A_1192] {strides = array<i32>} : memref<513x128xf32, #tpu.memory_space<vmem>>, vector<1x16xf32>,
      %swap3A_1194 = vector.shape_cast %swap3A_1193 : vector<1x16xf32> to vector<16xf32>
      %swap3A_1195 = vector.shape_cast %get3A_989 : vector<16xf32> to vector<1x16xf32>
      tpu.vector_store %arg8[%swap3A_1191, %swap3A_1192], %swap3A_1195 {strides = array<i32>} : memref<513x128xf32, #tpu.memory_space<vmem>>, vector<1x16xf32>,
      %swap3A_1196 = arith.index_cast %squeeze3A : i32 to index
      %swap3A_1197 = arith.constant 80 : index
      %swap3A_1198 = tpu.vector_load %arg8[%swap3A_1196, %swap3A_1197] {strides = array<i32>} : memref<513x128xf32, #tpu.memory_space<vmem>>, vector<1x16xf32>,
      %swap3A_1199 = vector.shape_cast %swap3A_1198 : vector<1x16xf32> to vector<16xf32>
      %swap3A_1200 = vector.shape_cast %get3A_994 : vector<16xf32> to vector<1x16xf32>
      tpu.vector_store %arg8[%swap3A_1196, %swap3A_1197], %swap3A_1200 {strides = array<i32>} : memref<513x128xf32, #tpu.memory_space<vmem>>, vector<1x16xf32>,
      %swap3A_1201 = arith.index_cast %squeeze3A : i32 to index
      %swap3A_1202 = arith.constant 96 : index
      %swap3A_1203 = tpu.vector_load %arg8[%swap3A_1201, %swap3A_1202] {strides = array<i32>} : memref<513x128xf32, #tpu.memory_space<vmem>>, vector<1x16xf32>,
      %swap3A_1204 = vector.shape_cast %swap3A_1203 : vector<1x16xf32> to vector<16xf32>
      %swap3A_1205 = vector.shape_cast %get3A_999 : vector<16xf32> to vector<1x16xf32>
      tpu.vector_store %arg8[%swap3A_1201, %swap3A_1202], %swap3A_1205 {strides = array<i32>} : memref<513x128xf32, #tpu.memory_space<vmem>>, vector<1x16xf32>,
      %swap3A_1206 = arith.index_cast %squeeze3A : i32 to index
      %swap3A_1207 = arith.constant 112 : index
      %swap3A_1208 = tpu.vector_load %arg8[%swap3A_1206, %swap3A_1207] {strides = array<i32>} : memref<513x128xf32, #tpu.memory_space<vmem>>, vector<1x16xf32>,
      %swap3A_1209 = vector.shape_cast %swap3A_1208 : vector<1x16xf32> to vector<16xf32>
      %swap3A_1210 = vector.shape_cast %get3A_1004 : vector<16xf32> to vector<1x16xf32>
      tpu.vector_store %arg8[%swap3A_1206, %swap3A_1207], %swap3A_1210 {strides = array<i32>} : memref<513x128xf32, #tpu.memory_space<vmem>>, vector<1x16xf32>,
      %slice3A_1211 = vector.extract_strided_slice %select_n3A_1170 {offsets = [1], sizes = [1], strides = [1]} : vector<16xi32> to vector<1xi32>
      %squeeze3A_1212 = vector.extract %slice3A_1211[0] : i32 from vector<1xi32>
      %swap3A_1213 = arith.index_cast %squeeze3A_1212 : i32 to index
      %swap3A_1214 = arith.constant 0 : index
      %swap3A_1215 = tpu.vector_load %arg8[%swap3A_1213, %swap3A_1214] {strides = array<i32>} : memref<513x128xf32, #tpu.memory_space<vmem>>, vector<1x16xf32>,
      %swap3A_1216 = vector.shape_cast %swap3A_1215 : vector<1x16xf32> to vector<16xf32>
      %swap3A_1217 = vector.shape_cast %get3A_969 : vector<16xf32> to vector<1x16xf32>
      tpu.vector_store %arg8[%swap3A_1213, %swap3A_1214], %swap3A_1217 {strides = array<i32>} : memref<513x128xf32, #tpu.memory_space<vmem>>, vector<1x16xf32>,
      %swap3A_1218 = arith.index_cast %squeeze3A_1212 : i32 to index
      %swap3A_1219 = arith.constant 16 : index
      %swap3A_1220 = tpu.vector_load %arg8[%swap3A_1218, %swap3A_1219] {strides = array<i32>} : memref<513x128xf32, #tpu.memory_space<vmem>>, vector<1x16xf32>,
      %swap3A_1221 = vector.shape_cast %swap3A_1220 : vector<1x16xf32> to vector<16xf32>
      %swap3A_1222 = vector.shape_cast %get3A_974 : vector<16xf32> to vector<1x16xf32>
      tpu.vector_store %arg8[%swap3A_1218, %swap3A_1219], %swap3A_1222 {strides = array<i32>} : memref<513x128xf32, #tpu.memory_space<vmem>>, vector<1x16xf32>,
      %swap3A_1223 = arith.index_cast %squeeze3A_1212 : i32 to index
      %swap3A_1224 = arith.constant 32 : index
      %swap3A_1225 = tpu.vector_load %arg8[%swap3A_1223, %swap3A_1224] {strides = array<i32>} : memref<513x128xf32, #tpu.memory_space<vmem>>, vector<1x16xf32>,
      %swap3A_1226 = vector.shape_cast %swap3A_1225 : vector<1x16xf32> to vector<16xf32>
      %swap3A_1227 = vector.shape_cast %get3A_979 : vector<16xf32> to vector<1x16xf32>
      tpu.vector_store %arg8[%swap3A_1223, %swap3A_1224], %swap3A_1227 {strides = array<i32>} : memref<513x128xf32, #tpu.memory_space<vmem>>, vector<1x16xf32>,
      %swap3A_1228 = arith.index_cast %squeeze3A_1212 : i32 to index
      %swap3A_1229 = arith.constant 48 : index
      %swap3A_1230 = tpu.vector_load %arg8[%swap3A_1228, %swap3A_1229] {strides = array<i32>} : memref<513x128xf32, #tpu.memory_space<vmem>>, vector<1x16xf32>,
      %swap3A_1231 = vector.shape_cast %swap3A_1230 : vector<1x16xf32> to vector<16xf32>
      %swap3A_1232 = vector.shape_cast %get3A_984 : vector<16xf32> to vector<1x16xf32>
      tpu.vector_store %arg8[%swap3A_1228, %swap3A_1229], %swap3A_1232 {strides = array<i32>} : memref<513x128xf32, #tpu.memory_space<vmem>>, vector<1x16xf32>,
      %swap3A_1233 = arith.index_cast %squeeze3A_1212 : i32 to index
      %swap3A_1234 = arith.constant 64 : index
      %swap3A_1235 = tpu.vector_load %arg8[%swap3A_1233, %swap3A_1234] {strides = array<i32>} : memref<513x128xf32, #tpu.memory_space<vmem>>, vector<1x16xf32>,
      %swap3A_1236 = vector.shape_cast %swap3A_1235 : vector<1x16xf32> to vector<16xf32>
      %swap3A_1237 = vector.shape_cast %get3A_989 : vector<16xf32> to vector<1x16xf32>
      tpu.vector_store %arg8[%swap3A_1233, %swap3A_1234], %swap3A_1237 {strides = array<i32>} : memref<513x128xf32, #tpu.memory_space<vmem>>, vector<1x16xf32>,
      %swap3A_1238 = arith.index_cast %squeeze3A_1212 : i32 to index
      %swap3A_1239 = arith.constant 80 : index
      %swap3A_1240 = tpu.vector_load %arg8[%swap3A_1238, %swap3A_1239] {strides = array<i32>} : memref<513x128xf32, #tpu.memory_space<vmem>>, vector<1x16xf32>,
      %swap3A_1241 = vector.shape_cast %swap3A_1240 : vector<1x16xf32> to vector<16xf32>
      %swap3A_1242 = vector.shape_cast %get3A_994 : vector<16xf32> to vector<1x16xf32>
      tpu.vector_store %arg8[%swap3A_1238, %swap3A_1239], %swap3A_1242 {strides = array<i32>} : memref<513x128xf32, #tpu.memory_space<vmem>>, vector<1x16xf32>,
      %swap3A_1243 = arith.index_cast %squeeze3A_1212 : i32 to index
      %swap3A_1244 = arith.constant 96 : index
      %swap3A_1245 = tpu.vector_load %arg8[%swap3A_1243, %swap3A_1244] {strides = array<i32>} : memref<513x128xf32, #tpu.memory_space<vmem>>, vector<1x16xf32>,
      %swap3A_1246 = vector.shape_cast %swap3A_1245 : vector<1x16xf32> to vector<16xf32>
      %swap3A_1247 = vector.shape_cast %get3A_999 : vector<16xf32> to vector<1x16xf32>
      tpu.vector_store %arg8[%swap3A_1243, %swap3A_1244], %swap3A_1247 {strides = array<i32>} : memref<513x128xf32, #tpu.memory_space<vmem>>, vector<1x16xf32>,
      %swap3A_1248 = arith.index_cast %squeeze3A_1212 : i32 to index
      %swap3A_1249 = arith.constant 112 : index
      %swap3A_1250 = tpu.vector_load %arg8[%swap3A_1248, %swap3A_1249] {strides = array<i32>} : memref<513x128xf32, #tpu.memory_space<vmem>>, vector<1x16xf32>,
      %swap3A_1251 = vector.shape_cast %swap3A_1250 : vector<1x16xf32> to vector<16xf32>
      %swap3A_1252 = vector.shape_cast %get3A_1004 : vector<16xf32> to vector<1x16xf32>
      tpu.vector_store %arg8[%swap3A_1248, %swap3A_1249], %swap3A_1252 {strides = array<i32>} : memref<513x128xf32, #tpu.memory_space<vmem>>, vector<1x16xf32>,
      %slice3A_1253 = vector.extract_strided_slice %select_n3A_1170 {offsets = [2], sizes = [1], strides = [1]} : vector<16xi32> to vector<1xi32>
      %squeeze3A_1254 = vector.extract %slice3A_1253[0] : i32 from vector<1xi32>
      %swap3A_1255 = arith.index_cast %squeeze3A_1254 : i32 to index
      %swap3A_1256 = arith.constant 0 : index
      %swap3A_1257 = tpu.vector_load %arg8[%swap3A_1255, %swap3A_1256] {strides = array<i32>} : memref<513x128xf32, #tpu.memory_space<vmem>>, vector<1x16xf32>,
      %swap3A_1258 = vector.shape_cast %swap3A_1257 : vector<1x16xf32> to vector<16xf32>
      %swap3A_1259 = vector.shape_cast %get3A_969 : vector<16xf32> to vector<1x16xf32>
      tpu.vector_store %arg8[%swap3A_1255, %swap3A_1256], %swap3A_1259 {strides = array<i32>} : memref<513x128xf32, #tpu.memory_space<vmem>>, vector<1x16xf32>,
      %swap3A_1260 = arith.index_cast %squeeze3A_1254 : i32 to index
      %swap3A_1261 = arith.constant 16 : index
      %swap3A_1262 = tpu.vector_load %arg8[%swap3A_1260, %swap3A_1261] {strides = array<i32>} : memref<513x128xf32, #tpu.memory_space<vmem>>, vector<1x16xf32>,
      %swap3A_1263 = vector.shape_cast %swap3A_1262 : vector<1x16xf32> to vector<16xf32>
      %swap3A_1264 = vector.shape_cast %get3A_974 : vector<16xf32> to vector<1x16xf32>
      tpu.vector_store %arg8[%swap3A_1260, %swap3A_1261], %swap3A_1264 {strides = array<i32>} : memref<513x128xf32, #tpu.memory_space<vmem>>, vector<1x16xf32>,
      %swap3A_1265 = arith.index_cast %squeeze3A_1254 : i32 to index
      %swap3A_1266 = arith.constant 32 : index
      %swap3A_1267 = tpu.vector_load %arg8[%swap3A_1265, %swap3A_1266] {strides = array<i32>} : memref<513x128xf32, #tpu.memory_space<vmem>>, vector<1x16xf32>,
      %swap3A_1268 = vector.shape_cast %swap3A_1267 : vector<1x16xf32> to vector<16xf32>
      %swap3A_1269 = vector.shape_cast %get3A_979 : vector<16xf32> to vector<1x16xf32>
      tpu.vector_store %arg8[%swap3A_1265, %swap3A_1266], %swap3A_1269 {strides = array<i32>} : memref<513x128xf32, #tpu.memory_space<vmem>>, vector<1x16xf32>,
      %swap3A_1270 = arith.index_cast %squeeze3A_1254 : i32 to index
      %swap3A_1271 = arith.constant 48 : index
      %swap3A_1272 = tpu.vector_load %arg8[%swap3A_1270, %swap3A_1271] {strides = array<i32>} : memref<513x128xf32, #tpu.memory_space<vmem>>, vector<1x16xf32>,
      %swap3A_1273 = vector.shape_cast %swap3A_1272 : vector<1x16xf32> to vector<16xf32>
      %swap3A_1274 = vector.shape_cast %get3A_984 : vector<16xf32> to vector<1x16xf32>
      tpu.vector_store %arg8[%swap3A_1270, %swap3A_1271], %swap3A_1274 {strides = array<i32>} : memref<513x128xf32, #tpu.memory_space<vmem>>, vector<1x16xf32>,
      %swap3A_1275 = arith.index_cast %squeeze3A_1254 : i32 to index
      %swap3A_1276 = arith.constant 64 : index
      %swap3A_1277 = tpu.vector_load %arg8[%swap3A_1275, %swap3A_1276] {strides = array<i32>} : memref<513x128xf32, #tpu.memory_space<vmem>>, vector<1x16xf32>,
      %swap3A_1278 = vector.shape_cast %swap3A_1277 : vector<1x16xf32> to vector<16xf32>
      %swap3A_1279 = vector.shape_cast %get3A_989 : vector<16xf32> to vector<1x16xf32>
      tpu.vector_store %arg8[%swap3A_1275, %swap3A_1276], %swap3A_1279 {strides = array<i32>} : memref<513x128xf32, #tpu.memory_space<vmem>>, vector<1x16xf32>,
      %swap3A_1280 = arith.index_cast %squeeze3A_1254 : i32 to index
      %swap3A_1281 = arith.constant 80 : index
      %swap3A_1282 = tpu.vector_load %arg8[%swap3A_1280, %swap3A_1281] {strides = array<i32>} : memref<513x128xf32, #tpu.memory_space<vmem>>, vector<1x16xf32>,
      %swap3A_1283 = vector.shape_cast %swap3A_1282 : vector<1x16xf32> to vector<16xf32>
      %swap3A_1284 = vector.shape_cast %get3A_994 : vector<16xf32> to vector<1x16xf32>
      tpu.vector_store %arg8[%swap3A_1280, %swap3A_1281], %swap3A_1284 {strides = array<i32>} : memref<513x128xf32, #tpu.memory_space<vmem>>, vector<1x16xf32>,
      %swap3A_1285 = arith.index_cast %squeeze3A_1254 : i32 to index
      %swap3A_1286 = arith.constant 96 : index
      %swap3A_1287 = tpu.vector_load %arg8[%swap3A_1285, %swap3A_1286] {strides = array<i32>} : memref<513x128xf32, #tpu.memory_space<vmem>>, vector<1x16xf32>,
      %swap3A_1288 = vector.shape_cast %swap3A_1287 : vector<1x16xf32> to vector<16xf32>
      %swap3A_1289 = vector.shape_cast %get3A_999 : vector<16xf32> to vector<1x16xf32>
      tpu.vector_store %arg8[%swap3A_1285, %swap3A_1286], %swap3A_1289 {strides = array<i32>} : memref<513x128xf32, #tpu.memory_space<vmem>>, vector<1x16xf32>,
      %swap3A_1290 = arith.index_cast %squeeze3A_1254 : i32 to index
      %swap3A_1291 = arith.constant 112 : index
      %swap3A_1292 = tpu.vector_load %arg8[%swap3A_1290, %swap3A_1291] {strides = array<i32>} : memref<513x128xf32, #tpu.memory_space<vmem>>, vector<1x16xf32>,
      %swap3A_1293 = vector.shape_cast %swap3A_1292 : vector<1x16xf32> to vector<16xf32>
      %swap3A_1294 = vector.shape_cast %get3A_1004 : vector<16xf32> to vector<1x16xf32>
      tpu.vector_store %arg8[%swap3A_1290, %swap3A_1291], %swap3A_1294 {strides = array<i32>} : memref<513x128xf32, #tpu.memory_space<vmem>>, vector<1x16xf32>,
      %slice3A_1295 = vector.extract_strided_slice %select_n3A_1170 {offsets = [3], sizes = [1], strides = [1]} : vector<16xi32> to vector<1xi32>
      %squeeze3A_1296 = vector.extract %slice3A_1295[0] : i32 from vector<1xi32>
      %swap3A_1297 = arith.index_cast %squeeze3A_1296 : i32 to index
      %swap3A_1298 = arith.constant 0 : index
      %swap3A_1299 = tpu.vector_load %arg8[%swap3A_1297, %swap3A_1298] {strides = array<i32>} : memref<513x128xf32, #tpu.memory_space<vmem>>, vector<1x16xf32>,
      %swap3A_1300 = vector.shape_cast %swap3A_1299 : vector<1x16xf32> to vector<16xf32>
      %swap3A_1301 = vector.shape_cast %get3A_969 : vector<16xf32> to vector<1x16xf32>
      tpu.vector_store %arg8[%swap3A_1297, %swap3A_1298], %swap3A_1301 {strides = array<i32>} : memref<513x128xf32, #tpu.memory_space<vmem>>, vector<1x16xf32>,
      %swap3A_1302 = arith.index_cast %squeeze3A_1296 : i32 to index
      %swap3A_1303 = arith.constant 16 : index
      %swap3A_1304 = tpu.vector_load %arg8[%swap3A_1302, %swap3A_1303] {strides = array<i32>} : memref<513x128xf32, #tpu.memory_space<vmem>>, vector<1x16xf32>,
      %swap3A_1305 = vector.shape_cast %swap3A_1304 : vector<1x16xf32> to vector<16xf32>
      %swap3A_1306 = vector.shape_cast %get3A_974 : vector<16xf32> to vector<1x16xf32>
      tpu.vector_store %arg8[%swap3A_1302, %swap3A_1303], %swap3A_1306 {strides = array<i32>} : memref<513x128xf32, #tpu.memory_space<vmem>>, vector<1x16xf32>,
      %swap3A_1307 = arith.index_cast %squeeze3A_1296 : i32 to index
      %swap3A_1308 = arith.constant 32 : index
      %swap3A_1309 = tpu.vector_load %arg8[%swap3A_1307, %swap3A_1308] {strides = array<i32>} : memref<513x128xf32, #tpu.memory_space<vmem>>, vector<1x16xf32>,
      %swap3A_1310 = vector.shape_cast %swap3A_1309 : vector<1x16xf32> to vector<16xf32>
      %swap3A_1311 = vector.shape_cast %get3A_979 : vector<16xf32> to vector<1x16xf32>
      tpu.vector_store %arg8[%swap3A_1307, %swap3A_1308], %swap3A_1311 {strides = array<i32>} : memref<513x128xf32, #tpu.memory_space<vmem>>, vector<1x16xf32>,
      %swap3A_1312 = arith.index_cast %squeeze3A_1296 : i32 to index
      %swap3A_1313 = arith.constant 48 : index
      %swap3A_1314 = tpu.vector_load %arg8[%swap3A_1312, %swap3A_1313] {strides = array<i32>} : memref<513x128xf32, #tpu.memory_space<vmem>>, vector<1x16xf32>,
      %swap3A_1315 = vector.shape_cast %swap3A_1314 : vector<1x16xf32> to vector<16xf32>
      %swap3A_1316 = vector.shape_cast %get3A_984 : vector<16xf32> to vector<1x16xf32>
      tpu.vector_store %arg8[%swap3A_1312, %swap3A_1313], %swap3A_1316 {strides = array<i32>} : memref<513x128xf32, #tpu.memory_space<vmem>>, vector<1x16xf32>,
      %swap3A_1317 = arith.index_cast %squeeze3A_1296 : i32 to index
      %swap3A_1318 = arith.constant 64 : index
      %swap3A_1319 = tpu.vector_load %arg8[%swap3A_1317, %swap3A_1318] {strides = array<i32>} : memref<513x128xf32, #tpu.memory_space<vmem>>, vector<1x16xf32>,
      %swap3A_1320 = vector.shape_cast %swap3A_1319 : vector<1x16xf32> to vector<16xf32>
      %swap3A_1321 = vector.shape_cast %get3A_989 : vector<16xf32> to vector<1x16xf32>
      tpu.vector_store %arg8[%swap3A_1317, %swap3A_1318], %swap3A_1321 {strides = array<i32>} : memref<513x128xf32, #tpu.memory_space<vmem>>, vector<1x16xf32>,
      %swap3A_1322 = arith.index_cast %squeeze3A_1296 : i32 to index
      %swap3A_1323 = arith.constant 80 : index
      %swap3A_1324 = tpu.vector_load %arg8[%swap3A_1322, %swap3A_1323] {strides = array<i32>} : memref<513x128xf32, #tpu.memory_space<vmem>>, vector<1x16xf32>,
      %swap3A_1325 = vector.shape_cast %swap3A_1324 : vector<1x16xf32> to vector<16xf32>
      %swap3A_1326 = vector.shape_cast %get3A_994 : vector<16xf32> to vector<1x16xf32>
      tpu.vector_store %arg8[%swap3A_1322, %swap3A_1323], %swap3A_1326 {strides = array<i32>} : memref<513x128xf32, #tpu.memory_space<vmem>>, vector<1x16xf32>,
      %swap3A_1327 = arith.index_cast %squeeze3A_1296 : i32 to index
      %swap3A_1328 = arith.constant 96 : index
      %swap3A_1329 = tpu.vector_load %arg8[%swap3A_1327, %swap3A_1328] {strides = array<i32>} : memref<513x128xf32, #tpu.memory_space<vmem>>, vector<1x16xf32>,
      %swap3A_1330 = vector.shape_cast %swap3A_1329 : vector<1x16xf32> to vector<16xf32>
      %swap3A_1331 = vector.shape_cast %get3A_999 : vector<16xf32> to vector<1x16xf32>
      tpu.vector_store %arg8[%swap3A_1327, %swap3A_1328], %swap3A_1331 {strides = array<i32>} : memref<513x128xf32, #tpu.memory_space<vmem>>, vector<1x16xf32>,
      %swap3A_1332 = arith.index_cast %squeeze3A_1296 : i32 to index
      %swap3A_1333 = arith.constant 112 : index
      %swap3A_1334 = tpu.vector_load %arg8[%swap3A_1332, %swap3A_1333] {strides = array<i32>} : memref<513x128xf32, #tpu.memory_space<vmem>>, vector<1x16xf32>,
      %swap3A_1335 = vector.shape_cast %swap3A_1334 : vector<1x16xf32> to vector<16xf32>
      %swap3A_1336 = vector.shape_cast %get3A_1004 : vector<16xf32> to vector<1x16xf32>
      tpu.vector_store %arg8[%swap3A_1332, %swap3A_1333], %swap3A_1336 {strides = array<i32>} : memref<513x128xf32, #tpu.memory_space<vmem>>, vector<1x16xf32>,
      %slice3A_1337 = vector.extract_strided_slice %select_n3A_1170 {offsets = [4], sizes = [1], strides = [1]} : vector<16xi32> to vector<1xi32>
      %squeeze3A_1338 = vector.extract %slice3A_1337[0] : i32 from vector<1xi32>
      %swap3A_1339 = arith.index_cast %squeeze3A_1338 : i32 to index
      %swap3A_1340 = arith.constant 0 : index
      %swap3A_1341 = tpu.vector_load %arg8[%swap3A_1339, %swap3A_1340] {strides = array<i32>} : memref<513x128xf32, #tpu.memory_space<vmem>>, vector<1x16xf32>,
      %swap3A_1342 = vector.shape_cast %swap3A_1341 : vector<1x16xf32> to vector<16xf32>
      %swap3A_1343 = vector.shape_cast %get3A_969 : vector<16xf32> to vector<1x16xf32>
      tpu.vector_store %arg8[%swap3A_1339, %swap3A_1340], %swap3A_1343 {strides = array<i32>} : memref<513x128xf32, #tpu.memory_space<vmem>>, vector<1x16xf32>,
      %swap3A_1344 = arith.index_cast %squeeze3A_1338 : i32 to index
      %swap3A_1345 = arith.constant 16 : index
      %swap3A_1346 = tpu.vector_load %arg8[%swap3A_1344, %swap3A_1345] {strides = array<i32>} : memref<513x128xf32, #tpu.memory_space<vmem>>, vector<1x16xf32>,
      %swap3A_1347 = vector.shape_cast %swap3A_1346 : vector<1x16xf32> to vector<16xf32>
      %swap3A_1348 = vector.shape_cast %get3A_974 : vector<16xf32> to vector<1x16xf32>
      tpu.vector_store %arg8[%swap3A_1344, %swap3A_1345], %swap3A_1348 {strides = array<i32>} : memref<513x128xf32, #tpu.memory_space<vmem>>, vector<1x16xf32>,
      %swap3A_1349 = arith.index_cast %squeeze3A_1338 : i32 to index
      %swap3A_1350 = arith.constant 32 : index
      %swap3A_1351 = tpu.vector_load %arg8[%swap3A_1349, %swap3A_1350] {strides = array<i32>} : memref<513x128xf32, #tpu.memory_space<vmem>>, vector<1x16xf32>,
      %swap3A_1352 = vector.shape_cast %swap3A_1351 : vector<1x16xf32> to vector<16xf32>
      %swap3A_1353 = vector.shape_cast %get3A_979 : vector<16xf32> to vector<1x16xf32>
      tpu.vector_store %arg8[%swap3A_1349, %swap3A_1350], %swap3A_1353 {strides = array<i32>} : memref<513x128xf32, #tpu.memory_space<vmem>>, vector<1x16xf32>,
      %swap3A_1354 = arith.index_cast %squeeze3A_1338 : i32 to index
      %swap3A_1355 = arith.constant 48 : index
      %swap3A_1356 = tpu.vector_load %arg8[%swap3A_1354, %swap3A_1355] {strides = array<i32>} : memref<513x128xf32, #tpu.memory_space<vmem>>, vector<1x16xf32>,
      %swap3A_1357 = vector.shape_cast %swap3A_1356 : vector<1x16xf32> to vector<16xf32>
      %swap3A_1358 = vector.shape_cast %get3A_984 : vector<16xf32> to vector<1x16xf32>
      tpu.vector_store %arg8[%swap3A_1354, %swap3A_1355], %swap3A_1358 {strides = array<i32>} : memref<513x128xf32, #tpu.memory_space<vmem>>, vector<1x16xf32>,
      %swap3A_1359 = arith.index_cast %squeeze3A_1338 : i32 to index
      %swap3A_1360 = arith.constant 64 : index
      %swap3A_1361 = tpu.vector_load %arg8[%swap3A_1359, %swap3A_1360] {strides = array<i32>} : memref<513x128xf32, #tpu.memory_space<vmem>>, vector<1x16xf32>,
      %swap3A_1362 = vector.shape_cast %swap3A_1361 : vector<1x16xf32> to vector<16xf32>
      %swap3A_1363 = vector.shape_cast %get3A_989 : vector<16xf32> to vector<1x16xf32>
      tpu.vector_store %arg8[%swap3A_1359, %swap3A_1360], %swap3A_1363 {strides = array<i32>} : memref<513x128xf32, #tpu.memory_space<vmem>>, vector<1x16xf32>,
      %swap3A_1364 = arith.index_cast %squeeze3A_1338 : i32 to index
      %swap3A_1365 = arith.constant 80 : index
      %swap3A_1366 = tpu.vector_load %arg8[%swap3A_1364, %swap3A_1365] {strides = array<i32>} : memref<513x128xf32, #tpu.memory_space<vmem>>, vector<1x16xf32>,
      %swap3A_1367 = vector.shape_cast %swap3A_1366 : vector<1x16xf32> to vector<16xf32>
      %swap3A_1368 = vector.shape_cast %get3A_994 : vector<16xf32> to vector<1x16xf32>
      tpu.vector_store %arg8[%swap3A_1364, %swap3A_1365], %swap3A_1368 {strides = array<i32>} : memref<513x128xf32, #tpu.memory_space<vmem>>, vector<1x16xf32>,
      %swap3A_1369 = arith.index_cast %squeeze3A_1338 : i32 to index
      %swap3A_1370 = arith.constant 96 : index
      %swap3A_1371 = tpu.vector_load %arg8[%swap3A_1369, %swap3A_1370] {strides = array<i32>} : memref<513x128xf32, #tpu.memory_space<vmem>>, vector<1x16xf32>,
      %swap3A_1372 = vector.shape_cast %swap3A_1371 : vector<1x16xf32> to vector<16xf32>
      %swap3A_1373 = vector.shape_cast %get3A_999 : vector<16xf32> to vector<1x16xf32>
      tpu.vector_store %arg8[%swap3A_1369, %swap3A_1370], %swap3A_1373 {strides = array<i32>} : memref<513x128xf32, #tpu.memory_space<vmem>>, vector<1x16xf32>,
      %swap3A_1374 = arith.index_cast %squeeze3A_1338 : i32 to index
      %swap3A_1375 = arith.constant 112 : index
      %swap3A_1376 = tpu.vector_load %arg8[%swap3A_1374, %swap3A_1375] {strides = array<i32>} : memref<513x128xf32, #tpu.memory_space<vmem>>, vector<1x16xf32>,
      %swap3A_1377 = vector.shape_cast %swap3A_1376 : vector<1x16xf32> to vector<16xf32>
      %swap3A_1378 = vector.shape_cast %get3A_1004 : vector<16xf32> to vector<1x16xf32>
      tpu.vector_store %arg8[%swap3A_1374, %swap3A_1375], %swap3A_1378 {strides = array<i32>} : memref<513x128xf32, #tpu.memory_space<vmem>>, vector<1x16xf32>,
      %slice3A_1379 = vector.extract_strided_slice %select_n3A_1170 {offsets = [5], sizes = [1], strides = [1]} : vector<16xi32> to vector<1xi32>
      %squeeze3A_1380 = vector.extract %slice3A_1379[0] : i32 from vector<1xi32>
      %swap3A_1381 = arith.index_cast %squeeze3A_1380 : i32 to index
      %swap3A_1382 = arith.constant 0 : index
      %swap3A_1383 = tpu.vector_load %arg8[%swap3A_1381, %swap3A_1382] {strides = array<i32>} : memref<513x128xf32, #tpu.memory_space<vmem>>, vector<1x16xf32>,
      %swap3A_1384 = vector.shape_cast %swap3A_1383 : vector<1x16xf32> to vector<16xf32>
      %swap3A_1385 = vector.shape_cast %get3A_969 : vector<16xf32> to vector<1x16xf32>
      tpu.vector_store %arg8[%swap3A_1381, %swap3A_1382], %swap3A_1385 {strides = array<i32>} : memref<513x128xf32, #tpu.memory_space<vmem>>, vector<1x16xf32>,
      %swap3A_1386 = arith.index_cast %squeeze3A_1380 : i32 to index
      %swap3A_1387 = arith.constant 16 : index
      %swap3A_1388 = tpu.vector_load %arg8[%swap3A_1386, %swap3A_1387] {strides = array<i32>} : memref<513x128xf32, #tpu.memory_space<vmem>>, vector<1x16xf32>,
      %swap3A_1389 = vector.shape_cast %swap3A_1388 : vector<1x16xf32> to vector<16xf32>
      %swap3A_1390 = vector.shape_cast %get3A_974 : vector<16xf32> to vector<1x16xf32>
      tpu.vector_store %arg8[%swap3A_1386, %swap3A_1387], %swap3A_1390 {strides = array<i32>} : memref<513x128xf32, #tpu.memory_space<vmem>>, vector<1x16xf32>,
      %swap3A_1391 = arith.index_cast %squeeze3A_1380 : i32 to index
      %swap3A_1392 = arith.constant 32 : index
      %swap3A_1393 = tpu.vector_load %arg8[%swap3A_1391, %swap3A_1392] {strides = array<i32>} : memref<513x128xf32, #tpu.memory_space<vmem>>, vector<1x16xf32>,
      %swap3A_1394 = vector.shape_cast %swap3A_1393 : vector<1x16xf32> to vector<16xf32>
      %swap3A_1395 = vector.shape_cast %get3A_979 : vector<16xf32> to vector<1x16xf32>
      tpu.vector_store %arg8[%swap3A_1391, %swap3A_1392], %swap3A_1395 {strides = array<i32>} : memref<513x128xf32, #tpu.memory_space<vmem>>, vector<1x16xf32>,
      %swap3A_1396 = arith.index_cast %squeeze3A_1380 : i32 to index
      %swap3A_1397 = arith.constant 48 : index
      %swap3A_1398 = tpu.vector_load %arg8[%swap3A_1396, %swap3A_1397] {strides = array<i32>} : memref<513x128xf32, #tpu.memory_space<vmem>>, vector<1x16xf32>,
      %swap3A_1399 = vector.shape_cast %swap3A_1398 : vector<1x16xf32> to vector<16xf32>
      %swap3A_1400 = vector.shape_cast %get3A_984 : vector<16xf32> to vector<1x16xf32>
      tpu.vector_store %arg8[%swap3A_1396, %swap3A_1397], %swap3A_1400 {strides = array<i32>} : memref<513x128xf32, #tpu.memory_space<vmem>>, vector<1x16xf32>,
      %swap3A_1401 = arith.index_cast %squeeze3A_1380 : i32 to index
      %swap3A_1402 = arith.constant 64 : index
      %swap3A_1403 = tpu.vector_load %arg8[%swap3A_1401, %swap3A_1402] {strides = array<i32>} : memref<513x128xf32, #tpu.memory_space<vmem>>, vector<1x16xf32>,
      %swap3A_1404 = vector.shape_cast %swap3A_1403 : vector<1x16xf32> to vector<16xf32>
      %swap3A_1405 = vector.shape_cast %get3A_989 : vector<16xf32> to vector<1x16xf32>
      tpu.vector_store %arg8[%swap3A_1401, %swap3A_1402], %swap3A_1405 {strides = array<i32>} : memref<513x128xf32, #tpu.memory_space<vmem>>, vector<1x16xf32>,
      %swap3A_1406 = arith.index_cast %squeeze3A_1380 : i32 to index
      %swap3A_1407 = arith.constant 80 : index
      %swap3A_1408 = tpu.vector_load %arg8[%swap3A_1406, %swap3A_1407] {strides = array<i32>} : memref<513x128xf32, #tpu.memory_space<vmem>>, vector<1x16xf32>,
      %swap3A_1409 = vector.shape_cast %swap3A_1408 : vector<1x16xf32> to vector<16xf32>
      %swap3A_1410 = vector.shape_cast %get3A_994 : vector<16xf32> to vector<1x16xf32>
      tpu.vector_store %arg8[%swap3A_1406, %swap3A_1407], %swap3A_1410 {strides = array<i32>} : memref<513x128xf32, #tpu.memory_space<vmem>>, vector<1x16xf32>,
      %swap3A_1411 = arith.index_cast %squeeze3A_1380 : i32 to index
      %swap3A_1412 = arith.constant 96 : index
      %swap3A_1413 = tpu.vector_load %arg8[%swap3A_1411, %swap3A_1412] {strides = array<i32>} : memref<513x128xf32, #tpu.memory_space<vmem>>, vector<1x16xf32>,
      %swap3A_1414 = vector.shape_cast %swap3A_1413 : vector<1x16xf32> to vector<16xf32>
      %swap3A_1415 = vector.shape_cast %get3A_999 : vector<16xf32> to vector<1x16xf32>
      tpu.vector_store %arg8[%swap3A_1411, %swap3A_1412], %swap3A_1415 {strides = array<i32>} : memref<513x128xf32, #tpu.memory_space<vmem>>, vector<1x16xf32>,
      %swap3A_1416 = arith.index_cast %squeeze3A_1380 : i32 to index
      %swap3A_1417 = arith.constant 112 : index
      %swap3A_1418 = tpu.vector_load %arg8[%swap3A_1416, %swap3A_1417] {strides = array<i32>} : memref<513x128xf32, #tpu.memory_space<vmem>>, vector<1x16xf32>,
      %swap3A_1419 = vector.shape_cast %swap3A_1418 : vector<1x16xf32> to vector<16xf32>
      %swap3A_1420 = vector.shape_cast %get3A_1004 : vector<16xf32> to vector<1x16xf32>
      tpu.vector_store %arg8[%swap3A_1416, %swap3A_1417], %swap3A_1420 {strides = array<i32>} : memref<513x128xf32, #tpu.memory_space<vmem>>, vector<1x16xf32>,
      %slice3A_1421 = vector.extract_strided_slice %select_n3A_1170 {offsets = [6], sizes = [1], strides = [1]} : vector<16xi32> to vector<1xi32>
      %squeeze3A_1422 = vector.extract %slice3A_1421[0] : i32 from vector<1xi32>
      %swap3A_1423 = arith.index_cast %squeeze3A_1422 : i32 to index
      %swap3A_1424 = arith.constant 0 : index
      %swap3A_1425 = tpu.vector_load %arg8[%swap3A_1423, %swap3A_1424] {strides = array<i32>} : memref<513x128xf32, #tpu.memory_space<vmem>>, vector<1x16xf32>,
      %swap3A_1426 = vector.shape_cast %swap3A_1425 : vector<1x16xf32> to vector<16xf32>
      %swap3A_1427 = vector.shape_cast %get3A_969 : vector<16xf32> to vector<1x16xf32>
      tpu.vector_store %arg8[%swap3A_1423, %swap3A_1424], %swap3A_1427 {strides = array<i32>} : memref<513x128xf32, #tpu.memory_space<vmem>>, vector<1x16xf32>,
      %swap3A_1428 = arith.index_cast %squeeze3A_1422 : i32 to index
      %swap3A_1429 = arith.constant 16 : index
      %swap3A_1430 = tpu.vector_load %arg8[%swap3A_1428, %swap3A_1429] {strides = array<i32>} : memref<513x128xf32, #tpu.memory_space<vmem>>, vector<1x16xf32>,
      %swap3A_1431 = vector.shape_cast %swap3A_1430 : vector<1x16xf32> to vector<16xf32>
      %swap3A_1432 = vector.shape_cast %get3A_974 : vector<16xf32> to vector<1x16xf32>
      tpu.vector_store %arg8[%swap3A_1428, %swap3A_1429], %swap3A_1432 {strides = array<i32>} : memref<513x128xf32, #tpu.memory_space<vmem>>, vector<1x16xf32>,
      %swap3A_1433 = arith.index_cast %squeeze3A_1422 : i32 to index
      %swap3A_1434 = arith.constant 32 : index
      %swap3A_1435 = tpu.vector_load %arg8[%swap3A_1433, %swap3A_1434] {strides = array<i32>} : memref<513x128xf32, #tpu.memory_space<vmem>>, vector<1x16xf32>,
      %swap3A_1436 = vector.shape_cast %swap3A_1435 : vector<1x16xf32> to vector<16xf32>
      %swap3A_1437 = vector.shape_cast %get3A_979 : vector<16xf32> to vector<1x16xf32>
      tpu.vector_store %arg8[%swap3A_1433, %swap3A_1434], %swap3A_1437 {strides = array<i32>} : memref<513x128xf32, #tpu.memory_space<vmem>>, vector<1x16xf32>,
      %swap3A_1438 = arith.index_cast %squeeze3A_1422 : i32 to index
      %swap3A_1439 = arith.constant 48 : index
      %swap3A_1440 = tpu.vector_load %arg8[%swap3A_1438, %swap3A_1439] {strides = array<i32>} : memref<513x128xf32, #tpu.memory_space<vmem>>, vector<1x16xf32>,
      %swap3A_1441 = vector.shape_cast %swap3A_1440 : vector<1x16xf32> to vector<16xf32>
      %swap3A_1442 = vector.shape_cast %get3A_984 : vector<16xf32> to vector<1x16xf32>
      tpu.vector_store %arg8[%swap3A_1438, %swap3A_1439], %swap3A_1442 {strides = array<i32>} : memref<513x128xf32, #tpu.memory_space<vmem>>, vector<1x16xf32>,
      %swap3A_1443 = arith.index_cast %squeeze3A_1422 : i32 to index
      %swap3A_1444 = arith.constant 64 : index
      %swap3A_1445 = tpu.vector_load %arg8[%swap3A_1443, %swap3A_1444] {strides = array<i32>} : memref<513x128xf32, #tpu.memory_space<vmem>>, vector<1x16xf32>,
      %swap3A_1446 = vector.shape_cast %swap3A_1445 : vector<1x16xf32> to vector<16xf32>
      %swap3A_1447 = vector.shape_cast %get3A_989 : vector<16xf32> to vector<1x16xf32>
      tpu.vector_store %arg8[%swap3A_1443, %swap3A_1444], %swap3A_1447 {strides = array<i32>} : memref<513x128xf32, #tpu.memory_space<vmem>>, vector<1x16xf32>,
      %swap3A_1448 = arith.index_cast %squeeze3A_1422 : i32 to index
      %swap3A_1449 = arith.constant 80 : index
      %swap3A_1450 = tpu.vector_load %arg8[%swap3A_1448, %swap3A_1449] {strides = array<i32>} : memref<513x128xf32, #tpu.memory_space<vmem>>, vector<1x16xf32>,
      %swap3A_1451 = vector.shape_cast %swap3A_1450 : vector<1x16xf32> to vector<16xf32>
      %swap3A_1452 = vector.shape_cast %get3A_994 : vector<16xf32> to vector<1x16xf32>
      tpu.vector_store %arg8[%swap3A_1448, %swap3A_1449], %swap3A_1452 {strides = array<i32>} : memref<513x128xf32, #tpu.memory_space<vmem>>, vector<1x16xf32>,
      %swap3A_1453 = arith.index_cast %squeeze3A_1422 : i32 to index
      %swap3A_1454 = arith.constant 96 : index
      %swap3A_1455 = tpu.vector_load %arg8[%swap3A_1453, %swap3A_1454] {strides = array<i32>} : memref<513x128xf32, #tpu.memory_space<vmem>>, vector<1x16xf32>,
      %swap3A_1456 = vector.shape_cast %swap3A_1455 : vector<1x16xf32> to vector<16xf32>
      %swap3A_1457 = vector.shape_cast %get3A_999 : vector<16xf32> to vector<1x16xf32>
      tpu.vector_store %arg8[%swap3A_1453, %swap3A_1454], %swap3A_1457 {strides = array<i32>} : memref<513x128xf32, #tpu.memory_space<vmem>>, vector<1x16xf32>,
      %swap3A_1458 = arith.index_cast %squeeze3A_1422 : i32 to index
      %swap3A_1459 = arith.constant 112 : index
      %swap3A_1460 = tpu.vector_load %arg8[%swap3A_1458, %swap3A_1459] {strides = array<i32>} : memref<513x128xf32, #tpu.memory_space<vmem>>, vector<1x16xf32>,
      %swap3A_1461 = vector.shape_cast %swap3A_1460 : vector<1x16xf32> to vector<16xf32>
      %swap3A_1462 = vector.shape_cast %get3A_1004 : vector<16xf32> to vector<1x16xf32>
      tpu.vector_store %arg8[%swap3A_1458, %swap3A_1459], %swap3A_1462 {strides = array<i32>} : memref<513x128xf32, #tpu.memory_space<vmem>>, vector<1x16xf32>,
      %slice3A_1463 = vector.extract_strided_slice %select_n3A_1170 {offsets = [7], sizes = [1], strides = [1]} : vector<16xi32> to vector<1xi32>
      %squeeze3A_1464 = vector.extract %slice3A_1463[0] : i32 from vector<1xi32>
      %swap3A_1465 = arith.index_cast %squeeze3A_1464 : i32 to index
      %swap3A_1466 = arith.constant 0 : index
      %swap3A_1467 = tpu.vector_load %arg8[%swap3A_1465, %swap3A_1466] {strides = array<i32>} : memref<513x128xf32, #tpu.memory_space<vmem>>, vector<1x16xf32>,
      %swap3A_1468 = vector.shape_cast %swap3A_1467 : vector<1x16xf32> to vector<16xf32>
      %swap3A_1469 = vector.shape_cast %get3A_969 : vector<16xf32> to vector<1x16xf32>
      tpu.vector_store %arg8[%swap3A_1465, %swap3A_1466], %swap3A_1469 {strides = array<i32>} : memref<513x128xf32, #tpu.memory_space<vmem>>, vector<1x16xf32>,
      %swap3A_1470 = arith.index_cast %squeeze3A_1464 : i32 to index
      %swap3A_1471 = arith.constant 16 : index
      %swap3A_1472 = tpu.vector_load %arg8[%swap3A_1470, %swap3A_1471] {strides = array<i32>} : memref<513x128xf32, #tpu.memory_space<vmem>>, vector<1x16xf32>,
      %swap3A_1473 = vector.shape_cast %swap3A_1472 : vector<1x16xf32> to vector<16xf32>
      %swap3A_1474 = vector.shape_cast %get3A_974 : vector<16xf32> to vector<1x16xf32>
      tpu.vector_store %arg8[%swap3A_1470, %swap3A_1471], %swap3A_1474 {strides = array<i32>} : memref<513x128xf32, #tpu.memory_space<vmem>>, vector<1x16xf32>,
      %swap3A_1475 = arith.index_cast %squeeze3A_1464 : i32 to index
      %swap3A_1476 = arith.constant 32 : index
      %swap3A_1477 = tpu.vector_load %arg8[%swap3A_1475, %swap3A_1476] {strides = array<i32>} : memref<513x128xf32, #tpu.memory_space<vmem>>, vector<1x16xf32>,
      %swap3A_1478 = vector.shape_cast %swap3A_1477 : vector<1x16xf32> to vector<16xf32>
      %swap3A_1479 = vector.shape_cast %get3A_979 : vector<16xf32> to vector<1x16xf32>
      tpu.vector_store %arg8[%swap3A_1475, %swap3A_1476], %swap3A_1479 {strides = array<i32>} : memref<513x128xf32, #tpu.memory_space<vmem>>, vector<1x16xf32>,
      %swap3A_1480 = arith.index_cast %squeeze3A_1464 : i32 to index
      %swap3A_1481 = arith.constant 48 : index
      %swap3A_1482 = tpu.vector_load %arg8[%swap3A_1480, %swap3A_1481] {strides = array<i32>} : memref<513x128xf32, #tpu.memory_space<vmem>>, vector<1x16xf32>,
      %swap3A_1483 = vector.shape_cast %swap3A_1482 : vector<1x16xf32> to vector<16xf32>
      %swap3A_1484 = vector.shape_cast %get3A_984 : vector<16xf32> to vector<1x16xf32>
      tpu.vector_store %arg8[%swap3A_1480, %swap3A_1481], %swap3A_1484 {strides = array<i32>} : memref<513x128xf32, #tpu.memory_space<vmem>>, vector<1x16xf32>,
      %swap3A_1485 = arith.index_cast %squeeze3A_1464 : i32 to index
      %swap3A_1486 = arith.constant 64 : index
      %swap3A_1487 = tpu.vector_load %arg8[%swap3A_1485, %swap3A_1486] {strides = array<i32>} : memref<513x128xf32, #tpu.memory_space<vmem>>, vector<1x16xf32>,
      %swap3A_1488 = vector.shape_cast %swap3A_1487 : vector<1x16xf32> to vector<16xf32>
      %swap3A_1489 = vector.shape_cast %get3A_989 : vector<16xf32> to vector<1x16xf32>
      tpu.vector_store %arg8[%swap3A_1485, %swap3A_1486], %swap3A_1489 {strides = array<i32>} : memref<513x128xf32, #tpu.memory_space<vmem>>, vector<1x16xf32>,
      %swap3A_1490 = arith.index_cast %squeeze3A_1464 : i32 to index
      %swap3A_1491 = arith.constant 80 : index
      %swap3A_1492 = tpu.vector_load %arg8[%swap3A_1490, %swap3A_1491] {strides = array<i32>} : memref<513x128xf32, #tpu.memory_space<vmem>>, vector<1x16xf32>,
      %swap3A_1493 = vector.shape_cast %swap3A_1492 : vector<1x16xf32> to vector<16xf32>
      %swap3A_1494 = vector.shape_cast %get3A_994 : vector<16xf32> to vector<1x16xf32>
      tpu.vector_store %arg8[%swap3A_1490, %swap3A_1491], %swap3A_1494 {strides = array<i32>} : memref<513x128xf32, #tpu.memory_space<vmem>>, vector<1x16xf32>,
      %swap3A_1495 = arith.index_cast %squeeze3A_1464 : i32 to index
      %swap3A_1496 = arith.constant 96 : index
      %swap3A_1497 = tpu.vector_load %arg8[%swap3A_1495, %swap3A_1496] {strides = array<i32>} : memref<513x128xf32, #tpu.memory_space<vmem>>, vector<1x16xf32>,
      %swap3A_1498 = vector.shape_cast %swap3A_1497 : vector<1x16xf32> to vector<16xf32>
      %swap3A_1499 = vector.shape_cast %get3A_999 : vector<16xf32> to vector<1x16xf32>
      tpu.vector_store %arg8[%swap3A_1495, %swap3A_1496], %swap3A_1499 {strides = array<i32>} : memref<513x128xf32, #tpu.memory_space<vmem>>, vector<1x16xf32>,
      %swap3A_1500 = arith.index_cast %squeeze3A_1464 : i32 to index
      %swap3A_1501 = arith.constant 112 : index
      %swap3A_1502 = tpu.vector_load %arg8[%swap3A_1500, %swap3A_1501] {strides = array<i32>} : memref<513x128xf32, #tpu.memory_space<vmem>>, vector<1x16xf32>,
      %swap3A_1503 = vector.shape_cast %swap3A_1502 : vector<1x16xf32> to vector<16xf32>
      %swap3A_1504 = vector.shape_cast %get3A_1004 : vector<16xf32> to vector<1x16xf32>
      tpu.vector_store %arg8[%swap3A_1500, %swap3A_1501], %swap3A_1504 {strides = array<i32>} : memref<513x128xf32, #tpu.memory_space<vmem>>, vector<1x16xf32>,
      %slice3A_1505 = vector.extract_strided_slice %select_n3A_1170 {offsets = [8], sizes = [1], strides = [1]} : vector<16xi32> to vector<1xi32>
      %squeeze3A_1506 = vector.extract %slice3A_1505[0] : i32 from vector<1xi32>
      %swap3A_1507 = arith.index_cast %squeeze3A_1506 : i32 to index
      %swap3A_1508 = arith.constant 0 : index
      %swap3A_1509 = tpu.vector_load %arg8[%swap3A_1507, %swap3A_1508] {strides = array<i32>} : memref<513x128xf32, #tpu.memory_space<vmem>>, vector<1x16xf32>,
      %swap3A_1510 = vector.shape_cast %swap3A_1509 : vector<1x16xf32> to vector<16xf32>
      %swap3A_1511 = vector.shape_cast %get3A_969 : vector<16xf32> to vector<1x16xf32>
      tpu.vector_store %arg8[%swap3A_1507, %swap3A_1508], %swap3A_1511 {strides = array<i32>} : memref<513x128xf32, #tpu.memory_space<vmem>>, vector<1x16xf32>,
      %swap3A_1512 = arith.index_cast %squeeze3A_1506 : i32 to index
      %swap3A_1513 = arith.constant 16 : index
      %swap3A_1514 = tpu.vector_load %arg8[%swap3A_1512, %swap3A_1513] {strides = array<i32>} : memref<513x128xf32, #tpu.memory_space<vmem>>, vector<1x16xf32>,
      %swap3A_1515 = vector.shape_cast %swap3A_1514 : vector<1x16xf32> to vector<16xf32>
      %swap3A_1516 = vector.shape_cast %get3A_974 : vector<16xf32> to vector<1x16xf32>
      tpu.vector_store %arg8[%swap3A_1512, %swap3A_1513], %swap3A_1516 {strides = array<i32>} : memref<513x128xf32, #tpu.memory_space<vmem>>, vector<1x16xf32>,
      %swap3A_1517 = arith.index_cast %squeeze3A_1506 : i32 to index
      %swap3A_1518 = arith.constant 32 : index
      %swap3A_1519 = tpu.vector_load %arg8[%swap3A_1517, %swap3A_1518] {strides = array<i32>} : memref<513x128xf32, #tpu.memory_space<vmem>>, vector<1x16xf32>,
      %swap3A_1520 = vector.shape_cast %swap3A_1519 : vector<1x16xf32> to vector<16xf32>
      %swap3A_1521 = vector.shape_cast %get3A_979 : vector<16xf32> to vector<1x16xf32>
      tpu.vector_store %arg8[%swap3A_1517, %swap3A_1518], %swap3A_1521 {strides = array<i32>} : memref<513x128xf32, #tpu.memory_space<vmem>>, vector<1x16xf32>,
      %swap3A_1522 = arith.index_cast %squeeze3A_1506 : i32 to index
      %swap3A_1523 = arith.constant 48 : index
      %swap3A_1524 = tpu.vector_load %arg8[%swap3A_1522, %swap3A_1523] {strides = array<i32>} : memref<513x128xf32, #tpu.memory_space<vmem>>, vector<1x16xf32>,
      %swap3A_1525 = vector.shape_cast %swap3A_1524 : vector<1x16xf32> to vector<16xf32>
      %swap3A_1526 = vector.shape_cast %get3A_984 : vector<16xf32> to vector<1x16xf32>
      tpu.vector_store %arg8[%swap3A_1522, %swap3A_1523], %swap3A_1526 {strides = array<i32>} : memref<513x128xf32, #tpu.memory_space<vmem>>, vector<1x16xf32>,
      %swap3A_1527 = arith.index_cast %squeeze3A_1506 : i32 to index
      %swap3A_1528 = arith.constant 64 : index
      %swap3A_1529 = tpu.vector_load %arg8[%swap3A_1527, %swap3A_1528] {strides = array<i32>} : memref<513x128xf32, #tpu.memory_space<vmem>>, vector<1x16xf32>,
      %swap3A_1530 = vector.shape_cast %swap3A_1529 : vector<1x16xf32> to vector<16xf32>
      %swap3A_1531 = vector.shape_cast %get3A_989 : vector<16xf32> to vector<1x16xf32>
      tpu.vector_store %arg8[%swap3A_1527, %swap3A_1528], %swap3A_1531 {strides = array<i32>} : memref<513x128xf32, #tpu.memory_space<vmem>>, vector<1x16xf32>,
      %swap3A_1532 = arith.index_cast %squeeze3A_1506 : i32 to index
      %swap3A_1533 = arith.constant 80 : index
      %swap3A_1534 = tpu.vector_load %arg8[%swap3A_1532, %swap3A_1533] {strides = array<i32>} : memref<513x128xf32, #tpu.memory_space<vmem>>, vector<1x16xf32>,
      %swap3A_1535 = vector.shape_cast %swap3A_1534 : vector<1x16xf32> to vector<16xf32>
      %swap3A_1536 = vector.shape_cast %get3A_994 : vector<16xf32> to vector<1x16xf32>
      tpu.vector_store %arg8[%swap3A_1532, %swap3A_1533], %swap3A_1536 {strides = array<i32>} : memref<513x128xf32, #tpu.memory_space<vmem>>, vector<1x16xf32>,
      %swap3A_1537 = arith.index_cast %squeeze3A_1506 : i32 to index
      %swap3A_1538 = arith.constant 96 : index
      %swap3A_1539 = tpu.vector_load %arg8[%swap3A_1537, %swap3A_1538] {strides = array<i32>} : memref<513x128xf32, #tpu.memory_space<vmem>>, vector<1x16xf32>,
      %swap3A_1540 = vector.shape_cast %swap3A_1539 : vector<1x16xf32> to vector<16xf32>
      %swap3A_1541 = vector.shape_cast %get3A_999 : vector<16xf32> to vector<1x16xf32>
      tpu.vector_store %arg8[%swap3A_1537, %swap3A_1538], %swap3A_1541 {strides = array<i32>} : memref<513x128xf32, #tpu.memory_space<vmem>>, vector<1x16xf32>,
      %swap3A_1542 = arith.index_cast %squeeze3A_1506 : i32 to index
      %swap3A_1543 = arith.constant 112 : index
      %swap3A_1544 = tpu.vector_load %arg8[%swap3A_1542, %swap3A_1543] {strides = array<i32>} : memref<513x128xf32, #tpu.memory_space<vmem>>, vector<1x16xf32>,
      %swap3A_1545 = vector.shape_cast %swap3A_1544 : vector<1x16xf32> to vector<16xf32>
      %swap3A_1546 = vector.shape_cast %get3A_1004 : vector<16xf32> to vector<1x16xf32>
      tpu.vector_store %arg8[%swap3A_1542, %swap3A_1543], %swap3A_1546 {strides = array<i32>} : memref<513x128xf32, #tpu.memory_space<vmem>>, vector<1x16xf32>,
      %slice3A_1547 = vector.extract_strided_slice %select_n3A_1170 {offsets = [9], sizes = [1], strides = [1]} : vector<16xi32> to vector<1xi32>
      %squeeze3A_1548 = vector.extract %slice3A_1547[0] : i32 from vector<1xi32>
      %swap3A_1549 = arith.index_cast %squeeze3A_1548 : i32 to index
      %swap3A_1550 = arith.constant 0 : index
      %swap3A_1551 = tpu.vector_load %arg8[%swap3A_1549, %swap3A_1550] {strides = array<i32>} : memref<513x128xf32, #tpu.memory_space<vmem>>, vector<1x16xf32>,
      %swap3A_1552 = vector.shape_cast %swap3A_1551 : vector<1x16xf32> to vector<16xf32>
      %swap3A_1553 = vector.shape_cast %get3A_969 : vector<16xf32> to vector<1x16xf32>
      tpu.vector_store %arg8[%swap3A_1549, %swap3A_1550], %swap3A_1553 {strides = array<i32>} : memref<513x128xf32, #tpu.memory_space<vmem>>, vector<1x16xf32>,
      %swap3A_1554 = arith.index_cast %squeeze3A_1548 : i32 to index
      %swap3A_1555 = arith.constant 16 : index
      %swap3A_1556 = tpu.vector_load %arg8[%swap3A_1554, %swap3A_1555] {strides = array<i32>} : memref<513x128xf32, #tpu.memory_space<vmem>>, vector<1x16xf32>,
      %swap3A_1557 = vector.shape_cast %swap3A_1556 : vector<1x16xf32> to vector<16xf32>
      %swap3A_1558 = vector.shape_cast %get3A_974 : vector<16xf32> to vector<1x16xf32>
      tpu.vector_store %arg8[%swap3A_1554, %swap3A_1555], %swap3A_1558 {strides = array<i32>} : memref<513x128xf32, #tpu.memory_space<vmem>>, vector<1x16xf32>,
      %swap3A_1559 = arith.index_cast %squeeze3A_1548 : i32 to index
      %swap3A_1560 = arith.constant 32 : index
      %swap3A_1561 = tpu.vector_load %arg8[%swap3A_1559, %swap3A_1560] {strides = array<i32>} : memref<513x128xf32, #tpu.memory_space<vmem>>, vector<1x16xf32>,
      %swap3A_1562 = vector.shape_cast %swap3A_1561 : vector<1x16xf32> to vector<16xf32>
      %swap3A_1563 = vector.shape_cast %get3A_979 : vector<16xf32> to vector<1x16xf32>
      tpu.vector_store %arg8[%swap3A_1559, %swap3A_1560], %swap3A_1563 {strides = array<i32>} : memref<513x128xf32, #tpu.memory_space<vmem>>, vector<1x16xf32>,
      %swap3A_1564 = arith.index_cast %squeeze3A_1548 : i32 to index
      %swap3A_1565 = arith.constant 48 : index
      %swap3A_1566 = tpu.vector_load %arg8[%swap3A_1564, %swap3A_1565] {strides = array<i32>} : memref<513x128xf32, #tpu.memory_space<vmem>>, vector<1x16xf32>,
      %swap3A_1567 = vector.shape_cast %swap3A_1566 : vector<1x16xf32> to vector<16xf32>
      %swap3A_1568 = vector.shape_cast %get3A_984 : vector<16xf32> to vector<1x16xf32>
      tpu.vector_store %arg8[%swap3A_1564, %swap3A_1565], %swap3A_1568 {strides = array<i32>} : memref<513x128xf32, #tpu.memory_space<vmem>>, vector<1x16xf32>,
      %swap3A_1569 = arith.index_cast %squeeze3A_1548 : i32 to index
      %swap3A_1570 = arith.constant 64 : index
      %swap3A_1571 = tpu.vector_load %arg8[%swap3A_1569, %swap3A_1570] {strides = array<i32>} : memref<513x128xf32, #tpu.memory_space<vmem>>, vector<1x16xf32>,
      %swap3A_1572 = vector.shape_cast %swap3A_1571 : vector<1x16xf32> to vector<16xf32>
      %swap3A_1573 = vector.shape_cast %get3A_989 : vector<16xf32> to vector<1x16xf32>
      tpu.vector_store %arg8[%swap3A_1569, %swap3A_1570], %swap3A_1573 {strides = array<i32>} : memref<513x128xf32, #tpu.memory_space<vmem>>, vector<1x16xf32>,
      %swap3A_1574 = arith.index_cast %squeeze3A_1548 : i32 to index
      %swap3A_1575 = arith.constant 80 : index
      %swap3A_1576 = tpu.vector_load %arg8[%swap3A_1574, %swap3A_1575] {strides = array<i32>} : memref<513x128xf32, #tpu.memory_space<vmem>>, vector<1x16xf32>,
      %swap3A_1577 = vector.shape_cast %swap3A_1576 : vector<1x16xf32> to vector<16xf32>
      %swap3A_1578 = vector.shape_cast %get3A_994 : vector<16xf32> to vector<1x16xf32>
      tpu.vector_store %arg8[%swap3A_1574, %swap3A_1575], %swap3A_1578 {strides = array<i32>} : memref<513x128xf32, #tpu.memory_space<vmem>>, vector<1x16xf32>,
      %swap3A_1579 = arith.index_cast %squeeze3A_1548 : i32 to index
      %swap3A_1580 = arith.constant 96 : index
      %swap3A_1581 = tpu.vector_load %arg8[%swap3A_1579, %swap3A_1580] {strides = array<i32>} : memref<513x128xf32, #tpu.memory_space<vmem>>, vector<1x16xf32>,
      %swap3A_1582 = vector.shape_cast %swap3A_1581 : vector<1x16xf32> to vector<16xf32>
      %swap3A_1583 = vector.shape_cast %get3A_999 : vector<16xf32> to vector<1x16xf32>
      tpu.vector_store %arg8[%swap3A_1579, %swap3A_1580], %swap3A_1583 {strides = array<i32>} : memref<513x128xf32, #tpu.memory_space<vmem>>, vector<1x16xf32>,
      %swap3A_1584 = arith.index_cast %squeeze3A_1548 : i32 to index
      %swap3A_1585 = arith.constant 112 : index
      %swap3A_1586 = tpu.vector_load %arg8[%swap3A_1584, %swap3A_1585] {strides = array<i32>} : memref<513x128xf32, #tpu.memory_space<vmem>>, vector<1x16xf32>,
      %swap3A_1587 = vector.shape_cast %swap3A_1586 : vector<1x16xf32> to vector<16xf32>
      %swap3A_1588 = vector.shape_cast %get3A_1004 : vector<16xf32> to vector<1x16xf32>
      tpu.vector_store %arg8[%swap3A_1584, %swap3A_1585], %swap3A_1588 {strides = array<i32>} : memref<513x128xf32, #tpu.memory_space<vmem>>, vector<1x16xf32>,
      %slice3A_1589 = vector.extract_strided_slice %select_n3A_1170 {offsets = [10], sizes = [1], strides = [1]} : vector<16xi32> to vector<1xi32>
      %squeeze3A_1590 = vector.extract %slice3A_1589[0] : i32 from vector<1xi32>
      %swap3A_1591 = arith.index_cast %squeeze3A_1590 : i32 to index
      %swap3A_1592 = arith.constant 0 : index
      %swap3A_1593 = tpu.vector_load %arg8[%swap3A_1591, %swap3A_1592] {strides = array<i32>} : memref<513x128xf32, #tpu.memory_space<vmem>>, vector<1x16xf32>,
      %swap3A_1594 = vector.shape_cast %swap3A_1593 : vector<1x16xf32> to vector<16xf32>
      %swap3A_1595 = vector.shape_cast %get3A_969 : vector<16xf32> to vector<1x16xf32>
      tpu.vector_store %arg8[%swap3A_1591, %swap3A_1592], %swap3A_1595 {strides = array<i32>} : memref<513x128xf32, #tpu.memory_space<vmem>>, vector<1x16xf32>,
      %swap3A_1596 = arith.index_cast %squeeze3A_1590 : i32 to index
      %swap3A_1597 = arith.constant 16 : index
      %swap3A_1598 = tpu.vector_load %arg8[%swap3A_1596, %swap3A_1597] {strides = array<i32>} : memref<513x128xf32, #tpu.memory_space<vmem>>, vector<1x16xf32>,
      %swap3A_1599 = vector.shape_cast %swap3A_1598 : vector<1x16xf32> to vector<16xf32>
      %swap3A_1600 = vector.shape_cast %get3A_974 : vector<16xf32> to vector<1x16xf32>
      tpu.vector_store %arg8[%swap3A_1596, %swap3A_1597], %swap3A_1600 {strides = array<i32>} : memref<513x128xf32, #tpu.memory_space<vmem>>, vector<1x16xf32>,
      %swap3A_1601 = arith.index_cast %squeeze3A_1590 : i32 to index
      %swap3A_1602 = arith.constant 32 : index
      %swap3A_1603 = tpu.vector_load %arg8[%swap3A_1601, %swap3A_1602] {strides = array<i32>} : memref<513x128xf32, #tpu.memory_space<vmem>>, vector<1x16xf32>,
      %swap3A_1604 = vector.shape_cast %swap3A_1603 : vector<1x16xf32> to vector<16xf32>
      %swap3A_1605 = vector.shape_cast %get3A_979 : vector<16xf32> to vector<1x16xf32>
      tpu.vector_store %arg8[%swap3A_1601, %swap3A_1602], %swap3A_1605 {strides = array<i32>} : memref<513x128xf32, #tpu.memory_space<vmem>>, vector<1x16xf32>,
      %swap3A_1606 = arith.index_cast %squeeze3A_1590 : i32 to index
      %swap3A_1607 = arith.constant 48 : index
      %swap3A_1608 = tpu.vector_load %arg8[%swap3A_1606, %swap3A_1607] {strides = array<i32>} : memref<513x128xf32, #tpu.memory_space<vmem>>, vector<1x16xf32>,
      %swap3A_1609 = vector.shape_cast %swap3A_1608 : vector<1x16xf32> to vector<16xf32>
      %swap3A_1610 = vector.shape_cast %get3A_984 : vector<16xf32> to vector<1x16xf32>
      tpu.vector_store %arg8[%swap3A_1606, %swap3A_1607], %swap3A_1610 {strides = array<i32>} : memref<513x128xf32, #tpu.memory_space<vmem>>, vector<1x16xf32>,
      %swap3A_1611 = arith.index_cast %squeeze3A_1590 : i32 to index
      %swap3A_1612 = arith.constant 64 : index
      %swap3A_1613 = tpu.vector_load %arg8[%swap3A_1611, %swap3A_1612] {strides = array<i32>} : memref<513x128xf32, #tpu.memory_space<vmem>>, vector<1x16xf32>,
      %swap3A_1614 = vector.shape_cast %swap3A_1613 : vector<1x16xf32> to vector<16xf32>
      %swap3A_1615 = vector.shape_cast %get3A_989 : vector<16xf32> to vector<1x16xf32>
      tpu.vector_store %arg8[%swap3A_1611, %swap3A_1612], %swap3A_1615 {strides = array<i32>} : memref<513x128xf32, #tpu.memory_space<vmem>>, vector<1x16xf32>,
      %swap3A_1616 = arith.index_cast %squeeze3A_1590 : i32 to index
      %swap3A_1617 = arith.constant 80 : index
      %swap3A_1618 = tpu.vector_load %arg8[%swap3A_1616, %swap3A_1617] {strides = array<i32>} : memref<513x128xf32, #tpu.memory_space<vmem>>, vector<1x16xf32>,
      %swap3A_1619 = vector.shape_cast %swap3A_1618 : vector<1x16xf32> to vector<16xf32>
      %swap3A_1620 = vector.shape_cast %get3A_994 : vector<16xf32> to vector<1x16xf32>
      tpu.vector_store %arg8[%swap3A_1616, %swap3A_1617], %swap3A_1620 {strides = array<i32>} : memref<513x128xf32, #tpu.memory_space<vmem>>, vector<1x16xf32>,
      %swap3A_1621 = arith.index_cast %squeeze3A_1590 : i32 to index
      %swap3A_1622 = arith.constant 96 : index
      %swap3A_1623 = tpu.vector_load %arg8[%swap3A_1621, %swap3A_1622] {strides = array<i32>} : memref<513x128xf32, #tpu.memory_space<vmem>>, vector<1x16xf32>,
      %swap3A_1624 = vector.shape_cast %swap3A_1623 : vector<1x16xf32> to vector<16xf32>
      %swap3A_1625 = vector.shape_cast %get3A_999 : vector<16xf32> to vector<1x16xf32>
      tpu.vector_store %arg8[%swap3A_1621, %swap3A_1622], %swap3A_1625 {strides = array<i32>} : memref<513x128xf32, #tpu.memory_space<vmem>>, vector<1x16xf32>,
      %swap3A_1626 = arith.index_cast %squeeze3A_1590 : i32 to index
      %swap3A_1627 = arith.constant 112 : index
      %swap3A_1628 = tpu.vector_load %arg8[%swap3A_1626, %swap3A_1627] {strides = array<i32>} : memref<513x128xf32, #tpu.memory_space<vmem>>, vector<1x16xf32>,
      %swap3A_1629 = vector.shape_cast %swap3A_1628 : vector<1x16xf32> to vector<16xf32>
      %swap3A_1630 = vector.shape_cast %get3A_1004 : vector<16xf32> to vector<1x16xf32>
      tpu.vector_store %arg8[%swap3A_1626, %swap3A_1627], %swap3A_1630 {strides = array<i32>} : memref<513x128xf32, #tpu.memory_space<vmem>>, vector<1x16xf32>,
      %slice3A_1631 = vector.extract_strided_slice %select_n3A_1170 {offsets = [11], sizes = [1], strides = [1]} : vector<16xi32> to vector<1xi32>
      %squeeze3A_1632 = vector.extract %slice3A_1631[0] : i32 from vector<1xi32>
      %swap3A_1633 = arith.index_cast %squeeze3A_1632 : i32 to index
      %swap3A_1634 = arith.constant 0 : index
      %swap3A_1635 = tpu.vector_load %arg8[%swap3A_1633, %swap3A_1634] {strides = array<i32>} : memref<513x128xf32, #tpu.memory_space<vmem>>, vector<1x16xf32>,
      %swap3A_1636 = vector.shape_cast %swap3A_1635 : vector<1x16xf32> to vector<16xf32>
      %swap3A_1637 = vector.shape_cast %get3A_969 : vector<16xf32> to vector<1x16xf32>
      tpu.vector_store %arg8[%swap3A_1633, %swap3A_1634], %swap3A_1637 {strides = array<i32>} : memref<513x128xf32, #tpu.memory_space<vmem>>, vector<1x16xf32>,
      %swap3A_1638 = arith.index_cast %squeeze3A_1632 : i32 to index
      %swap3A_1639 = arith.constant 16 : index
      %swap3A_1640 = tpu.vector_load %arg8[%swap3A_1638, %swap3A_1639] {strides = array<i32>} : memref<513x128xf32, #tpu.memory_space<vmem>>, vector<1x16xf32>,
      %swap3A_1641 = vector.shape_cast %swap3A_1640 : vector<1x16xf32> to vector<16xf32>
      %swap3A_1642 = vector.shape_cast %get3A_974 : vector<16xf32> to vector<1x16xf32>
      tpu.vector_store %arg8[%swap3A_1638, %swap3A_1639], %swap3A_1642 {strides = array<i32>} : memref<513x128xf32, #tpu.memory_space<vmem>>, vector<1x16xf32>,
      %swap3A_1643 = arith.index_cast %squeeze3A_1632 : i32 to index
      %swap3A_1644 = arith.constant 32 : index
      %swap3A_1645 = tpu.vector_load %arg8[%swap3A_1643, %swap3A_1644] {strides = array<i32>} : memref<513x128xf32, #tpu.memory_space<vmem>>, vector<1x16xf32>,
      %swap3A_1646 = vector.shape_cast %swap3A_1645 : vector<1x16xf32> to vector<16xf32>
      %swap3A_1647 = vector.shape_cast %get3A_979 : vector<16xf32> to vector<1x16xf32>
      tpu.vector_store %arg8[%swap3A_1643, %swap3A_1644], %swap3A_1647 {strides = array<i32>} : memref<513x128xf32, #tpu.memory_space<vmem>>, vector<1x16xf32>,
      %swap3A_1648 = arith.index_cast %squeeze3A_1632 : i32 to index
      %swap3A_1649 = arith.constant 48 : index
      %swap3A_1650 = tpu.vector_load %arg8[%swap3A_1648, %swap3A_1649] {strides = array<i32>} : memref<513x128xf32, #tpu.memory_space<vmem>>, vector<1x16xf32>,
      %swap3A_1651 = vector.shape_cast %swap3A_1650 : vector<1x16xf32> to vector<16xf32>
      %swap3A_1652 = vector.shape_cast %get3A_984 : vector<16xf32> to vector<1x16xf32>
      tpu.vector_store %arg8[%swap3A_1648, %swap3A_1649], %swap3A_1652 {strides = array<i32>} : memref<513x128xf32, #tpu.memory_space<vmem>>, vector<1x16xf32>,
      %swap3A_1653 = arith.index_cast %squeeze3A_1632 : i32 to index
      %swap3A_1654 = arith.constant 64 : index
      %swap3A_1655 = tpu.vector_load %arg8[%swap3A_1653, %swap3A_1654] {strides = array<i32>} : memref<513x128xf32, #tpu.memory_space<vmem>>, vector<1x16xf32>,
      %swap3A_1656 = vector.shape_cast %swap3A_1655 : vector<1x16xf32> to vector<16xf32>
      %swap3A_1657 = vector.shape_cast %get3A_989 : vector<16xf32> to vector<1x16xf32>
      tpu.vector_store %arg8[%swap3A_1653, %swap3A_1654], %swap3A_1657 {strides = array<i32>} : memref<513x128xf32, #tpu.memory_space<vmem>>, vector<1x16xf32>,
      %swap3A_1658 = arith.index_cast %squeeze3A_1632 : i32 to index
      %swap3A_1659 = arith.constant 80 : index
      %swap3A_1660 = tpu.vector_load %arg8[%swap3A_1658, %swap3A_1659] {strides = array<i32>} : memref<513x128xf32, #tpu.memory_space<vmem>>, vector<1x16xf32>,
      %swap3A_1661 = vector.shape_cast %swap3A_1660 : vector<1x16xf32> to vector<16xf32>
      %swap3A_1662 = vector.shape_cast %get3A_994 : vector<16xf32> to vector<1x16xf32>
      tpu.vector_store %arg8[%swap3A_1658, %swap3A_1659], %swap3A_1662 {strides = array<i32>} : memref<513x128xf32, #tpu.memory_space<vmem>>, vector<1x16xf32>,
      %swap3A_1663 = arith.index_cast %squeeze3A_1632 : i32 to index
      %swap3A_1664 = arith.constant 96 : index
      %swap3A_1665 = tpu.vector_load %arg8[%swap3A_1663, %swap3A_1664] {strides = array<i32>} : memref<513x128xf32, #tpu.memory_space<vmem>>, vector<1x16xf32>,
      %swap3A_1666 = vector.shape_cast %swap3A_1665 : vector<1x16xf32> to vector<16xf32>
      %swap3A_1667 = vector.shape_cast %get3A_999 : vector<16xf32> to vector<1x16xf32>
      tpu.vector_store %arg8[%swap3A_1663, %swap3A_1664], %swap3A_1667 {strides = array<i32>} : memref<513x128xf32, #tpu.memory_space<vmem>>, vector<1x16xf32>,
      %swap3A_1668 = arith.index_cast %squeeze3A_1632 : i32 to index
      %swap3A_1669 = arith.constant 112 : index
      %swap3A_1670 = tpu.vector_load %arg8[%swap3A_1668, %swap3A_1669] {strides = array<i32>} : memref<513x128xf32, #tpu.memory_space<vmem>>, vector<1x16xf32>,
      %swap3A_1671 = vector.shape_cast %swap3A_1670 : vector<1x16xf32> to vector<16xf32>
      %swap3A_1672 = vector.shape_cast %get3A_1004 : vector<16xf32> to vector<1x16xf32>
      tpu.vector_store %arg8[%swap3A_1668, %swap3A_1669], %swap3A_1672 {strides = array<i32>} : memref<513x128xf32, #tpu.memory_space<vmem>>, vector<1x16xf32>,
      %slice3A_1673 = vector.extract_strided_slice %select_n3A_1170 {offsets = [12], sizes = [1], strides = [1]} : vector<16xi32> to vector<1xi32>
      %squeeze3A_1674 = vector.extract %slice3A_1673[0] : i32 from vector<1xi32>
      %swap3A_1675 = arith.index_cast %squeeze3A_1674 : i32 to index
      %swap3A_1676 = arith.constant 0 : index
      %swap3A_1677 = tpu.vector_load %arg8[%swap3A_1675, %swap3A_1676] {strides = array<i32>} : memref<513x128xf32, #tpu.memory_space<vmem>>, vector<1x16xf32>,
      %swap3A_1678 = vector.shape_cast %swap3A_1677 : vector<1x16xf32> to vector<16xf32>
      %swap3A_1679 = vector.shape_cast %get3A_969 : vector<16xf32> to vector<1x16xf32>
      tpu.vector_store %arg8[%swap3A_1675, %swap3A_1676], %swap3A_1679 {strides = array<i32>} : memref<513x128xf32, #tpu.memory_space<vmem>>, vector<1x16xf32>,
      %swap3A_1680 = arith.index_cast %squeeze3A_1674 : i32 to index
      %swap3A_1681 = arith.constant 16 : index
      %swap3A_1682 = tpu.vector_load %arg8[%swap3A_1680, %swap3A_1681] {strides = array<i32>} : memref<513x128xf32, #tpu.memory_space<vmem>>, vector<1x16xf32>,
      %swap3A_1683 = vector.shape_cast %swap3A_1682 : vector<1x16xf32> to vector<16xf32>
      %swap3A_1684 = vector.shape_cast %get3A_974 : vector<16xf32> to vector<1x16xf32>
      tpu.vector_store %arg8[%swap3A_1680, %swap3A_1681], %swap3A_1684 {strides = array<i32>} : memref<513x128xf32, #tpu.memory_space<vmem>>, vector<1x16xf32>,
      %swap3A_1685 = arith.index_cast %squeeze3A_1674 : i32 to index
      %swap3A_1686 = arith.constant 32 : index
      %swap3A_1687 = tpu.vector_load %arg8[%swap3A_1685, %swap3A_1686] {strides = array<i32>} : memref<513x128xf32, #tpu.memory_space<vmem>>, vector<1x16xf32>,
      %swap3A_1688 = vector.shape_cast %swap3A_1687 : vector<1x16xf32> to vector<16xf32>
      %swap3A_1689 = vector.shape_cast %get3A_979 : vector<16xf32> to vector<1x16xf32>
      tpu.vector_store %arg8[%swap3A_1685, %swap3A_1686], %swap3A_1689 {strides = array<i32>} : memref<513x128xf32, #tpu.memory_space<vmem>>, vector<1x16xf32>,
      %swap3A_1690 = arith.index_cast %squeeze3A_1674 : i32 to index
      %swap3A_1691 = arith.constant 48 : index
      %swap3A_1692 = tpu.vector_load %arg8[%swap3A_1690, %swap3A_1691] {strides = array<i32>} : memref<513x128xf32, #tpu.memory_space<vmem>>, vector<1x16xf32>,
      %swap3A_1693 = vector.shape_cast %swap3A_1692 : vector<1x16xf32> to vector<16xf32>
      %swap3A_1694 = vector.shape_cast %get3A_984 : vector<16xf32> to vector<1x16xf32>
      tpu.vector_store %arg8[%swap3A_1690, %swap3A_1691], %swap3A_1694 {strides = array<i32>} : memref<513x128xf32, #tpu.memory_space<vmem>>, vector<1x16xf32>,
      %swap3A_1695 = arith.index_cast %squeeze3A_1674 : i32 to index
      %swap3A_1696 = arith.constant 64 : index
      %swap3A_1697 = tpu.vector_load %arg8[%swap3A_1695, %swap3A_1696] {strides = array<i32>} : memref<513x128xf32, #tpu.memory_space<vmem>>, vector<1x16xf32>,
      %swap3A_1698 = vector.shape_cast %swap3A_1697 : vector<1x16xf32> to vector<16xf32>
      %swap3A_1699 = vector.shape_cast %get3A_989 : vector<16xf32> to vector<1x16xf32>
      tpu.vector_store %arg8[%swap3A_1695, %swap3A_1696], %swap3A_1699 {strides = array<i32>} : memref<513x128xf32, #tpu.memory_space<vmem>>, vector<1x16xf32>,
      %swap3A_1700 = arith.index_cast %squeeze3A_1674 : i32 to index
      %swap3A_1701 = arith.constant 80 : index
      %swap3A_1702 = tpu.vector_load %arg8[%swap3A_1700, %swap3A_1701] {strides = array<i32>} : memref<513x128xf32, #tpu.memory_space<vmem>>, vector<1x16xf32>,
      %swap3A_1703 = vector.shape_cast %swap3A_1702 : vector<1x16xf32> to vector<16xf32>
      %swap3A_1704 = vector.shape_cast %get3A_994 : vector<16xf32> to vector<1x16xf32>
      tpu.vector_store %arg8[%swap3A_1700, %swap3A_1701], %swap3A_1704 {strides = array<i32>} : memref<513x128xf32, #tpu.memory_space<vmem>>, vector<1x16xf32>,
      %swap3A_1705 = arith.index_cast %squeeze3A_1674 : i32 to index
      %swap3A_1706 = arith.constant 96 : index
      %swap3A_1707 = tpu.vector_load %arg8[%swap3A_1705, %swap3A_1706] {strides = array<i32>} : memref<513x128xf32, #tpu.memory_space<vmem>>, vector<1x16xf32>,
      %swap3A_1708 = vector.shape_cast %swap3A_1707 : vector<1x16xf32> to vector<16xf32>
      %swap3A_1709 = vector.shape_cast %get3A_999 : vector<16xf32> to vector<1x16xf32>
      tpu.vector_store %arg8[%swap3A_1705, %swap3A_1706], %swap3A_1709 {strides = array<i32>} : memref<513x128xf32, #tpu.memory_space<vmem>>, vector<1x16xf32>,
      %swap3A_1710 = arith.index_cast %squeeze3A_1674 : i32 to index
      %swap3A_1711 = arith.constant 112 : index
      %swap3A_1712 = tpu.vector_load %arg8[%swap3A_1710, %swap3A_1711] {strides = array<i32>} : memref<513x128xf32, #tpu.memory_space<vmem>>, vector<1x16xf32>,
      %swap3A_1713 = vector.shape_cast %swap3A_1712 : vector<1x16xf32> to vector<16xf32>
      %swap3A_1714 = vector.shape_cast %get3A_1004 : vector<16xf32> to vector<1x16xf32>
      tpu.vector_store %arg8[%swap3A_1710, %swap3A_1711], %swap3A_1714 {strides = array<i32>} : memref<513x128xf32, #tpu.memory_space<vmem>>, vector<1x16xf32>,
      %slice3A_1715 = vector.extract_strided_slice %select_n3A_1170 {offsets = [13], sizes = [1], strides = [1]} : vector<16xi32> to vector<1xi32>
      %squeeze3A_1716 = vector.extract %slice3A_1715[0] : i32 from vector<1xi32>
      %swap3A_1717 = arith.index_cast %squeeze3A_1716 : i32 to index
      %swap3A_1718 = arith.constant 0 : index
      %swap3A_1719 = tpu.vector_load %arg8[%swap3A_1717, %swap3A_1718] {strides = array<i32>} : memref<513x128xf32, #tpu.memory_space<vmem>>, vector<1x16xf32>,
      %swap3A_1720 = vector.shape_cast %swap3A_1719 : vector<1x16xf32> to vector<16xf32>
      %swap3A_1721 = vector.shape_cast %get3A_969 : vector<16xf32> to vector<1x16xf32>
      tpu.vector_store %arg8[%swap3A_1717, %swap3A_1718], %swap3A_1721 {strides = array<i32>} : memref<513x128xf32, #tpu.memory_space<vmem>>, vector<1x16xf32>,
      %swap3A_1722 = arith.index_cast %squeeze3A_1716 : i32 to index
      %swap3A_1723 = arith.constant 16 : index
      %swap3A_1724 = tpu.vector_load %arg8[%swap3A_1722, %swap3A_1723] {strides = array<i32>} : memref<513x128xf32, #tpu.memory_space<vmem>>, vector<1x16xf32>,
      %swap3A_1725 = vector.shape_cast %swap3A_1724 : vector<1x16xf32> to vector<16xf32>
      %swap3A_1726 = vector.shape_cast %get3A_974 : vector<16xf32> to vector<1x16xf32>
      tpu.vector_store %arg8[%swap3A_1722, %swap3A_1723], %swap3A_1726 {strides = array<i32>} : memref<513x128xf32, #tpu.memory_space<vmem>>, vector<1x16xf32>,
      %swap3A_1727 = arith.index_cast %squeeze3A_1716 : i32 to index
      %swap3A_1728 = arith.constant 32 : index
      %swap3A_1729 = tpu.vector_load %arg8[%swap3A_1727, %swap3A_1728] {strides = array<i32>} : memref<513x128xf32, #tpu.memory_space<vmem>>, vector<1x16xf32>,
      %swap3A_1730 = vector.shape_cast %swap3A_1729 : vector<1x16xf32> to vector<16xf32>
      %swap3A_1731 = vector.shape_cast %get3A_979 : vector<16xf32> to vector<1x16xf32>
      tpu.vector_store %arg8[%swap3A_1727, %swap3A_1728], %swap3A_1731 {strides = array<i32>} : memref<513x128xf32, #tpu.memory_space<vmem>>, vector<1x16xf32>,
      %swap3A_1732 = arith.index_cast %squeeze3A_1716 : i32 to index
      %swap3A_1733 = arith.constant 48 : index
      %swap3A_1734 = tpu.vector_load %arg8[%swap3A_1732, %swap3A_1733] {strides = array<i32>} : memref<513x128xf32, #tpu.memory_space<vmem>>, vector<1x16xf32>,
      %swap3A_1735 = vector.shape_cast %swap3A_1734 : vector<1x16xf32> to vector<16xf32>
      %swap3A_1736 = vector.shape_cast %get3A_984 : vector<16xf32> to vector<1x16xf32>
      tpu.vector_store %arg8[%swap3A_1732, %swap3A_1733], %swap3A_1736 {strides = array<i32>} : memref<513x128xf32, #tpu.memory_space<vmem>>, vector<1x16xf32>,
      %swap3A_1737 = arith.index_cast %squeeze3A_1716 : i32 to index
      %swap3A_1738 = arith.constant 64 : index
      %swap3A_1739 = tpu.vector_load %arg8[%swap3A_1737, %swap3A_1738] {strides = array<i32>} : memref<513x128xf32, #tpu.memory_space<vmem>>, vector<1x16xf32>,
      %swap3A_1740 = vector.shape_cast %swap3A_1739 : vector<1x16xf32> to vector<16xf32>
      %swap3A_1741 = vector.shape_cast %get3A_989 : vector<16xf32> to vector<1x16xf32>
      tpu.vector_store %arg8[%swap3A_1737, %swap3A_1738], %swap3A_1741 {strides = array<i32>} : memref<513x128xf32, #tpu.memory_space<vmem>>, vector<1x16xf32>,
      %swap3A_1742 = arith.index_cast %squeeze3A_1716 : i32 to index
      %swap3A_1743 = arith.constant 80 : index
      %swap3A_1744 = tpu.vector_load %arg8[%swap3A_1742, %swap3A_1743] {strides = array<i32>} : memref<513x128xf32, #tpu.memory_space<vmem>>, vector<1x16xf32>,
      %swap3A_1745 = vector.shape_cast %swap3A_1744 : vector<1x16xf32> to vector<16xf32>
      %swap3A_1746 = vector.shape_cast %get3A_994 : vector<16xf32> to vector<1x16xf32>
      tpu.vector_store %arg8[%swap3A_1742, %swap3A_1743], %swap3A_1746 {strides = array<i32>} : memref<513x128xf32, #tpu.memory_space<vmem>>, vector<1x16xf32>,
      %swap3A_1747 = arith.index_cast %squeeze3A_1716 : i32 to index
      %swap3A_1748 = arith.constant 96 : index
      %swap3A_1749 = tpu.vector_load %arg8[%swap3A_1747, %swap3A_1748] {strides = array<i32>} : memref<513x128xf32, #tpu.memory_space<vmem>>, vector<1x16xf32>,
      %swap3A_1750 = vector.shape_cast %swap3A_1749 : vector<1x16xf32> to vector<16xf32>
      %swap3A_1751 = vector.shape_cast %get3A_999 : vector<16xf32> to vector<1x16xf32>
      tpu.vector_store %arg8[%swap3A_1747, %swap3A_1748], %swap3A_1751 {strides = array<i32>} : memref<513x128xf32, #tpu.memory_space<vmem>>, vector<1x16xf32>,
      %swap3A_1752 = arith.index_cast %squeeze3A_1716 : i32 to index
      %swap3A_1753 = arith.constant 112 : index
      %swap3A_1754 = tpu.vector_load %arg8[%swap3A_1752, %swap3A_1753] {strides = array<i32>} : memref<513x128xf32, #tpu.memory_space<vmem>>, vector<1x16xf32>,
      %swap3A_1755 = vector.shape_cast %swap3A_1754 : vector<1x16xf32> to vector<16xf32>
      %swap3A_1756 = vector.shape_cast %get3A_1004 : vector<16xf32> to vector<1x16xf32>
      tpu.vector_store %arg8[%swap3A_1752, %swap3A_1753], %swap3A_1756 {strides = array<i32>} : memref<513x128xf32, #tpu.memory_space<vmem>>, vector<1x16xf32>,
      %slice3A_1757 = vector.extract_strided_slice %select_n3A_1170 {offsets = [14], sizes = [1], strides = [1]} : vector<16xi32> to vector<1xi32>
      %squeeze3A_1758 = vector.extract %slice3A_1757[0] : i32 from vector<1xi32>
      %swap3A_1759 = arith.index_cast %squeeze3A_1758 : i32 to index
      %swap3A_1760 = arith.constant 0 : index
      %swap3A_1761 = tpu.vector_load %arg8[%swap3A_1759, %swap3A_1760] {strides = array<i32>} : memref<513x128xf32, #tpu.memory_space<vmem>>, vector<1x16xf32>,
      %swap3A_1762 = vector.shape_cast %swap3A_1761 : vector<1x16xf32> to vector<16xf32>
      %swap3A_1763 = vector.shape_cast %get3A_969 : vector<16xf32> to vector<1x16xf32>
      tpu.vector_store %arg8[%swap3A_1759, %swap3A_1760], %swap3A_1763 {strides = array<i32>} : memref<513x128xf32, #tpu.memory_space<vmem>>, vector<1x16xf32>,
      %swap3A_1764 = arith.index_cast %squeeze3A_1758 : i32 to index
      %swap3A_1765 = arith.constant 16 : index
      %swap3A_1766 = tpu.vector_load %arg8[%swap3A_1764, %swap3A_1765] {strides = array<i32>} : memref<513x128xf32, #tpu.memory_space<vmem>>, vector<1x16xf32>,
      %swap3A_1767 = vector.shape_cast %swap3A_1766 : vector<1x16xf32> to vector<16xf32>
      %swap3A_1768 = vector.shape_cast %get3A_974 : vector<16xf32> to vector<1x16xf32>
      tpu.vector_store %arg8[%swap3A_1764, %swap3A_1765], %swap3A_1768 {strides = array<i32>} : memref<513x128xf32, #tpu.memory_space<vmem>>, vector<1x16xf32>,
      %swap3A_1769 = arith.index_cast %squeeze3A_1758 : i32 to index
      %swap3A_1770 = arith.constant 32 : index
      %swap3A_1771 = tpu.vector_load %arg8[%swap3A_1769, %swap3A_1770] {strides = array<i32>} : memref<513x128xf32, #tpu.memory_space<vmem>>, vector<1x16xf32>,
      %swap3A_1772 = vector.shape_cast %swap3A_1771 : vector<1x16xf32> to vector<16xf32>
      %swap3A_1773 = vector.shape_cast %get3A_979 : vector<16xf32> to vector<1x16xf32>
      tpu.vector_store %arg8[%swap3A_1769, %swap3A_1770], %swap3A_1773 {strides = array<i32>} : memref<513x128xf32, #tpu.memory_space<vmem>>, vector<1x16xf32>,
      %swap3A_1774 = arith.index_cast %squeeze3A_1758 : i32 to index
      %swap3A_1775 = arith.constant 48 : index
      %swap3A_1776 = tpu.vector_load %arg8[%swap3A_1774, %swap3A_1775] {strides = array<i32>} : memref<513x128xf32, #tpu.memory_space<vmem>>, vector<1x16xf32>,
      %swap3A_1777 = vector.shape_cast %swap3A_1776 : vector<1x16xf32> to vector<16xf32>
      %swap3A_1778 = vector.shape_cast %get3A_984 : vector<16xf32> to vector<1x16xf32>
      tpu.vector_store %arg8[%swap3A_1774, %swap3A_1775], %swap3A_1778 {strides = array<i32>} : memref<513x128xf32, #tpu.memory_space<vmem>>, vector<1x16xf32>,
      %swap3A_1779 = arith.index_cast %squeeze3A_1758 : i32 to index
      %swap3A_1780 = arith.constant 64 : index
      %swap3A_1781 = tpu.vector_load %arg8[%swap3A_1779, %swap3A_1780] {strides = array<i32>} : memref<513x128xf32, #tpu.memory_space<vmem>>, vector<1x16xf32>,
      %swap3A_1782 = vector.shape_cast %swap3A_1781 : vector<1x16xf32> to vector<16xf32>
      %swap3A_1783 = vector.shape_cast %get3A_989 : vector<16xf32> to vector<1x16xf32>
      tpu.vector_store %arg8[%swap3A_1779, %swap3A_1780], %swap3A_1783 {strides = array<i32>} : memref<513x128xf32, #tpu.memory_space<vmem>>, vector<1x16xf32>,
      %swap3A_1784 = arith.index_cast %squeeze3A_1758 : i32 to index
      %swap3A_1785 = arith.constant 80 : index
      %swap3A_1786 = tpu.vector_load %arg8[%swap3A_1784, %swap3A_1785] {strides = array<i32>} : memref<513x128xf32, #tpu.memory_space<vmem>>, vector<1x16xf32>,
      %swap3A_1787 = vector.shape_cast %swap3A_1786 : vector<1x16xf32> to vector<16xf32>
      %swap3A_1788 = vector.shape_cast %get3A_994 : vector<16xf32> to vector<1x16xf32>
      tpu.vector_store %arg8[%swap3A_1784, %swap3A_1785], %swap3A_1788 {strides = array<i32>} : memref<513x128xf32, #tpu.memory_space<vmem>>, vector<1x16xf32>,
      %swap3A_1789 = arith.index_cast %squeeze3A_1758 : i32 to index
      %swap3A_1790 = arith.constant 96 : index
      %swap3A_1791 = tpu.vector_load %arg8[%swap3A_1789, %swap3A_1790] {strides = array<i32>} : memref<513x128xf32, #tpu.memory_space<vmem>>, vector<1x16xf32>,
      %swap3A_1792 = vector.shape_cast %swap3A_1791 : vector<1x16xf32> to vector<16xf32>
      %swap3A_1793 = vector.shape_cast %get3A_999 : vector<16xf32> to vector<1x16xf32>
      tpu.vector_store %arg8[%swap3A_1789, %swap3A_1790], %swap3A_1793 {strides = array<i32>} : memref<513x128xf32, #tpu.memory_space<vmem>>, vector<1x16xf32>,
      %swap3A_1794 = arith.index_cast %squeeze3A_1758 : i32 to index
      %swap3A_1795 = arith.constant 112 : index
      %swap3A_1796 = tpu.vector_load %arg8[%swap3A_1794, %swap3A_1795] {strides = array<i32>} : memref<513x128xf32, #tpu.memory_space<vmem>>, vector<1x16xf32>,
      %swap3A_1797 = vector.shape_cast %swap3A_1796 : vector<1x16xf32> to vector<16xf32>
      %swap3A_1798 = vector.shape_cast %get3A_1004 : vector<16xf32> to vector<1x16xf32>
      tpu.vector_store %arg8[%swap3A_1794, %swap3A_1795], %swap3A_1798 {strides = array<i32>} : memref<513x128xf32, #tpu.memory_space<vmem>>, vector<1x16xf32>,
      %slice3A_1799 = vector.extract_strided_slice %select_n3A_1170 {offsets = [15], sizes = [1], strides = [1]} : vector<16xi32> to vector<1xi32>
      %squeeze3A_1800 = vector.extract %slice3A_1799[0] : i32 from vector<1xi32>
      %swap3A_1801 = arith.index_cast %squeeze3A_1800 : i32 to index
      %swap3A_1802 = arith.constant 0 : index
      %swap3A_1803 = tpu.vector_load %arg8[%swap3A_1801, %swap3A_1802] {strides = array<i32>} : memref<513x128xf32, #tpu.memory_space<vmem>>, vector<1x16xf32>,
      %swap3A_1804 = vector.shape_cast %swap3A_1803 : vector<1x16xf32> to vector<16xf32>
      %swap3A_1805 = vector.shape_cast %get3A_969 : vector<16xf32> to vector<1x16xf32>
      tpu.vector_store %arg8[%swap3A_1801, %swap3A_1802], %swap3A_1805 {strides = array<i32>} : memref<513x128xf32, #tpu.memory_space<vmem>>, vector<1x16xf32>,
      %swap3A_1806 = arith.index_cast %squeeze3A_1800 : i32 to index
      %swap3A_1807 = arith.constant 16 : index
      %swap3A_1808 = tpu.vector_load %arg8[%swap3A_1806, %swap3A_1807] {strides = array<i32>} : memref<513x128xf32, #tpu.memory_space<vmem>>, vector<1x16xf32>,
      %swap3A_1809 = vector.shape_cast %swap3A_1808 : vector<1x16xf32> to vector<16xf32>
      %swap3A_1810 = vector.shape_cast %get3A_974 : vector<16xf32> to vector<1x16xf32>
      tpu.vector_store %arg8[%swap3A_1806, %swap3A_1807], %swap3A_1810 {strides = array<i32>} : memref<513x128xf32, #tpu.memory_space<vmem>>, vector<1x16xf32>,
      %swap3A_1811 = arith.index_cast %squeeze3A_1800 : i32 to index
      %swap3A_1812 = arith.constant 32 : index
      %swap3A_1813 = tpu.vector_load %arg8[%swap3A_1811, %swap3A_1812] {strides = array<i32>} : memref<513x128xf32, #tpu.memory_space<vmem>>, vector<1x16xf32>,
      %swap3A_1814 = vector.shape_cast %swap3A_1813 : vector<1x16xf32> to vector<16xf32>
      %swap3A_1815 = vector.shape_cast %get3A_979 : vector<16xf32> to vector<1x16xf32>
      tpu.vector_store %arg8[%swap3A_1811, %swap3A_1812], %swap3A_1815 {strides = array<i32>} : memref<513x128xf32, #tpu.memory_space<vmem>>, vector<1x16xf32>,
      %swap3A_1816 = arith.index_cast %squeeze3A_1800 : i32 to index
      %swap3A_1817 = arith.constant 48 : index
      %swap3A_1818 = tpu.vector_load %arg8[%swap3A_1816, %swap3A_1817] {strides = array<i32>} : memref<513x128xf32, #tpu.memory_space<vmem>>, vector<1x16xf32>,
      %swap3A_1819 = vector.shape_cast %swap3A_1818 : vector<1x16xf32> to vector<16xf32>
      %swap3A_1820 = vector.shape_cast %get3A_984 : vector<16xf32> to vector<1x16xf32>
      tpu.vector_store %arg8[%swap3A_1816, %swap3A_1817], %swap3A_1820 {strides = array<i32>} : memref<513x128xf32, #tpu.memory_space<vmem>>, vector<1x16xf32>,
      %swap3A_1821 = arith.index_cast %squeeze3A_1800 : i32 to index
      %swap3A_1822 = arith.constant 64 : index
      %swap3A_1823 = tpu.vector_load %arg8[%swap3A_1821, %swap3A_1822] {strides = array<i32>} : memref<513x128xf32, #tpu.memory_space<vmem>>, vector<1x16xf32>,
      %swap3A_1824 = vector.shape_cast %swap3A_1823 : vector<1x16xf32> to vector<16xf32>
      %swap3A_1825 = vector.shape_cast %get3A_989 : vector<16xf32> to vector<1x16xf32>
      tpu.vector_store %arg8[%swap3A_1821, %swap3A_1822], %swap3A_1825 {strides = array<i32>} : memref<513x128xf32, #tpu.memory_space<vmem>>, vector<1x16xf32>,
      %swap3A_1826 = arith.index_cast %squeeze3A_1800 : i32 to index
      %swap3A_1827 = arith.constant 80 : index
      %swap3A_1828 = tpu.vector_load %arg8[%swap3A_1826, %swap3A_1827] {strides = array<i32>} : memref<513x128xf32, #tpu.memory_space<vmem>>, vector<1x16xf32>,
      %swap3A_1829 = vector.shape_cast %swap3A_1828 : vector<1x16xf32> to vector<16xf32>
      %swap3A_1830 = vector.shape_cast %get3A_994 : vector<16xf32> to vector<1x16xf32>
      tpu.vector_store %arg8[%swap3A_1826, %swap3A_1827], %swap3A_1830 {strides = array<i32>} : memref<513x128xf32, #tpu.memory_space<vmem>>, vector<1x16xf32>,
      %swap3A_1831 = arith.index_cast %squeeze3A_1800 : i32 to index
      %swap3A_1832 = arith.constant 96 : index
      %swap3A_1833 = tpu.vector_load %arg8[%swap3A_1831, %swap3A_1832] {strides = array<i32>} : memref<513x128xf32, #tpu.memory_space<vmem>>, vector<1x16xf32>,
      %swap3A_1834 = vector.shape_cast %swap3A_1833 : vector<1x16xf32> to vector<16xf32>
      %swap3A_1835 = vector.shape_cast %get3A_999 : vector<16xf32> to vector<1x16xf32>
      tpu.vector_store %arg8[%swap3A_1831, %swap3A_1832], %swap3A_1835 {strides = array<i32>} : memref<513x128xf32, #tpu.memory_space<vmem>>, vector<1x16xf32>,
      %swap3A_1836 = arith.index_cast %squeeze3A_1800 : i32 to index
      %swap3A_1837 = arith.constant 112 : index
      %swap3A_1838 = tpu.vector_load %arg8[%swap3A_1836, %swap3A_1837] {strides = array<i32>} : memref<513x128xf32, #tpu.memory_space<vmem>>, vector<1x16xf32>,
      %swap3A_1839 = vector.shape_cast %swap3A_1838 : vector<1x16xf32> to vector<16xf32>
      %swap3A_1840 = vector.shape_cast %get3A_1004 : vector<16xf32> to vector<1x16xf32>
      tpu.vector_store %arg8[%swap3A_1836, %swap3A_1837], %swap3A_1840 {strides = array<i32>} : memref<513x128xf32, #tpu.memory_space<vmem>>, vector<1x16xf32>,
    }
    %scan3A_1018 = arith.constant 8 : i32
    %add3A_1019 = arith.constant 0 : i32
    %add3A_1020 = arith.addi %mul3A_2, %add3A_1019 : i32
    %dma_start3A_1021 = arith.constant 0 : i32
    %dma_start3A_1022 = arith.constant 0 : i32
    %dma_start3A_1023 = tpu.memref_slice %arg8[%dma_start3A_1021, %dma_start3A_1022] : memref<513x128xf32, #tpu.memory_space<vmem>> -> memref<128x128xf32, #tpu.memory_space<vmem>>
    %dma_start3A_1024 = arith.constant 0 : i32
    %dma_start3A_1025 = tpu.memref_slice %arg5[%add3A_1020, %dma_start3A_1024] : memref<16384x128xf32, #tpu.memory_space<hbm>> -> memref<128x128xf32, #tpu.memory_space<hbm>>
    %dma_start3A_1026 = arith.constant 0 : i32
    %dma_start3A_1027 = tpu.memref_slice %arg5[%add3A_1020, %dma_start3A_1026] : memref<16384x128xf32, #tpu.memory_space<hbm>> -> memref<128x128xf32, #tpu.memory_space<hbm>>
    %dma_start3A_1028 = arith.constant 0 : i32
    %dma_start3A_1029 = arith.constant 0 : i32
    %dma_start3A_1030 = tpu.memref_slice %arg8[%dma_start3A_1028, %dma_start3A_1029] : memref<513x128xf32, #tpu.memory_space<vmem>> -> memref<128x128xf32, #tpu.memory_space<vmem>>
    tpu.enqueue_dma source(%dma_start3A_1030 : memref<128x128xf32, #tpu.memory_space<vmem>>) target(%dma_start3A_1027 : memref<128x128xf32, #tpu.memory_space<hbm>>) target_semaphore(%arg14 : memref<!tpu.dma_semaphore, #tpu.memory_space<semaphore_mem>>)
    %dma_wait3A_1031 = arith.constant 1 : i32
    %dma_wait3A_1032 = arith.constant 128 : i32
    %dma_wait3A_1033 = arith.constant 0 : i32
    %dma_wait3A_1034 = tpu.memref_slice %arg8[%dma_wait3A_1032, %dma_wait3A_1033] : memref<513x128xf32, #tpu.memory_space<vmem>> -> memref<128x128xf32, #tpu.memory_space<vmem>>
    %dma_wait3A_1035 = arith.constant 0 : i32
    %dma_wait3A_1036 = tpu.memref_slice %arg6[%dma_wait3A_1031, %dma_wait3A_1035] : memref<4x128xi32, #tpu.memory_space<vmem>> -> memref<1x128xi32, #tpu.memory_space<vmem>>
    %dma_wait3A_1037 = tpu.memref_squeeze %dma_wait3A_1036 : memref<1x128xi32, #tpu.memory_space<vmem>> -> memref<128xi32, #tpu.memory_space<vmem>>
    %dma_wait3A_1038 = arith.constant 0 : i32
    %dma_wait3A_1039 = arith.constant 0 : i32
    %dma_wait3A_1040 = tpu.memref_slice %arg4[%dma_wait3A_1038, %dma_wait3A_1039] : memref<100001x128xf32, #tpu.memory_space<hbm>> -> memref<100001x128xf32, #tpu.memory_space<hbm>>
    tpu.wait_indirect_dma semaphore(%arg11 : memref<!tpu.dma_semaphore, #tpu.memory_space<semaphore_mem>>) src(%dma_wait3A_1040 : memref<100001x128xf32, #tpu.memory_space<hbm>>) dst(%dma_wait3A_1034 : memref<128x128xf32, #tpu.memory_space<vmem>>)
    %scan3A_1041 = arith.constant 0 : i32
    %scan3A_1042 = arith.constant 8 : i32
    %scan3A_1043 = arith.addi %scan3A_1041, %scan3A_1042 : i32
    %scan3A_1044 = arith.constant 1 : i32
    scf.for %scan3A_1152 = %scan3A_1041 to %scan3A_1043 step %scan3A_1044  : i32 {
      %mul3A_1153 = arith.constant 16 : i32
      %mul3A_1154 = arith.muli %scan3A_1152, %mul3A_1153 : i32
      %get3A_1155 = arith.constant 1 : i32
      %get3A_1156 = arith.index_cast %get3A_1155 : i32 to index
      %get3A_1157 = arith.index_cast %mul3A_1154 : i32 to index
      %get3A_1158 = tpu.vector_load %arg7[%get3A_1156, %get3A_1157] {strides = array<i32>} : memref<4x128xi32, #tpu.memory_space<vmem>>, vector<1x16xi32>,
      %get3A_1159 = vector.shape_cast %get3A_1158 : vector<1x16xi32> to vector<16xi32>
      %add3A_1160 = arith.constant 128 : i32
      %add3A_1161 = vector.broadcast %add3A_1160 : i32 to vector<16xi32>
      %add3A_1162 = arith.addi %iota3A, %add3A_1161 : vector<16xi32>
      %mul3A_1163 = arith.constant 16 : i32
      %mul3A_1164 = arith.muli %scan3A_1152, %mul3A_1163 : i32
      %add3A_1165 = vector.broadcast %mul3A_1164 : i32 to vector<16xi32>
      %add3A_1166 = arith.addi %add3A_1162, %add3A_1165 : vector<16xi32>
      %eq3A_1167 = arith.constant 1 : i32
      %eq3A_1168 = vector.broadcast %eq3A_1167 : i32 to vector<16xi32>
      %eq3A_1169 = arith.cmpi eq, %get3A_1159, %eq3A_1168 : vector<16xi32>
      %jit3A = arith.constant 512 : i32
      %broadcast_in_dim3A = vector.broadcast %jit3A : i32 to vector<16xi32>
      %select_n3A_1170 = arith.select %eq3A_1169, %add3A_1166, %broadcast_in_dim3A : vector<16xi1>, vector<16xi32>
      %slice3A = vector.extract_strided_slice %select_n3A_1170 {offsets = [0], sizes = [1], strides = [1]} : vector<16xi32> to vector<1xi32>
      %squeeze3A = vector.extract %slice3A[0] : i32 from vector<1xi32>
      %swap3A_1171 = arith.index_cast %squeeze3A : i32 to index
      %swap3A_1172 = arith.constant 0 : index
      %swap3A_1173 = tpu.vector_load %arg8[%swap3A_1171, %swap3A_1172] {strides = array<i32>} : memref<513x128xf32, #tpu.memory_space<vmem>>, vector<1x16xf32>,
      %swap3A_1174 = vector.shape_cast %swap3A_1173 : vector<1x16xf32> to vector<16xf32>
      %swap3A_1175 = vector.shape_cast %get3A_969 : vector<16xf32> to vector<1x16xf32>
      tpu.vector_store %arg8[%swap3A_1171, %swap3A_1172], %swap3A_1175 {strides = array<i32>} : memref<513x128xf32, #tpu.memory_space<vmem>>, vector<1x16xf32>,
      %swap3A_1176 = arith.index_cast %squeeze3A : i32 to index
      %swap3A_1177 = arith.constant 16 : index
      %swap3A_1178 = tpu.vector_load %arg8[%swap3A_1176, %swap3A_1177] {strides = array<i32>} : memref<513x128xf32, #tpu.memory_space<vmem>>, vector<1x16xf32>,
      %swap3A_1179 = vector.shape_cast %swap3A_1178 : vector<1x16xf32> to vector<16xf32>
      %swap3A_1180 = vector.shape_cast %get3A_974 : vector<16xf32> to vector<1x16xf32>
      tpu.vector_store %arg8[%swap3A_1176, %swap3A_1177], %swap3A_1180 {strides = array<i32>} : memref<513x128xf32, #tpu.memory_space<vmem>>, vector<1x16xf32>,
      %swap3A_1181 = arith.index_cast %squeeze3A : i32 to index
      %swap3A_1182 = arith.constant 32 : index
      %swap3A_1183 = tpu.vector_load %arg8[%swap3A_1181, %swap3A_1182] {strides = array<i32>} : memref<513x128xf32, #tpu.memory_space<vmem>>, vector<1x16xf32>,
      %swap3A_1184 = vector.shape_cast %swap3A_1183 : vector<1x16xf32> to vector<16xf32>
      %swap3A_1185 = vector.shape_cast %get3A_979 : vector<16xf32> to vector<1x16xf32>
      tpu.vector_store %arg8[%swap3A_1181, %swap3A_1182], %swap3A_1185 {strides = array<i32>} : memref<513x128xf32, #tpu.memory_space<vmem>>, vector<1x16xf32>,
      %swap3A_1186 = arith.index_cast %squeeze3A : i32 to index
      %swap3A_1187 = arith.constant 48 : index
      %swap3A_1188 = tpu.vector_load %arg8[%swap3A_1186, %swap3A_1187] {strides = array<i32>} : memref<513x128xf32, #tpu.memory_space<vmem>>, vector<1x16xf32>,
      %swap3A_1189 = vector.shape_cast %swap3A_1188 : vector<1x16xf32> to vector<16xf32>
      %swap3A_1190 = vector.shape_cast %get3A_984 : vector<16xf32> to vector<1x16xf32>
      tpu.vector_store %arg8[%swap3A_1186, %swap3A_1187], %swap3A_1190 {strides = array<i32>} : memref<513x128xf32, #tpu.memory_space<vmem>>, vector<1x16xf32>,
      %swap3A_1191 = arith.index_cast %squeeze3A : i32 to index
      %swap3A_1192 = arith.constant 64 : index
      %swap3A_1193 = tpu.vector_load %arg8[%swap3A_1191, %swap3A_1192] {strides = array<i32>} : memref<513x128xf32, #tpu.memory_space<vmem>>, vector<1x16xf32>,
      %swap3A_1194 = vector.shape_cast %swap3A_1193 : vector<1x16xf32> to vector<16xf32>
      %swap3A_1195 = vector.shape_cast %get3A_989 : vector<16xf32> to vector<1x16xf32>
      tpu.vector_store %arg8[%swap3A_1191, %swap3A_1192], %swap3A_1195 {strides = array<i32>} : memref<513x128xf32, #tpu.memory_space<vmem>>, vector<1x16xf32>,
      %swap3A_1196 = arith.index_cast %squeeze3A : i32 to index
      %swap3A_1197 = arith.constant 80 : index
      %swap3A_1198 = tpu.vector_load %arg8[%swap3A_1196, %swap3A_1197] {strides = array<i32>} : memref<513x128xf32, #tpu.memory_space<vmem>>, vector<1x16xf32>,
      %swap3A_1199 = vector.shape_cast %swap3A_1198 : vector<1x16xf32> to vector<16xf32>
      %swap3A_1200 = vector.shape_cast %get3A_994 : vector<16xf32> to vector<1x16xf32>
      tpu.vector_store %arg8[%swap3A_1196, %swap3A_1197], %swap3A_1200 {strides = array<i32>} : memref<513x128xf32, #tpu.memory_space<vmem>>, vector<1x16xf32>,
      %swap3A_1201 = arith.index_cast %squeeze3A : i32 to index
      %swap3A_1202 = arith.constant 96 : index
      %swap3A_1203 = tpu.vector_load %arg8[%swap3A_1201, %swap3A_1202] {strides = array<i32>} : memref<513x128xf32, #tpu.memory_space<vmem>>, vector<1x16xf32>,
      %swap3A_1204 = vector.shape_cast %swap3A_1203 : vector<1x16xf32> to vector<16xf32>
      %swap3A_1205 = vector.shape_cast %get3A_999 : vector<16xf32> to vector<1x16xf32>
      tpu.vector_store %arg8[%swap3A_1201, %swap3A_1202], %swap3A_1205 {strides = array<i32>} : memref<513x128xf32, #tpu.memory_space<vmem>>, vector<1x16xf32>,
      %swap3A_1206 = arith.index_cast %squeeze3A : i32 to index
      %swap3A_1207 = arith.constant 112 : index
      %swap3A_1208 = tpu.vector_load %arg8[%swap3A_1206, %swap3A_1207] {strides = array<i32>} : memref<513x128xf32, #tpu.memory_space<vmem>>, vector<1x16xf32>,
      %swap3A_1209 = vector.shape_cast %swap3A_1208 : vector<1x16xf32> to vector<16xf32>
      %swap3A_1210 = vector.shape_cast %get3A_1004 : vector<16xf32> to vector<1x16xf32>
      tpu.vector_store %arg8[%swap3A_1206, %swap3A_1207], %swap3A_1210 {strides = array<i32>} : memref<513x128xf32, #tpu.memory_space<vmem>>, vector<1x16xf32>,
      %slice3A_1211 = vector.extract_strided_slice %select_n3A_1170 {offsets = [1], sizes = [1], strides = [1]} : vector<16xi32> to vector<1xi32>
      %squeeze3A_1212 = vector.extract %slice3A_1211[0] : i32 from vector<1xi32>
      %swap3A_1213 = arith.index_cast %squeeze3A_1212 : i32 to index
      %swap3A_1214 = arith.constant 0 : index
      %swap3A_1215 = tpu.vector_load %arg8[%swap3A_1213, %swap3A_1214] {strides = array<i32>} : memref<513x128xf32, #tpu.memory_space<vmem>>, vector<1x16xf32>,
      %swap3A_1216 = vector.shape_cast %swap3A_1215 : vector<1x16xf32> to vector<16xf32>
      %swap3A_1217 = vector.shape_cast %get3A_969 : vector<16xf32> to vector<1x16xf32>
      tpu.vector_store %arg8[%swap3A_1213, %swap3A_1214], %swap3A_1217 {strides = array<i32>} : memref<513x128xf32, #tpu.memory_space<vmem>>, vector<1x16xf32>,
      %swap3A_1218 = arith.index_cast %squeeze3A_1212 : i32 to index
      %swap3A_1219 = arith.constant 16 : index
      %swap3A_1220 = tpu.vector_load %arg8[%swap3A_1218, %swap3A_1219] {strides = array<i32>} : memref<513x128xf32, #tpu.memory_space<vmem>>, vector<1x16xf32>,
      %swap3A_1221 = vector.shape_cast %swap3A_1220 : vector<1x16xf32> to vector<16xf32>
      %swap3A_1222 = vector.shape_cast %get3A_974 : vector<16xf32> to vector<1x16xf32>
      tpu.vector_store %arg8[%swap3A_1218, %swap3A_1219], %swap3A_1222 {strides = array<i32>} : memref<513x128xf32, #tpu.memory_space<vmem>>, vector<1x16xf32>,
      %swap3A_1223 = arith.index_cast %squeeze3A_1212 : i32 to index
      %swap3A_1224 = arith.constant 32 : index
      %swap3A_1225 = tpu.vector_load %arg8[%swap3A_1223, %swap3A_1224] {strides = array<i32>} : memref<513x128xf32, #tpu.memory_space<vmem>>, vector<1x16xf32>,
      %swap3A_1226 = vector.shape_cast %swap3A_1225 : vector<1x16xf32> to vector<16xf32>
      %swap3A_1227 = vector.shape_cast %get3A_979 : vector<16xf32> to vector<1x16xf32>
      tpu.vector_store %arg8[%swap3A_1223, %swap3A_1224], %swap3A_1227 {strides = array<i32>} : memref<513x128xf32, #tpu.memory_space<vmem>>, vector<1x16xf32>,
      %swap3A_1228 = arith.index_cast %squeeze3A_1212 : i32 to index
      %swap3A_1229 = arith.constant 48 : index
      %swap3A_1230 = tpu.vector_load %arg8[%swap3A_1228, %swap3A_1229] {strides = array<i32>} : memref<513x128xf32, #tpu.memory_space<vmem>>, vector<1x16xf32>,
      %swap3A_1231 = vector.shape_cast %swap3A_1230 : vector<1x16xf32> to vector<16xf32>
      %swap3A_1232 = vector.shape_cast %get3A_984 : vector<16xf32> to vector<1x16xf32>
      tpu.vector_store %arg8[%swap3A_1228, %swap3A_1229], %swap3A_1232 {strides = array<i32>} : memref<513x128xf32, #tpu.memory_space<vmem>>, vector<1x16xf32>,
      %swap3A_1233 = arith.index_cast %squeeze3A_1212 : i32 to index
      %swap3A_1234 = arith.constant 64 : index
      %swap3A_1235 = tpu.vector_load %arg8[%swap3A_1233, %swap3A_1234] {strides = array<i32>} : memref<513x128xf32, #tpu.memory_space<vmem>>, vector<1x16xf32>,
      %swap3A_1236 = vector.shape_cast %swap3A_1235 : vector<1x16xf32> to vector<16xf32>
      %swap3A_1237 = vector.shape_cast %get3A_989 : vector<16xf32> to vector<1x16xf32>
      tpu.vector_store %arg8[%swap3A_1233, %swap3A_1234], %swap3A_1237 {strides = array<i32>} : memref<513x128xf32, #tpu.memory_space<vmem>>, vector<1x16xf32>,
      %swap3A_1238 = arith.index_cast %squeeze3A_1212 : i32 to index
      %swap3A_1239 = arith.constant 80 : index
      %swap3A_1240 = tpu.vector_load %arg8[%swap3A_1238, %swap3A_1239] {strides = array<i32>} : memref<513x128xf32, #tpu.memory_space<vmem>>, vector<1x16xf32>,
      %swap3A_1241 = vector.shape_cast %swap3A_1240 : vector<1x16xf32> to vector<16xf32>
      %swap3A_1242 = vector.shape_cast %get3A_994 : vector<16xf32> to vector<1x16xf32>
      tpu.vector_store %arg8[%swap3A_1238, %swap3A_1239], %swap3A_1242 {strides = array<i32>} : memref<513x128xf32, #tpu.memory_space<vmem>>, vector<1x16xf32>,
      %swap3A_1243 = arith.index_cast %squeeze3A_1212 : i32 to index
      %swap3A_1244 = arith.constant 96 : index
      %swap3A_1245 = tpu.vector_load %arg8[%swap3A_1243, %swap3A_1244] {strides = array<i32>} : memref<513x128xf32, #tpu.memory_space<vmem>>, vector<1x16xf32>,
      %swap3A_1246 = vector.shape_cast %swap3A_1245 : vector<1x16xf32> to vector<16xf32>
      %swap3A_1247 = vector.shape_cast %get3A_999 : vector<16xf32> to vector<1x16xf32>
      tpu.vector_store %arg8[%swap3A_1243, %swap3A_1244], %swap3A_1247 {strides = array<i32>} : memref<513x128xf32, #tpu.memory_space<vmem>>, vector<1x16xf32>,
      %swap3A_1248 = arith.index_cast %squeeze3A_1212 : i32 to index
      %swap3A_1249 = arith.constant 112 : index
      %swap3A_1250 = tpu.vector_load %arg8[%swap3A_1248, %swap3A_1249] {strides = array<i32>} : memref<513x128xf32, #tpu.memory_space<vmem>>, vector<1x16xf32>,
      %swap3A_1251 = vector.shape_cast %swap3A_1250 : vector<1x16xf32> to vector<16xf32>
      %swap3A_1252 = vector.shape_cast %get3A_1004 : vector<16xf32> to vector<1x16xf32>
      tpu.vector_store %arg8[%swap3A_1248, %swap3A_1249], %swap3A_1252 {strides = array<i32>} : memref<513x128xf32, #tpu.memory_space<vmem>>, vector<1x16xf32>,
      %slice3A_1253 = vector.extract_strided_slice %select_n3A_1170 {offsets = [2], sizes = [1], strides = [1]} : vector<16xi32> to vector<1xi32>
      %squeeze3A_1254 = vector.extract %slice3A_1253[0] : i32 from vector<1xi32>
      %swap3A_1255 = arith.index_cast %squeeze3A_1254 : i32 to index
      %swap3A_1256 = arith.constant 0 : index
      %swap3A_1257 = tpu.vector_load %arg8[%swap3A_1255, %swap3A_1256] {strides = array<i32>} : memref<513x128xf32, #tpu.memory_space<vmem>>, vector<1x16xf32>,
      %swap3A_1258 = vector.shape_cast %swap3A_1257 : vector<1x16xf32> to vector<16xf32>
      %swap3A_1259 = vector.shape_cast %get3A_969 : vector<16xf32> to vector<1x16xf32>
      tpu.vector_store %arg8[%swap3A_1255, %swap3A_1256], %swap3A_1259 {strides = array<i32>} : memref<513x128xf32, #tpu.memory_space<vmem>>, vector<1x16xf32>,
      %swap3A_1260 = arith.index_cast %squeeze3A_1254 : i32 to index
      %swap3A_1261 = arith.constant 16 : index
      %swap3A_1262 = tpu.vector_load %arg8[%swap3A_1260, %swap3A_1261] {strides = array<i32>} : memref<513x128xf32, #tpu.memory_space<vmem>>, vector<1x16xf32>,
      %swap3A_1263 = vector.shape_cast %swap3A_1262 : vector<1x16xf32> to vector<16xf32>
      %swap3A_1264 = vector.shape_cast %get3A_974 : vector<16xf32> to vector<1x16xf32>
      tpu.vector_store %arg8[%swap3A_1260, %swap3A_1261], %swap3A_1264 {strides = array<i32>} : memref<513x128xf32, #tpu.memory_space<vmem>>, vector<1x16xf32>,
      %swap3A_1265 = arith.index_cast %squeeze3A_1254 : i32 to index
      %swap3A_1266 = arith.constant 32 : index
      %swap3A_1267 = tpu.vector_load %arg8[%swap3A_1265, %swap3A_1266] {strides = array<i32>} : memref<513x128xf32, #tpu.memory_space<vmem>>, vector<1x16xf32>,
      %swap3A_1268 = vector.shape_cast %swap3A_1267 : vector<1x16xf32> to vector<16xf32>
      %swap3A_1269 = vector.shape_cast %get3A_979 : vector<16xf32> to vector<1x16xf32>
      tpu.vector_store %arg8[%swap3A_1265, %swap3A_1266], %swap3A_1269 {strides = array<i32>} : memref<513x128xf32, #tpu.memory_space<vmem>>, vector<1x16xf32>,
      %swap3A_1270 = arith.index_cast %squeeze3A_1254 : i32 to index
      %swap3A_1271 = arith.constant 48 : index
      %swap3A_1272 = tpu.vector_load %arg8[%swap3A_1270, %swap3A_1271] {strides = array<i32>} : memref<513x128xf32, #tpu.memory_space<vmem>>, vector<1x16xf32>,
      %swap3A_1273 = vector.shape_cast %swap3A_1272 : vector<1x16xf32> to vector<16xf32>
      %swap3A_1274 = vector.shape_cast %get3A_984 : vector<16xf32> to vector<1x16xf32>
      tpu.vector_store %arg8[%swap3A_1270, %swap3A_1271], %swap3A_1274 {strides = array<i32>} : memref<513x128xf32, #tpu.memory_space<vmem>>, vector<1x16xf32>,
      %swap3A_1275 = arith.index_cast %squeeze3A_1254 : i32 to index
      %swap3A_1276 = arith.constant 64 : index
      %swap3A_1277 = tpu.vector_load %arg8[%swap3A_1275, %swap3A_1276] {strides = array<i32>} : memref<513x128xf32, #tpu.memory_space<vmem>>, vector<1x16xf32>,
      %swap3A_1278 = vector.shape_cast %swap3A_1277 : vector<1x16xf32> to vector<16xf32>
      %swap3A_1279 = vector.shape_cast %get3A_989 : vector<16xf32> to vector<1x16xf32>
      tpu.vector_store %arg8[%swap3A_1275, %swap3A_1276], %swap3A_1279 {strides = array<i32>} : memref<513x128xf32, #tpu.memory_space<vmem>>, vector<1x16xf32>,
      %swap3A_1280 = arith.index_cast %squeeze3A_1254 : i32 to index
      %swap3A_1281 = arith.constant 80 : index
      %swap3A_1282 = tpu.vector_load %arg8[%swap3A_1280, %swap3A_1281] {strides = array<i32>} : memref<513x128xf32, #tpu.memory_space<vmem>>, vector<1x16xf32>,
      %swap3A_1283 = vector.shape_cast %swap3A_1282 : vector<1x16xf32> to vector<16xf32>
      %swap3A_1284 = vector.shape_cast %get3A_994 : vector<16xf32> to vector<1x16xf32>
      tpu.vector_store %arg8[%swap3A_1280, %swap3A_1281], %swap3A_1284 {strides = array<i32>} : memref<513x128xf32, #tpu.memory_space<vmem>>, vector<1x16xf32>,
      %swap3A_1285 = arith.index_cast %squeeze3A_1254 : i32 to index
      %swap3A_1286 = arith.constant 96 : index
      %swap3A_1287 = tpu.vector_load %arg8[%swap3A_1285, %swap3A_1286] {strides = array<i32>} : memref<513x128xf32, #tpu.memory_space<vmem>>, vector<1x16xf32>,
      %swap3A_1288 = vector.shape_cast %swap3A_1287 : vector<1x16xf32> to vector<16xf32>
      %swap3A_1289 = vector.shape_cast %get3A_999 : vector<16xf32> to vector<1x16xf32>
      tpu.vector_store %arg8[%swap3A_1285, %swap3A_1286], %swap3A_1289 {strides = array<i32>} : memref<513x128xf32, #tpu.memory_space<vmem>>, vector<1x16xf32>,
      %swap3A_1290 = arith.index_cast %squeeze3A_1254 : i32 to index
      %swap3A_1291 = arith.constant 112 : index
      %swap3A_1292 = tpu.vector_load %arg8[%swap3A_1290, %swap3A_1291] {strides = array<i32>} : memref<513x128xf32, #tpu.memory_space<vmem>>, vector<1x16xf32>,
      %swap3A_1293 = vector.shape_cast %swap3A_1292 : vector<1x16xf32> to vector<16xf32>
      %swap3A_1294 = vector.shape_cast %get3A_1004 : vector<16xf32> to vector<1x16xf32>
      tpu.vector_store %arg8[%swap3A_1290, %swap3A_1291], %swap3A_1294 {strides = array<i32>} : memref<513x128xf32, #tpu.memory_space<vmem>>, vector<1x16xf32>,
      %slice3A_1295 = vector.extract_strided_slice %select_n3A_1170 {offsets = [3], sizes = [1], strides = [1]} : vector<16xi32> to vector<1xi32>
      %squeeze3A_1296 = vector.extract %slice3A_1295[0] : i32 from vector<1xi32>
      %swap3A_1297 = arith.index_cast %squeeze3A_1296 : i32 to index
      %swap3A_1298 = arith.constant 0 : index
      %swap3A_1299 = tpu.vector_load %arg8[%swap3A_1297, %swap3A_1298] {strides = array<i32>} : memref<513x128xf32, #tpu.memory_space<vmem>>, vector<1x16xf32>,
      %swap3A_1300 = vector.shape_cast %swap3A_1299 : vector<1x16xf32> to vector<16xf32>
      %swap3A_1301 = vector.shape_cast %get3A_969 : vector<16xf32> to vector<1x16xf32>
      tpu.vector_store %arg8[%swap3A_1297, %swap3A_1298], %swap3A_1301 {strides = array<i32>} : memref<513x128xf32, #tpu.memory_space<vmem>>, vector<1x16xf32>,
      %swap3A_1302 = arith.index_cast %squeeze3A_1296 : i32 to index
      %swap3A_1303 = arith.constant 16 : index
      %swap3A_1304 = tpu.vector_load %arg8[%swap3A_1302, %swap3A_1303] {strides = array<i32>} : memref<513x128xf32, #tpu.memory_space<vmem>>, vector<1x16xf32>,
      %swap3A_1305 = vector.shape_cast %swap3A_1304 : vector<1x16xf32> to vector<16xf32>
      %swap3A_1306 = vector.shape_cast %get3A_974 : vector<16xf32> to vector<1x16xf32>
      tpu.vector_store %arg8[%swap3A_1302, %swap3A_1303], %swap3A_1306 {strides = array<i32>} : memref<513x128xf32, #tpu.memory_space<vmem>>, vector<1x16xf32>,
      %swap3A_1307 = arith.index_cast %squeeze3A_1296 : i32 to index
      %swap3A_1308 = arith.constant 32 : index
      %swap3A_1309 = tpu.vector_load %arg8[%swap3A_1307, %swap3A_1308] {strides = array<i32>} : memref<513x128xf32, #tpu.memory_space<vmem>>, vector<1x16xf32>,
      %swap3A_1310 = vector.shape_cast %swap3A_1309 : vector<1x16xf32> to vector<16xf32>
      %swap3A_1311 = vector.shape_cast %get3A_979 : vector<16xf32> to vector<1x16xf32>
      tpu.vector_store %arg8[%swap3A_1307, %swap3A_1308], %swap3A_1311 {strides = array<i32>} : memref<513x128xf32, #tpu.memory_space<vmem>>, vector<1x16xf32>,
      %swap3A_1312 = arith.index_cast %squeeze3A_1296 : i32 to index
      %swap3A_1313 = arith.constant 48 : index
      %swap3A_1314 = tpu.vector_load %arg8[%swap3A_1312, %swap3A_1313] {strides = array<i32>} : memref<513x128xf32, #tpu.memory_space<vmem>>, vector<1x16xf32>,
      %swap3A_1315 = vector.shape_cast %swap3A_1314 : vector<1x16xf32> to vector<16xf32>
      %swap3A_1316 = vector.shape_cast %get3A_984 : vector<16xf32> to vector<1x16xf32>
      tpu.vector_store %arg8[%swap3A_1312, %swap3A_1313], %swap3A_1316 {strides = array<i32>} : memref<513x128xf32, #tpu.memory_space<vmem>>, vector<1x16xf32>,
      %swap3A_1317 = arith.index_cast %squeeze3A_1296 : i32 to index
      %swap3A_1318 = arith.constant 64 : index
      %swap3A_1319 = tpu.vector_load %arg8[%swap3A_1317, %swap3A_1318] {strides = array<i32>} : memref<513x128xf32, #tpu.memory_space<vmem>>, vector<1x16xf32>,
      %swap3A_1320 = vector.shape_cast %swap3A_1319 : vector<1x16xf32> to vector<16xf32>
      %swap3A_1321 = vector.shape_cast %get3A_989 : vector<16xf32> to vector<1x16xf32>
      tpu.vector_store %arg8[%swap3A_1317, %swap3A_1318], %swap3A_1321 {strides = array<i32>} : memref<513x128xf32, #tpu.memory_space<vmem>>, vector<1x16xf32>,
      %swap3A_1322 = arith.index_cast %squeeze3A_1296 : i32 to index
      %swap3A_1323 = arith.constant 80 : index
      %swap3A_1324 = tpu.vector_load %arg8[%swap3A_1322, %swap3A_1323] {strides = array<i32>} : memref<513x128xf32, #tpu.memory_space<vmem>>, vector<1x16xf32>,
      %swap3A_1325 = vector.shape_cast %swap3A_1324 : vector<1x16xf32> to vector<16xf32>
      %swap3A_1326 = vector.shape_cast %get3A_994 : vector<16xf32> to vector<1x16xf32>
      tpu.vector_store %arg8[%swap3A_1322, %swap3A_1323], %swap3A_1326 {strides = array<i32>} : memref<513x128xf32, #tpu.memory_space<vmem>>, vector<1x16xf32>,
      %swap3A_1327 = arith.index_cast %squeeze3A_1296 : i32 to index
      %swap3A_1328 = arith.constant 96 : index
      %swap3A_1329 = tpu.vector_load %arg8[%swap3A_1327, %swap3A_1328] {strides = array<i32>} : memref<513x128xf32, #tpu.memory_space<vmem>>, vector<1x16xf32>,
      %swap3A_1330 = vector.shape_cast %swap3A_1329 : vector<1x16xf32> to vector<16xf32>
      %swap3A_1331 = vector.shape_cast %get3A_999 : vector<16xf32> to vector<1x16xf32>
      tpu.vector_store %arg8[%swap3A_1327, %swap3A_1328], %swap3A_1331 {strides = array<i32>} : memref<513x128xf32, #tpu.memory_space<vmem>>, vector<1x16xf32>,
      %swap3A_1332 = arith.index_cast %squeeze3A_1296 : i32 to index
      %swap3A_1333 = arith.constant 112 : index
      %swap3A_1334 = tpu.vector_load %arg8[%swap3A_1332, %swap3A_1333] {strides = array<i32>} : memref<513x128xf32, #tpu.memory_space<vmem>>, vector<1x16xf32>,
      %swap3A_1335 = vector.shape_cast %swap3A_1334 : vector<1x16xf32> to vector<16xf32>
      %swap3A_1336 = vector.shape_cast %get3A_1004 : vector<16xf32> to vector<1x16xf32>
      tpu.vector_store %arg8[%swap3A_1332, %swap3A_1333], %swap3A_1336 {strides = array<i32>} : memref<513x128xf32, #tpu.memory_space<vmem>>, vector<1x16xf32>,
      %slice3A_1337 = vector.extract_strided_slice %select_n3A_1170 {offsets = [4], sizes = [1], strides = [1]} : vector<16xi32> to vector<1xi32>
      %squeeze3A_1338 = vector.extract %slice3A_1337[0] : i32 from vector<1xi32>
      %swap3A_1339 = arith.index_cast %squeeze3A_1338 : i32 to index
      %swap3A_1340 = arith.constant 0 : index
      %swap3A_1341 = tpu.vector_load %arg8[%swap3A_1339, %swap3A_1340] {strides = array<i32>} : memref<513x128xf32, #tpu.memory_space<vmem>>, vector<1x16xf32>,
      %swap3A_1342 = vector.shape_cast %swap3A_1341 : vector<1x16xf32> to vector<16xf32>
      %swap3A_1343 = vector.shape_cast %get3A_969 : vector<16xf32> to vector<1x16xf32>
      tpu.vector_store %arg8[%swap3A_1339, %swap3A_1340], %swap3A_1343 {strides = array<i32>} : memref<513x128xf32, #tpu.memory_space<vmem>>, vector<1x16xf32>,
      %swap3A_1344 = arith.index_cast %squeeze3A_1338 : i32 to index
      %swap3A_1345 = arith.constant 16 : index
      %swap3A_1346 = tpu.vector_load %arg8[%swap3A_1344, %swap3A_1345] {strides = array<i32>} : memref<513x128xf32, #tpu.memory_space<vmem>>, vector<1x16xf32>,
      %swap3A_1347 = vector.shape_cast %swap3A_1346 : vector<1x16xf32> to vector<16xf32>
      %swap3A_1348 = vector.shape_cast %get3A_974 : vector<16xf32> to vector<1x16xf32>
      tpu.vector_store %arg8[%swap3A_1344, %swap3A_1345], %swap3A_1348 {strides = array<i32>} : memref<513x128xf32, #tpu.memory_space<vmem>>, vector<1x16xf32>,
      %swap3A_1349 = arith.index_cast %squeeze3A_1338 : i32 to index
      %swap3A_1350 = arith.constant 32 : index
      %swap3A_1351 = tpu.vector_load %arg8[%swap3A_1349, %swap3A_1350] {strides = array<i32>} : memref<513x128xf32, #tpu.memory_space<vmem>>, vector<1x16xf32>,
      %swap3A_1352 = vector.shape_cast %swap3A_1351 : vector<1x16xf32> to vector<16xf32>
      %swap3A_1353 = vector.shape_cast %get3A_979 : vector<16xf32> to vector<1x16xf32>
      tpu.vector_store %arg8[%swap3A_1349, %swap3A_1350], %swap3A_1353 {strides = array<i32>} : memref<513x128xf32, #tpu.memory_space<vmem>>, vector<1x16xf32>,
      %swap3A_1354 = arith.index_cast %squeeze3A_1338 : i32 to index
      %swap3A_1355 = arith.constant 48 : index
      %swap3A_1356 = tpu.vector_load %arg8[%swap3A_1354, %swap3A_1355] {strides = array<i32>} : memref<513x128xf32, #tpu.memory_space<vmem>>, vector<1x16xf32>,
      %swap3A_1357 = vector.shape_cast %swap3A_1356 : vector<1x16xf32> to vector<16xf32>
      %swap3A_1358 = vector.shape_cast %get3A_984 : vector<16xf32> to vector<1x16xf32>
      tpu.vector_store %arg8[%swap3A_1354, %swap3A_1355], %swap3A_1358 {strides = array<i32>} : memref<513x128xf32, #tpu.memory_space<vmem>>, vector<1x16xf32>,
      %swap3A_1359 = arith.index_cast %squeeze3A_1338 : i32 to index
      %swap3A_1360 = arith.constant 64 : index
      %swap3A_1361 = tpu.vector_load %arg8[%swap3A_1359, %swap3A_1360] {strides = array<i32>} : memref<513x128xf32, #tpu.memory_space<vmem>>, vector<1x16xf32>,
      %swap3A_1362 = vector.shape_cast %swap3A_1361 : vector<1x16xf32> to vector<16xf32>
      %swap3A_1363 = vector.shape_cast %get3A_989 : vector<16xf32> to vector<1x16xf32>
      tpu.vector_store %arg8[%swap3A_1359, %swap3A_1360], %swap3A_1363 {strides = array<i32>} : memref<513x128xf32, #tpu.memory_space<vmem>>, vector<1x16xf32>,
      %swap3A_1364 = arith.index_cast %squeeze3A_1338 : i32 to index
      %swap3A_1365 = arith.constant 80 : index
      %swap3A_1366 = tpu.vector_load %arg8[%swap3A_1364, %swap3A_1365] {strides = array<i32>} : memref<513x128xf32, #tpu.memory_space<vmem>>, vector<1x16xf32>,
      %swap3A_1367 = vector.shape_cast %swap3A_1366 : vector<1x16xf32> to vector<16xf32>
      %swap3A_1368 = vector.shape_cast %get3A_994 : vector<16xf32> to vector<1x16xf32>
      tpu.vector_store %arg8[%swap3A_1364, %swap3A_1365], %swap3A_1368 {strides = array<i32>} : memref<513x128xf32, #tpu.memory_space<vmem>>, vector<1x16xf32>,
      %swap3A_1369 = arith.index_cast %squeeze3A_1338 : i32 to index
      %swap3A_1370 = arith.constant 96 : index
      %swap3A_1371 = tpu.vector_load %arg8[%swap3A_1369, %swap3A_1370] {strides = array<i32>} : memref<513x128xf32, #tpu.memory_space<vmem>>, vector<1x16xf32>,
      %swap3A_1372 = vector.shape_cast %swap3A_1371 : vector<1x16xf32> to vector<16xf32>
      %swap3A_1373 = vector.shape_cast %get3A_999 : vector<16xf32> to vector<1x16xf32>
      tpu.vector_store %arg8[%swap3A_1369, %swap3A_1370], %swap3A_1373 {strides = array<i32>} : memref<513x128xf32, #tpu.memory_space<vmem>>, vector<1x16xf32>,
      %swap3A_1374 = arith.index_cast %squeeze3A_1338 : i32 to index
      %swap3A_1375 = arith.constant 112 : index
      %swap3A_1376 = tpu.vector_load %arg8[%swap3A_1374, %swap3A_1375] {strides = array<i32>} : memref<513x128xf32, #tpu.memory_space<vmem>>, vector<1x16xf32>,
      %swap3A_1377 = vector.shape_cast %swap3A_1376 : vector<1x16xf32> to vector<16xf32>
      %swap3A_1378 = vector.shape_cast %get3A_1004 : vector<16xf32> to vector<1x16xf32>
      tpu.vector_store %arg8[%swap3A_1374, %swap3A_1375], %swap3A_1378 {strides = array<i32>} : memref<513x128xf32, #tpu.memory_space<vmem>>, vector<1x16xf32>,
      %slice3A_1379 = vector.extract_strided_slice %select_n3A_1170 {offsets = [5], sizes = [1], strides = [1]} : vector<16xi32> to vector<1xi32>
      %squeeze3A_1380 = vector.extract %slice3A_1379[0] : i32 from vector<1xi32>
      %swap3A_1381 = arith.index_cast %squeeze3A_1380 : i32 to index
      %swap3A_1382 = arith.constant 0 : index
      %swap3A_1383 = tpu.vector_load %arg8[%swap3A_1381, %swap3A_1382] {strides = array<i32>} : memref<513x128xf32, #tpu.memory_space<vmem>>, vector<1x16xf32>,
      %swap3A_1384 = vector.shape_cast %swap3A_1383 : vector<1x16xf32> to vector<16xf32>
      %swap3A_1385 = vector.shape_cast %get3A_969 : vector<16xf32> to vector<1x16xf32>
      tpu.vector_store %arg8[%swap3A_1381, %swap3A_1382], %swap3A_1385 {strides = array<i32>} : memref<513x128xf32, #tpu.memory_space<vmem>>, vector<1x16xf32>,
      %swap3A_1386 = arith.index_cast %squeeze3A_1380 : i32 to index
      %swap3A_1387 = arith.constant 16 : index
      %swap3A_1388 = tpu.vector_load %arg8[%swap3A_1386, %swap3A_1387] {strides = array<i32>} : memref<513x128xf32, #tpu.memory_space<vmem>>, vector<1x16xf32>,
      %swap3A_1389 = vector.shape_cast %swap3A_1388 : vector<1x16xf32> to vector<16xf32>
      %swap3A_1390 = vector.shape_cast %get3A_974 : vector<16xf32> to vector<1x16xf32>
      tpu.vector_store %arg8[%swap3A_1386, %swap3A_1387], %swap3A_1390 {strides = array<i32>} : memref<513x128xf32, #tpu.memory_space<vmem>>, vector<1x16xf32>,
      %swap3A_1391 = arith.index_cast %squeeze3A_1380 : i32 to index
      %swap3A_1392 = arith.constant 32 : index
      %swap3A_1393 = tpu.vector_load %arg8[%swap3A_1391, %swap3A_1392] {strides = array<i32>} : memref<513x128xf32, #tpu.memory_space<vmem>>, vector<1x16xf32>,
      %swap3A_1394 = vector.shape_cast %swap3A_1393 : vector<1x16xf32> to vector<16xf32>
      %swap3A_1395 = vector.shape_cast %get3A_979 : vector<16xf32> to vector<1x16xf32>
      tpu.vector_store %arg8[%swap3A_1391, %swap3A_1392], %swap3A_1395 {strides = array<i32>} : memref<513x128xf32, #tpu.memory_space<vmem>>, vector<1x16xf32>,
      %swap3A_1396 = arith.index_cast %squeeze3A_1380 : i32 to index
      %swap3A_1397 = arith.constant 48 : index
      %swap3A_1398 = tpu.vector_load %arg8[%swap3A_1396, %swap3A_1397] {strides = array<i32>} : memref<513x128xf32, #tpu.memory_space<vmem>>, vector<1x16xf32>,
      %swap3A_1399 = vector.shape_cast %swap3A_1398 : vector<1x16xf32> to vector<16xf32>
      %swap3A_1400 = vector.shape_cast %get3A_984 : vector<16xf32> to vector<1x16xf32>
      tpu.vector_store %arg8[%swap3A_1396, %swap3A_1397], %swap3A_1400 {strides = array<i32>} : memref<513x128xf32, #tpu.memory_space<vmem>>, vector<1x16xf32>,
      %swap3A_1401 = arith.index_cast %squeeze3A_1380 : i32 to index
      %swap3A_1402 = arith.constant 64 : index
      %swap3A_1403 = tpu.vector_load %arg8[%swap3A_1401, %swap3A_1402] {strides = array<i32>} : memref<513x128xf32, #tpu.memory_space<vmem>>, vector<1x16xf32>,
      %swap3A_1404 = vector.shape_cast %swap3A_1403 : vector<1x16xf32> to vector<16xf32>
      %swap3A_1405 = vector.shape_cast %get3A_989 : vector<16xf32> to vector<1x16xf32>
      tpu.vector_store %arg8[%swap3A_1401, %swap3A_1402], %swap3A_1405 {strides = array<i32>} : memref<513x128xf32, #tpu.memory_space<vmem>>, vector<1x16xf32>,
      %swap3A_1406 = arith.index_cast %squeeze3A_1380 : i32 to index
      %swap3A_1407 = arith.constant 80 : index
      %swap3A_1408 = tpu.vector_load %arg8[%swap3A_1406, %swap3A_1407] {strides = array<i32>} : memref<513x128xf32, #tpu.memory_space<vmem>>, vector<1x16xf32>,
      %swap3A_1409 = vector.shape_cast %swap3A_1408 : vector<1x16xf32> to vector<16xf32>
      %swap3A_1410 = vector.shape_cast %get3A_994 : vector<16xf32> to vector<1x16xf32>
      tpu.vector_store %arg8[%swap3A_1406, %swap3A_1407], %swap3A_1410 {strides = array<i32>} : memref<513x128xf32, #tpu.memory_space<vmem>>, vector<1x16xf32>,
      %swap3A_1411 = arith.index_cast %squeeze3A_1380 : i32 to index
      %swap3A_1412 = arith.constant 96 : index
      %swap3A_1413 = tpu.vector_load %arg8[%swap3A_1411, %swap3A_1412] {strides = array<i32>} : memref<513x128xf32, #tpu.memory_space<vmem>>, vector<1x16xf32>,
      %swap3A_1414 = vector.shape_cast %swap3A_1413 : vector<1x16xf32> to vector<16xf32>
      %swap3A_1415 = vector.shape_cast %get3A_999 : vector<16xf32> to vector<1x16xf32>
      tpu.vector_store %arg8[%swap3A_1411, %swap3A_1412], %swap3A_1415 {strides = array<i32>} : memref<513x128xf32, #tpu.memory_space<vmem>>, vector<1x16xf32>,
      %swap3A_1416 = arith.index_cast %squeeze3A_1380 : i32 to index
      %swap3A_1417 = arith.constant 112 : index
      %swap3A_1418 = tpu.vector_load %arg8[%swap3A_1416, %swap3A_1417] {strides = array<i32>} : memref<513x128xf32, #tpu.memory_space<vmem>>, vector<1x16xf32>,
      %swap3A_1419 = vector.shape_cast %swap3A_1418 : vector<1x16xf32> to vector<16xf32>
      %swap3A_1420 = vector.shape_cast %get3A_1004 : vector<16xf32> to vector<1x16xf32>
      tpu.vector_store %arg8[%swap3A_1416, %swap3A_1417], %swap3A_1420 {strides = array<i32>} : memref<513x128xf32, #tpu.memory_space<vmem>>, vector<1x16xf32>,
      %slice3A_1421 = vector.extract_strided_slice %select_n3A_1170 {offsets = [6], sizes = [1], strides = [1]} : vector<16xi32> to vector<1xi32>
      %squeeze3A_1422 = vector.extract %slice3A_1421[0] : i32 from vector<1xi32>
      %swap3A_1423 = arith.index_cast %squeeze3A_1422 : i32 to index
      %swap3A_1424 = arith.constant 0 : index
      %swap3A_1425 = tpu.vector_load %arg8[%swap3A_1423, %swap3A_1424] {strides = array<i32>} : memref<513x128xf32, #tpu.memory_space<vmem>>, vector<1x16xf32>,
      %swap3A_1426 = vector.shape_cast %swap3A_1425 : vector<1x16xf32> to vector<16xf32>
      %swap3A_1427 = vector.shape_cast %get3A_969 : vector<16xf32> to vector<1x16xf32>
      tpu.vector_store %arg8[%swap3A_1423, %swap3A_1424], %swap3A_1427 {strides = array<i32>} : memref<513x128xf32, #tpu.memory_space<vmem>>, vector<1x16xf32>,
      %swap3A_1428 = arith.index_cast %squeeze3A_1422 : i32 to index
      %swap3A_1429 = arith.constant 16 : index
      %swap3A_1430 = tpu.vector_load %arg8[%swap3A_1428, %swap3A_1429] {strides = array<i32>} : memref<513x128xf32, #tpu.memory_space<vmem>>, vector<1x16xf32>,
      %swap3A_1431 = vector.shape_cast %swap3A_1430 : vector<1x16xf32> to vector<16xf32>
      %swap3A_1432 = vector.shape_cast %get3A_974 : vector<16xf32> to vector<1x16xf32>
      tpu.vector_store %arg8[%swap3A_1428, %swap3A_1429], %swap3A_1432 {strides = array<i32>} : memref<513x128xf32, #tpu.memory_space<vmem>>, vector<1x16xf32>,
      %swap3A_1433 = arith.index_cast %squeeze3A_1422 : i32 to index
      %swap3A_1434 = arith.constant 32 : index
      %swap3A_1435 = tpu.vector_load %arg8[%swap3A_1433, %swap3A_1434] {strides = array<i32>} : memref<513x128xf32, #tpu.memory_space<vmem>>, vector<1x16xf32>,
      %swap3A_1436 = vector.shape_cast %swap3A_1435 : vector<1x16xf32> to vector<16xf32>
      %swap3A_1437 = vector.shape_cast %get3A_979 : vector<16xf32> to vector<1x16xf32>
      tpu.vector_store %arg8[%swap3A_1433, %swap3A_1434], %swap3A_1437 {strides = array<i32>} : memref<513x128xf32, #tpu.memory_space<vmem>>, vector<1x16xf32>,
      %swap3A_1438 = arith.index_cast %squeeze3A_1422 : i32 to index
      %swap3A_1439 = arith.constant 48 : index
      %swap3A_1440 = tpu.vector_load %arg8[%swap3A_1438, %swap3A_1439] {strides = array<i32>} : memref<513x128xf32, #tpu.memory_space<vmem>>, vector<1x16xf32>,
      %swap3A_1441 = vector.shape_cast %swap3A_1440 : vector<1x16xf32> to vector<16xf32>
      %swap3A_1442 = vector.shape_cast %get3A_984 : vector<16xf32> to vector<1x16xf32>
      tpu.vector_store %arg8[%swap3A_1438, %swap3A_1439], %swap3A_1442 {strides = array<i32>} : memref<513x128xf32, #tpu.memory_space<vmem>>, vector<1x16xf32>,
      %swap3A_1443 = arith.index_cast %squeeze3A_1422 : i32 to index
      %swap3A_1444 = arith.constant 64 : index
      %swap3A_1445 = tpu.vector_load %arg8[%swap3A_1443, %swap3A_1444] {strides = array<i32>} : memref<513x128xf32, #tpu.memory_space<vmem>>, vector<1x16xf32>,
      %swap3A_1446 = vector.shape_cast %swap3A_1445 : vector<1x16xf32> to vector<16xf32>
      %swap3A_1447 = vector.shape_cast %get3A_989 : vector<16xf32> to vector<1x16xf32>
      tpu.vector_store %arg8[%swap3A_1443, %swap3A_1444], %swap3A_1447 {strides = array<i32>} : memref<513x128xf32, #tpu.memory_space<vmem>>, vector<1x16xf32>,
      %swap3A_1448 = arith.index_cast %squeeze3A_1422 : i32 to index
      %swap3A_1449 = arith.constant 80 : index
      %swap3A_1450 = tpu.vector_load %arg8[%swap3A_1448, %swap3A_1449] {strides = array<i32>} : memref<513x128xf32, #tpu.memory_space<vmem>>, vector<1x16xf32>,
      %swap3A_1451 = vector.shape_cast %swap3A_1450 : vector<1x16xf32> to vector<16xf32>
      %swap3A_1452 = vector.shape_cast %get3A_994 : vector<16xf32> to vector<1x16xf32>
      tpu.vector_store %arg8[%swap3A_1448, %swap3A_1449], %swap3A_1452 {strides = array<i32>} : memref<513x128xf32, #tpu.memory_space<vmem>>, vector<1x16xf32>,
      %swap3A_1453 = arith.index_cast %squeeze3A_1422 : i32 to index
      %swap3A_1454 = arith.constant 96 : index
      %swap3A_1455 = tpu.vector_load %arg8[%swap3A_1453, %swap3A_1454] {strides = array<i32>} : memref<513x128xf32, #tpu.memory_space<vmem>>, vector<1x16xf32>,
      %swap3A_1456 = vector.shape_cast %swap3A_1455 : vector<1x16xf32> to vector<16xf32>
      %swap3A_1457 = vector.shape_cast %get3A_999 : vector<16xf32> to vector<1x16xf32>
      tpu.vector_store %arg8[%swap3A_1453, %swap3A_1454], %swap3A_1457 {strides = array<i32>} : memref<513x128xf32, #tpu.memory_space<vmem>>, vector<1x16xf32>,
      %swap3A_1458 = arith.index_cast %squeeze3A_1422 : i32 to index
      %swap3A_1459 = arith.constant 112 : index
      %swap3A_1460 = tpu.vector_load %arg8[%swap3A_1458, %swap3A_1459] {strides = array<i32>} : memref<513x128xf32, #tpu.memory_space<vmem>>, vector<1x16xf32>,
      %swap3A_1461 = vector.shape_cast %swap3A_1460 : vector<1x16xf32> to vector<16xf32>
      %swap3A_1462 = vector.shape_cast %get3A_1004 : vector<16xf32> to vector<1x16xf32>
      tpu.vector_store %arg8[%swap3A_1458, %swap3A_1459], %swap3A_1462 {strides = array<i32>} : memref<513x128xf32, #tpu.memory_space<vmem>>, vector<1x16xf32>,
      %slice3A_1463 = vector.extract_strided_slice %select_n3A_1170 {offsets = [7], sizes = [1], strides = [1]} : vector<16xi32> to vector<1xi32>
      %squeeze3A_1464 = vector.extract %slice3A_1463[0] : i32 from vector<1xi32>
      %swap3A_1465 = arith.index_cast %squeeze3A_1464 : i32 to index
      %swap3A_1466 = arith.constant 0 : index
      %swap3A_1467 = tpu.vector_load %arg8[%swap3A_1465, %swap3A_1466] {strides = array<i32>} : memref<513x128xf32, #tpu.memory_space<vmem>>, vector<1x16xf32>,
      %swap3A_1468 = vector.shape_cast %swap3A_1467 : vector<1x16xf32> to vector<16xf32>
      %swap3A_1469 = vector.shape_cast %get3A_969 : vector<16xf32> to vector<1x16xf32>
      tpu.vector_store %arg8[%swap3A_1465, %swap3A_1466], %swap3A_1469 {strides = array<i32>} : memref<513x128xf32, #tpu.memory_space<vmem>>, vector<1x16xf32>,
      %swap3A_1470 = arith.index_cast %squeeze3A_1464 : i32 to index
      %swap3A_1471 = arith.constant 16 : index
      %swap3A_1472 = tpu.vector_load %arg8[%swap3A_1470, %swap3A_1471] {strides = array<i32>} : memref<513x128xf32, #tpu.memory_space<vmem>>, vector<1x16xf32>,
      %swap3A_1473 = vector.shape_cast %swap3A_1472 : vector<1x16xf32> to vector<16xf32>
      %swap3A_1474 = vector.shape_cast %get3A_974 : vector<16xf32> to vector<1x16xf32>
      tpu.vector_store %arg8[%swap3A_1470, %swap3A_1471], %swap3A_1474 {strides = array<i32>} : memref<513x128xf32, #tpu.memory_space<vmem>>, vector<1x16xf32>,
      %swap3A_1475 = arith.index_cast %squeeze3A_1464 : i32 to index
      %swap3A_1476 = arith.constant 32 : index
      %swap3A_1477 = tpu.vector_load %arg8[%swap3A_1475, %swap3A_1476] {strides = array<i32>} : memref<513x128xf32, #tpu.memory_space<vmem>>, vector<1x16xf32>,
      %swap3A_1478 = vector.shape_cast %swap3A_1477 : vector<1x16xf32> to vector<16xf32>
      %swap3A_1479 = vector.shape_cast %get3A_979 : vector<16xf32> to vector<1x16xf32>
      tpu.vector_store %arg8[%swap3A_1475, %swap3A_1476], %swap3A_1479 {strides = array<i32>} : memref<513x128xf32, #tpu.memory_space<vmem>>, vector<1x16xf32>,
      %swap3A_1480 = arith.index_cast %squeeze3A_1464 : i32 to index
      %swap3A_1481 = arith.constant 48 : index
      %swap3A_1482 = tpu.vector_load %arg8[%swap3A_1480, %swap3A_1481] {strides = array<i32>} : memref<513x128xf32, #tpu.memory_space<vmem>>, vector<1x16xf32>,
      %swap3A_1483 = vector.shape_cast %swap3A_1482 : vector<1x16xf32> to vector<16xf32>
      %swap3A_1484 = vector.shape_cast %get3A_984 : vector<16xf32> to vector<1x16xf32>
      tpu.vector_store %arg8[%swap3A_1480, %swap3A_1481], %swap3A_1484 {strides = array<i32>} : memref<513x128xf32, #tpu.memory_space<vmem>>, vector<1x16xf32>,
      %swap3A_1485 = arith.index_cast %squeeze3A_1464 : i32 to index
      %swap3A_1486 = arith.constant 64 : index
      %swap3A_1487 = tpu.vector_load %arg8[%swap3A_1485, %swap3A_1486] {strides = array<i32>} : memref<513x128xf32, #tpu.memory_space<vmem>>, vector<1x16xf32>,
      %swap3A_1488 = vector.shape_cast %swap3A_1487 : vector<1x16xf32> to vector<16xf32>
      %swap3A_1489 = vector.shape_cast %get3A_989 : vector<16xf32> to vector<1x16xf32>
      tpu.vector_store %arg8[%swap3A_1485, %swap3A_1486], %swap3A_1489 {strides = array<i32>} : memref<513x128xf32, #tpu.memory_space<vmem>>, vector<1x16xf32>,
      %swap3A_1490 = arith.index_cast %squeeze3A_1464 : i32 to index
      %swap3A_1491 = arith.constant 80 : index
      %swap3A_1492 = tpu.vector_load %arg8[%swap3A_1490, %swap3A_1491] {strides = array<i32>} : memref<513x128xf32, #tpu.memory_space<vmem>>, vector<1x16xf32>,
      %swap3A_1493 = vector.shape_cast %swap3A_1492 : vector<1x16xf32> to vector<16xf32>
      %swap3A_1494 = vector.shape_cast %get3A_994 : vector<16xf32> to vector<1x16xf32>
      tpu.vector_store %arg8[%swap3A_1490, %swap3A_1491], %swap3A_1494 {strides = array<i32>} : memref<513x128xf32, #tpu.memory_space<vmem>>, vector<1x16xf32>,
      %swap3A_1495 = arith.index_cast %squeeze3A_1464 : i32 to index
      %swap3A_1496 = arith.constant 96 : index
      %swap3A_1497 = tpu.vector_load %arg8[%swap3A_1495, %swap3A_1496] {strides = array<i32>} : memref<513x128xf32, #tpu.memory_space<vmem>>, vector<1x16xf32>,
      %swap3A_1498 = vector.shape_cast %swap3A_1497 : vector<1x16xf32> to vector<16xf32>
      %swap3A_1499 = vector.shape_cast %get3A_999 : vector<16xf32> to vector<1x16xf32>
      tpu.vector_store %arg8[%swap3A_1495, %swap3A_1496], %swap3A_1499 {strides = array<i32>} : memref<513x128xf32, #tpu.memory_space<vmem>>, vector<1x16xf32>,
      %swap3A_1500 = arith.index_cast %squeeze3A_1464 : i32 to index
      %swap3A_1501 = arith.constant 112 : index
      %swap3A_1502 = tpu.vector_load %arg8[%swap3A_1500, %swap3A_1501] {strides = array<i32>} : memref<513x128xf32, #tpu.memory_space<vmem>>, vector<1x16xf32>,
      %swap3A_1503 = vector.shape_cast %swap3A_1502 : vector<1x16xf32> to vector<16xf32>
      %swap3A_1504 = vector.shape_cast %get3A_1004 : vector<16xf32> to vector<1x16xf32>
      tpu.vector_store %arg8[%swap3A_1500, %swap3A_1501], %swap3A_1504 {strides = array<i32>} : memref<513x128xf32, #tpu.memory_space<vmem>>, vector<1x16xf32>,
      %slice3A_1505 = vector.extract_strided_slice %select_n3A_1170 {offsets = [8], sizes = [1], strides = [1]} : vector<16xi32> to vector<1xi32>
      %squeeze3A_1506 = vector.extract %slice3A_1505[0] : i32 from vector<1xi32>
      %swap3A_1507 = arith.index_cast %squeeze3A_1506 : i32 to index
      %swap3A_1508 = arith.constant 0 : index
      %swap3A_1509 = tpu.vector_load %arg8[%swap3A_1507, %swap3A_1508] {strides = array<i32>} : memref<513x128xf32, #tpu.memory_space<vmem>>, vector<1x16xf32>,
      %swap3A_1510 = vector.shape_cast %swap3A_1509 : vector<1x16xf32> to vector<16xf32>
      %swap3A_1511 = vector.shape_cast %get3A_969 : vector<16xf32> to vector<1x16xf32>
      tpu.vector_store %arg8[%swap3A_1507, %swap3A_1508], %swap3A_1511 {strides = array<i32>} : memref<513x128xf32, #tpu.memory_space<vmem>>, vector<1x16xf32>,
      %swap3A_1512 = arith.index_cast %squeeze3A_1506 : i32 to index
      %swap3A_1513 = arith.constant 16 : index
      %swap3A_1514 = tpu.vector_load %arg8[%swap3A_1512, %swap3A_1513] {strides = array<i32>} : memref<513x128xf32, #tpu.memory_space<vmem>>, vector<1x16xf32>,
      %swap3A_1515 = vector.shape_cast %swap3A_1514 : vector<1x16xf32> to vector<16xf32>
      %swap3A_1516 = vector.shape_cast %get3A_974 : vector<16xf32> to vector<1x16xf32>
      tpu.vector_store %arg8[%swap3A_1512, %swap3A_1513], %swap3A_1516 {strides = array<i32>} : memref<513x128xf32, #tpu.memory_space<vmem>>, vector<1x16xf32>,
      %swap3A_1517 = arith.index_cast %squeeze3A_1506 : i32 to index
      %swap3A_1518 = arith.constant 32 : index
      %swap3A_1519 = tpu.vector_load %arg8[%swap3A_1517, %swap3A_1518] {strides = array<i32>} : memref<513x128xf32, #tpu.memory_space<vmem>>, vector<1x16xf32>,
      %swap3A_1520 = vector.shape_cast %swap3A_1519 : vector<1x16xf32> to vector<16xf32>
      %swap3A_1521 = vector.shape_cast %get3A_979 : vector<16xf32> to vector<1x16xf32>
      tpu.vector_store %arg8[%swap3A_1517, %swap3A_1518], %swap3A_1521 {strides = array<i32>} : memref<513x128xf32, #tpu.memory_space<vmem>>, vector<1x16xf32>,
      %swap3A_1522 = arith.index_cast %squeeze3A_1506 : i32 to index
      %swap3A_1523 = arith.constant 48 : index
      %swap3A_1524 = tpu.vector_load %arg8[%swap3A_1522, %swap3A_1523] {strides = array<i32>} : memref<513x128xf32, #tpu.memory_space<vmem>>, vector<1x16xf32>,
      %swap3A_1525 = vector.shape_cast %swap3A_1524 : vector<1x16xf32> to vector<16xf32>
      %swap3A_1526 = vector.shape_cast %get3A_984 : vector<16xf32> to vector<1x16xf32>
      tpu.vector_store %arg8[%swap3A_1522, %swap3A_1523], %swap3A_1526 {strides = array<i32>} : memref<513x128xf32, #tpu.memory_space<vmem>>, vector<1x16xf32>,
      %swap3A_1527 = arith.index_cast %squeeze3A_1506 : i32 to index
      %swap3A_1528 = arith.constant 64 : index
      %swap3A_1529 = tpu.vector_load %arg8[%swap3A_1527, %swap3A_1528] {strides = array<i32>} : memref<513x128xf32, #tpu.memory_space<vmem>>, vector<1x16xf32>,
      %swap3A_1530 = vector.shape_cast %swap3A_1529 : vector<1x16xf32> to vector<16xf32>
      %swap3A_1531 = vector.shape_cast %get3A_989 : vector<16xf32> to vector<1x16xf32>
      tpu.vector_store %arg8[%swap3A_1527, %swap3A_1528], %swap3A_1531 {strides = array<i32>} : memref<513x128xf32, #tpu.memory_space<vmem>>, vector<1x16xf32>,
      %swap3A_1532 = arith.index_cast %squeeze3A_1506 : i32 to index
      %swap3A_1533 = arith.constant 80 : index
      %swap3A_1534 = tpu.vector_load %arg8[%swap3A_1532, %swap3A_1533] {strides = array<i32>} : memref<513x128xf32, #tpu.memory_space<vmem>>, vector<1x16xf32>,
      %swap3A_1535 = vector.shape_cast %swap3A_1534 : vector<1x16xf32> to vector<16xf32>
      %swap3A_1536 = vector.shape_cast %get3A_994 : vector<16xf32> to vector<1x16xf32>
      tpu.vector_store %arg8[%swap3A_1532, %swap3A_1533], %swap3A_1536 {strides = array<i32>} : memref<513x128xf32, #tpu.memory_space<vmem>>, vector<1x16xf32>,
      %swap3A_1537 = arith.index_cast %squeeze3A_1506 : i32 to index
      %swap3A_1538 = arith.constant 96 : index
      %swap3A_1539 = tpu.vector_load %arg8[%swap3A_1537, %swap3A_1538] {strides = array<i32>} : memref<513x128xf32, #tpu.memory_space<vmem>>, vector<1x16xf32>,
      %swap3A_1540 = vector.shape_cast %swap3A_1539 : vector<1x16xf32> to vector<16xf32>
      %swap3A_1541 = vector.shape_cast %get3A_999 : vector<16xf32> to vector<1x16xf32>
      tpu.vector_store %arg8[%swap3A_1537, %swap3A_1538], %swap3A_1541 {strides = array<i32>} : memref<513x128xf32, #tpu.memory_space<vmem>>, vector<1x16xf32>,
      %swap3A_1542 = arith.index_cast %squeeze3A_1506 : i32 to index
      %swap3A_1543 = arith.constant 112 : index
      %swap3A_1544 = tpu.vector_load %arg8[%swap3A_1542, %swap3A_1543] {strides = array<i32>} : memref<513x128xf32, #tpu.memory_space<vmem>>, vector<1x16xf32>,
      %swap3A_1545 = vector.shape_cast %swap3A_1544 : vector<1x16xf32> to vector<16xf32>
      %swap3A_1546 = vector.shape_cast %get3A_1004 : vector<16xf32> to vector<1x16xf32>
      tpu.vector_store %arg8[%swap3A_1542, %swap3A_1543], %swap3A_1546 {strides = array<i32>} : memref<513x128xf32, #tpu.memory_space<vmem>>, vector<1x16xf32>,
      %slice3A_1547 = vector.extract_strided_slice %select_n3A_1170 {offsets = [9], sizes = [1], strides = [1]} : vector<16xi32> to vector<1xi32>
      %squeeze3A_1548 = vector.extract %slice3A_1547[0] : i32 from vector<1xi32>
      %swap3A_1549 = arith.index_cast %squeeze3A_1548 : i32 to index
      %swap3A_1550 = arith.constant 0 : index
      %swap3A_1551 = tpu.vector_load %arg8[%swap3A_1549, %swap3A_1550] {strides = array<i32>} : memref<513x128xf32, #tpu.memory_space<vmem>>, vector<1x16xf32>,
      %swap3A_1552 = vector.shape_cast %swap3A_1551 : vector<1x16xf32> to vector<16xf32>
      %swap3A_1553 = vector.shape_cast %get3A_969 : vector<16xf32> to vector<1x16xf32>
      tpu.vector_store %arg8[%swap3A_1549, %swap3A_1550], %swap3A_1553 {strides = array<i32>} : memref<513x128xf32, #tpu.memory_space<vmem>>, vector<1x16xf32>,
      %swap3A_1554 = arith.index_cast %squeeze3A_1548 : i32 to index
      %swap3A_1555 = arith.constant 16 : index
      %swap3A_1556 = tpu.vector_load %arg8[%swap3A_1554, %swap3A_1555] {strides = array<i32>} : memref<513x128xf32, #tpu.memory_space<vmem>>, vector<1x16xf32>,
      %swap3A_1557 = vector.shape_cast %swap3A_1556 : vector<1x16xf32> to vector<16xf32>
      %swap3A_1558 = vector.shape_cast %get3A_974 : vector<16xf32> to vector<1x16xf32>
      tpu.vector_store %arg8[%swap3A_1554, %swap3A_1555], %swap3A_1558 {strides = array<i32>} : memref<513x128xf32, #tpu.memory_space<vmem>>, vector<1x16xf32>,
      %swap3A_1559 = arith.index_cast %squeeze3A_1548 : i32 to index
      %swap3A_1560 = arith.constant 32 : index
      %swap3A_1561 = tpu.vector_load %arg8[%swap3A_1559, %swap3A_1560] {strides = array<i32>} : memref<513x128xf32, #tpu.memory_space<vmem>>, vector<1x16xf32>,
      %swap3A_1562 = vector.shape_cast %swap3A_1561 : vector<1x16xf32> to vector<16xf32>
      %swap3A_1563 = vector.shape_cast %get3A_979 : vector<16xf32> to vector<1x16xf32>
      tpu.vector_store %arg8[%swap3A_1559, %swap3A_1560], %swap3A_1563 {strides = array<i32>} : memref<513x128xf32, #tpu.memory_space<vmem>>, vector<1x16xf32>,
      %swap3A_1564 = arith.index_cast %squeeze3A_1548 : i32 to index
      %swap3A_1565 = arith.constant 48 : index
      %swap3A_1566 = tpu.vector_load %arg8[%swap3A_1564, %swap3A_1565] {strides = array<i32>} : memref<513x128xf32, #tpu.memory_space<vmem>>, vector<1x16xf32>,
      %swap3A_1567 = vector.shape_cast %swap3A_1566 : vector<1x16xf32> to vector<16xf32>
      %swap3A_1568 = vector.shape_cast %get3A_984 : vector<16xf32> to vector<1x16xf32>
      tpu.vector_store %arg8[%swap3A_1564, %swap3A_1565], %swap3A_1568 {strides = array<i32>} : memref<513x128xf32, #tpu.memory_space<vmem>>, vector<1x16xf32>,
      %swap3A_1569 = arith.index_cast %squeeze3A_1548 : i32 to index
      %swap3A_1570 = arith.constant 64 : index
      %swap3A_1571 = tpu.vector_load %arg8[%swap3A_1569, %swap3A_1570] {strides = array<i32>} : memref<513x128xf32, #tpu.memory_space<vmem>>, vector<1x16xf32>,
      %swap3A_1572 = vector.shape_cast %swap3A_1571 : vector<1x16xf32> to vector<16xf32>
      %swap3A_1573 = vector.shape_cast %get3A_989 : vector<16xf32> to vector<1x16xf32>
      tpu.vector_store %arg8[%swap3A_1569, %swap3A_1570], %swap3A_1573 {strides = array<i32>} : memref<513x128xf32, #tpu.memory_space<vmem>>, vector<1x16xf32>,
      %swap3A_1574 = arith.index_cast %squeeze3A_1548 : i32 to index
      %swap3A_1575 = arith.constant 80 : index
      %swap3A_1576 = tpu.vector_load %arg8[%swap3A_1574, %swap3A_1575] {strides = array<i32>} : memref<513x128xf32, #tpu.memory_space<vmem>>, vector<1x16xf32>,
      %swap3A_1577 = vector.shape_cast %swap3A_1576 : vector<1x16xf32> to vector<16xf32>
      %swap3A_1578 = vector.shape_cast %get3A_994 : vector<16xf32> to vector<1x16xf32>
      tpu.vector_store %arg8[%swap3A_1574, %swap3A_1575], %swap3A_1578 {strides = array<i32>} : memref<513x128xf32, #tpu.memory_space<vmem>>, vector<1x16xf32>,
      %swap3A_1579 = arith.index_cast %squeeze3A_1548 : i32 to index
      %swap3A_1580 = arith.constant 96 : index
      %swap3A_1581 = tpu.vector_load %arg8[%swap3A_1579, %swap3A_1580] {strides = array<i32>} : memref<513x128xf32, #tpu.memory_space<vmem>>, vector<1x16xf32>,
      %swap3A_1582 = vector.shape_cast %swap3A_1581 : vector<1x16xf32> to vector<16xf32>
      %swap3A_1583 = vector.shape_cast %get3A_999 : vector<16xf32> to vector<1x16xf32>
      tpu.vector_store %arg8[%swap3A_1579, %swap3A_1580], %swap3A_1583 {strides = array<i32>} : memref<513x128xf32, #tpu.memory_space<vmem>>, vector<1x16xf32>,
      %swap3A_1584 = arith.index_cast %squeeze3A_1548 : i32 to index
      %swap3A_1585 = arith.constant 112 : index
      %swap3A_1586 = tpu.vector_load %arg8[%swap3A_1584, %swap3A_1585] {strides = array<i32>} : memref<513x128xf32, #tpu.memory_space<vmem>>, vector<1x16xf32>,
      %swap3A_1587 = vector.shape_cast %swap3A_1586 : vector<1x16xf32> to vector<16xf32>
      %swap3A_1588 = vector.shape_cast %get3A_1004 : vector<16xf32> to vector<1x16xf32>
      tpu.vector_store %arg8[%swap3A_1584, %swap3A_1585], %swap3A_1588 {strides = array<i32>} : memref<513x128xf32, #tpu.memory_space<vmem>>, vector<1x16xf32>,
      %slice3A_1589 = vector.extract_strided_slice %select_n3A_1170 {offsets = [10], sizes = [1], strides = [1]} : vector<16xi32> to vector<1xi32>
      %squeeze3A_1590 = vector.extract %slice3A_1589[0] : i32 from vector<1xi32>
      %swap3A_1591 = arith.index_cast %squeeze3A_1590 : i32 to index
      %swap3A_1592 = arith.constant 0 : index
      %swap3A_1593 = tpu.vector_load %arg8[%swap3A_1591, %swap3A_1592] {strides = array<i32>} : memref<513x128xf32, #tpu.memory_space<vmem>>, vector<1x16xf32>,
      %swap3A_1594 = vector.shape_cast %swap3A_1593 : vector<1x16xf32> to vector<16xf32>
      %swap3A_1595 = vector.shape_cast %get3A_969 : vector<16xf32> to vector<1x16xf32>
      tpu.vector_store %arg8[%swap3A_1591, %swap3A_1592], %swap3A_1595 {strides = array<i32>} : memref<513x128xf32, #tpu.memory_space<vmem>>, vector<1x16xf32>,
      %swap3A_1596 = arith.index_cast %squeeze3A_1590 : i32 to index
      %swap3A_1597 = arith.constant 16 : index
      %swap3A_1598 = tpu.vector_load %arg8[%swap3A_1596, %swap3A_1597] {strides = array<i32>} : memref<513x128xf32, #tpu.memory_space<vmem>>, vector<1x16xf32>,
      %swap3A_1599 = vector.shape_cast %swap3A_1598 : vector<1x16xf32> to vector<16xf32>
      %swap3A_1600 = vector.shape_cast %get3A_974 : vector<16xf32> to vector<1x16xf32>
      tpu.vector_store %arg8[%swap3A_1596, %swap3A_1597], %swap3A_1600 {strides = array<i32>} : memref<513x128xf32, #tpu.memory_space<vmem>>, vector<1x16xf32>,
      %swap3A_1601 = arith.index_cast %squeeze3A_1590 : i32 to index
      %swap3A_1602 = arith.constant 32 : index
      %swap3A_1603 = tpu.vector_load %arg8[%swap3A_1601, %swap3A_1602] {strides = array<i32>} : memref<513x128xf32, #tpu.memory_space<vmem>>, vector<1x16xf32>,
      %swap3A_1604 = vector.shape_cast %swap3A_1603 : vector<1x16xf32> to vector<16xf32>
      %swap3A_1605 = vector.shape_cast %get3A_979 : vector<16xf32> to vector<1x16xf32>
      tpu.vector_store %arg8[%swap3A_1601, %swap3A_1602], %swap3A_1605 {strides = array<i32>} : memref<513x128xf32, #tpu.memory_space<vmem>>, vector<1x16xf32>,
      %swap3A_1606 = arith.index_cast %squeeze3A_1590 : i32 to index
      %swap3A_1607 = arith.constant 48 : index
      %swap3A_1608 = tpu.vector_load %arg8[%swap3A_1606, %swap3A_1607] {strides = array<i32>} : memref<513x128xf32, #tpu.memory_space<vmem>>, vector<1x16xf32>,
      %swap3A_1609 = vector.shape_cast %swap3A_1608 : vector<1x16xf32> to vector<16xf32>
      %swap3A_1610 = vector.shape_cast %get3A_984 : vector<16xf32> to vector<1x16xf32>
      tpu.vector_store %arg8[%swap3A_1606, %swap3A_1607], %swap3A_1610 {strides = array<i32>} : memref<513x128xf32, #tpu.memory_space<vmem>>, vector<1x16xf32>,
      %swap3A_1611 = arith.index_cast %squeeze3A_1590 : i32 to index
      %swap3A_1612 = arith.constant 64 : index
      %swap3A_1613 = tpu.vector_load %arg8[%swap3A_1611, %swap3A_1612] {strides = array<i32>} : memref<513x128xf32, #tpu.memory_space<vmem>>, vector<1x16xf32>,
      %swap3A_1614 = vector.shape_cast %swap3A_1613 : vector<1x16xf32> to vector<16xf32>
      %swap3A_1615 = vector.shape_cast %get3A_989 : vector<16xf32> to vector<1x16xf32>
      tpu.vector_store %arg8[%swap3A_1611, %swap3A_1612], %swap3A_1615 {strides = array<i32>} : memref<513x128xf32, #tpu.memory_space<vmem>>, vector<1x16xf32>,
      %swap3A_1616 = arith.index_cast %squeeze3A_1590 : i32 to index
      %swap3A_1617 = arith.constant 80 : index
      %swap3A_1618 = tpu.vector_load %arg8[%swap3A_1616, %swap3A_1617] {strides = array<i32>} : memref<513x128xf32, #tpu.memory_space<vmem>>, vector<1x16xf32>,
      %swap3A_1619 = vector.shape_cast %swap3A_1618 : vector<1x16xf32> to vector<16xf32>
      %swap3A_1620 = vector.shape_cast %get3A_994 : vector<16xf32> to vector<1x16xf32>
      tpu.vector_store %arg8[%swap3A_1616, %swap3A_1617], %swap3A_1620 {strides = array<i32>} : memref<513x128xf32, #tpu.memory_space<vmem>>, vector<1x16xf32>,
      %swap3A_1621 = arith.index_cast %squeeze3A_1590 : i32 to index
      %swap3A_1622 = arith.constant 96 : index
      %swap3A_1623 = tpu.vector_load %arg8[%swap3A_1621, %swap3A_1622] {strides = array<i32>} : memref<513x128xf32, #tpu.memory_space<vmem>>, vector<1x16xf32>,
      %swap3A_1624 = vector.shape_cast %swap3A_1623 : vector<1x16xf32> to vector<16xf32>
      %swap3A_1625 = vector.shape_cast %get3A_999 : vector<16xf32> to vector<1x16xf32>
      tpu.vector_store %arg8[%swap3A_1621, %swap3A_1622], %swap3A_1625 {strides = array<i32>} : memref<513x128xf32, #tpu.memory_space<vmem>>, vector<1x16xf32>,
      %swap3A_1626 = arith.index_cast %squeeze3A_1590 : i32 to index
      %swap3A_1627 = arith.constant 112 : index
      %swap3A_1628 = tpu.vector_load %arg8[%swap3A_1626, %swap3A_1627] {strides = array<i32>} : memref<513x128xf32, #tpu.memory_space<vmem>>, vector<1x16xf32>,
      %swap3A_1629 = vector.shape_cast %swap3A_1628 : vector<1x16xf32> to vector<16xf32>
      %swap3A_1630 = vector.shape_cast %get3A_1004 : vector<16xf32> to vector<1x16xf32>
      tpu.vector_store %arg8[%swap3A_1626, %swap3A_1627], %swap3A_1630 {strides = array<i32>} : memref<513x128xf32, #tpu.memory_space<vmem>>, vector<1x16xf32>,
      %slice3A_1631 = vector.extract_strided_slice %select_n3A_1170 {offsets = [11], sizes = [1], strides = [1]} : vector<16xi32> to vector<1xi32>
      %squeeze3A_1632 = vector.extract %slice3A_1631[0] : i32 from vector<1xi32>
      %swap3A_1633 = arith.index_cast %squeeze3A_1632 : i32 to index
      %swap3A_1634 = arith.constant 0 : index
      %swap3A_1635 = tpu.vector_load %arg8[%swap3A_1633, %swap3A_1634] {strides = array<i32>} : memref<513x128xf32, #tpu.memory_space<vmem>>, vector<1x16xf32>,
      %swap3A_1636 = vector.shape_cast %swap3A_1635 : vector<1x16xf32> to vector<16xf32>
      %swap3A_1637 = vector.shape_cast %get3A_969 : vector<16xf32> to vector<1x16xf32>
      tpu.vector_store %arg8[%swap3A_1633, %swap3A_1634], %swap3A_1637 {strides = array<i32>} : memref<513x128xf32, #tpu.memory_space<vmem>>, vector<1x16xf32>,
      %swap3A_1638 = arith.index_cast %squeeze3A_1632 : i32 to index
      %swap3A_1639 = arith.constant 16 : index
      %swap3A_1640 = tpu.vector_load %arg8[%swap3A_1638, %swap3A_1639] {strides = array<i32>} : memref<513x128xf32, #tpu.memory_space<vmem>>, vector<1x16xf32>,
      %swap3A_1641 = vector.shape_cast %swap3A_1640 : vector<1x16xf32> to vector<16xf32>
      %swap3A_1642 = vector.shape_cast %get3A_974 : vector<16xf32> to vector<1x16xf32>
      tpu.vector_store %arg8[%swap3A_1638, %swap3A_1639], %swap3A_1642 {strides = array<i32>} : memref<513x128xf32, #tpu.memory_space<vmem>>, vector<1x16xf32>,
      %swap3A_1643 = arith.index_cast %squeeze3A_1632 : i32 to index
      %swap3A_1644 = arith.constant 32 : index
      %swap3A_1645 = tpu.vector_load %arg8[%swap3A_1643, %swap3A_1644] {strides = array<i32>} : memref<513x128xf32, #tpu.memory_space<vmem>>, vector<1x16xf32>,
      %swap3A_1646 = vector.shape_cast %swap3A_1645 : vector<1x16xf32> to vector<16xf32>
      %swap3A_1647 = vector.shape_cast %get3A_979 : vector<16xf32> to vector<1x16xf32>
      tpu.vector_store %arg8[%swap3A_1643, %swap3A_1644], %swap3A_1647 {strides = array<i32>} : memref<513x128xf32, #tpu.memory_space<vmem>>, vector<1x16xf32>,
      %swap3A_1648 = arith.index_cast %squeeze3A_1632 : i32 to index
      %swap3A_1649 = arith.constant 48 : index
      %swap3A_1650 = tpu.vector_load %arg8[%swap3A_1648, %swap3A_1649] {strides = array<i32>} : memref<513x128xf32, #tpu.memory_space<vmem>>, vector<1x16xf32>,
      %swap3A_1651 = vector.shape_cast %swap3A_1650 : vector<1x16xf32> to vector<16xf32>
      %swap3A_1652 = vector.shape_cast %get3A_984 : vector<16xf32> to vector<1x16xf32>
      tpu.vector_store %arg8[%swap3A_1648, %swap3A_1649], %swap3A_1652 {strides = array<i32>} : memref<513x128xf32, #tpu.memory_space<vmem>>, vector<1x16xf32>,
      %swap3A_1653 = arith.index_cast %squeeze3A_1632 : i32 to index
      %swap3A_1654 = arith.constant 64 : index
      %swap3A_1655 = tpu.vector_load %arg8[%swap3A_1653, %swap3A_1654] {strides = array<i32>} : memref<513x128xf32, #tpu.memory_space<vmem>>, vector<1x16xf32>,
      %swap3A_1656 = vector.shape_cast %swap3A_1655 : vector<1x16xf32> to vector<16xf32>
      %swap3A_1657 = vector.shape_cast %get3A_989 : vector<16xf32> to vector<1x16xf32>
      tpu.vector_store %arg8[%swap3A_1653, %swap3A_1654], %swap3A_1657 {strides = array<i32>} : memref<513x128xf32, #tpu.memory_space<vmem>>, vector<1x16xf32>,
      %swap3A_1658 = arith.index_cast %squeeze3A_1632 : i32 to index
      %swap3A_1659 = arith.constant 80 : index
      %swap3A_1660 = tpu.vector_load %arg8[%swap3A_1658, %swap3A_1659] {strides = array<i32>} : memref<513x128xf32, #tpu.memory_space<vmem>>, vector<1x16xf32>,
      %swap3A_1661 = vector.shape_cast %swap3A_1660 : vector<1x16xf32> to vector<16xf32>
      %swap3A_1662 = vector.shape_cast %get3A_994 : vector<16xf32> to vector<1x16xf32>
      tpu.vector_store %arg8[%swap3A_1658, %swap3A_1659], %swap3A_1662 {strides = array<i32>} : memref<513x128xf32, #tpu.memory_space<vmem>>, vector<1x16xf32>,
      %swap3A_1663 = arith.index_cast %squeeze3A_1632 : i32 to index
      %swap3A_1664 = arith.constant 96 : index
      %swap3A_1665 = tpu.vector_load %arg8[%swap3A_1663, %swap3A_1664] {strides = array<i32>} : memref<513x128xf32, #tpu.memory_space<vmem>>, vector<1x16xf32>,
      %swap3A_1666 = vector.shape_cast %swap3A_1665 : vector<1x16xf32> to vector<16xf32>
      %swap3A_1667 = vector.shape_cast %get3A_999 : vector<16xf32> to vector<1x16xf32>
      tpu.vector_store %arg8[%swap3A_1663, %swap3A_1664], %swap3A_1667 {strides = array<i32>} : memref<513x128xf32, #tpu.memory_space<vmem>>, vector<1x16xf32>,
      %swap3A_1668 = arith.index_cast %squeeze3A_1632 : i32 to index
      %swap3A_1669 = arith.constant 112 : index
      %swap3A_1670 = tpu.vector_load %arg8[%swap3A_1668, %swap3A_1669] {strides = array<i32>} : memref<513x128xf32, #tpu.memory_space<vmem>>, vector<1x16xf32>,
      %swap3A_1671 = vector.shape_cast %swap3A_1670 : vector<1x16xf32> to vector<16xf32>
      %swap3A_1672 = vector.shape_cast %get3A_1004 : vector<16xf32> to vector<1x16xf32>
      tpu.vector_store %arg8[%swap3A_1668, %swap3A_1669], %swap3A_1672 {strides = array<i32>} : memref<513x128xf32, #tpu.memory_space<vmem>>, vector<1x16xf32>,
      %slice3A_1673 = vector.extract_strided_slice %select_n3A_1170 {offsets = [12], sizes = [1], strides = [1]} : vector<16xi32> to vector<1xi32>
      %squeeze3A_1674 = vector.extract %slice3A_1673[0] : i32 from vector<1xi32>
      %swap3A_1675 = arith.index_cast %squeeze3A_1674 : i32 to index
      %swap3A_1676 = arith.constant 0 : index
      %swap3A_1677 = tpu.vector_load %arg8[%swap3A_1675, %swap3A_1676] {strides = array<i32>} : memref<513x128xf32, #tpu.memory_space<vmem>>, vector<1x16xf32>,
      %swap3A_1678 = vector.shape_cast %swap3A_1677 : vector<1x16xf32> to vector<16xf32>
      %swap3A_1679 = vector.shape_cast %get3A_969 : vector<16xf32> to vector<1x16xf32>
      tpu.vector_store %arg8[%swap3A_1675, %swap3A_1676], %swap3A_1679 {strides = array<i32>} : memref<513x128xf32, #tpu.memory_space<vmem>>, vector<1x16xf32>,
      %swap3A_1680 = arith.index_cast %squeeze3A_1674 : i32 to index
      %swap3A_1681 = arith.constant 16 : index
      %swap3A_1682 = tpu.vector_load %arg8[%swap3A_1680, %swap3A_1681] {strides = array<i32>} : memref<513x128xf32, #tpu.memory_space<vmem>>, vector<1x16xf32>,
      %swap3A_1683 = vector.shape_cast %swap3A_1682 : vector<1x16xf32> to vector<16xf32>
      %swap3A_1684 = vector.shape_cast %get3A_974 : vector<16xf32> to vector<1x16xf32>
      tpu.vector_store %arg8[%swap3A_1680, %swap3A_1681], %swap3A_1684 {strides = array<i32>} : memref<513x128xf32, #tpu.memory_space<vmem>>, vector<1x16xf32>,
      %swap3A_1685 = arith.index_cast %squeeze3A_1674 : i32 to index
      %swap3A_1686 = arith.constant 32 : index
      %swap3A_1687 = tpu.vector_load %arg8[%swap3A_1685, %swap3A_1686] {strides = array<i32>} : memref<513x128xf32, #tpu.memory_space<vmem>>, vector<1x16xf32>,
      %swap3A_1688 = vector.shape_cast %swap3A_1687 : vector<1x16xf32> to vector<16xf32>
      %swap3A_1689 = vector.shape_cast %get3A_979 : vector<16xf32> to vector<1x16xf32>
      tpu.vector_store %arg8[%swap3A_1685, %swap3A_1686], %swap3A_1689 {strides = array<i32>} : memref<513x128xf32, #tpu.memory_space<vmem>>, vector<1x16xf32>,
      %swap3A_1690 = arith.index_cast %squeeze3A_1674 : i32 to index
      %swap3A_1691 = arith.constant 48 : index
      %swap3A_1692 = tpu.vector_load %arg8[%swap3A_1690, %swap3A_1691] {strides = array<i32>} : memref<513x128xf32, #tpu.memory_space<vmem>>, vector<1x16xf32>,
      %swap3A_1693 = vector.shape_cast %swap3A_1692 : vector<1x16xf32> to vector<16xf32>
      %swap3A_1694 = vector.shape_cast %get3A_984 : vector<16xf32> to vector<1x16xf32>
      tpu.vector_store %arg8[%swap3A_1690, %swap3A_1691], %swap3A_1694 {strides = array<i32>} : memref<513x128xf32, #tpu.memory_space<vmem>>, vector<1x16xf32>,
      %swap3A_1695 = arith.index_cast %squeeze3A_1674 : i32 to index
      %swap3A_1696 = arith.constant 64 : index
      %swap3A_1697 = tpu.vector_load %arg8[%swap3A_1695, %swap3A_1696] {strides = array<i32>} : memref<513x128xf32, #tpu.memory_space<vmem>>, vector<1x16xf32>,
      %swap3A_1698 = vector.shape_cast %swap3A_1697 : vector<1x16xf32> to vector<16xf32>
      %swap3A_1699 = vector.shape_cast %get3A_989 : vector<16xf32> to vector<1x16xf32>
      tpu.vector_store %arg8[%swap3A_1695, %swap3A_1696], %swap3A_1699 {strides = array<i32>} : memref<513x128xf32, #tpu.memory_space<vmem>>, vector<1x16xf32>,
      %swap3A_1700 = arith.index_cast %squeeze3A_1674 : i32 to index
      %swap3A_1701 = arith.constant 80 : index
      %swap3A_1702 = tpu.vector_load %arg8[%swap3A_1700, %swap3A_1701] {strides = array<i32>} : memref<513x128xf32, #tpu.memory_space<vmem>>, vector<1x16xf32>,
      %swap3A_1703 = vector.shape_cast %swap3A_1702 : vector<1x16xf32> to vector<16xf32>
      %swap3A_1704 = vector.shape_cast %get3A_994 : vector<16xf32> to vector<1x16xf32>
      tpu.vector_store %arg8[%swap3A_1700, %swap3A_1701], %swap3A_1704 {strides = array<i32>} : memref<513x128xf32, #tpu.memory_space<vmem>>, vector<1x16xf32>,
      %swap3A_1705 = arith.index_cast %squeeze3A_1674 : i32 to index
      %swap3A_1706 = arith.constant 96 : index
      %swap3A_1707 = tpu.vector_load %arg8[%swap3A_1705, %swap3A_1706] {strides = array<i32>} : memref<513x128xf32, #tpu.memory_space<vmem>>, vector<1x16xf32>,
      %swap3A_1708 = vector.shape_cast %swap3A_1707 : vector<1x16xf32> to vector<16xf32>
      %swap3A_1709 = vector.shape_cast %get3A_999 : vector<16xf32> to vector<1x16xf32>
      tpu.vector_store %arg8[%swap3A_1705, %swap3A_1706], %swap3A_1709 {strides = array<i32>} : memref<513x128xf32, #tpu.memory_space<vmem>>, vector<1x16xf32>,
      %swap3A_1710 = arith.index_cast %squeeze3A_1674 : i32 to index
      %swap3A_1711 = arith.constant 112 : index
      %swap3A_1712 = tpu.vector_load %arg8[%swap3A_1710, %swap3A_1711] {strides = array<i32>} : memref<513x128xf32, #tpu.memory_space<vmem>>, vector<1x16xf32>,
      %swap3A_1713 = vector.shape_cast %swap3A_1712 : vector<1x16xf32> to vector<16xf32>
      %swap3A_1714 = vector.shape_cast %get3A_1004 : vector<16xf32> to vector<1x16xf32>
      tpu.vector_store %arg8[%swap3A_1710, %swap3A_1711], %swap3A_1714 {strides = array<i32>} : memref<513x128xf32, #tpu.memory_space<vmem>>, vector<1x16xf32>,
      %slice3A_1715 = vector.extract_strided_slice %select_n3A_1170 {offsets = [13], sizes = [1], strides = [1]} : vector<16xi32> to vector<1xi32>
      %squeeze3A_1716 = vector.extract %slice3A_1715[0] : i32 from vector<1xi32>
      %swap3A_1717 = arith.index_cast %squeeze3A_1716 : i32 to index
      %swap3A_1718 = arith.constant 0 : index
      %swap3A_1719 = tpu.vector_load %arg8[%swap3A_1717, %swap3A_1718] {strides = array<i32>} : memref<513x128xf32, #tpu.memory_space<vmem>>, vector<1x16xf32>,
      %swap3A_1720 = vector.shape_cast %swap3A_1719 : vector<1x16xf32> to vector<16xf32>
      %swap3A_1721 = vector.shape_cast %get3A_969 : vector<16xf32> to vector<1x16xf32>
      tpu.vector_store %arg8[%swap3A_1717, %swap3A_1718], %swap3A_1721 {strides = array<i32>} : memref<513x128xf32, #tpu.memory_space<vmem>>, vector<1x16xf32>,
      %swap3A_1722 = arith.index_cast %squeeze3A_1716 : i32 to index
      %swap3A_1723 = arith.constant 16 : index
      %swap3A_1724 = tpu.vector_load %arg8[%swap3A_1722, %swap3A_1723] {strides = array<i32>} : memref<513x128xf32, #tpu.memory_space<vmem>>, vector<1x16xf32>,
      %swap3A_1725 = vector.shape_cast %swap3A_1724 : vector<1x16xf32> to vector<16xf32>
      %swap3A_1726 = vector.shape_cast %get3A_974 : vector<16xf32> to vector<1x16xf32>
      tpu.vector_store %arg8[%swap3A_1722, %swap3A_1723], %swap3A_1726 {strides = array<i32>} : memref<513x128xf32, #tpu.memory_space<vmem>>, vector<1x16xf32>,
      %swap3A_1727 = arith.index_cast %squeeze3A_1716 : i32 to index
      %swap3A_1728 = arith.constant 32 : index
      %swap3A_1729 = tpu.vector_load %arg8[%swap3A_1727, %swap3A_1728] {strides = array<i32>} : memref<513x128xf32, #tpu.memory_space<vmem>>, vector<1x16xf32>,
      %swap3A_1730 = vector.shape_cast %swap3A_1729 : vector<1x16xf32> to vector<16xf32>
      %swap3A_1731 = vector.shape_cast %get3A_979 : vector<16xf32> to vector<1x16xf32>
      tpu.vector_store %arg8[%swap3A_1727, %swap3A_1728], %swap3A_1731 {strides = array<i32>} : memref<513x128xf32, #tpu.memory_space<vmem>>, vector<1x16xf32>,
      %swap3A_1732 = arith.index_cast %squeeze3A_1716 : i32 to index
      %swap3A_1733 = arith.constant 48 : index
      %swap3A_1734 = tpu.vector_load %arg8[%swap3A_1732, %swap3A_1733] {strides = array<i32>} : memref<513x128xf32, #tpu.memory_space<vmem>>, vector<1x16xf32>,
      %swap3A_1735 = vector.shape_cast %swap3A_1734 : vector<1x16xf32> to vector<16xf32>
      %swap3A_1736 = vector.shape_cast %get3A_984 : vector<16xf32> to vector<1x16xf32>
      tpu.vector_store %arg8[%swap3A_1732, %swap3A_1733], %swap3A_1736 {strides = array<i32>} : memref<513x128xf32, #tpu.memory_space<vmem>>, vector<1x16xf32>,
      %swap3A_1737 = arith.index_cast %squeeze3A_1716 : i32 to index
      %swap3A_1738 = arith.constant 64 : index
      %swap3A_1739 = tpu.vector_load %arg8[%swap3A_1737, %swap3A_1738] {strides = array<i32>} : memref<513x128xf32, #tpu.memory_space<vmem>>, vector<1x16xf32>,
      %swap3A_1740 = vector.shape_cast %swap3A_1739 : vector<1x16xf32> to vector<16xf32>
      %swap3A_1741 = vector.shape_cast %get3A_989 : vector<16xf32> to vector<1x16xf32>
      tpu.vector_store %arg8[%swap3A_1737, %swap3A_1738], %swap3A_1741 {strides = array<i32>} : memref<513x128xf32, #tpu.memory_space<vmem>>, vector<1x16xf32>,
      %swap3A_1742 = arith.index_cast %squeeze3A_1716 : i32 to index
      %swap3A_1743 = arith.constant 80 : index
      %swap3A_1744 = tpu.vector_load %arg8[%swap3A_1742, %swap3A_1743] {strides = array<i32>} : memref<513x128xf32, #tpu.memory_space<vmem>>, vector<1x16xf32>,
      %swap3A_1745 = vector.shape_cast %swap3A_1744 : vector<1x16xf32> to vector<16xf32>
      %swap3A_1746 = vector.shape_cast %get3A_994 : vector<16xf32> to vector<1x16xf32>
      tpu.vector_store %arg8[%swap3A_1742, %swap3A_1743], %swap3A_1746 {strides = array<i32>} : memref<513x128xf32, #tpu.memory_space<vmem>>, vector<1x16xf32>,
      %swap3A_1747 = arith.index_cast %squeeze3A_1716 : i32 to index
      %swap3A_1748 = arith.constant 96 : index
      %swap3A_1749 = tpu.vector_load %arg8[%swap3A_1747, %swap3A_1748] {strides = array<i32>} : memref<513x128xf32, #tpu.memory_space<vmem>>, vector<1x16xf32>,
      %swap3A_1750 = vector.shape_cast %swap3A_1749 : vector<1x16xf32> to vector<16xf32>
      %swap3A_1751 = vector.shape_cast %get3A_999 : vector<16xf32> to vector<1x16xf32>
      tpu.vector_store %arg8[%swap3A_1747, %swap3A_1748], %swap3A_1751 {strides = array<i32>} : memref<513x128xf32, #tpu.memory_space<vmem>>, vector<1x16xf32>,
      %swap3A_1752 = arith.index_cast %squeeze3A_1716 : i32 to index
      %swap3A_1753 = arith.constant 112 : index
      %swap3A_1754 = tpu.vector_load %arg8[%swap3A_1752, %swap3A_1753] {strides = array<i32>} : memref<513x128xf32, #tpu.memory_space<vmem>>, vector<1x16xf32>,
      %swap3A_1755 = vector.shape_cast %swap3A_1754 : vector<1x16xf32> to vector<16xf32>
      %swap3A_1756 = vector.shape_cast %get3A_1004 : vector<16xf32> to vector<1x16xf32>
      tpu.vector_store %arg8[%swap3A_1752, %swap3A_1753], %swap3A_1756 {strides = array<i32>} : memref<513x128xf32, #tpu.memory_space<vmem>>, vector<1x16xf32>,
      %slice3A_1757 = vector.extract_strided_slice %select_n3A_1170 {offsets = [14], sizes = [1], strides = [1]} : vector<16xi32> to vector<1xi32>
      %squeeze3A_1758 = vector.extract %slice3A_1757[0] : i32 from vector<1xi32>
      %swap3A_1759 = arith.index_cast %squeeze3A_1758 : i32 to index
      %swap3A_1760 = arith.constant 0 : index
      %swap3A_1761 = tpu.vector_load %arg8[%swap3A_1759, %swap3A_1760] {strides = array<i32>} : memref<513x128xf32, #tpu.memory_space<vmem>>, vector<1x16xf32>,
      %swap3A_1762 = vector.shape_cast %swap3A_1761 : vector<1x16xf32> to vector<16xf32>
      %swap3A_1763 = vector.shape_cast %get3A_969 : vector<16xf32> to vector<1x16xf32>
      tpu.vector_store %arg8[%swap3A_1759, %swap3A_1760], %swap3A_1763 {strides = array<i32>} : memref<513x128xf32, #tpu.memory_space<vmem>>, vector<1x16xf32>,
      %swap3A_1764 = arith.index_cast %squeeze3A_1758 : i32 to index
      %swap3A_1765 = arith.constant 16 : index
      %swap3A_1766 = tpu.vector_load %arg8[%swap3A_1764, %swap3A_1765] {strides = array<i32>} : memref<513x128xf32, #tpu.memory_space<vmem>>, vector<1x16xf32>,
      %swap3A_1767 = vector.shape_cast %swap3A_1766 : vector<1x16xf32> to vector<16xf32>
      %swap3A_1768 = vector.shape_cast %get3A_974 : vector<16xf32> to vector<1x16xf32>
      tpu.vector_store %arg8[%swap3A_1764, %swap3A_1765], %swap3A_1768 {strides = array<i32>} : memref<513x128xf32, #tpu.memory_space<vmem>>, vector<1x16xf32>,
      %swap3A_1769 = arith.index_cast %squeeze3A_1758 : i32 to index
      %swap3A_1770 = arith.constant 32 : index
      %swap3A_1771 = tpu.vector_load %arg8[%swap3A_1769, %swap3A_1770] {strides = array<i32>} : memref<513x128xf32, #tpu.memory_space<vmem>>, vector<1x16xf32>,
      %swap3A_1772 = vector.shape_cast %swap3A_1771 : vector<1x16xf32> to vector<16xf32>
      %swap3A_1773 = vector.shape_cast %get3A_979 : vector<16xf32> to vector<1x16xf32>
      tpu.vector_store %arg8[%swap3A_1769, %swap3A_1770], %swap3A_1773 {strides = array<i32>} : memref<513x128xf32, #tpu.memory_space<vmem>>, vector<1x16xf32>,
      %swap3A_1774 = arith.index_cast %squeeze3A_1758 : i32 to index
      %swap3A_1775 = arith.constant 48 : index
      %swap3A_1776 = tpu.vector_load %arg8[%swap3A_1774, %swap3A_1775] {strides = array<i32>} : memref<513x128xf32, #tpu.memory_space<vmem>>, vector<1x16xf32>,
      %swap3A_1777 = vector.shape_cast %swap3A_1776 : vector<1x16xf32> to vector<16xf32>
      %swap3A_1778 = vector.shape_cast %get3A_984 : vector<16xf32> to vector<1x16xf32>
      tpu.vector_store %arg8[%swap3A_1774, %swap3A_1775], %swap3A_1778 {strides = array<i32>} : memref<513x128xf32, #tpu.memory_space<vmem>>, vector<1x16xf32>,
      %swap3A_1779 = arith.index_cast %squeeze3A_1758 : i32 to index
      %swap3A_1780 = arith.constant 64 : index
      %swap3A_1781 = tpu.vector_load %arg8[%swap3A_1779, %swap3A_1780] {strides = array<i32>} : memref<513x128xf32, #tpu.memory_space<vmem>>, vector<1x16xf32>,
      %swap3A_1782 = vector.shape_cast %swap3A_1781 : vector<1x16xf32> to vector<16xf32>
      %swap3A_1783 = vector.shape_cast %get3A_989 : vector<16xf32> to vector<1x16xf32>
      tpu.vector_store %arg8[%swap3A_1779, %swap3A_1780], %swap3A_1783 {strides = array<i32>} : memref<513x128xf32, #tpu.memory_space<vmem>>, vector<1x16xf32>,
      %swap3A_1784 = arith.index_cast %squeeze3A_1758 : i32 to index
      %swap3A_1785 = arith.constant 80 : index
      %swap3A_1786 = tpu.vector_load %arg8[%swap3A_1784, %swap3A_1785] {strides = array<i32>} : memref<513x128xf32, #tpu.memory_space<vmem>>, vector<1x16xf32>,
      %swap3A_1787 = vector.shape_cast %swap3A_1786 : vector<1x16xf32> to vector<16xf32>
      %swap3A_1788 = vector.shape_cast %get3A_994 : vector<16xf32> to vector<1x16xf32>
      tpu.vector_store %arg8[%swap3A_1784, %swap3A_1785], %swap3A_1788 {strides = array<i32>} : memref<513x128xf32, #tpu.memory_space<vmem>>, vector<1x16xf32>,
      %swap3A_1789 = arith.index_cast %squeeze3A_1758 : i32 to index
      %swap3A_1790 = arith.constant 96 : index
      %swap3A_1791 = tpu.vector_load %arg8[%swap3A_1789, %swap3A_1790] {strides = array<i32>} : memref<513x128xf32, #tpu.memory_space<vmem>>, vector<1x16xf32>,
      %swap3A_1792 = vector.shape_cast %swap3A_1791 : vector<1x16xf32> to vector<16xf32>
      %swap3A_1793 = vector.shape_cast %get3A_999 : vector<16xf32> to vector<1x16xf32>
      tpu.vector_store %arg8[%swap3A_1789, %swap3A_1790], %swap3A_1793 {strides = array<i32>} : memref<513x128xf32, #tpu.memory_space<vmem>>, vector<1x16xf32>,
      %swap3A_1794 = arith.index_cast %squeeze3A_1758 : i32 to index
      %swap3A_1795 = arith.constant 112 : index
      %swap3A_1796 = tpu.vector_load %arg8[%swap3A_1794, %swap3A_1795] {strides = array<i32>} : memref<513x128xf32, #tpu.memory_space<vmem>>, vector<1x16xf32>,
      %swap3A_1797 = vector.shape_cast %swap3A_1796 : vector<1x16xf32> to vector<16xf32>
      %swap3A_1798 = vector.shape_cast %get3A_1004 : vector<16xf32> to vector<1x16xf32>
      tpu.vector_store %arg8[%swap3A_1794, %swap3A_1795], %swap3A_1798 {strides = array<i32>} : memref<513x128xf32, #tpu.memory_space<vmem>>, vector<1x16xf32>,
      %slice3A_1799 = vector.extract_strided_slice %select_n3A_1170 {offsets = [15], sizes = [1], strides = [1]} : vector<16xi32> to vector<1xi32>
      %squeeze3A_1800 = vector.extract %slice3A_1799[0] : i32 from vector<1xi32>
      %swap3A_1801 = arith.index_cast %squeeze3A_1800 : i32 to index
      %swap3A_1802 = arith.constant 0 : index
      %swap3A_1803 = tpu.vector_load %arg8[%swap3A_1801, %swap3A_1802] {strides = array<i32>} : memref<513x128xf32, #tpu.memory_space<vmem>>, vector<1x16xf32>,
      %swap3A_1804 = vector.shape_cast %swap3A_1803 : vector<1x16xf32> to vector<16xf32>
      %swap3A_1805 = vector.shape_cast %get3A_969 : vector<16xf32> to vector<1x16xf32>
      tpu.vector_store %arg8[%swap3A_1801, %swap3A_1802], %swap3A_1805 {strides = array<i32>} : memref<513x128xf32, #tpu.memory_space<vmem>>, vector<1x16xf32>,
      %swap3A_1806 = arith.index_cast %squeeze3A_1800 : i32 to index
      %swap3A_1807 = arith.constant 16 : index
      %swap3A_1808 = tpu.vector_load %arg8[%swap3A_1806, %swap3A_1807] {strides = array<i32>} : memref<513x128xf32, #tpu.memory_space<vmem>>, vector<1x16xf32>,
      %swap3A_1809 = vector.shape_cast %swap3A_1808 : vector<1x16xf32> to vector<16xf32>
      %swap3A_1810 = vector.shape_cast %get3A_974 : vector<16xf32> to vector<1x16xf32>
      tpu.vector_store %arg8[%swap3A_1806, %swap3A_1807], %swap3A_1810 {strides = array<i32>} : memref<513x128xf32, #tpu.memory_space<vmem>>, vector<1x16xf32>,
      %swap3A_1811 = arith.index_cast %squeeze3A_1800 : i32 to index
      %swap3A_1812 = arith.constant 32 : index
      %swap3A_1813 = tpu.vector_load %arg8[%swap3A_1811, %swap3A_1812] {strides = array<i32>} : memref<513x128xf32, #tpu.memory_space<vmem>>, vector<1x16xf32>,
      %swap3A_1814 = vector.shape_cast %swap3A_1813 : vector<1x16xf32> to vector<16xf32>
      %swap3A_1815 = vector.shape_cast %get3A_979 : vector<16xf32> to vector<1x16xf32>
      tpu.vector_store %arg8[%swap3A_1811, %swap3A_1812], %swap3A_1815 {strides = array<i32>} : memref<513x128xf32, #tpu.memory_space<vmem>>, vector<1x16xf32>,
      %swap3A_1816 = arith.index_cast %squeeze3A_1800 : i32 to index
      %swap3A_1817 = arith.constant 48 : index
      %swap3A_1818 = tpu.vector_load %arg8[%swap3A_1816, %swap3A_1817] {strides = array<i32>} : memref<513x128xf32, #tpu.memory_space<vmem>>, vector<1x16xf32>,
      %swap3A_1819 = vector.shape_cast %swap3A_1818 : vector<1x16xf32> to vector<16xf32>
      %swap3A_1820 = vector.shape_cast %get3A_984 : vector<16xf32> to vector<1x16xf32>
      tpu.vector_store %arg8[%swap3A_1816, %swap3A_1817], %swap3A_1820 {strides = array<i32>} : memref<513x128xf32, #tpu.memory_space<vmem>>, vector<1x16xf32>,
      %swap3A_1821 = arith.index_cast %squeeze3A_1800 : i32 to index
      %swap3A_1822 = arith.constant 64 : index
      %swap3A_1823 = tpu.vector_load %arg8[%swap3A_1821, %swap3A_1822] {strides = array<i32>} : memref<513x128xf32, #tpu.memory_space<vmem>>, vector<1x16xf32>,
      %swap3A_1824 = vector.shape_cast %swap3A_1823 : vector<1x16xf32> to vector<16xf32>
      %swap3A_1825 = vector.shape_cast %get3A_989 : vector<16xf32> to vector<1x16xf32>
      tpu.vector_store %arg8[%swap3A_1821, %swap3A_1822], %swap3A_1825 {strides = array<i32>} : memref<513x128xf32, #tpu.memory_space<vmem>>, vector<1x16xf32>,
      %swap3A_1826 = arith.index_cast %squeeze3A_1800 : i32 to index
      %swap3A_1827 = arith.constant 80 : index
      %swap3A_1828 = tpu.vector_load %arg8[%swap3A_1826, %swap3A_1827] {strides = array<i32>} : memref<513x128xf32, #tpu.memory_space<vmem>>, vector<1x16xf32>,
      %swap3A_1829 = vector.shape_cast %swap3A_1828 : vector<1x16xf32> to vector<16xf32>
      %swap3A_1830 = vector.shape_cast %get3A_994 : vector<16xf32> to vector<1x16xf32>
      tpu.vector_store %arg8[%swap3A_1826, %swap3A_1827], %swap3A_1830 {strides = array<i32>} : memref<513x128xf32, #tpu.memory_space<vmem>>, vector<1x16xf32>,
      %swap3A_1831 = arith.index_cast %squeeze3A_1800 : i32 to index
      %swap3A_1832 = arith.constant 96 : index
      %swap3A_1833 = tpu.vector_load %arg8[%swap3A_1831, %swap3A_1832] {strides = array<i32>} : memref<513x128xf32, #tpu.memory_space<vmem>>, vector<1x16xf32>,
      %swap3A_1834 = vector.shape_cast %swap3A_1833 : vector<1x16xf32> to vector<16xf32>
      %swap3A_1835 = vector.shape_cast %get3A_999 : vector<16xf32> to vector<1x16xf32>
      tpu.vector_store %arg8[%swap3A_1831, %swap3A_1832], %swap3A_1835 {strides = array<i32>} : memref<513x128xf32, #tpu.memory_space<vmem>>, vector<1x16xf32>,
      %swap3A_1836 = arith.index_cast %squeeze3A_1800 : i32 to index
      %swap3A_1837 = arith.constant 112 : index
      %swap3A_1838 = tpu.vector_load %arg8[%swap3A_1836, %swap3A_1837] {strides = array<i32>} : memref<513x128xf32, #tpu.memory_space<vmem>>, vector<1x16xf32>,
      %swap3A_1839 = vector.shape_cast %swap3A_1838 : vector<1x16xf32> to vector<16xf32>
      %swap3A_1840 = vector.shape_cast %get3A_1004 : vector<16xf32> to vector<1x16xf32>
      tpu.vector_store %arg8[%swap3A_1836, %swap3A_1837], %swap3A_1840 {strides = array<i32>} : memref<513x128xf32, #tpu.memory_space<vmem>>, vector<1x16xf32>,
    }
    %scan3A_1045 = arith.constant 8 : i32
    %add3A_1046 = arith.constant 128 : i32
    %add3A_1047 = arith.addi %mul3A_2, %add3A_1046 : i32
    %dma_start3A_1048 = arith.constant 128 : i32
    %dma_start3A_1049 = arith.constant 0 : i32
    %dma_start3A_1050 = tpu.memref_slice %arg8[%dma_start3A_1048, %dma_start3A_1049] : memref<513x128xf32, #tpu.memory_space<vmem>> -> memref<128x128xf32, #tpu.memory_space<vmem>>
    %dma_start3A_1051 = arith.constant 0 : i32
    %dma_start3A_1052 = tpu.memref_slice %arg5[%add3A_1047, %dma_start3A_1051] : memref<16384x128xf32, #tpu.memory_space<hbm>> -> memref<128x128xf32, #tpu.memory_space<hbm>>
    %dma_start3A_1053 = arith.constant 0 : i32
    %dma_start3A_1054 = tpu.memref_slice %arg5[%add3A_1047, %dma_start3A_1053] : memref<16384x128xf32, #tpu.memory_space<hbm>> -> memref<128x128xf32, #tpu.memory_space<hbm>>
    %dma_start3A_1055 = arith.constant 128 : i32
    %dma_start3A_1056 = arith.constant 0 : i32
    %dma_start3A_1057 = tpu.memref_slice %arg8[%dma_start3A_1055, %dma_start3A_1056] : memref<513x128xf32, #tpu.memory_space<vmem>> -> memref<128x128xf32, #tpu.memory_space<vmem>>
    tpu.enqueue_dma source(%dma_start3A_1057 : memref<128x128xf32, #tpu.memory_space<vmem>>) target(%dma_start3A_1054 : memref<128x128xf32, #tpu.memory_space<hbm>>) target_semaphore(%arg14 : memref<!tpu.dma_semaphore, #tpu.memory_space<semaphore_mem>>)
    %dma_wait3A_1058 = arith.constant 2 : i32
    %dma_wait3A_1059 = arith.constant 256 : i32
    %dma_wait3A_1060 = arith.constant 0 : i32
    %dma_wait3A_1061 = tpu.memref_slice %arg8[%dma_wait3A_1059, %dma_wait3A_1060] : memref<513x128xf32, #tpu.memory_space<vmem>> -> memref<128x128xf32, #tpu.memory_space<vmem>>
    %dma_wait3A_1062 = arith.constant 0 : i32
    %dma_wait3A_1063 = tpu.memref_slice %arg6[%dma_wait3A_1058, %dma_wait3A_1062] : memref<4x128xi32, #tpu.memory_space<vmem>> -> memref<1x128xi32, #tpu.memory_space<vmem>>
    %dma_wait3A_1064 = tpu.memref_squeeze %dma_wait3A_1063 : memref<1x128xi32, #tpu.memory_space<vmem>> -> memref<128xi32, #tpu.memory_space<vmem>>
    %dma_wait3A_1065 = arith.constant 0 : i32
    %dma_wait3A_1066 = arith.constant 0 : i32
    %dma_wait3A_1067 = tpu.memref_slice %arg4[%dma_wait3A_1065, %dma_wait3A_1066] : memref<100001x128xf32, #tpu.memory_space<hbm>> -> memref<100001x128xf32, #tpu.memory_space<hbm>>
    tpu.wait_indirect_dma semaphore(%arg12 : memref<!tpu.dma_semaphore, #tpu.memory_space<semaphore_mem>>) src(%dma_wait3A_1067 : memref<100001x128xf32, #tpu.memory_space<hbm>>) dst(%dma_wait3A_1061 : memref<128x128xf32, #tpu.memory_space<vmem>>)
    %scan3A_1068 = arith.constant 0 : i32
    %scan3A_1069 = arith.constant 8 : i32
    %scan3A_1070 = arith.addi %scan3A_1068, %scan3A_1069 : i32
    %scan3A_1071 = arith.constant 1 : i32
    scf.for %scan3A_1152 = %scan3A_1068 to %scan3A_1070 step %scan3A_1071  : i32 {
      %mul3A_1153 = arith.constant 16 : i32
      %mul3A_1154 = arith.muli %scan3A_1152, %mul3A_1153 : i32
      %get3A_1155 = arith.constant 2 : i32
      %get3A_1156 = arith.index_cast %get3A_1155 : i32 to index
      %get3A_1157 = arith.index_cast %mul3A_1154 : i32 to index
      %get3A_1158 = tpu.vector_load %arg7[%get3A_1156, %get3A_1157] {strides = array<i32>} : memref<4x128xi32, #tpu.memory_space<vmem>>, vector<1x16xi32>,
      %get3A_1159 = vector.shape_cast %get3A_1158 : vector<1x16xi32> to vector<16xi32>
      %add3A_1160 = arith.constant 256 : i32
      %add3A_1161 = vector.broadcast %add3A_1160 : i32 to vector<16xi32>
      %add3A_1162 = arith.addi %iota3A, %add3A_1161 : vector<16xi32>
      %mul3A_1163 = arith.constant 16 : i32
      %mul3A_1164 = arith.muli %scan3A_1152, %mul3A_1163 : i32
      %add3A_1165 = vector.broadcast %mul3A_1164 : i32 to vector<16xi32>
      %add3A_1166 = arith.addi %add3A_1162, %add3A_1165 : vector<16xi32>
      %eq3A_1167 = arith.constant 1 : i32
      %eq3A_1168 = vector.broadcast %eq3A_1167 : i32 to vector<16xi32>
      %eq3A_1169 = arith.cmpi eq, %get3A_1159, %eq3A_1168 : vector<16xi32>
      %jit3A = arith.constant 512 : i32
      %broadcast_in_dim3A = vector.broadcast %jit3A : i32 to vector<16xi32>
      %select_n3A_1170 = arith.select %eq3A_1169, %add3A_1166, %broadcast_in_dim3A : vector<16xi1>, vector<16xi32>
      %slice3A = vector.extract_strided_slice %select_n3A_1170 {offsets = [0], sizes = [1], strides = [1]} : vector<16xi32> to vector<1xi32>
      %squeeze3A = vector.extract %slice3A[0] : i32 from vector<1xi32>
      %swap3A_1171 = arith.index_cast %squeeze3A : i32 to index
      %swap3A_1172 = arith.constant 0 : index
      %swap3A_1173 = tpu.vector_load %arg8[%swap3A_1171, %swap3A_1172] {strides = array<i32>} : memref<513x128xf32, #tpu.memory_space<vmem>>, vector<1x16xf32>,
      %swap3A_1174 = vector.shape_cast %swap3A_1173 : vector<1x16xf32> to vector<16xf32>
      %swap3A_1175 = vector.shape_cast %get3A_969 : vector<16xf32> to vector<1x16xf32>
      tpu.vector_store %arg8[%swap3A_1171, %swap3A_1172], %swap3A_1175 {strides = array<i32>} : memref<513x128xf32, #tpu.memory_space<vmem>>, vector<1x16xf32>,
      %swap3A_1176 = arith.index_cast %squeeze3A : i32 to index
      %swap3A_1177 = arith.constant 16 : index
      %swap3A_1178 = tpu.vector_load %arg8[%swap3A_1176, %swap3A_1177] {strides = array<i32>} : memref<513x128xf32, #tpu.memory_space<vmem>>, vector<1x16xf32>,
      %swap3A_1179 = vector.shape_cast %swap3A_1178 : vector<1x16xf32> to vector<16xf32>
      %swap3A_1180 = vector.shape_cast %get3A_974 : vector<16xf32> to vector<1x16xf32>
      tpu.vector_store %arg8[%swap3A_1176, %swap3A_1177], %swap3A_1180 {strides = array<i32>} : memref<513x128xf32, #tpu.memory_space<vmem>>, vector<1x16xf32>,
      %swap3A_1181 = arith.index_cast %squeeze3A : i32 to index
      %swap3A_1182 = arith.constant 32 : index
      %swap3A_1183 = tpu.vector_load %arg8[%swap3A_1181, %swap3A_1182] {strides = array<i32>} : memref<513x128xf32, #tpu.memory_space<vmem>>, vector<1x16xf32>,
      %swap3A_1184 = vector.shape_cast %swap3A_1183 : vector<1x16xf32> to vector<16xf32>
      %swap3A_1185 = vector.shape_cast %get3A_979 : vector<16xf32> to vector<1x16xf32>
      tpu.vector_store %arg8[%swap3A_1181, %swap3A_1182], %swap3A_1185 {strides = array<i32>} : memref<513x128xf32, #tpu.memory_space<vmem>>, vector<1x16xf32>,
      %swap3A_1186 = arith.index_cast %squeeze3A : i32 to index
      %swap3A_1187 = arith.constant 48 : index
      %swap3A_1188 = tpu.vector_load %arg8[%swap3A_1186, %swap3A_1187] {strides = array<i32>} : memref<513x128xf32, #tpu.memory_space<vmem>>, vector<1x16xf32>,
      %swap3A_1189 = vector.shape_cast %swap3A_1188 : vector<1x16xf32> to vector<16xf32>
      %swap3A_1190 = vector.shape_cast %get3A_984 : vector<16xf32> to vector<1x16xf32>
      tpu.vector_store %arg8[%swap3A_1186, %swap3A_1187], %swap3A_1190 {strides = array<i32>} : memref<513x128xf32, #tpu.memory_space<vmem>>, vector<1x16xf32>,
      %swap3A_1191 = arith.index_cast %squeeze3A : i32 to index
      %swap3A_1192 = arith.constant 64 : index
      %swap3A_1193 = tpu.vector_load %arg8[%swap3A_1191, %swap3A_1192] {strides = array<i32>} : memref<513x128xf32, #tpu.memory_space<vmem>>, vector<1x16xf32>,
      %swap3A_1194 = vector.shape_cast %swap3A_1193 : vector<1x16xf32> to vector<16xf32>
      %swap3A_1195 = vector.shape_cast %get3A_989 : vector<16xf32> to vector<1x16xf32>
      tpu.vector_store %arg8[%swap3A_1191, %swap3A_1192], %swap3A_1195 {strides = array<i32>} : memref<513x128xf32, #tpu.memory_space<vmem>>, vector<1x16xf32>,
      %swap3A_1196 = arith.index_cast %squeeze3A : i32 to index
      %swap3A_1197 = arith.constant 80 : index
      %swap3A_1198 = tpu.vector_load %arg8[%swap3A_1196, %swap3A_1197] {strides = array<i32>} : memref<513x128xf32, #tpu.memory_space<vmem>>, vector<1x16xf32>,
      %swap3A_1199 = vector.shape_cast %swap3A_1198 : vector<1x16xf32> to vector<16xf32>
      %swap3A_1200 = vector.shape_cast %get3A_994 : vector<16xf32> to vector<1x16xf32>
      tpu.vector_store %arg8[%swap3A_1196, %swap3A_1197], %swap3A_1200 {strides = array<i32>} : memref<513x128xf32, #tpu.memory_space<vmem>>, vector<1x16xf32>,
      %swap3A_1201 = arith.index_cast %squeeze3A : i32 to index
      %swap3A_1202 = arith.constant 96 : index
      %swap3A_1203 = tpu.vector_load %arg8[%swap3A_1201, %swap3A_1202] {strides = array<i32>} : memref<513x128xf32, #tpu.memory_space<vmem>>, vector<1x16xf32>,
      %swap3A_1204 = vector.shape_cast %swap3A_1203 : vector<1x16xf32> to vector<16xf32>
      %swap3A_1205 = vector.shape_cast %get3A_999 : vector<16xf32> to vector<1x16xf32>
      tpu.vector_store %arg8[%swap3A_1201, %swap3A_1202], %swap3A_1205 {strides = array<i32>} : memref<513x128xf32, #tpu.memory_space<vmem>>, vector<1x16xf32>,
      %swap3A_1206 = arith.index_cast %squeeze3A : i32 to index
      %swap3A_1207 = arith.constant 112 : index
      %swap3A_1208 = tpu.vector_load %arg8[%swap3A_1206, %swap3A_1207] {strides = array<i32>} : memref<513x128xf32, #tpu.memory_space<vmem>>, vector<1x16xf32>,
      %swap3A_1209 = vector.shape_cast %swap3A_1208 : vector<1x16xf32> to vector<16xf32>
      %swap3A_1210 = vector.shape_cast %get3A_1004 : vector<16xf32> to vector<1x16xf32>
      tpu.vector_store %arg8[%swap3A_1206, %swap3A_1207], %swap3A_1210 {strides = array<i32>} : memref<513x128xf32, #tpu.memory_space<vmem>>, vector<1x16xf32>,
      %slice3A_1211 = vector.extract_strided_slice %select_n3A_1170 {offsets = [1], sizes = [1], strides = [1]} : vector<16xi32> to vector<1xi32>
      %squeeze3A_1212 = vector.extract %slice3A_1211[0] : i32 from vector<1xi32>
      %swap3A_1213 = arith.index_cast %squeeze3A_1212 : i32 to index
      %swap3A_1214 = arith.constant 0 : index
      %swap3A_1215 = tpu.vector_load %arg8[%swap3A_1213, %swap3A_1214] {strides = array<i32>} : memref<513x128xf32, #tpu.memory_space<vmem>>, vector<1x16xf32>,
      %swap3A_1216 = vector.shape_cast %swap3A_1215 : vector<1x16xf32> to vector<16xf32>
      %swap3A_1217 = vector.shape_cast %get3A_969 : vector<16xf32> to vector<1x16xf32>
      tpu.vector_store %arg8[%swap3A_1213, %swap3A_1214], %swap3A_1217 {strides = array<i32>} : memref<513x128xf32, #tpu.memory_space<vmem>>, vector<1x16xf32>,
      %swap3A_1218 = arith.index_cast %squeeze3A_1212 : i32 to index
      %swap3A_1219 = arith.constant 16 : index
      %swap3A_1220 = tpu.vector_load %arg8[%swap3A_1218, %swap3A_1219] {strides = array<i32>} : memref<513x128xf32, #tpu.memory_space<vmem>>, vector<1x16xf32>,
      %swap3A_1221 = vector.shape_cast %swap3A_1220 : vector<1x16xf32> to vector<16xf32>
      %swap3A_1222 = vector.shape_cast %get3A_974 : vector<16xf32> to vector<1x16xf32>
      tpu.vector_store %arg8[%swap3A_1218, %swap3A_1219], %swap3A_1222 {strides = array<i32>} : memref<513x128xf32, #tpu.memory_space<vmem>>, vector<1x16xf32>,
      %swap3A_1223 = arith.index_cast %squeeze3A_1212 : i32 to index
      %swap3A_1224 = arith.constant 32 : index
      %swap3A_1225 = tpu.vector_load %arg8[%swap3A_1223, %swap3A_1224] {strides = array<i32>} : memref<513x128xf32, #tpu.memory_space<vmem>>, vector<1x16xf32>,
      %swap3A_1226 = vector.shape_cast %swap3A_1225 : vector<1x16xf32> to vector<16xf32>
      %swap3A_1227 = vector.shape_cast %get3A_979 : vector<16xf32> to vector<1x16xf32>
      tpu.vector_store %arg8[%swap3A_1223, %swap3A_1224], %swap3A_1227 {strides = array<i32>} : memref<513x128xf32, #tpu.memory_space<vmem>>, vector<1x16xf32>,
      %swap3A_1228 = arith.index_cast %squeeze3A_1212 : i32 to index
      %swap3A_1229 = arith.constant 48 : index
      %swap3A_1230 = tpu.vector_load %arg8[%swap3A_1228, %swap3A_1229] {strides = array<i32>} : memref<513x128xf32, #tpu.memory_space<vmem>>, vector<1x16xf32>,
      %swap3A_1231 = vector.shape_cast %swap3A_1230 : vector<1x16xf32> to vector<16xf32>
      %swap3A_1232 = vector.shape_cast %get3A_984 : vector<16xf32> to vector<1x16xf32>
      tpu.vector_store %arg8[%swap3A_1228, %swap3A_1229], %swap3A_1232 {strides = array<i32>} : memref<513x128xf32, #tpu.memory_space<vmem>>, vector<1x16xf32>,
      %swap3A_1233 = arith.index_cast %squeeze3A_1212 : i32 to index
      %swap3A_1234 = arith.constant 64 : index
      %swap3A_1235 = tpu.vector_load %arg8[%swap3A_1233, %swap3A_1234] {strides = array<i32>} : memref<513x128xf32, #tpu.memory_space<vmem>>, vector<1x16xf32>,
      %swap3A_1236 = vector.shape_cast %swap3A_1235 : vector<1x16xf32> to vector<16xf32>
      %swap3A_1237 = vector.shape_cast %get3A_989 : vector<16xf32> to vector<1x16xf32>
      tpu.vector_store %arg8[%swap3A_1233, %swap3A_1234], %swap3A_1237 {strides = array<i32>} : memref<513x128xf32, #tpu.memory_space<vmem>>, vector<1x16xf32>,
      %swap3A_1238 = arith.index_cast %squeeze3A_1212 : i32 to index
      %swap3A_1239 = arith.constant 80 : index
      %swap3A_1240 = tpu.vector_load %arg8[%swap3A_1238, %swap3A_1239] {strides = array<i32>} : memref<513x128xf32, #tpu.memory_space<vmem>>, vector<1x16xf32>,
      %swap3A_1241 = vector.shape_cast %swap3A_1240 : vector<1x16xf32> to vector<16xf32>
      %swap3A_1242 = vector.shape_cast %get3A_994 : vector<16xf32> to vector<1x16xf32>
      tpu.vector_store %arg8[%swap3A_1238, %swap3A_1239], %swap3A_1242 {strides = array<i32>} : memref<513x128xf32, #tpu.memory_space<vmem>>, vector<1x16xf32>,
      %swap3A_1243 = arith.index_cast %squeeze3A_1212 : i32 to index
      %swap3A_1244 = arith.constant 96 : index
      %swap3A_1245 = tpu.vector_load %arg8[%swap3A_1243, %swap3A_1244] {strides = array<i32>} : memref<513x128xf32, #tpu.memory_space<vmem>>, vector<1x16xf32>,
      %swap3A_1246 = vector.shape_cast %swap3A_1245 : vector<1x16xf32> to vector<16xf32>
      %swap3A_1247 = vector.shape_cast %get3A_999 : vector<16xf32> to vector<1x16xf32>
      tpu.vector_store %arg8[%swap3A_1243, %swap3A_1244], %swap3A_1247 {strides = array<i32>} : memref<513x128xf32, #tpu.memory_space<vmem>>, vector<1x16xf32>,
      %swap3A_1248 = arith.index_cast %squeeze3A_1212 : i32 to index
      %swap3A_1249 = arith.constant 112 : index
      %swap3A_1250 = tpu.vector_load %arg8[%swap3A_1248, %swap3A_1249] {strides = array<i32>} : memref<513x128xf32, #tpu.memory_space<vmem>>, vector<1x16xf32>,
      %swap3A_1251 = vector.shape_cast %swap3A_1250 : vector<1x16xf32> to vector<16xf32>
      %swap3A_1252 = vector.shape_cast %get3A_1004 : vector<16xf32> to vector<1x16xf32>
      tpu.vector_store %arg8[%swap3A_1248, %swap3A_1249], %swap3A_1252 {strides = array<i32>} : memref<513x128xf32, #tpu.memory_space<vmem>>, vector<1x16xf32>,
      %slice3A_1253 = vector.extract_strided_slice %select_n3A_1170 {offsets = [2], sizes = [1], strides = [1]} : vector<16xi32> to vector<1xi32>
      %squeeze3A_1254 = vector.extract %slice3A_1253[0] : i32 from vector<1xi32>
      %swap3A_1255 = arith.index_cast %squeeze3A_1254 : i32 to index
      %swap3A_1256 = arith.constant 0 : index
      %swap3A_1257 = tpu.vector_load %arg8[%swap3A_1255, %swap3A_1256] {strides = array<i32>} : memref<513x128xf32, #tpu.memory_space<vmem>>, vector<1x16xf32>,
      %swap3A_1258 = vector.shape_cast %swap3A_1257 : vector<1x16xf32> to vector<16xf32>
      %swap3A_1259 = vector.shape_cast %get3A_969 : vector<16xf32> to vector<1x16xf32>
      tpu.vector_store %arg8[%swap3A_1255, %swap3A_1256], %swap3A_1259 {strides = array<i32>} : memref<513x128xf32, #tpu.memory_space<vmem>>, vector<1x16xf32>,
      %swap3A_1260 = arith.index_cast %squeeze3A_1254 : i32 to index
      %swap3A_1261 = arith.constant 16 : index
      %swap3A_1262 = tpu.vector_load %arg8[%swap3A_1260, %swap3A_1261] {strides = array<i32>} : memref<513x128xf32, #tpu.memory_space<vmem>>, vector<1x16xf32>,
      %swap3A_1263 = vector.shape_cast %swap3A_1262 : vector<1x16xf32> to vector<16xf32>
      %swap3A_1264 = vector.shape_cast %get3A_974 : vector<16xf32> to vector<1x16xf32>
      tpu.vector_store %arg8[%swap3A_1260, %swap3A_1261], %swap3A_1264 {strides = array<i32>} : memref<513x128xf32, #tpu.memory_space<vmem>>, vector<1x16xf32>,
      %swap3A_1265 = arith.index_cast %squeeze3A_1254 : i32 to index
      %swap3A_1266 = arith.constant 32 : index
      %swap3A_1267 = tpu.vector_load %arg8[%swap3A_1265, %swap3A_1266] {strides = array<i32>} : memref<513x128xf32, #tpu.memory_space<vmem>>, vector<1x16xf32>,
      %swap3A_1268 = vector.shape_cast %swap3A_1267 : vector<1x16xf32> to vector<16xf32>
      %swap3A_1269 = vector.shape_cast %get3A_979 : vector<16xf32> to vector<1x16xf32>
      tpu.vector_store %arg8[%swap3A_1265, %swap3A_1266], %swap3A_1269 {strides = array<i32>} : memref<513x128xf32, #tpu.memory_space<vmem>>, vector<1x16xf32>,
      %swap3A_1270 = arith.index_cast %squeeze3A_1254 : i32 to index
      %swap3A_1271 = arith.constant 48 : index
      %swap3A_1272 = tpu.vector_load %arg8[%swap3A_1270, %swap3A_1271] {strides = array<i32>} : memref<513x128xf32, #tpu.memory_space<vmem>>, vector<1x16xf32>,
      %swap3A_1273 = vector.shape_cast %swap3A_1272 : vector<1x16xf32> to vector<16xf32>
      %swap3A_1274 = vector.shape_cast %get3A_984 : vector<16xf32> to vector<1x16xf32>
      tpu.vector_store %arg8[%swap3A_1270, %swap3A_1271], %swap3A_1274 {strides = array<i32>} : memref<513x128xf32, #tpu.memory_space<vmem>>, vector<1x16xf32>,
      %swap3A_1275 = arith.index_cast %squeeze3A_1254 : i32 to index
      %swap3A_1276 = arith.constant 64 : index
      %swap3A_1277 = tpu.vector_load %arg8[%swap3A_1275, %swap3A_1276] {strides = array<i32>} : memref<513x128xf32, #tpu.memory_space<vmem>>, vector<1x16xf32>,
      %swap3A_1278 = vector.shape_cast %swap3A_1277 : vector<1x16xf32> to vector<16xf32>
      %swap3A_1279 = vector.shape_cast %get3A_989 : vector<16xf32> to vector<1x16xf32>
      tpu.vector_store %arg8[%swap3A_1275, %swap3A_1276], %swap3A_1279 {strides = array<i32>} : memref<513x128xf32, #tpu.memory_space<vmem>>, vector<1x16xf32>,
      %swap3A_1280 = arith.index_cast %squeeze3A_1254 : i32 to index
      %swap3A_1281 = arith.constant 80 : index
      %swap3A_1282 = tpu.vector_load %arg8[%swap3A_1280, %swap3A_1281] {strides = array<i32>} : memref<513x128xf32, #tpu.memory_space<vmem>>, vector<1x16xf32>,
      %swap3A_1283 = vector.shape_cast %swap3A_1282 : vector<1x16xf32> to vector<16xf32>
      %swap3A_1284 = vector.shape_cast %get3A_994 : vector<16xf32> to vector<1x16xf32>
      tpu.vector_store %arg8[%swap3A_1280, %swap3A_1281], %swap3A_1284 {strides = array<i32>} : memref<513x128xf32, #tpu.memory_space<vmem>>, vector<1x16xf32>,
      %swap3A_1285 = arith.index_cast %squeeze3A_1254 : i32 to index
      %swap3A_1286 = arith.constant 96 : index
      %swap3A_1287 = tpu.vector_load %arg8[%swap3A_1285, %swap3A_1286] {strides = array<i32>} : memref<513x128xf32, #tpu.memory_space<vmem>>, vector<1x16xf32>,
      %swap3A_1288 = vector.shape_cast %swap3A_1287 : vector<1x16xf32> to vector<16xf32>
      %swap3A_1289 = vector.shape_cast %get3A_999 : vector<16xf32> to vector<1x16xf32>
      tpu.vector_store %arg8[%swap3A_1285, %swap3A_1286], %swap3A_1289 {strides = array<i32>} : memref<513x128xf32, #tpu.memory_space<vmem>>, vector<1x16xf32>,
      %swap3A_1290 = arith.index_cast %squeeze3A_1254 : i32 to index
      %swap3A_1291 = arith.constant 112 : index
      %swap3A_1292 = tpu.vector_load %arg8[%swap3A_1290, %swap3A_1291] {strides = array<i32>} : memref<513x128xf32, #tpu.memory_space<vmem>>, vector<1x16xf32>,
      %swap3A_1293 = vector.shape_cast %swap3A_1292 : vector<1x16xf32> to vector<16xf32>
      %swap3A_1294 = vector.shape_cast %get3A_1004 : vector<16xf32> to vector<1x16xf32>
      tpu.vector_store %arg8[%swap3A_1290, %swap3A_1291], %swap3A_1294 {strides = array<i32>} : memref<513x128xf32, #tpu.memory_space<vmem>>, vector<1x16xf32>,
      %slice3A_1295 = vector.extract_strided_slice %select_n3A_1170 {offsets = [3], sizes = [1], strides = [1]} : vector<16xi32> to vector<1xi32>
      %squeeze3A_1296 = vector.extract %slice3A_1295[0] : i32 from vector<1xi32>
      %swap3A_1297 = arith.index_cast %squeeze3A_1296 : i32 to index
      %swap3A_1298 = arith.constant 0 : index
      %swap3A_1299 = tpu.vector_load %arg8[%swap3A_1297, %swap3A_1298] {strides = array<i32>} : memref<513x128xf32, #tpu.memory_space<vmem>>, vector<1x16xf32>,
      %swap3A_1300 = vector.shape_cast %swap3A_1299 : vector<1x16xf32> to vector<16xf32>
      %swap3A_1301 = vector.shape_cast %get3A_969 : vector<16xf32> to vector<1x16xf32>
      tpu.vector_store %arg8[%swap3A_1297, %swap3A_1298], %swap3A_1301 {strides = array<i32>} : memref<513x128xf32, #tpu.memory_space<vmem>>, vector<1x16xf32>,
      %swap3A_1302 = arith.index_cast %squeeze3A_1296 : i32 to index
      %swap3A_1303 = arith.constant 16 : index
      %swap3A_1304 = tpu.vector_load %arg8[%swap3A_1302, %swap3A_1303] {strides = array<i32>} : memref<513x128xf32, #tpu.memory_space<vmem>>, vector<1x16xf32>,
      %swap3A_1305 = vector.shape_cast %swap3A_1304 : vector<1x16xf32> to vector<16xf32>
      %swap3A_1306 = vector.shape_cast %get3A_974 : vector<16xf32> to vector<1x16xf32>
      tpu.vector_store %arg8[%swap3A_1302, %swap3A_1303], %swap3A_1306 {strides = array<i32>} : memref<513x128xf32, #tpu.memory_space<vmem>>, vector<1x16xf32>,
      %swap3A_1307 = arith.index_cast %squeeze3A_1296 : i32 to index
      %swap3A_1308 = arith.constant 32 : index
      %swap3A_1309 = tpu.vector_load %arg8[%swap3A_1307, %swap3A_1308] {strides = array<i32>} : memref<513x128xf32, #tpu.memory_space<vmem>>, vector<1x16xf32>,
      %swap3A_1310 = vector.shape_cast %swap3A_1309 : vector<1x16xf32> to vector<16xf32>
      %swap3A_1311 = vector.shape_cast %get3A_979 : vector<16xf32> to vector<1x16xf32>
      tpu.vector_store %arg8[%swap3A_1307, %swap3A_1308], %swap3A_1311 {strides = array<i32>} : memref<513x128xf32, #tpu.memory_space<vmem>>, vector<1x16xf32>,
      %swap3A_1312 = arith.index_cast %squeeze3A_1296 : i32 to index
      %swap3A_1313 = arith.constant 48 : index
      %swap3A_1314 = tpu.vector_load %arg8[%swap3A_1312, %swap3A_1313] {strides = array<i32>} : memref<513x128xf32, #tpu.memory_space<vmem>>, vector<1x16xf32>,
      %swap3A_1315 = vector.shape_cast %swap3A_1314 : vector<1x16xf32> to vector<16xf32>
      %swap3A_1316 = vector.shape_cast %get3A_984 : vector<16xf32> to vector<1x16xf32>
      tpu.vector_store %arg8[%swap3A_1312, %swap3A_1313], %swap3A_1316 {strides = array<i32>} : memref<513x128xf32, #tpu.memory_space<vmem>>, vector<1x16xf32>,
      %swap3A_1317 = arith.index_cast %squeeze3A_1296 : i32 to index
      %swap3A_1318 = arith.constant 64 : index
      %swap3A_1319 = tpu.vector_load %arg8[%swap3A_1317, %swap3A_1318] {strides = array<i32>} : memref<513x128xf32, #tpu.memory_space<vmem>>, vector<1x16xf32>,
      %swap3A_1320 = vector.shape_cast %swap3A_1319 : vector<1x16xf32> to vector<16xf32>
      %swap3A_1321 = vector.shape_cast %get3A_989 : vector<16xf32> to vector<1x16xf32>
      tpu.vector_store %arg8[%swap3A_1317, %swap3A_1318], %swap3A_1321 {strides = array<i32>} : memref<513x128xf32, #tpu.memory_space<vmem>>, vector<1x16xf32>,
      %swap3A_1322 = arith.index_cast %squeeze3A_1296 : i32 to index
      %swap3A_1323 = arith.constant 80 : index
      %swap3A_1324 = tpu.vector_load %arg8[%swap3A_1322, %swap3A_1323] {strides = array<i32>} : memref<513x128xf32, #tpu.memory_space<vmem>>, vector<1x16xf32>,
      %swap3A_1325 = vector.shape_cast %swap3A_1324 : vector<1x16xf32> to vector<16xf32>
      %swap3A_1326 = vector.shape_cast %get3A_994 : vector<16xf32> to vector<1x16xf32>
      tpu.vector_store %arg8[%swap3A_1322, %swap3A_1323], %swap3A_1326 {strides = array<i32>} : memref<513x128xf32, #tpu.memory_space<vmem>>, vector<1x16xf32>,
      %swap3A_1327 = arith.index_cast %squeeze3A_1296 : i32 to index
      %swap3A_1328 = arith.constant 96 : index
      %swap3A_1329 = tpu.vector_load %arg8[%swap3A_1327, %swap3A_1328] {strides = array<i32>} : memref<513x128xf32, #tpu.memory_space<vmem>>, vector<1x16xf32>,
      %swap3A_1330 = vector.shape_cast %swap3A_1329 : vector<1x16xf32> to vector<16xf32>
      %swap3A_1331 = vector.shape_cast %get3A_999 : vector<16xf32> to vector<1x16xf32>
      tpu.vector_store %arg8[%swap3A_1327, %swap3A_1328], %swap3A_1331 {strides = array<i32>} : memref<513x128xf32, #tpu.memory_space<vmem>>, vector<1x16xf32>,
      %swap3A_1332 = arith.index_cast %squeeze3A_1296 : i32 to index
      %swap3A_1333 = arith.constant 112 : index
      %swap3A_1334 = tpu.vector_load %arg8[%swap3A_1332, %swap3A_1333] {strides = array<i32>} : memref<513x128xf32, #tpu.memory_space<vmem>>, vector<1x16xf32>,
      %swap3A_1335 = vector.shape_cast %swap3A_1334 : vector<1x16xf32> to vector<16xf32>
      %swap3A_1336 = vector.shape_cast %get3A_1004 : vector<16xf32> to vector<1x16xf32>
      tpu.vector_store %arg8[%swap3A_1332, %swap3A_1333], %swap3A_1336 {strides = array<i32>} : memref<513x128xf32, #tpu.memory_space<vmem>>, vector<1x16xf32>,
      %slice3A_1337 = vector.extract_strided_slice %select_n3A_1170 {offsets = [4], sizes = [1], strides = [1]} : vector<16xi32> to vector<1xi32>
      %squeeze3A_1338 = vector.extract %slice3A_1337[0] : i32 from vector<1xi32>
      %swap3A_1339 = arith.index_cast %squeeze3A_1338 : i32 to index
      %swap3A_1340 = arith.constant 0 : index
      %swap3A_1341 = tpu.vector_load %arg8[%swap3A_1339, %swap3A_1340] {strides = array<i32>} : memref<513x128xf32, #tpu.memory_space<vmem>>, vector<1x16xf32>,
      %swap3A_1342 = vector.shape_cast %swap3A_1341 : vector<1x16xf32> to vector<16xf32>
      %swap3A_1343 = vector.shape_cast %get3A_969 : vector<16xf32> to vector<1x16xf32>
      tpu.vector_store %arg8[%swap3A_1339, %swap3A_1340], %swap3A_1343 {strides = array<i32>} : memref<513x128xf32, #tpu.memory_space<vmem>>, vector<1x16xf32>,
      %swap3A_1344 = arith.index_cast %squeeze3A_1338 : i32 to index
      %swap3A_1345 = arith.constant 16 : index
      %swap3A_1346 = tpu.vector_load %arg8[%swap3A_1344, %swap3A_1345] {strides = array<i32>} : memref<513x128xf32, #tpu.memory_space<vmem>>, vector<1x16xf32>,
      %swap3A_1347 = vector.shape_cast %swap3A_1346 : vector<1x16xf32> to vector<16xf32>
      %swap3A_1348 = vector.shape_cast %get3A_974 : vector<16xf32> to vector<1x16xf32>
      tpu.vector_store %arg8[%swap3A_1344, %swap3A_1345], %swap3A_1348 {strides = array<i32>} : memref<513x128xf32, #tpu.memory_space<vmem>>, vector<1x16xf32>,
      %swap3A_1349 = arith.index_cast %squeeze3A_1338 : i32 to index
      %swap3A_1350 = arith.constant 32 : index
      %swap3A_1351 = tpu.vector_load %arg8[%swap3A_1349, %swap3A_1350] {strides = array<i32>} : memref<513x128xf32, #tpu.memory_space<vmem>>, vector<1x16xf32>,
      %swap3A_1352 = vector.shape_cast %swap3A_1351 : vector<1x16xf32> to vector<16xf32>
      %swap3A_1353 = vector.shape_cast %get3A_979 : vector<16xf32> to vector<1x16xf32>
      tpu.vector_store %arg8[%swap3A_1349, %swap3A_1350], %swap3A_1353 {strides = array<i32>} : memref<513x128xf32, #tpu.memory_space<vmem>>, vector<1x16xf32>,
      %swap3A_1354 = arith.index_cast %squeeze3A_1338 : i32 to index
      %swap3A_1355 = arith.constant 48 : index
      %swap3A_1356 = tpu.vector_load %arg8[%swap3A_1354, %swap3A_1355] {strides = array<i32>} : memref<513x128xf32, #tpu.memory_space<vmem>>, vector<1x16xf32>,
      %swap3A_1357 = vector.shape_cast %swap3A_1356 : vector<1x16xf32> to vector<16xf32>
      %swap3A_1358 = vector.shape_cast %get3A_984 : vector<16xf32> to vector<1x16xf32>
      tpu.vector_store %arg8[%swap3A_1354, %swap3A_1355], %swap3A_1358 {strides = array<i32>} : memref<513x128xf32, #tpu.memory_space<vmem>>, vector<1x16xf32>,
      %swap3A_1359 = arith.index_cast %squeeze3A_1338 : i32 to index
      %swap3A_1360 = arith.constant 64 : index
      %swap3A_1361 = tpu.vector_load %arg8[%swap3A_1359, %swap3A_1360] {strides = array<i32>} : memref<513x128xf32, #tpu.memory_space<vmem>>, vector<1x16xf32>,
      %swap3A_1362 = vector.shape_cast %swap3A_1361 : vector<1x16xf32> to vector<16xf32>
      %swap3A_1363 = vector.shape_cast %get3A_989 : vector<16xf32> to vector<1x16xf32>
      tpu.vector_store %arg8[%swap3A_1359, %swap3A_1360], %swap3A_1363 {strides = array<i32>} : memref<513x128xf32, #tpu.memory_space<vmem>>, vector<1x16xf32>,
      %swap3A_1364 = arith.index_cast %squeeze3A_1338 : i32 to index
      %swap3A_1365 = arith.constant 80 : index
      %swap3A_1366 = tpu.vector_load %arg8[%swap3A_1364, %swap3A_1365] {strides = array<i32>} : memref<513x128xf32, #tpu.memory_space<vmem>>, vector<1x16xf32>,
      %swap3A_1367 = vector.shape_cast %swap3A_1366 : vector<1x16xf32> to vector<16xf32>
      %swap3A_1368 = vector.shape_cast %get3A_994 : vector<16xf32> to vector<1x16xf32>
      tpu.vector_store %arg8[%swap3A_1364, %swap3A_1365], %swap3A_1368 {strides = array<i32>} : memref<513x128xf32, #tpu.memory_space<vmem>>, vector<1x16xf32>,
      %swap3A_1369 = arith.index_cast %squeeze3A_1338 : i32 to index
      %swap3A_1370 = arith.constant 96 : index
      %swap3A_1371 = tpu.vector_load %arg8[%swap3A_1369, %swap3A_1370] {strides = array<i32>} : memref<513x128xf32, #tpu.memory_space<vmem>>, vector<1x16xf32>,
      %swap3A_1372 = vector.shape_cast %swap3A_1371 : vector<1x16xf32> to vector<16xf32>
      %swap3A_1373 = vector.shape_cast %get3A_999 : vector<16xf32> to vector<1x16xf32>
      tpu.vector_store %arg8[%swap3A_1369, %swap3A_1370], %swap3A_1373 {strides = array<i32>} : memref<513x128xf32, #tpu.memory_space<vmem>>, vector<1x16xf32>,
      %swap3A_1374 = arith.index_cast %squeeze3A_1338 : i32 to index
      %swap3A_1375 = arith.constant 112 : index
      %swap3A_1376 = tpu.vector_load %arg8[%swap3A_1374, %swap3A_1375] {strides = array<i32>} : memref<513x128xf32, #tpu.memory_space<vmem>>, vector<1x16xf32>,
      %swap3A_1377 = vector.shape_cast %swap3A_1376 : vector<1x16xf32> to vector<16xf32>
      %swap3A_1378 = vector.shape_cast %get3A_1004 : vector<16xf32> to vector<1x16xf32>
      tpu.vector_store %arg8[%swap3A_1374, %swap3A_1375], %swap3A_1378 {strides = array<i32>} : memref<513x128xf32, #tpu.memory_space<vmem>>, vector<1x16xf32>,
      %slice3A_1379 = vector.extract_strided_slice %select_n3A_1170 {offsets = [5], sizes = [1], strides = [1]} : vector<16xi32> to vector<1xi32>
      %squeeze3A_1380 = vector.extract %slice3A_1379[0] : i32 from vector<1xi32>
      %swap3A_1381 = arith.index_cast %squeeze3A_1380 : i32 to index
      %swap3A_1382 = arith.constant 0 : index
      %swap3A_1383 = tpu.vector_load %arg8[%swap3A_1381, %swap3A_1382] {strides = array<i32>} : memref<513x128xf32, #tpu.memory_space<vmem>>, vector<1x16xf32>,
      %swap3A_1384 = vector.shape_cast %swap3A_1383 : vector<1x16xf32> to vector<16xf32>
      %swap3A_1385 = vector.shape_cast %get3A_969 : vector<16xf32> to vector<1x16xf32>
      tpu.vector_store %arg8[%swap3A_1381, %swap3A_1382], %swap3A_1385 {strides = array<i32>} : memref<513x128xf32, #tpu.memory_space<vmem>>, vector<1x16xf32>,
      %swap3A_1386 = arith.index_cast %squeeze3A_1380 : i32 to index
      %swap3A_1387 = arith.constant 16 : index
      %swap3A_1388 = tpu.vector_load %arg8[%swap3A_1386, %swap3A_1387] {strides = array<i32>} : memref<513x128xf32, #tpu.memory_space<vmem>>, vector<1x16xf32>,
      %swap3A_1389 = vector.shape_cast %swap3A_1388 : vector<1x16xf32> to vector<16xf32>
      %swap3A_1390 = vector.shape_cast %get3A_974 : vector<16xf32> to vector<1x16xf32>
      tpu.vector_store %arg8[%swap3A_1386, %swap3A_1387], %swap3A_1390 {strides = array<i32>} : memref<513x128xf32, #tpu.memory_space<vmem>>, vector<1x16xf32>,
      %swap3A_1391 = arith.index_cast %squeeze3A_1380 : i32 to index
      %swap3A_1392 = arith.constant 32 : index
      %swap3A_1393 = tpu.vector_load %arg8[%swap3A_1391, %swap3A_1392] {strides = array<i32>} : memref<513x128xf32, #tpu.memory_space<vmem>>, vector<1x16xf32>,
      %swap3A_1394 = vector.shape_cast %swap3A_1393 : vector<1x16xf32> to vector<16xf32>
      %swap3A_1395 = vector.shape_cast %get3A_979 : vector<16xf32> to vector<1x16xf32>
      tpu.vector_store %arg8[%swap3A_1391, %swap3A_1392], %swap3A_1395 {strides = array<i32>} : memref<513x128xf32, #tpu.memory_space<vmem>>, vector<1x16xf32>,
      %swap3A_1396 = arith.index_cast %squeeze3A_1380 : i32 to index
      %swap3A_1397 = arith.constant 48 : index
      %swap3A_1398 = tpu.vector_load %arg8[%swap3A_1396, %swap3A_1397] {strides = array<i32>} : memref<513x128xf32, #tpu.memory_space<vmem>>, vector<1x16xf32>,
      %swap3A_1399 = vector.shape_cast %swap3A_1398 : vector<1x16xf32> to vector<16xf32>
      %swap3A_1400 = vector.shape_cast %get3A_984 : vector<16xf32> to vector<1x16xf32>
      tpu.vector_store %arg8[%swap3A_1396, %swap3A_1397], %swap3A_1400 {strides = array<i32>} : memref<513x128xf32, #tpu.memory_space<vmem>>, vector<1x16xf32>,
      %swap3A_1401 = arith.index_cast %squeeze3A_1380 : i32 to index
      %swap3A_1402 = arith.constant 64 : index
      %swap3A_1403 = tpu.vector_load %arg8[%swap3A_1401, %swap3A_1402] {strides = array<i32>} : memref<513x128xf32, #tpu.memory_space<vmem>>, vector<1x16xf32>,
      %swap3A_1404 = vector.shape_cast %swap3A_1403 : vector<1x16xf32> to vector<16xf32>
      %swap3A_1405 = vector.shape_cast %get3A_989 : vector<16xf32> to vector<1x16xf32>
      tpu.vector_store %arg8[%swap3A_1401, %swap3A_1402], %swap3A_1405 {strides = array<i32>} : memref<513x128xf32, #tpu.memory_space<vmem>>, vector<1x16xf32>,
      %swap3A_1406 = arith.index_cast %squeeze3A_1380 : i32 to index
      %swap3A_1407 = arith.constant 80 : index
      %swap3A_1408 = tpu.vector_load %arg8[%swap3A_1406, %swap3A_1407] {strides = array<i32>} : memref<513x128xf32, #tpu.memory_space<vmem>>, vector<1x16xf32>,
      %swap3A_1409 = vector.shape_cast %swap3A_1408 : vector<1x16xf32> to vector<16xf32>
      %swap3A_1410 = vector.shape_cast %get3A_994 : vector<16xf32> to vector<1x16xf32>
      tpu.vector_store %arg8[%swap3A_1406, %swap3A_1407], %swap3A_1410 {strides = array<i32>} : memref<513x128xf32, #tpu.memory_space<vmem>>, vector<1x16xf32>,
      %swap3A_1411 = arith.index_cast %squeeze3A_1380 : i32 to index
      %swap3A_1412 = arith.constant 96 : index
      %swap3A_1413 = tpu.vector_load %arg8[%swap3A_1411, %swap3A_1412] {strides = array<i32>} : memref<513x128xf32, #tpu.memory_space<vmem>>, vector<1x16xf32>,
      %swap3A_1414 = vector.shape_cast %swap3A_1413 : vector<1x16xf32> to vector<16xf32>
      %swap3A_1415 = vector.shape_cast %get3A_999 : vector<16xf32> to vector<1x16xf32>
      tpu.vector_store %arg8[%swap3A_1411, %swap3A_1412], %swap3A_1415 {strides = array<i32>} : memref<513x128xf32, #tpu.memory_space<vmem>>, vector<1x16xf32>,
      %swap3A_1416 = arith.index_cast %squeeze3A_1380 : i32 to index
      %swap3A_1417 = arith.constant 112 : index
      %swap3A_1418 = tpu.vector_load %arg8[%swap3A_1416, %swap3A_1417] {strides = array<i32>} : memref<513x128xf32, #tpu.memory_space<vmem>>, vector<1x16xf32>,
      %swap3A_1419 = vector.shape_cast %swap3A_1418 : vector<1x16xf32> to vector<16xf32>
      %swap3A_1420 = vector.shape_cast %get3A_1004 : vector<16xf32> to vector<1x16xf32>
      tpu.vector_store %arg8[%swap3A_1416, %swap3A_1417], %swap3A_1420 {strides = array<i32>} : memref<513x128xf32, #tpu.memory_space<vmem>>, vector<1x16xf32>,
      %slice3A_1421 = vector.extract_strided_slice %select_n3A_1170 {offsets = [6], sizes = [1], strides = [1]} : vector<16xi32> to vector<1xi32>
      %squeeze3A_1422 = vector.extract %slice3A_1421[0] : i32 from vector<1xi32>
      %swap3A_1423 = arith.index_cast %squeeze3A_1422 : i32 to index
      %swap3A_1424 = arith.constant 0 : index
      %swap3A_1425 = tpu.vector_load %arg8[%swap3A_1423, %swap3A_1424] {strides = array<i32>} : memref<513x128xf32, #tpu.memory_space<vmem>>, vector<1x16xf32>,
      %swap3A_1426 = vector.shape_cast %swap3A_1425 : vector<1x16xf32> to vector<16xf32>
      %swap3A_1427 = vector.shape_cast %get3A_969 : vector<16xf32> to vector<1x16xf32>
      tpu.vector_store %arg8[%swap3A_1423, %swap3A_1424], %swap3A_1427 {strides = array<i32>} : memref<513x128xf32, #tpu.memory_space<vmem>>, vector<1x16xf32>,
      %swap3A_1428 = arith.index_cast %squeeze3A_1422 : i32 to index
      %swap3A_1429 = arith.constant 16 : index
      %swap3A_1430 = tpu.vector_load %arg8[%swap3A_1428, %swap3A_1429] {strides = array<i32>} : memref<513x128xf32, #tpu.memory_space<vmem>>, vector<1x16xf32>,
      %swap3A_1431 = vector.shape_cast %swap3A_1430 : vector<1x16xf32> to vector<16xf32>
      %swap3A_1432 = vector.shape_cast %get3A_974 : vector<16xf32> to vector<1x16xf32>
      tpu.vector_store %arg8[%swap3A_1428, %swap3A_1429], %swap3A_1432 {strides = array<i32>} : memref<513x128xf32, #tpu.memory_space<vmem>>, vector<1x16xf32>,
      %swap3A_1433 = arith.index_cast %squeeze3A_1422 : i32 to index
      %swap3A_1434 = arith.constant 32 : index
      %swap3A_1435 = tpu.vector_load %arg8[%swap3A_1433, %swap3A_1434] {strides = array<i32>} : memref<513x128xf32, #tpu.memory_space<vmem>>, vector<1x16xf32>,
      %swap3A_1436 = vector.shape_cast %swap3A_1435 : vector<1x16xf32> to vector<16xf32>
      %swap3A_1437 = vector.shape_cast %get3A_979 : vector<16xf32> to vector<1x16xf32>
      tpu.vector_store %arg8[%swap3A_1433, %swap3A_1434], %swap3A_1437 {strides = array<i32>} : memref<513x128xf32, #tpu.memory_space<vmem>>, vector<1x16xf32>,
      %swap3A_1438 = arith.index_cast %squeeze3A_1422 : i32 to index
      %swap3A_1439 = arith.constant 48 : index
      %swap3A_1440 = tpu.vector_load %arg8[%swap3A_1438, %swap3A_1439] {strides = array<i32>} : memref<513x128xf32, #tpu.memory_space<vmem>>, vector<1x16xf32>,
      %swap3A_1441 = vector.shape_cast %swap3A_1440 : vector<1x16xf32> to vector<16xf32>
      %swap3A_1442 = vector.shape_cast %get3A_984 : vector<16xf32> to vector<1x16xf32>
      tpu.vector_store %arg8[%swap3A_1438, %swap3A_1439], %swap3A_1442 {strides = array<i32>} : memref<513x128xf32, #tpu.memory_space<vmem>>, vector<1x16xf32>,
      %swap3A_1443 = arith.index_cast %squeeze3A_1422 : i32 to index
      %swap3A_1444 = arith.constant 64 : index
      %swap3A_1445 = tpu.vector_load %arg8[%swap3A_1443, %swap3A_1444] {strides = array<i32>} : memref<513x128xf32, #tpu.memory_space<vmem>>, vector<1x16xf32>,
      %swap3A_1446 = vector.shape_cast %swap3A_1445 : vector<1x16xf32> to vector<16xf32>
      %swap3A_1447 = vector.shape_cast %get3A_989 : vector<16xf32> to vector<1x16xf32>
      tpu.vector_store %arg8[%swap3A_1443, %swap3A_1444], %swap3A_1447 {strides = array<i32>} : memref<513x128xf32, #tpu.memory_space<vmem>>, vector<1x16xf32>,
      %swap3A_1448 = arith.index_cast %squeeze3A_1422 : i32 to index
      %swap3A_1449 = arith.constant 80 : index
      %swap3A_1450 = tpu.vector_load %arg8[%swap3A_1448, %swap3A_1449] {strides = array<i32>} : memref<513x128xf32, #tpu.memory_space<vmem>>, vector<1x16xf32>,
      %swap3A_1451 = vector.shape_cast %swap3A_1450 : vector<1x16xf32> to vector<16xf32>
      %swap3A_1452 = vector.shape_cast %get3A_994 : vector<16xf32> to vector<1x16xf32>
      tpu.vector_store %arg8[%swap3A_1448, %swap3A_1449], %swap3A_1452 {strides = array<i32>} : memref<513x128xf32, #tpu.memory_space<vmem>>, vector<1x16xf32>,
      %swap3A_1453 = arith.index_cast %squeeze3A_1422 : i32 to index
      %swap3A_1454 = arith.constant 96 : index
      %swap3A_1455 = tpu.vector_load %arg8[%swap3A_1453, %swap3A_1454] {strides = array<i32>} : memref<513x128xf32, #tpu.memory_space<vmem>>, vector<1x16xf32>,
      %swap3A_1456 = vector.shape_cast %swap3A_1455 : vector<1x16xf32> to vector<16xf32>
      %swap3A_1457 = vector.shape_cast %get3A_999 : vector<16xf32> to vector<1x16xf32>
      tpu.vector_store %arg8[%swap3A_1453, %swap3A_1454], %swap3A_1457 {strides = array<i32>} : memref<513x128xf32, #tpu.memory_space<vmem>>, vector<1x16xf32>,
      %swap3A_1458 = arith.index_cast %squeeze3A_1422 : i32 to index
      %swap3A_1459 = arith.constant 112 : index
      %swap3A_1460 = tpu.vector_load %arg8[%swap3A_1458, %swap3A_1459] {strides = array<i32>} : memref<513x128xf32, #tpu.memory_space<vmem>>, vector<1x16xf32>,
      %swap3A_1461 = vector.shape_cast %swap3A_1460 : vector<1x16xf32> to vector<16xf32>
      %swap3A_1462 = vector.shape_cast %get3A_1004 : vector<16xf32> to vector<1x16xf32>
      tpu.vector_store %arg8[%swap3A_1458, %swap3A_1459], %swap3A_1462 {strides = array<i32>} : memref<513x128xf32, #tpu.memory_space<vmem>>, vector<1x16xf32>,
      %slice3A_1463 = vector.extract_strided_slice %select_n3A_1170 {offsets = [7], sizes = [1], strides = [1]} : vector<16xi32> to vector<1xi32>
      %squeeze3A_1464 = vector.extract %slice3A_1463[0] : i32 from vector<1xi32>
      %swap3A_1465 = arith.index_cast %squeeze3A_1464 : i32 to index
      %swap3A_1466 = arith.constant 0 : index
      %swap3A_1467 = tpu.vector_load %arg8[%swap3A_1465, %swap3A_1466] {strides = array<i32>} : memref<513x128xf32, #tpu.memory_space<vmem>>, vector<1x16xf32>,
      %swap3A_1468 = vector.shape_cast %swap3A_1467 : vector<1x16xf32> to vector<16xf32>
      %swap3A_1469 = vector.shape_cast %get3A_969 : vector<16xf32> to vector<1x16xf32>
      tpu.vector_store %arg8[%swap3A_1465, %swap3A_1466], %swap3A_1469 {strides = array<i32>} : memref<513x128xf32, #tpu.memory_space<vmem>>, vector<1x16xf32>,
      %swap3A_1470 = arith.index_cast %squeeze3A_1464 : i32 to index
      %swap3A_1471 = arith.constant 16 : index
      %swap3A_1472 = tpu.vector_load %arg8[%swap3A_1470, %swap3A_1471] {strides = array<i32>} : memref<513x128xf32, #tpu.memory_space<vmem>>, vector<1x16xf32>,
      %swap3A_1473 = vector.shape_cast %swap3A_1472 : vector<1x16xf32> to vector<16xf32>
      %swap3A_1474 = vector.shape_cast %get3A_974 : vector<16xf32> to vector<1x16xf32>
      tpu.vector_store %arg8[%swap3A_1470, %swap3A_1471], %swap3A_1474 {strides = array<i32>} : memref<513x128xf32, #tpu.memory_space<vmem>>, vector<1x16xf32>,
      %swap3A_1475 = arith.index_cast %squeeze3A_1464 : i32 to index
      %swap3A_1476 = arith.constant 32 : index
      %swap3A_1477 = tpu.vector_load %arg8[%swap3A_1475, %swap3A_1476] {strides = array<i32>} : memref<513x128xf32, #tpu.memory_space<vmem>>, vector<1x16xf32>,
      %swap3A_1478 = vector.shape_cast %swap3A_1477 : vector<1x16xf32> to vector<16xf32>
      %swap3A_1479 = vector.shape_cast %get3A_979 : vector<16xf32> to vector<1x16xf32>
      tpu.vector_store %arg8[%swap3A_1475, %swap3A_1476], %swap3A_1479 {strides = array<i32>} : memref<513x128xf32, #tpu.memory_space<vmem>>, vector<1x16xf32>,
      %swap3A_1480 = arith.index_cast %squeeze3A_1464 : i32 to index
      %swap3A_1481 = arith.constant 48 : index
      %swap3A_1482 = tpu.vector_load %arg8[%swap3A_1480, %swap3A_1481] {strides = array<i32>} : memref<513x128xf32, #tpu.memory_space<vmem>>, vector<1x16xf32>,
      %swap3A_1483 = vector.shape_cast %swap3A_1482 : vector<1x16xf32> to vector<16xf32>
      %swap3A_1484 = vector.shape_cast %get3A_984 : vector<16xf32> to vector<1x16xf32>
      tpu.vector_store %arg8[%swap3A_1480, %swap3A_1481], %swap3A_1484 {strides = array<i32>} : memref<513x128xf32, #tpu.memory_space<vmem>>, vector<1x16xf32>,
      %swap3A_1485 = arith.index_cast %squeeze3A_1464 : i32 to index
      %swap3A_1486 = arith.constant 64 : index
      %swap3A_1487 = tpu.vector_load %arg8[%swap3A_1485, %swap3A_1486] {strides = array<i32>} : memref<513x128xf32, #tpu.memory_space<vmem>>, vector<1x16xf32>,
      %swap3A_1488 = vector.shape_cast %swap3A_1487 : vector<1x16xf32> to vector<16xf32>
      %swap3A_1489 = vector.shape_cast %get3A_989 : vector<16xf32> to vector<1x16xf32>
      tpu.vector_store %arg8[%swap3A_1485, %swap3A_1486], %swap3A_1489 {strides = array<i32>} : memref<513x128xf32, #tpu.memory_space<vmem>>, vector<1x16xf32>,
      %swap3A_1490 = arith.index_cast %squeeze3A_1464 : i32 to index
      %swap3A_1491 = arith.constant 80 : index
      %swap3A_1492 = tpu.vector_load %arg8[%swap3A_1490, %swap3A_1491] {strides = array<i32>} : memref<513x128xf32, #tpu.memory_space<vmem>>, vector<1x16xf32>,
      %swap3A_1493 = vector.shape_cast %swap3A_1492 : vector<1x16xf32> to vector<16xf32>
      %swap3A_1494 = vector.shape_cast %get3A_994 : vector<16xf32> to vector<1x16xf32>
      tpu.vector_store %arg8[%swap3A_1490, %swap3A_1491], %swap3A_1494 {strides = array<i32>} : memref<513x128xf32, #tpu.memory_space<vmem>>, vector<1x16xf32>,
      %swap3A_1495 = arith.index_cast %squeeze3A_1464 : i32 to index
      %swap3A_1496 = arith.constant 96 : index
      %swap3A_1497 = tpu.vector_load %arg8[%swap3A_1495, %swap3A_1496] {strides = array<i32>} : memref<513x128xf32, #tpu.memory_space<vmem>>, vector<1x16xf32>,
      %swap3A_1498 = vector.shape_cast %swap3A_1497 : vector<1x16xf32> to vector<16xf32>
      %swap3A_1499 = vector.shape_cast %get3A_999 : vector<16xf32> to vector<1x16xf32>
      tpu.vector_store %arg8[%swap3A_1495, %swap3A_1496], %swap3A_1499 {strides = array<i32>} : memref<513x128xf32, #tpu.memory_space<vmem>>, vector<1x16xf32>,
      %swap3A_1500 = arith.index_cast %squeeze3A_1464 : i32 to index
      %swap3A_1501 = arith.constant 112 : index
      %swap3A_1502 = tpu.vector_load %arg8[%swap3A_1500, %swap3A_1501] {strides = array<i32>} : memref<513x128xf32, #tpu.memory_space<vmem>>, vector<1x16xf32>,
      %swap3A_1503 = vector.shape_cast %swap3A_1502 : vector<1x16xf32> to vector<16xf32>
      %swap3A_1504 = vector.shape_cast %get3A_1004 : vector<16xf32> to vector<1x16xf32>
      tpu.vector_store %arg8[%swap3A_1500, %swap3A_1501], %swap3A_1504 {strides = array<i32>} : memref<513x128xf32, #tpu.memory_space<vmem>>, vector<1x16xf32>,
      %slice3A_1505 = vector.extract_strided_slice %select_n3A_1170 {offsets = [8], sizes = [1], strides = [1]} : vector<16xi32> to vector<1xi32>
      %squeeze3A_1506 = vector.extract %slice3A_1505[0] : i32 from vector<1xi32>
      %swap3A_1507 = arith.index_cast %squeeze3A_1506 : i32 to index
      %swap3A_1508 = arith.constant 0 : index
      %swap3A_1509 = tpu.vector_load %arg8[%swap3A_1507, %swap3A_1508] {strides = array<i32>} : memref<513x128xf32, #tpu.memory_space<vmem>>, vector<1x16xf32>,
      %swap3A_1510 = vector.shape_cast %swap3A_1509 : vector<1x16xf32> to vector<16xf32>
      %swap3A_1511 = vector.shape_cast %get3A_969 : vector<16xf32> to vector<1x16xf32>
      tpu.vector_store %arg8[%swap3A_1507, %swap3A_1508], %swap3A_1511 {strides = array<i32>} : memref<513x128xf32, #tpu.memory_space<vmem>>, vector<1x16xf32>,
      %swap3A_1512 = arith.index_cast %squeeze3A_1506 : i32 to index
      %swap3A_1513 = arith.constant 16 : index
      %swap3A_1514 = tpu.vector_load %arg8[%swap3A_1512, %swap3A_1513] {strides = array<i32>} : memref<513x128xf32, #tpu.memory_space<vmem>>, vector<1x16xf32>,
      %swap3A_1515 = vector.shape_cast %swap3A_1514 : vector<1x16xf32> to vector<16xf32>
      %swap3A_1516 = vector.shape_cast %get3A_974 : vector<16xf32> to vector<1x16xf32>
      tpu.vector_store %arg8[%swap3A_1512, %swap3A_1513], %swap3A_1516 {strides = array<i32>} : memref<513x128xf32, #tpu.memory_space<vmem>>, vector<1x16xf32>,
      %swap3A_1517 = arith.index_cast %squeeze3A_1506 : i32 to index
      %swap3A_1518 = arith.constant 32 : index
      %swap3A_1519 = tpu.vector_load %arg8[%swap3A_1517, %swap3A_1518] {strides = array<i32>} : memref<513x128xf32, #tpu.memory_space<vmem>>, vector<1x16xf32>,
      %swap3A_1520 = vector.shape_cast %swap3A_1519 : vector<1x16xf32> to vector<16xf32>
      %swap3A_1521 = vector.shape_cast %get3A_979 : vector<16xf32> to vector<1x16xf32>
      tpu.vector_store %arg8[%swap3A_1517, %swap3A_1518], %swap3A_1521 {strides = array<i32>} : memref<513x128xf32, #tpu.memory_space<vmem>>, vector<1x16xf32>,
      %swap3A_1522 = arith.index_cast %squeeze3A_1506 : i32 to index
      %swap3A_1523 = arith.constant 48 : index
      %swap3A_1524 = tpu.vector_load %arg8[%swap3A_1522, %swap3A_1523] {strides = array<i32>} : memref<513x128xf32, #tpu.memory_space<vmem>>, vector<1x16xf32>,
      %swap3A_1525 = vector.shape_cast %swap3A_1524 : vector<1x16xf32> to vector<16xf32>
      %swap3A_1526 = vector.shape_cast %get3A_984 : vector<16xf32> to vector<1x16xf32>
      tpu.vector_store %arg8[%swap3A_1522, %swap3A_1523], %swap3A_1526 {strides = array<i32>} : memref<513x128xf32, #tpu.memory_space<vmem>>, vector<1x16xf32>,
      %swap3A_1527 = arith.index_cast %squeeze3A_1506 : i32 to index
      %swap3A_1528 = arith.constant 64 : index
      %swap3A_1529 = tpu.vector_load %arg8[%swap3A_1527, %swap3A_1528] {strides = array<i32>} : memref<513x128xf32, #tpu.memory_space<vmem>>, vector<1x16xf32>,
      %swap3A_1530 = vector.shape_cast %swap3A_1529 : vector<1x16xf32> to vector<16xf32>
      %swap3A_1531 = vector.shape_cast %get3A_989 : vector<16xf32> to vector<1x16xf32>
      tpu.vector_store %arg8[%swap3A_1527, %swap3A_1528], %swap3A_1531 {strides = array<i32>} : memref<513x128xf32, #tpu.memory_space<vmem>>, vector<1x16xf32>,
      %swap3A_1532 = arith.index_cast %squeeze3A_1506 : i32 to index
      %swap3A_1533 = arith.constant 80 : index
      %swap3A_1534 = tpu.vector_load %arg8[%swap3A_1532, %swap3A_1533] {strides = array<i32>} : memref<513x128xf32, #tpu.memory_space<vmem>>, vector<1x16xf32>,
      %swap3A_1535 = vector.shape_cast %swap3A_1534 : vector<1x16xf32> to vector<16xf32>
      %swap3A_1536 = vector.shape_cast %get3A_994 : vector<16xf32> to vector<1x16xf32>
      tpu.vector_store %arg8[%swap3A_1532, %swap3A_1533], %swap3A_1536 {strides = array<i32>} : memref<513x128xf32, #tpu.memory_space<vmem>>, vector<1x16xf32>,
      %swap3A_1537 = arith.index_cast %squeeze3A_1506 : i32 to index
      %swap3A_1538 = arith.constant 96 : index
      %swap3A_1539 = tpu.vector_load %arg8[%swap3A_1537, %swap3A_1538] {strides = array<i32>} : memref<513x128xf32, #tpu.memory_space<vmem>>, vector<1x16xf32>,
      %swap3A_1540 = vector.shape_cast %swap3A_1539 : vector<1x16xf32> to vector<16xf32>
      %swap3A_1541 = vector.shape_cast %get3A_999 : vector<16xf32> to vector<1x16xf32>
      tpu.vector_store %arg8[%swap3A_1537, %swap3A_1538], %swap3A_1541 {strides = array<i32>} : memref<513x128xf32, #tpu.memory_space<vmem>>, vector<1x16xf32>,
      %swap3A_1542 = arith.index_cast %squeeze3A_1506 : i32 to index
      %swap3A_1543 = arith.constant 112 : index
      %swap3A_1544 = tpu.vector_load %arg8[%swap3A_1542, %swap3A_1543] {strides = array<i32>} : memref<513x128xf32, #tpu.memory_space<vmem>>, vector<1x16xf32>,
      %swap3A_1545 = vector.shape_cast %swap3A_1544 : vector<1x16xf32> to vector<16xf32>
      %swap3A_1546 = vector.shape_cast %get3A_1004 : vector<16xf32> to vector<1x16xf32>
      tpu.vector_store %arg8[%swap3A_1542, %swap3A_1543], %swap3A_1546 {strides = array<i32>} : memref<513x128xf32, #tpu.memory_space<vmem>>, vector<1x16xf32>,
      %slice3A_1547 = vector.extract_strided_slice %select_n3A_1170 {offsets = [9], sizes = [1], strides = [1]} : vector<16xi32> to vector<1xi32>
      %squeeze3A_1548 = vector.extract %slice3A_1547[0] : i32 from vector<1xi32>
      %swap3A_1549 = arith.index_cast %squeeze3A_1548 : i32 to index
      %swap3A_1550 = arith.constant 0 : index
      %swap3A_1551 = tpu.vector_load %arg8[%swap3A_1549, %swap3A_1550] {strides = array<i32>} : memref<513x128xf32, #tpu.memory_space<vmem>>, vector<1x16xf32>,
      %swap3A_1552 = vector.shape_cast %swap3A_1551 : vector<1x16xf32> to vector<16xf32>
      %swap3A_1553 = vector.shape_cast %get3A_969 : vector<16xf32> to vector<1x16xf32>
      tpu.vector_store %arg8[%swap3A_1549, %swap3A_1550], %swap3A_1553 {strides = array<i32>} : memref<513x128xf32, #tpu.memory_space<vmem>>, vector<1x16xf32>,
      %swap3A_1554 = arith.index_cast %squeeze3A_1548 : i32 to index
      %swap3A_1555 = arith.constant 16 : index
      %swap3A_1556 = tpu.vector_load %arg8[%swap3A_1554, %swap3A_1555] {strides = array<i32>} : memref<513x128xf32, #tpu.memory_space<vmem>>, vector<1x16xf32>,
      %swap3A_1557 = vector.shape_cast %swap3A_1556 : vector<1x16xf32> to vector<16xf32>
      %swap3A_1558 = vector.shape_cast %get3A_974 : vector<16xf32> to vector<1x16xf32>
      tpu.vector_store %arg8[%swap3A_1554, %swap3A_1555], %swap3A_1558 {strides = array<i32>} : memref<513x128xf32, #tpu.memory_space<vmem>>, vector<1x16xf32>,
      %swap3A_1559 = arith.index_cast %squeeze3A_1548 : i32 to index
      %swap3A_1560 = arith.constant 32 : index
      %swap3A_1561 = tpu.vector_load %arg8[%swap3A_1559, %swap3A_1560] {strides = array<i32>} : memref<513x128xf32, #tpu.memory_space<vmem>>, vector<1x16xf32>,
      %swap3A_1562 = vector.shape_cast %swap3A_1561 : vector<1x16xf32> to vector<16xf32>
      %swap3A_1563 = vector.shape_cast %get3A_979 : vector<16xf32> to vector<1x16xf32>
      tpu.vector_store %arg8[%swap3A_1559, %swap3A_1560], %swap3A_1563 {strides = array<i32>} : memref<513x128xf32, #tpu.memory_space<vmem>>, vector<1x16xf32>,
      %swap3A_1564 = arith.index_cast %squeeze3A_1548 : i32 to index
      %swap3A_1565 = arith.constant 48 : index
      %swap3A_1566 = tpu.vector_load %arg8[%swap3A_1564, %swap3A_1565] {strides = array<i32>} : memref<513x128xf32, #tpu.memory_space<vmem>>, vector<1x16xf32>,
      %swap3A_1567 = vector.shape_cast %swap3A_1566 : vector<1x16xf32> to vector<16xf32>
      %swap3A_1568 = vector.shape_cast %get3A_984 : vector<16xf32> to vector<1x16xf32>
      tpu.vector_store %arg8[%swap3A_1564, %swap3A_1565], %swap3A_1568 {strides = array<i32>} : memref<513x128xf32, #tpu.memory_space<vmem>>, vector<1x16xf32>,
      %swap3A_1569 = arith.index_cast %squeeze3A_1548 : i32 to index
      %swap3A_1570 = arith.constant 64 : index
      %swap3A_1571 = tpu.vector_load %arg8[%swap3A_1569, %swap3A_1570] {strides = array<i32>} : memref<513x128xf32, #tpu.memory_space<vmem>>, vector<1x16xf32>,
      %swap3A_1572 = vector.shape_cast %swap3A_1571 : vector<1x16xf32> to vector<16xf32>
      %swap3A_1573 = vector.shape_cast %get3A_989 : vector<16xf32> to vector<1x16xf32>
      tpu.vector_store %arg8[%swap3A_1569, %swap3A_1570], %swap3A_1573 {strides = array<i32>} : memref<513x128xf32, #tpu.memory_space<vmem>>, vector<1x16xf32>,
      %swap3A_1574 = arith.index_cast %squeeze3A_1548 : i32 to index
      %swap3A_1575 = arith.constant 80 : index
      %swap3A_1576 = tpu.vector_load %arg8[%swap3A_1574, %swap3A_1575] {strides = array<i32>} : memref<513x128xf32, #tpu.memory_space<vmem>>, vector<1x16xf32>,
      %swap3A_1577 = vector.shape_cast %swap3A_1576 : vector<1x16xf32> to vector<16xf32>
      %swap3A_1578 = vector.shape_cast %get3A_994 : vector<16xf32> to vector<1x16xf32>
      tpu.vector_store %arg8[%swap3A_1574, %swap3A_1575], %swap3A_1578 {strides = array<i32>} : memref<513x128xf32, #tpu.memory_space<vmem>>, vector<1x16xf32>,
      %swap3A_1579 = arith.index_cast %squeeze3A_1548 : i32 to index
      %swap3A_1580 = arith.constant 96 : index
      %swap3A_1581 = tpu.vector_load %arg8[%swap3A_1579, %swap3A_1580] {strides = array<i32>} : memref<513x128xf32, #tpu.memory_space<vmem>>, vector<1x16xf32>,
      %swap3A_1582 = vector.shape_cast %swap3A_1581 : vector<1x16xf32> to vector<16xf32>
      %swap3A_1583 = vector.shape_cast %get3A_999 : vector<16xf32> to vector<1x16xf32>
      tpu.vector_store %arg8[%swap3A_1579, %swap3A_1580], %swap3A_1583 {strides = array<i32>} : memref<513x128xf32, #tpu.memory_space<vmem>>, vector<1x16xf32>,
      %swap3A_1584 = arith.index_cast %squeeze3A_1548 : i32 to index
      %swap3A_1585 = arith.constant 112 : index
      %swap3A_1586 = tpu.vector_load %arg8[%swap3A_1584, %swap3A_1585] {strides = array<i32>} : memref<513x128xf32, #tpu.memory_space<vmem>>, vector<1x16xf32>,
      %swap3A_1587 = vector.shape_cast %swap3A_1586 : vector<1x16xf32> to vector<16xf32>
      %swap3A_1588 = vector.shape_cast %get3A_1004 : vector<16xf32> to vector<1x16xf32>
      tpu.vector_store %arg8[%swap3A_1584, %swap3A_1585], %swap3A_1588 {strides = array<i32>} : memref<513x128xf32, #tpu.memory_space<vmem>>, vector<1x16xf32>,
      %slice3A_1589 = vector.extract_strided_slice %select_n3A_1170 {offsets = [10], sizes = [1], strides = [1]} : vector<16xi32> to vector<1xi32>
      %squeeze3A_1590 = vector.extract %slice3A_1589[0] : i32 from vector<1xi32>
      %swap3A_1591 = arith.index_cast %squeeze3A_1590 : i32 to index
      %swap3A_1592 = arith.constant 0 : index
      %swap3A_1593 = tpu.vector_load %arg8[%swap3A_1591, %swap3A_1592] {strides = array<i32>} : memref<513x128xf32, #tpu.memory_space<vmem>>, vector<1x16xf32>,
      %swap3A_1594 = vector.shape_cast %swap3A_1593 : vector<1x16xf32> to vector<16xf32>
      %swap3A_1595 = vector.shape_cast %get3A_969 : vector<16xf32> to vector<1x16xf32>
      tpu.vector_store %arg8[%swap3A_1591, %swap3A_1592], %swap3A_1595 {strides = array<i32>} : memref<513x128xf32, #tpu.memory_space<vmem>>, vector<1x16xf32>,
      %swap3A_1596 = arith.index_cast %squeeze3A_1590 : i32 to index
      %swap3A_1597 = arith.constant 16 : index
      %swap3A_1598 = tpu.vector_load %arg8[%swap3A_1596, %swap3A_1597] {strides = array<i32>} : memref<513x128xf32, #tpu.memory_space<vmem>>, vector<1x16xf32>,
      %swap3A_1599 = vector.shape_cast %swap3A_1598 : vector<1x16xf32> to vector<16xf32>
      %swap3A_1600 = vector.shape_cast %get3A_974 : vector<16xf32> to vector<1x16xf32>
      tpu.vector_store %arg8[%swap3A_1596, %swap3A_1597], %swap3A_1600 {strides = array<i32>} : memref<513x128xf32, #tpu.memory_space<vmem>>, vector<1x16xf32>,
      %swap3A_1601 = arith.index_cast %squeeze3A_1590 : i32 to index
      %swap3A_1602 = arith.constant 32 : index
      %swap3A_1603 = tpu.vector_load %arg8[%swap3A_1601, %swap3A_1602] {strides = array<i32>} : memref<513x128xf32, #tpu.memory_space<vmem>>, vector<1x16xf32>,
      %swap3A_1604 = vector.shape_cast %swap3A_1603 : vector<1x16xf32> to vector<16xf32>
      %swap3A_1605 = vector.shape_cast %get3A_979 : vector<16xf32> to vector<1x16xf32>
      tpu.vector_store %arg8[%swap3A_1601, %swap3A_1602], %swap3A_1605 {strides = array<i32>} : memref<513x128xf32, #tpu.memory_space<vmem>>, vector<1x16xf32>,
      %swap3A_1606 = arith.index_cast %squeeze3A_1590 : i32 to index
      %swap3A_1607 = arith.constant 48 : index
      %swap3A_1608 = tpu.vector_load %arg8[%swap3A_1606, %swap3A_1607] {strides = array<i32>} : memref<513x128xf32, #tpu.memory_space<vmem>>, vector<1x16xf32>,
      %swap3A_1609 = vector.shape_cast %swap3A_1608 : vector<1x16xf32> to vector<16xf32>
      %swap3A_1610 = vector.shape_cast %get3A_984 : vector<16xf32> to vector<1x16xf32>
      tpu.vector_store %arg8[%swap3A_1606, %swap3A_1607], %swap3A_1610 {strides = array<i32>} : memref<513x128xf32, #tpu.memory_space<vmem>>, vector<1x16xf32>,
      %swap3A_1611 = arith.index_cast %squeeze3A_1590 : i32 to index
      %swap3A_1612 = arith.constant 64 : index
      %swap3A_1613 = tpu.vector_load %arg8[%swap3A_1611, %swap3A_1612] {strides = array<i32>} : memref<513x128xf32, #tpu.memory_space<vmem>>, vector<1x16xf32>,
      %swap3A_1614 = vector.shape_cast %swap3A_1613 : vector<1x16xf32> to vector<16xf32>
      %swap3A_1615 = vector.shape_cast %get3A_989 : vector<16xf32> to vector<1x16xf32>
      tpu.vector_store %arg8[%swap3A_1611, %swap3A_1612], %swap3A_1615 {strides = array<i32>} : memref<513x128xf32, #tpu.memory_space<vmem>>, vector<1x16xf32>,
      %swap3A_1616 = arith.index_cast %squeeze3A_1590 : i32 to index
      %swap3A_1617 = arith.constant 80 : index
      %swap3A_1618 = tpu.vector_load %arg8[%swap3A_1616, %swap3A_1617] {strides = array<i32>} : memref<513x128xf32, #tpu.memory_space<vmem>>, vector<1x16xf32>,
      %swap3A_1619 = vector.shape_cast %swap3A_1618 : vector<1x16xf32> to vector<16xf32>
      %swap3A_1620 = vector.shape_cast %get3A_994 : vector<16xf32> to vector<1x16xf32>
      tpu.vector_store %arg8[%swap3A_1616, %swap3A_1617], %swap3A_1620 {strides = array<i32>} : memref<513x128xf32, #tpu.memory_space<vmem>>, vector<1x16xf32>,
      %swap3A_1621 = arith.index_cast %squeeze3A_1590 : i32 to index
      %swap3A_1622 = arith.constant 96 : index
      %swap3A_1623 = tpu.vector_load %arg8[%swap3A_1621, %swap3A_1622] {strides = array<i32>} : memref<513x128xf32, #tpu.memory_space<vmem>>, vector<1x16xf32>,
      %swap3A_1624 = vector.shape_cast %swap3A_1623 : vector<1x16xf32> to vector<16xf32>
      %swap3A_1625 = vector.shape_cast %get3A_999 : vector<16xf32> to vector<1x16xf32>
      tpu.vector_store %arg8[%swap3A_1621, %swap3A_1622], %swap3A_1625 {strides = array<i32>} : memref<513x128xf32, #tpu.memory_space<vmem>>, vector<1x16xf32>,
      %swap3A_1626 = arith.index_cast %squeeze3A_1590 : i32 to index
      %swap3A_1627 = arith.constant 112 : index
      %swap3A_1628 = tpu.vector_load %arg8[%swap3A_1626, %swap3A_1627] {strides = array<i32>} : memref<513x128xf32, #tpu.memory_space<vmem>>, vector<1x16xf32>,
      %swap3A_1629 = vector.shape_cast %swap3A_1628 : vector<1x16xf32> to vector<16xf32>
      %swap3A_1630 = vector.shape_cast %get3A_1004 : vector<16xf32> to vector<1x16xf32>
      tpu.vector_store %arg8[%swap3A_1626, %swap3A_1627], %swap3A_1630 {strides = array<i32>} : memref<513x128xf32, #tpu.memory_space<vmem>>, vector<1x16xf32>,
      %slice3A_1631 = vector.extract_strided_slice %select_n3A_1170 {offsets = [11], sizes = [1], strides = [1]} : vector<16xi32> to vector<1xi32>
      %squeeze3A_1632 = vector.extract %slice3A_1631[0] : i32 from vector<1xi32>
      %swap3A_1633 = arith.index_cast %squeeze3A_1632 : i32 to index
      %swap3A_1634 = arith.constant 0 : index
      %swap3A_1635 = tpu.vector_load %arg8[%swap3A_1633, %swap3A_1634] {strides = array<i32>} : memref<513x128xf32, #tpu.memory_space<vmem>>, vector<1x16xf32>,
      %swap3A_1636 = vector.shape_cast %swap3A_1635 : vector<1x16xf32> to vector<16xf32>
      %swap3A_1637 = vector.shape_cast %get3A_969 : vector<16xf32> to vector<1x16xf32>
      tpu.vector_store %arg8[%swap3A_1633, %swap3A_1634], %swap3A_1637 {strides = array<i32>} : memref<513x128xf32, #tpu.memory_space<vmem>>, vector<1x16xf32>,
      %swap3A_1638 = arith.index_cast %squeeze3A_1632 : i32 to index
      %swap3A_1639 = arith.constant 16 : index
      %swap3A_1640 = tpu.vector_load %arg8[%swap3A_1638, %swap3A_1639] {strides = array<i32>} : memref<513x128xf32, #tpu.memory_space<vmem>>, vector<1x16xf32>,
      %swap3A_1641 = vector.shape_cast %swap3A_1640 : vector<1x16xf32> to vector<16xf32>
      %swap3A_1642 = vector.shape_cast %get3A_974 : vector<16xf32> to vector<1x16xf32>
      tpu.vector_store %arg8[%swap3A_1638, %swap3A_1639], %swap3A_1642 {strides = array<i32>} : memref<513x128xf32, #tpu.memory_space<vmem>>, vector<1x16xf32>,
      %swap3A_1643 = arith.index_cast %squeeze3A_1632 : i32 to index
      %swap3A_1644 = arith.constant 32 : index
      %swap3A_1645 = tpu.vector_load %arg8[%swap3A_1643, %swap3A_1644] {strides = array<i32>} : memref<513x128xf32, #tpu.memory_space<vmem>>, vector<1x16xf32>,
      %swap3A_1646 = vector.shape_cast %swap3A_1645 : vector<1x16xf32> to vector<16xf32>
      %swap3A_1647 = vector.shape_cast %get3A_979 : vector<16xf32> to vector<1x16xf32>
      tpu.vector_store %arg8[%swap3A_1643, %swap3A_1644], %swap3A_1647 {strides = array<i32>} : memref<513x128xf32, #tpu.memory_space<vmem>>, vector<1x16xf32>,
      %swap3A_1648 = arith.index_cast %squeeze3A_1632 : i32 to index
      %swap3A_1649 = arith.constant 48 : index
      %swap3A_1650 = tpu.vector_load %arg8[%swap3A_1648, %swap3A_1649] {strides = array<i32>} : memref<513x128xf32, #tpu.memory_space<vmem>>, vector<1x16xf32>,
      %swap3A_1651 = vector.shape_cast %swap3A_1650 : vector<1x16xf32> to vector<16xf32>
      %swap3A_1652 = vector.shape_cast %get3A_984 : vector<16xf32> to vector<1x16xf32>
      tpu.vector_store %arg8[%swap3A_1648, %swap3A_1649], %swap3A_1652 {strides = array<i32>} : memref<513x128xf32, #tpu.memory_space<vmem>>, vector<1x16xf32>,
      %swap3A_1653 = arith.index_cast %squeeze3A_1632 : i32 to index
      %swap3A_1654 = arith.constant 64 : index
      %swap3A_1655 = tpu.vector_load %arg8[%swap3A_1653, %swap3A_1654] {strides = array<i32>} : memref<513x128xf32, #tpu.memory_space<vmem>>, vector<1x16xf32>,
      %swap3A_1656 = vector.shape_cast %swap3A_1655 : vector<1x16xf32> to vector<16xf32>
      %swap3A_1657 = vector.shape_cast %get3A_989 : vector<16xf32> to vector<1x16xf32>
      tpu.vector_store %arg8[%swap3A_1653, %swap3A_1654], %swap3A_1657 {strides = array<i32>} : memref<513x128xf32, #tpu.memory_space<vmem>>, vector<1x16xf32>,
      %swap3A_1658 = arith.index_cast %squeeze3A_1632 : i32 to index
      %swap3A_1659 = arith.constant 80 : index
      %swap3A_1660 = tpu.vector_load %arg8[%swap3A_1658, %swap3A_1659] {strides = array<i32>} : memref<513x128xf32, #tpu.memory_space<vmem>>, vector<1x16xf32>,
      %swap3A_1661 = vector.shape_cast %swap3A_1660 : vector<1x16xf32> to vector<16xf32>
      %swap3A_1662 = vector.shape_cast %get3A_994 : vector<16xf32> to vector<1x16xf32>
      tpu.vector_store %arg8[%swap3A_1658, %swap3A_1659], %swap3A_1662 {strides = array<i32>} : memref<513x128xf32, #tpu.memory_space<vmem>>, vector<1x16xf32>,
      %swap3A_1663 = arith.index_cast %squeeze3A_1632 : i32 to index
      %swap3A_1664 = arith.constant 96 : index
      %swap3A_1665 = tpu.vector_load %arg8[%swap3A_1663, %swap3A_1664] {strides = array<i32>} : memref<513x128xf32, #tpu.memory_space<vmem>>, vector<1x16xf32>,
      %swap3A_1666 = vector.shape_cast %swap3A_1665 : vector<1x16xf32> to vector<16xf32>
      %swap3A_1667 = vector.shape_cast %get3A_999 : vector<16xf32> to vector<1x16xf32>
      tpu.vector_store %arg8[%swap3A_1663, %swap3A_1664], %swap3A_1667 {strides = array<i32>} : memref<513x128xf32, #tpu.memory_space<vmem>>, vector<1x16xf32>,
      %swap3A_1668 = arith.index_cast %squeeze3A_1632 : i32 to index
      %swap3A_1669 = arith.constant 112 : index
      %swap3A_1670 = tpu.vector_load %arg8[%swap3A_1668, %swap3A_1669] {strides = array<i32>} : memref<513x128xf32, #tpu.memory_space<vmem>>, vector<1x16xf32>,
      %swap3A_1671 = vector.shape_cast %swap3A_1670 : vector<1x16xf32> to vector<16xf32>
      %swap3A_1672 = vector.shape_cast %get3A_1004 : vector<16xf32> to vector<1x16xf32>
      tpu.vector_store %arg8[%swap3A_1668, %swap3A_1669], %swap3A_1672 {strides = array<i32>} : memref<513x128xf32, #tpu.memory_space<vmem>>, vector<1x16xf32>,
      %slice3A_1673 = vector.extract_strided_slice %select_n3A_1170 {offsets = [12], sizes = [1], strides = [1]} : vector<16xi32> to vector<1xi32>
      %squeeze3A_1674 = vector.extract %slice3A_1673[0] : i32 from vector<1xi32>
      %swap3A_1675 = arith.index_cast %squeeze3A_1674 : i32 to index
      %swap3A_1676 = arith.constant 0 : index
      %swap3A_1677 = tpu.vector_load %arg8[%swap3A_1675, %swap3A_1676] {strides = array<i32>} : memref<513x128xf32, #tpu.memory_space<vmem>>, vector<1x16xf32>,
      %swap3A_1678 = vector.shape_cast %swap3A_1677 : vector<1x16xf32> to vector<16xf32>
      %swap3A_1679 = vector.shape_cast %get3A_969 : vector<16xf32> to vector<1x16xf32>
      tpu.vector_store %arg8[%swap3A_1675, %swap3A_1676], %swap3A_1679 {strides = array<i32>} : memref<513x128xf32, #tpu.memory_space<vmem>>, vector<1x16xf32>,
      %swap3A_1680 = arith.index_cast %squeeze3A_1674 : i32 to index
      %swap3A_1681 = arith.constant 16 : index
      %swap3A_1682 = tpu.vector_load %arg8[%swap3A_1680, %swap3A_1681] {strides = array<i32>} : memref<513x128xf32, #tpu.memory_space<vmem>>, vector<1x16xf32>,
      %swap3A_1683 = vector.shape_cast %swap3A_1682 : vector<1x16xf32> to vector<16xf32>
      %swap3A_1684 = vector.shape_cast %get3A_974 : vector<16xf32> to vector<1x16xf32>
      tpu.vector_store %arg8[%swap3A_1680, %swap3A_1681], %swap3A_1684 {strides = array<i32>} : memref<513x128xf32, #tpu.memory_space<vmem>>, vector<1x16xf32>,
      %swap3A_1685 = arith.index_cast %squeeze3A_1674 : i32 to index
      %swap3A_1686 = arith.constant 32 : index
      %swap3A_1687 = tpu.vector_load %arg8[%swap3A_1685, %swap3A_1686] {strides = array<i32>} : memref<513x128xf32, #tpu.memory_space<vmem>>, vector<1x16xf32>,
      %swap3A_1688 = vector.shape_cast %swap3A_1687 : vector<1x16xf32> to vector<16xf32>
      %swap3A_1689 = vector.shape_cast %get3A_979 : vector<16xf32> to vector<1x16xf32>
      tpu.vector_store %arg8[%swap3A_1685, %swap3A_1686], %swap3A_1689 {strides = array<i32>} : memref<513x128xf32, #tpu.memory_space<vmem>>, vector<1x16xf32>,
      %swap3A_1690 = arith.index_cast %squeeze3A_1674 : i32 to index
      %swap3A_1691 = arith.constant 48 : index
      %swap3A_1692 = tpu.vector_load %arg8[%swap3A_1690, %swap3A_1691] {strides = array<i32>} : memref<513x128xf32, #tpu.memory_space<vmem>>, vector<1x16xf32>,
      %swap3A_1693 = vector.shape_cast %swap3A_1692 : vector<1x16xf32> to vector<16xf32>
      %swap3A_1694 = vector.shape_cast %get3A_984 : vector<16xf32> to vector<1x16xf32>
      tpu.vector_store %arg8[%swap3A_1690, %swap3A_1691], %swap3A_1694 {strides = array<i32>} : memref<513x128xf32, #tpu.memory_space<vmem>>, vector<1x16xf32>,
      %swap3A_1695 = arith.index_cast %squeeze3A_1674 : i32 to index
      %swap3A_1696 = arith.constant 64 : index
      %swap3A_1697 = tpu.vector_load %arg8[%swap3A_1695, %swap3A_1696] {strides = array<i32>} : memref<513x128xf32, #tpu.memory_space<vmem>>, vector<1x16xf32>,
      %swap3A_1698 = vector.shape_cast %swap3A_1697 : vector<1x16xf32> to vector<16xf32>
      %swap3A_1699 = vector.shape_cast %get3A_989 : vector<16xf32> to vector<1x16xf32>
      tpu.vector_store %arg8[%swap3A_1695, %swap3A_1696], %swap3A_1699 {strides = array<i32>} : memref<513x128xf32, #tpu.memory_space<vmem>>, vector<1x16xf32>,
      %swap3A_1700 = arith.index_cast %squeeze3A_1674 : i32 to index
      %swap3A_1701 = arith.constant 80 : index
      %swap3A_1702 = tpu.vector_load %arg8[%swap3A_1700, %swap3A_1701] {strides = array<i32>} : memref<513x128xf32, #tpu.memory_space<vmem>>, vector<1x16xf32>,
      %swap3A_1703 = vector.shape_cast %swap3A_1702 : vector<1x16xf32> to vector<16xf32>
      %swap3A_1704 = vector.shape_cast %get3A_994 : vector<16xf32> to vector<1x16xf32>
      tpu.vector_store %arg8[%swap3A_1700, %swap3A_1701], %swap3A_1704 {strides = array<i32>} : memref<513x128xf32, #tpu.memory_space<vmem>>, vector<1x16xf32>,
      %swap3A_1705 = arith.index_cast %squeeze3A_1674 : i32 to index
      %swap3A_1706 = arith.constant 96 : index
      %swap3A_1707 = tpu.vector_load %arg8[%swap3A_1705, %swap3A_1706] {strides = array<i32>} : memref<513x128xf32, #tpu.memory_space<vmem>>, vector<1x16xf32>,
      %swap3A_1708 = vector.shape_cast %swap3A_1707 : vector<1x16xf32> to vector<16xf32>
      %swap3A_1709 = vector.shape_cast %get3A_999 : vector<16xf32> to vector<1x16xf32>
      tpu.vector_store %arg8[%swap3A_1705, %swap3A_1706], %swap3A_1709 {strides = array<i32>} : memref<513x128xf32, #tpu.memory_space<vmem>>, vector<1x16xf32>,
      %swap3A_1710 = arith.index_cast %squeeze3A_1674 : i32 to index
      %swap3A_1711 = arith.constant 112 : index
      %swap3A_1712 = tpu.vector_load %arg8[%swap3A_1710, %swap3A_1711] {strides = array<i32>} : memref<513x128xf32, #tpu.memory_space<vmem>>, vector<1x16xf32>,
      %swap3A_1713 = vector.shape_cast %swap3A_1712 : vector<1x16xf32> to vector<16xf32>
      %swap3A_1714 = vector.shape_cast %get3A_1004 : vector<16xf32> to vector<1x16xf32>
      tpu.vector_store %arg8[%swap3A_1710, %swap3A_1711], %swap3A_1714 {strides = array<i32>} : memref<513x128xf32, #tpu.memory_space<vmem>>, vector<1x16xf32>,
      %slice3A_1715 = vector.extract_strided_slice %select_n3A_1170 {offsets = [13], sizes = [1], strides = [1]} : vector<16xi32> to vector<1xi32>
      %squeeze3A_1716 = vector.extract %slice3A_1715[0] : i32 from vector<1xi32>
      %swap3A_1717 = arith.index_cast %squeeze3A_1716 : i32 to index
      %swap3A_1718 = arith.constant 0 : index
      %swap3A_1719 = tpu.vector_load %arg8[%swap3A_1717, %swap3A_1718] {strides = array<i32>} : memref<513x128xf32, #tpu.memory_space<vmem>>, vector<1x16xf32>,
      %swap3A_1720 = vector.shape_cast %swap3A_1719 : vector<1x16xf32> to vector<16xf32>
      %swap3A_1721 = vector.shape_cast %get3A_969 : vector<16xf32> to vector<1x16xf32>
      tpu.vector_store %arg8[%swap3A_1717, %swap3A_1718], %swap3A_1721 {strides = array<i32>} : memref<513x128xf32, #tpu.memory_space<vmem>>, vector<1x16xf32>,
      %swap3A_1722 = arith.index_cast %squeeze3A_1716 : i32 to index
      %swap3A_1723 = arith.constant 16 : index
      %swap3A_1724 = tpu.vector_load %arg8[%swap3A_1722, %swap3A_1723] {strides = array<i32>} : memref<513x128xf32, #tpu.memory_space<vmem>>, vector<1x16xf32>,
      %swap3A_1725 = vector.shape_cast %swap3A_1724 : vector<1x16xf32> to vector<16xf32>
      %swap3A_1726 = vector.shape_cast %get3A_974 : vector<16xf32> to vector<1x16xf32>
      tpu.vector_store %arg8[%swap3A_1722, %swap3A_1723], %swap3A_1726 {strides = array<i32>} : memref<513x128xf32, #tpu.memory_space<vmem>>, vector<1x16xf32>,
      %swap3A_1727 = arith.index_cast %squeeze3A_1716 : i32 to index
      %swap3A_1728 = arith.constant 32 : index
      %swap3A_1729 = tpu.vector_load %arg8[%swap3A_1727, %swap3A_1728] {strides = array<i32>} : memref<513x128xf32, #tpu.memory_space<vmem>>, vector<1x16xf32>,
      %swap3A_1730 = vector.shape_cast %swap3A_1729 : vector<1x16xf32> to vector<16xf32>
      %swap3A_1731 = vector.shape_cast %get3A_979 : vector<16xf32> to vector<1x16xf32>
      tpu.vector_store %arg8[%swap3A_1727, %swap3A_1728], %swap3A_1731 {strides = array<i32>} : memref<513x128xf32, #tpu.memory_space<vmem>>, vector<1x16xf32>,
      %swap3A_1732 = arith.index_cast %squeeze3A_1716 : i32 to index
      %swap3A_1733 = arith.constant 48 : index
      %swap3A_1734 = tpu.vector_load %arg8[%swap3A_1732, %swap3A_1733] {strides = array<i32>} : memref<513x128xf32, #tpu.memory_space<vmem>>, vector<1x16xf32>,
      %swap3A_1735 = vector.shape_cast %swap3A_1734 : vector<1x16xf32> to vector<16xf32>
      %swap3A_1736 = vector.shape_cast %get3A_984 : vector<16xf32> to vector<1x16xf32>
      tpu.vector_store %arg8[%swap3A_1732, %swap3A_1733], %swap3A_1736 {strides = array<i32>} : memref<513x128xf32, #tpu.memory_space<vmem>>, vector<1x16xf32>,
      %swap3A_1737 = arith.index_cast %squeeze3A_1716 : i32 to index
      %swap3A_1738 = arith.constant 64 : index
      %swap3A_1739 = tpu.vector_load %arg8[%swap3A_1737, %swap3A_1738] {strides = array<i32>} : memref<513x128xf32, #tpu.memory_space<vmem>>, vector<1x16xf32>,
      %swap3A_1740 = vector.shape_cast %swap3A_1739 : vector<1x16xf32> to vector<16xf32>
      %swap3A_1741 = vector.shape_cast %get3A_989 : vector<16xf32> to vector<1x16xf32>
      tpu.vector_store %arg8[%swap3A_1737, %swap3A_1738], %swap3A_1741 {strides = array<i32>} : memref<513x128xf32, #tpu.memory_space<vmem>>, vector<1x16xf32>,
      %swap3A_1742 = arith.index_cast %squeeze3A_1716 : i32 to index
      %swap3A_1743 = arith.constant 80 : index
      %swap3A_1744 = tpu.vector_load %arg8[%swap3A_1742, %swap3A_1743] {strides = array<i32>} : memref<513x128xf32, #tpu.memory_space<vmem>>, vector<1x16xf32>,
      %swap3A_1745 = vector.shape_cast %swap3A_1744 : vector<1x16xf32> to vector<16xf32>
      %swap3A_1746 = vector.shape_cast %get3A_994 : vector<16xf32> to vector<1x16xf32>
      tpu.vector_store %arg8[%swap3A_1742, %swap3A_1743], %swap3A_1746 {strides = array<i32>} : memref<513x128xf32, #tpu.memory_space<vmem>>, vector<1x16xf32>,
      %swap3A_1747 = arith.index_cast %squeeze3A_1716 : i32 to index
      %swap3A_1748 = arith.constant 96 : index
      %swap3A_1749 = tpu.vector_load %arg8[%swap3A_1747, %swap3A_1748] {strides = array<i32>} : memref<513x128xf32, #tpu.memory_space<vmem>>, vector<1x16xf32>,
      %swap3A_1750 = vector.shape_cast %swap3A_1749 : vector<1x16xf32> to vector<16xf32>
      %swap3A_1751 = vector.shape_cast %get3A_999 : vector<16xf32> to vector<1x16xf32>
      tpu.vector_store %arg8[%swap3A_1747, %swap3A_1748], %swap3A_1751 {strides = array<i32>} : memref<513x128xf32, #tpu.memory_space<vmem>>, vector<1x16xf32>,
      %swap3A_1752 = arith.index_cast %squeeze3A_1716 : i32 to index
      %swap3A_1753 = arith.constant 112 : index
      %swap3A_1754 = tpu.vector_load %arg8[%swap3A_1752, %swap3A_1753] {strides = array<i32>} : memref<513x128xf32, #tpu.memory_space<vmem>>, vector<1x16xf32>,
      %swap3A_1755 = vector.shape_cast %swap3A_1754 : vector<1x16xf32> to vector<16xf32>
      %swap3A_1756 = vector.shape_cast %get3A_1004 : vector<16xf32> to vector<1x16xf32>
      tpu.vector_store %arg8[%swap3A_1752, %swap3A_1753], %swap3A_1756 {strides = array<i32>} : memref<513x128xf32, #tpu.memory_space<vmem>>, vector<1x16xf32>,
      %slice3A_1757 = vector.extract_strided_slice %select_n3A_1170 {offsets = [14], sizes = [1], strides = [1]} : vector<16xi32> to vector<1xi32>
      %squeeze3A_1758 = vector.extract %slice3A_1757[0] : i32 from vector<1xi32>
      %swap3A_1759 = arith.index_cast %squeeze3A_1758 : i32 to index
      %swap3A_1760 = arith.constant 0 : index
      %swap3A_1761 = tpu.vector_load %arg8[%swap3A_1759, %swap3A_1760] {strides = array<i32>} : memref<513x128xf32, #tpu.memory_space<vmem>>, vector<1x16xf32>,
      %swap3A_1762 = vector.shape_cast %swap3A_1761 : vector<1x16xf32> to vector<16xf32>
      %swap3A_1763 = vector.shape_cast %get3A_969 : vector<16xf32> to vector<1x16xf32>
      tpu.vector_store %arg8[%swap3A_1759, %swap3A_1760], %swap3A_1763 {strides = array<i32>} : memref<513x128xf32, #tpu.memory_space<vmem>>, vector<1x16xf32>,
      %swap3A_1764 = arith.index_cast %squeeze3A_1758 : i32 to index
      %swap3A_1765 = arith.constant 16 : index
      %swap3A_1766 = tpu.vector_load %arg8[%swap3A_1764, %swap3A_1765] {strides = array<i32>} : memref<513x128xf32, #tpu.memory_space<vmem>>, vector<1x16xf32>,
      %swap3A_1767 = vector.shape_cast %swap3A_1766 : vector<1x16xf32> to vector<16xf32>
      %swap3A_1768 = vector.shape_cast %get3A_974 : vector<16xf32> to vector<1x16xf32>
      tpu.vector_store %arg8[%swap3A_1764, %swap3A_1765], %swap3A_1768 {strides = array<i32>} : memref<513x128xf32, #tpu.memory_space<vmem>>, vector<1x16xf32>,
      %swap3A_1769 = arith.index_cast %squeeze3A_1758 : i32 to index
      %swap3A_1770 = arith.constant 32 : index
      %swap3A_1771 = tpu.vector_load %arg8[%swap3A_1769, %swap3A_1770] {strides = array<i32>} : memref<513x128xf32, #tpu.memory_space<vmem>>, vector<1x16xf32>,
      %swap3A_1772 = vector.shape_cast %swap3A_1771 : vector<1x16xf32> to vector<16xf32>
      %swap3A_1773 = vector.shape_cast %get3A_979 : vector<16xf32> to vector<1x16xf32>
      tpu.vector_store %arg8[%swap3A_1769, %swap3A_1770], %swap3A_1773 {strides = array<i32>} : memref<513x128xf32, #tpu.memory_space<vmem>>, vector<1x16xf32>,
      %swap3A_1774 = arith.index_cast %squeeze3A_1758 : i32 to index
      %swap3A_1775 = arith.constant 48 : index
      %swap3A_1776 = tpu.vector_load %arg8[%swap3A_1774, %swap3A_1775] {strides = array<i32>} : memref<513x128xf32, #tpu.memory_space<vmem>>, vector<1x16xf32>,
      %swap3A_1777 = vector.shape_cast %swap3A_1776 : vector<1x16xf32> to vector<16xf32>
      %swap3A_1778 = vector.shape_cast %get3A_984 : vector<16xf32> to vector<1x16xf32>
      tpu.vector_store %arg8[%swap3A_1774, %swap3A_1775], %swap3A_1778 {strides = array<i32>} : memref<513x128xf32, #tpu.memory_space<vmem>>, vector<1x16xf32>,
      %swap3A_1779 = arith.index_cast %squeeze3A_1758 : i32 to index
      %swap3A_1780 = arith.constant 64 : index
      %swap3A_1781 = tpu.vector_load %arg8[%swap3A_1779, %swap3A_1780] {strides = array<i32>} : memref<513x128xf32, #tpu.memory_space<vmem>>, vector<1x16xf32>,
      %swap3A_1782 = vector.shape_cast %swap3A_1781 : vector<1x16xf32> to vector<16xf32>
      %swap3A_1783 = vector.shape_cast %get3A_989 : vector<16xf32> to vector<1x16xf32>
      tpu.vector_store %arg8[%swap3A_1779, %swap3A_1780], %swap3A_1783 {strides = array<i32>} : memref<513x128xf32, #tpu.memory_space<vmem>>, vector<1x16xf32>,
      %swap3A_1784 = arith.index_cast %squeeze3A_1758 : i32 to index
      %swap3A_1785 = arith.constant 80 : index
      %swap3A_1786 = tpu.vector_load %arg8[%swap3A_1784, %swap3A_1785] {strides = array<i32>} : memref<513x128xf32, #tpu.memory_space<vmem>>, vector<1x16xf32>,
      %swap3A_1787 = vector.shape_cast %swap3A_1786 : vector<1x16xf32> to vector<16xf32>
      %swap3A_1788 = vector.shape_cast %get3A_994 : vector<16xf32> to vector<1x16xf32>
      tpu.vector_store %arg8[%swap3A_1784, %swap3A_1785], %swap3A_1788 {strides = array<i32>} : memref<513x128xf32, #tpu.memory_space<vmem>>, vector<1x16xf32>,
      %swap3A_1789 = arith.index_cast %squeeze3A_1758 : i32 to index
      %swap3A_1790 = arith.constant 96 : index
      %swap3A_1791 = tpu.vector_load %arg8[%swap3A_1789, %swap3A_1790] {strides = array<i32>} : memref<513x128xf32, #tpu.memory_space<vmem>>, vector<1x16xf32>,
      %swap3A_1792 = vector.shape_cast %swap3A_1791 : vector<1x16xf32> to vector<16xf32>
      %swap3A_1793 = vector.shape_cast %get3A_999 : vector<16xf32> to vector<1x16xf32>
      tpu.vector_store %arg8[%swap3A_1789, %swap3A_1790], %swap3A_1793 {strides = array<i32>} : memref<513x128xf32, #tpu.memory_space<vmem>>, vector<1x16xf32>,
      %swap3A_1794 = arith.index_cast %squeeze3A_1758 : i32 to index
      %swap3A_1795 = arith.constant 112 : index
      %swap3A_1796 = tpu.vector_load %arg8[%swap3A_1794, %swap3A_1795] {strides = array<i32>} : memref<513x128xf32, #tpu.memory_space<vmem>>, vector<1x16xf32>,
      %swap3A_1797 = vector.shape_cast %swap3A_1796 : vector<1x16xf32> to vector<16xf32>
      %swap3A_1798 = vector.shape_cast %get3A_1004 : vector<16xf32> to vector<1x16xf32>
      tpu.vector_store %arg8[%swap3A_1794, %swap3A_1795], %swap3A_1798 {strides = array<i32>} : memref<513x128xf32, #tpu.memory_space<vmem>>, vector<1x16xf32>,
      %slice3A_1799 = vector.extract_strided_slice %select_n3A_1170 {offsets = [15], sizes = [1], strides = [1]} : vector<16xi32> to vector<1xi32>
      %squeeze3A_1800 = vector.extract %slice3A_1799[0] : i32 from vector<1xi32>
      %swap3A_1801 = arith.index_cast %squeeze3A_1800 : i32 to index
      %swap3A_1802 = arith.constant 0 : index
      %swap3A_1803 = tpu.vector_load %arg8[%swap3A_1801, %swap3A_1802] {strides = array<i32>} : memref<513x128xf32, #tpu.memory_space<vmem>>, vector<1x16xf32>,
      %swap3A_1804 = vector.shape_cast %swap3A_1803 : vector<1x16xf32> to vector<16xf32>
      %swap3A_1805 = vector.shape_cast %get3A_969 : vector<16xf32> to vector<1x16xf32>
      tpu.vector_store %arg8[%swap3A_1801, %swap3A_1802], %swap3A_1805 {strides = array<i32>} : memref<513x128xf32, #tpu.memory_space<vmem>>, vector<1x16xf32>,
      %swap3A_1806 = arith.index_cast %squeeze3A_1800 : i32 to index
      %swap3A_1807 = arith.constant 16 : index
      %swap3A_1808 = tpu.vector_load %arg8[%swap3A_1806, %swap3A_1807] {strides = array<i32>} : memref<513x128xf32, #tpu.memory_space<vmem>>, vector<1x16xf32>,
      %swap3A_1809 = vector.shape_cast %swap3A_1808 : vector<1x16xf32> to vector<16xf32>
      %swap3A_1810 = vector.shape_cast %get3A_974 : vector<16xf32> to vector<1x16xf32>
      tpu.vector_store %arg8[%swap3A_1806, %swap3A_1807], %swap3A_1810 {strides = array<i32>} : memref<513x128xf32, #tpu.memory_space<vmem>>, vector<1x16xf32>,
      %swap3A_1811 = arith.index_cast %squeeze3A_1800 : i32 to index
      %swap3A_1812 = arith.constant 32 : index
      %swap3A_1813 = tpu.vector_load %arg8[%swap3A_1811, %swap3A_1812] {strides = array<i32>} : memref<513x128xf32, #tpu.memory_space<vmem>>, vector<1x16xf32>,
      %swap3A_1814 = vector.shape_cast %swap3A_1813 : vector<1x16xf32> to vector<16xf32>
      %swap3A_1815 = vector.shape_cast %get3A_979 : vector<16xf32> to vector<1x16xf32>
      tpu.vector_store %arg8[%swap3A_1811, %swap3A_1812], %swap3A_1815 {strides = array<i32>} : memref<513x128xf32, #tpu.memory_space<vmem>>, vector<1x16xf32>,
      %swap3A_1816 = arith.index_cast %squeeze3A_1800 : i32 to index
      %swap3A_1817 = arith.constant 48 : index
      %swap3A_1818 = tpu.vector_load %arg8[%swap3A_1816, %swap3A_1817] {strides = array<i32>} : memref<513x128xf32, #tpu.memory_space<vmem>>, vector<1x16xf32>,
      %swap3A_1819 = vector.shape_cast %swap3A_1818 : vector<1x16xf32> to vector<16xf32>
      %swap3A_1820 = vector.shape_cast %get3A_984 : vector<16xf32> to vector<1x16xf32>
      tpu.vector_store %arg8[%swap3A_1816, %swap3A_1817], %swap3A_1820 {strides = array<i32>} : memref<513x128xf32, #tpu.memory_space<vmem>>, vector<1x16xf32>,
      %swap3A_1821 = arith.index_cast %squeeze3A_1800 : i32 to index
      %swap3A_1822 = arith.constant 64 : index
      %swap3A_1823 = tpu.vector_load %arg8[%swap3A_1821, %swap3A_1822] {strides = array<i32>} : memref<513x128xf32, #tpu.memory_space<vmem>>, vector<1x16xf32>,
      %swap3A_1824 = vector.shape_cast %swap3A_1823 : vector<1x16xf32> to vector<16xf32>
      %swap3A_1825 = vector.shape_cast %get3A_989 : vector<16xf32> to vector<1x16xf32>
      tpu.vector_store %arg8[%swap3A_1821, %swap3A_1822], %swap3A_1825 {strides = array<i32>} : memref<513x128xf32, #tpu.memory_space<vmem>>, vector<1x16xf32>,
      %swap3A_1826 = arith.index_cast %squeeze3A_1800 : i32 to index
      %swap3A_1827 = arith.constant 80 : index
      %swap3A_1828 = tpu.vector_load %arg8[%swap3A_1826, %swap3A_1827] {strides = array<i32>} : memref<513x128xf32, #tpu.memory_space<vmem>>, vector<1x16xf32>,
      %swap3A_1829 = vector.shape_cast %swap3A_1828 : vector<1x16xf32> to vector<16xf32>
      %swap3A_1830 = vector.shape_cast %get3A_994 : vector<16xf32> to vector<1x16xf32>
      tpu.vector_store %arg8[%swap3A_1826, %swap3A_1827], %swap3A_1830 {strides = array<i32>} : memref<513x128xf32, #tpu.memory_space<vmem>>, vector<1x16xf32>,
      %swap3A_1831 = arith.index_cast %squeeze3A_1800 : i32 to index
      %swap3A_1832 = arith.constant 96 : index
      %swap3A_1833 = tpu.vector_load %arg8[%swap3A_1831, %swap3A_1832] {strides = array<i32>} : memref<513x128xf32, #tpu.memory_space<vmem>>, vector<1x16xf32>,
      %swap3A_1834 = vector.shape_cast %swap3A_1833 : vector<1x16xf32> to vector<16xf32>
      %swap3A_1835 = vector.shape_cast %get3A_999 : vector<16xf32> to vector<1x16xf32>
      tpu.vector_store %arg8[%swap3A_1831, %swap3A_1832], %swap3A_1835 {strides = array<i32>} : memref<513x128xf32, #tpu.memory_space<vmem>>, vector<1x16xf32>,
      %swap3A_1836 = arith.index_cast %squeeze3A_1800 : i32 to index
      %swap3A_1837 = arith.constant 112 : index
      %swap3A_1838 = tpu.vector_load %arg8[%swap3A_1836, %swap3A_1837] {strides = array<i32>} : memref<513x128xf32, #tpu.memory_space<vmem>>, vector<1x16xf32>,
      %swap3A_1839 = vector.shape_cast %swap3A_1838 : vector<1x16xf32> to vector<16xf32>
      %swap3A_1840 = vector.shape_cast %get3A_1004 : vector<16xf32> to vector<1x16xf32>
      tpu.vector_store %arg8[%swap3A_1836, %swap3A_1837], %swap3A_1840 {strides = array<i32>} : memref<513x128xf32, #tpu.memory_space<vmem>>, vector<1x16xf32>,
    }
    %scan3A_1072 = arith.constant 8 : i32
    %add3A_1073 = arith.constant 256 : i32
    %add3A_1074 = arith.addi %mul3A_2, %add3A_1073 : i32
    %dma_start3A_1075 = arith.constant 256 : i32
    %dma_start3A_1076 = arith.constant 0 : i32
    %dma_start3A_1077 = tpu.memref_slice %arg8[%dma_start3A_1075, %dma_start3A_1076] : memref<513x128xf32, #tpu.memory_space<vmem>> -> memref<128x128xf32, #tpu.memory_space<vmem>>
    %dma_start3A_1078 = arith.constant 0 : i32
    %dma_start3A_1079 = tpu.memref_slice %arg5[%add3A_1074, %dma_start3A_1078] : memref<16384x128xf32, #tpu.memory_space<hbm>> -> memref<128x128xf32, #tpu.memory_space<hbm>>
    %dma_start3A_1080 = arith.constant 0 : i32
    %dma_start3A_1081 = tpu.memref_slice %arg5[%add3A_1074, %dma_start3A_1080] : memref<16384x128xf32, #tpu.memory_space<hbm>> -> memref<128x128xf32, #tpu.memory_space<hbm>>
    %dma_start3A_1082 = arith.constant 256 : i32
    %dma_start3A_1083 = arith.constant 0 : i32
    %dma_start3A_1084 = tpu.memref_slice %arg8[%dma_start3A_1082, %dma_start3A_1083] : memref<513x128xf32, #tpu.memory_space<vmem>> -> memref<128x128xf32, #tpu.memory_space<vmem>>
    tpu.enqueue_dma source(%dma_start3A_1084 : memref<128x128xf32, #tpu.memory_space<vmem>>) target(%dma_start3A_1081 : memref<128x128xf32, #tpu.memory_space<hbm>>) target_semaphore(%arg14 : memref<!tpu.dma_semaphore, #tpu.memory_space<semaphore_mem>>)
    %dma_wait3A_1085 = arith.constant 3 : i32
    %dma_wait3A_1086 = arith.constant 384 : i32
    %dma_wait3A_1087 = arith.constant 0 : i32
    %dma_wait3A_1088 = tpu.memref_slice %arg8[%dma_wait3A_1086, %dma_wait3A_1087] : memref<513x128xf32, #tpu.memory_space<vmem>> -> memref<128x128xf32, #tpu.memory_space<vmem>>
    %dma_wait3A_1089 = arith.constant 0 : i32
    %dma_wait3A_1090 = tpu.memref_slice %arg6[%dma_wait3A_1085, %dma_wait3A_1089] : memref<4x128xi32, #tpu.memory_space<vmem>> -> memref<1x128xi32, #tpu.memory_space<vmem>>
    %dma_wait3A_1091 = tpu.memref_squeeze %dma_wait3A_1090 : memref<1x128xi32, #tpu.memory_space<vmem>> -> memref<128xi32, #tpu.memory_space<vmem>>
    %dma_wait3A_1092 = arith.constant 0 : i32
    %dma_wait3A_1093 = arith.constant 0 : i32
    %dma_wait3A_1094 = tpu.memref_slice %arg4[%dma_wait3A_1092, %dma_wait3A_1093] : memref<100001x128xf32, #tpu.memory_space<hbm>> -> memref<100001x128xf32, #tpu.memory_space<hbm>>
    tpu.wait_indirect_dma semaphore(%arg13 : memref<!tpu.dma_semaphore, #tpu.memory_space<semaphore_mem>>) src(%dma_wait3A_1094 : memref<100001x128xf32, #tpu.memory_space<hbm>>) dst(%dma_wait3A_1088 : memref<128x128xf32, #tpu.memory_space<vmem>>)
    %scan3A_1095 = arith.constant 0 : i32
    %scan3A_1096 = arith.constant 8 : i32
    %scan3A_1097 = arith.addi %scan3A_1095, %scan3A_1096 : i32
    %scan3A_1098 = arith.constant 1 : i32
    scf.for %scan3A_1152 = %scan3A_1095 to %scan3A_1097 step %scan3A_1098  : i32 {
      %mul3A_1153 = arith.constant 16 : i32
      %mul3A_1154 = arith.muli %scan3A_1152, %mul3A_1153 : i32
      %get3A_1155 = arith.constant 3 : i32
      %get3A_1156 = arith.index_cast %get3A_1155 : i32 to index
      %get3A_1157 = arith.index_cast %mul3A_1154 : i32 to index
      %get3A_1158 = tpu.vector_load %arg7[%get3A_1156, %get3A_1157] {strides = array<i32>} : memref<4x128xi32, #tpu.memory_space<vmem>>, vector<1x16xi32>,
      %get3A_1159 = vector.shape_cast %get3A_1158 : vector<1x16xi32> to vector<16xi32>
      %add3A_1160 = arith.constant 384 : i32
      %add3A_1161 = vector.broadcast %add3A_1160 : i32 to vector<16xi32>
      %add3A_1162 = arith.addi %iota3A, %add3A_1161 : vector<16xi32>
      %mul3A_1163 = arith.constant 16 : i32
      %mul3A_1164 = arith.muli %scan3A_1152, %mul3A_1163 : i32
      %add3A_1165 = vector.broadcast %mul3A_1164 : i32 to vector<16xi32>
      %add3A_1166 = arith.addi %add3A_1162, %add3A_1165 : vector<16xi32>
      %eq3A_1167 = arith.constant 1 : i32
      %eq3A_1168 = vector.broadcast %eq3A_1167 : i32 to vector<16xi32>
      %eq3A_1169 = arith.cmpi eq, %get3A_1159, %eq3A_1168 : vector<16xi32>
      %jit3A = arith.constant 512 : i32
      %broadcast_in_dim3A = vector.broadcast %jit3A : i32 to vector<16xi32>
      %select_n3A_1170 = arith.select %eq3A_1169, %add3A_1166, %broadcast_in_dim3A : vector<16xi1>, vector<16xi32>
      %slice3A = vector.extract_strided_slice %select_n3A_1170 {offsets = [0], sizes = [1], strides = [1]} : vector<16xi32> to vector<1xi32>
      %squeeze3A = vector.extract %slice3A[0] : i32 from vector<1xi32>
      %swap3A_1171 = arith.index_cast %squeeze3A : i32 to index
      %swap3A_1172 = arith.constant 0 : index
      %swap3A_1173 = tpu.vector_load %arg8[%swap3A_1171, %swap3A_1172] {strides = array<i32>} : memref<513x128xf32, #tpu.memory_space<vmem>>, vector<1x16xf32>,
      %swap3A_1174 = vector.shape_cast %swap3A_1173 : vector<1x16xf32> to vector<16xf32>
      %swap3A_1175 = vector.shape_cast %get3A_969 : vector<16xf32> to vector<1x16xf32>
      tpu.vector_store %arg8[%swap3A_1171, %swap3A_1172], %swap3A_1175 {strides = array<i32>} : memref<513x128xf32, #tpu.memory_space<vmem>>, vector<1x16xf32>,
      %swap3A_1176 = arith.index_cast %squeeze3A : i32 to index
      %swap3A_1177 = arith.constant 16 : index
      %swap3A_1178 = tpu.vector_load %arg8[%swap3A_1176, %swap3A_1177] {strides = array<i32>} : memref<513x128xf32, #tpu.memory_space<vmem>>, vector<1x16xf32>,
      %swap3A_1179 = vector.shape_cast %swap3A_1178 : vector<1x16xf32> to vector<16xf32>
      %swap3A_1180 = vector.shape_cast %get3A_974 : vector<16xf32> to vector<1x16xf32>
      tpu.vector_store %arg8[%swap3A_1176, %swap3A_1177], %swap3A_1180 {strides = array<i32>} : memref<513x128xf32, #tpu.memory_space<vmem>>, vector<1x16xf32>,
      %swap3A_1181 = arith.index_cast %squeeze3A : i32 to index
      %swap3A_1182 = arith.constant 32 : index
      %swap3A_1183 = tpu.vector_load %arg8[%swap3A_1181, %swap3A_1182] {strides = array<i32>} : memref<513x128xf32, #tpu.memory_space<vmem>>, vector<1x16xf32>,
      %swap3A_1184 = vector.shape_cast %swap3A_1183 : vector<1x16xf32> to vector<16xf32>
      %swap3A_1185 = vector.shape_cast %get3A_979 : vector<16xf32> to vector<1x16xf32>
      tpu.vector_store %arg8[%swap3A_1181, %swap3A_1182], %swap3A_1185 {strides = array<i32>} : memref<513x128xf32, #tpu.memory_space<vmem>>, vector<1x16xf32>,
      %swap3A_1186 = arith.index_cast %squeeze3A : i32 to index
      %swap3A_1187 = arith.constant 48 : index
      %swap3A_1188 = tpu.vector_load %arg8[%swap3A_1186, %swap3A_1187] {strides = array<i32>} : memref<513x128xf32, #tpu.memory_space<vmem>>, vector<1x16xf32>,
      %swap3A_1189 = vector.shape_cast %swap3A_1188 : vector<1x16xf32> to vector<16xf32>
      %swap3A_1190 = vector.shape_cast %get3A_984 : vector<16xf32> to vector<1x16xf32>
      tpu.vector_store %arg8[%swap3A_1186, %swap3A_1187], %swap3A_1190 {strides = array<i32>} : memref<513x128xf32, #tpu.memory_space<vmem>>, vector<1x16xf32>,
      %swap3A_1191 = arith.index_cast %squeeze3A : i32 to index
      %swap3A_1192 = arith.constant 64 : index
      %swap3A_1193 = tpu.vector_load %arg8[%swap3A_1191, %swap3A_1192] {strides = array<i32>} : memref<513x128xf32, #tpu.memory_space<vmem>>, vector<1x16xf32>,
      %swap3A_1194 = vector.shape_cast %swap3A_1193 : vector<1x16xf32> to vector<16xf32>
      %swap3A_1195 = vector.shape_cast %get3A_989 : vector<16xf32> to vector<1x16xf32>
      tpu.vector_store %arg8[%swap3A_1191, %swap3A_1192], %swap3A_1195 {strides = array<i32>} : memref<513x128xf32, #tpu.memory_space<vmem>>, vector<1x16xf32>,
      %swap3A_1196 = arith.index_cast %squeeze3A : i32 to index
      %swap3A_1197 = arith.constant 80 : index
      %swap3A_1198 = tpu.vector_load %arg8[%swap3A_1196, %swap3A_1197] {strides = array<i32>} : memref<513x128xf32, #tpu.memory_space<vmem>>, vector<1x16xf32>,
      %swap3A_1199 = vector.shape_cast %swap3A_1198 : vector<1x16xf32> to vector<16xf32>
      %swap3A_1200 = vector.shape_cast %get3A_994 : vector<16xf32> to vector<1x16xf32>
      tpu.vector_store %arg8[%swap3A_1196, %swap3A_1197], %swap3A_1200 {strides = array<i32>} : memref<513x128xf32, #tpu.memory_space<vmem>>, vector<1x16xf32>,
      %swap3A_1201 = arith.index_cast %squeeze3A : i32 to index
      %swap3A_1202 = arith.constant 96 : index
      %swap3A_1203 = tpu.vector_load %arg8[%swap3A_1201, %swap3A_1202] {strides = array<i32>} : memref<513x128xf32, #tpu.memory_space<vmem>>, vector<1x16xf32>,
      %swap3A_1204 = vector.shape_cast %swap3A_1203 : vector<1x16xf32> to vector<16xf32>
      %swap3A_1205 = vector.shape_cast %get3A_999 : vector<16xf32> to vector<1x16xf32>
      tpu.vector_store %arg8[%swap3A_1201, %swap3A_1202], %swap3A_1205 {strides = array<i32>} : memref<513x128xf32, #tpu.memory_space<vmem>>, vector<1x16xf32>,
      %swap3A_1206 = arith.index_cast %squeeze3A : i32 to index
      %swap3A_1207 = arith.constant 112 : index
      %swap3A_1208 = tpu.vector_load %arg8[%swap3A_1206, %swap3A_1207] {strides = array<i32>} : memref<513x128xf32, #tpu.memory_space<vmem>>, vector<1x16xf32>,
      %swap3A_1209 = vector.shape_cast %swap3A_1208 : vector<1x16xf32> to vector<16xf32>
      %swap3A_1210 = vector.shape_cast %get3A_1004 : vector<16xf32> to vector<1x16xf32>
      tpu.vector_store %arg8[%swap3A_1206, %swap3A_1207], %swap3A_1210 {strides = array<i32>} : memref<513x128xf32, #tpu.memory_space<vmem>>, vector<1x16xf32>,
      %slice3A_1211 = vector.extract_strided_slice %select_n3A_1170 {offsets = [1], sizes = [1], strides = [1]} : vector<16xi32> to vector<1xi32>
      %squeeze3A_1212 = vector.extract %slice3A_1211[0] : i32 from vector<1xi32>
      %swap3A_1213 = arith.index_cast %squeeze3A_1212 : i32 to index
      %swap3A_1214 = arith.constant 0 : index
      %swap3A_1215 = tpu.vector_load %arg8[%swap3A_1213, %swap3A_1214] {strides = array<i32>} : memref<513x128xf32, #tpu.memory_space<vmem>>, vector<1x16xf32>,
      %swap3A_1216 = vector.shape_cast %swap3A_1215 : vector<1x16xf32> to vector<16xf32>
      %swap3A_1217 = vector.shape_cast %get3A_969 : vector<16xf32> to vector<1x16xf32>
      tpu.vector_store %arg8[%swap3A_1213, %swap3A_1214], %swap3A_1217 {strides = array<i32>} : memref<513x128xf32, #tpu.memory_space<vmem>>, vector<1x16xf32>,
      %swap3A_1218 = arith.index_cast %squeeze3A_1212 : i32 to index
      %swap3A_1219 = arith.constant 16 : index
      %swap3A_1220 = tpu.vector_load %arg8[%swap3A_1218, %swap3A_1219] {strides = array<i32>} : memref<513x128xf32, #tpu.memory_space<vmem>>, vector<1x16xf32>,
      %swap3A_1221 = vector.shape_cast %swap3A_1220 : vector<1x16xf32> to vector<16xf32>
      %swap3A_1222 = vector.shape_cast %get3A_974 : vector<16xf32> to vector<1x16xf32>
      tpu.vector_store %arg8[%swap3A_1218, %swap3A_1219], %swap3A_1222 {strides = array<i32>} : memref<513x128xf32, #tpu.memory_space<vmem>>, vector<1x16xf32>,
      %swap3A_1223 = arith.index_cast %squeeze3A_1212 : i32 to index
      %swap3A_1224 = arith.constant 32 : index
      %swap3A_1225 = tpu.vector_load %arg8[%swap3A_1223, %swap3A_1224] {strides = array<i32>} : memref<513x128xf32, #tpu.memory_space<vmem>>, vector<1x16xf32>,
      %swap3A_1226 = vector.shape_cast %swap3A_1225 : vector<1x16xf32> to vector<16xf32>
      %swap3A_1227 = vector.shape_cast %get3A_979 : vector<16xf32> to vector<1x16xf32>
      tpu.vector_store %arg8[%swap3A_1223, %swap3A_1224], %swap3A_1227 {strides = array<i32>} : memref<513x128xf32, #tpu.memory_space<vmem>>, vector<1x16xf32>,
      %swap3A_1228 = arith.index_cast %squeeze3A_1212 : i32 to index
      %swap3A_1229 = arith.constant 48 : index
      %swap3A_1230 = tpu.vector_load %arg8[%swap3A_1228, %swap3A_1229] {strides = array<i32>} : memref<513x128xf32, #tpu.memory_space<vmem>>, vector<1x16xf32>,
      %swap3A_1231 = vector.shape_cast %swap3A_1230 : vector<1x16xf32> to vector<16xf32>
      %swap3A_1232 = vector.shape_cast %get3A_984 : vector<16xf32> to vector<1x16xf32>
      tpu.vector_store %arg8[%swap3A_1228, %swap3A_1229], %swap3A_1232 {strides = array<i32>} : memref<513x128xf32, #tpu.memory_space<vmem>>, vector<1x16xf32>,
      %swap3A_1233 = arith.index_cast %squeeze3A_1212 : i32 to index
      %swap3A_1234 = arith.constant 64 : index
      %swap3A_1235 = tpu.vector_load %arg8[%swap3A_1233, %swap3A_1234] {strides = array<i32>} : memref<513x128xf32, #tpu.memory_space<vmem>>, vector<1x16xf32>,
      %swap3A_1236 = vector.shape_cast %swap3A_1235 : vector<1x16xf32> to vector<16xf32>
      %swap3A_1237 = vector.shape_cast %get3A_989 : vector<16xf32> to vector<1x16xf32>
      tpu.vector_store %arg8[%swap3A_1233, %swap3A_1234], %swap3A_1237 {strides = array<i32>} : memref<513x128xf32, #tpu.memory_space<vmem>>, vector<1x16xf32>,
      %swap3A_1238 = arith.index_cast %squeeze3A_1212 : i32 to index
      %swap3A_1239 = arith.constant 80 : index
      %swap3A_1240 = tpu.vector_load %arg8[%swap3A_1238, %swap3A_1239] {strides = array<i32>} : memref<513x128xf32, #tpu.memory_space<vmem>>, vector<1x16xf32>,
      %swap3A_1241 = vector.shape_cast %swap3A_1240 : vector<1x16xf32> to vector<16xf32>
      %swap3A_1242 = vector.shape_cast %get3A_994 : vector<16xf32> to vector<1x16xf32>
      tpu.vector_store %arg8[%swap3A_1238, %swap3A_1239], %swap3A_1242 {strides = array<i32>} : memref<513x128xf32, #tpu.memory_space<vmem>>, vector<1x16xf32>,
      %swap3A_1243 = arith.index_cast %squeeze3A_1212 : i32 to index
      %swap3A_1244 = arith.constant 96 : index
      %swap3A_1245 = tpu.vector_load %arg8[%swap3A_1243, %swap3A_1244] {strides = array<i32>} : memref<513x128xf32, #tpu.memory_space<vmem>>, vector<1x16xf32>,
      %swap3A_1246 = vector.shape_cast %swap3A_1245 : vector<1x16xf32> to vector<16xf32>
      %swap3A_1247 = vector.shape_cast %get3A_999 : vector<16xf32> to vector<1x16xf32>
      tpu.vector_store %arg8[%swap3A_1243, %swap3A_1244], %swap3A_1247 {strides = array<i32>} : memref<513x128xf32, #tpu.memory_space<vmem>>, vector<1x16xf32>,
      %swap3A_1248 = arith.index_cast %squeeze3A_1212 : i32 to index
      %swap3A_1249 = arith.constant 112 : index
      %swap3A_1250 = tpu.vector_load %arg8[%swap3A_1248, %swap3A_1249] {strides = array<i32>} : memref<513x128xf32, #tpu.memory_space<vmem>>, vector<1x16xf32>,
      %swap3A_1251 = vector.shape_cast %swap3A_1250 : vector<1x16xf32> to vector<16xf32>
      %swap3A_1252 = vector.shape_cast %get3A_1004 : vector<16xf32> to vector<1x16xf32>
      tpu.vector_store %arg8[%swap3A_1248, %swap3A_1249], %swap3A_1252 {strides = array<i32>} : memref<513x128xf32, #tpu.memory_space<vmem>>, vector<1x16xf32>,
      %slice3A_1253 = vector.extract_strided_slice %select_n3A_1170 {offsets = [2], sizes = [1], strides = [1]} : vector<16xi32> to vector<1xi32>
      %squeeze3A_1254 = vector.extract %slice3A_1253[0] : i32 from vector<1xi32>
      %swap3A_1255 = arith.index_cast %squeeze3A_1254 : i32 to index
      %swap3A_1256 = arith.constant 0 : index
      %swap3A_1257 = tpu.vector_load %arg8[%swap3A_1255, %swap3A_1256] {strides = array<i32>} : memref<513x128xf32, #tpu.memory_space<vmem>>, vector<1x16xf32>,
      %swap3A_1258 = vector.shape_cast %swap3A_1257 : vector<1x16xf32> to vector<16xf32>
      %swap3A_1259 = vector.shape_cast %get3A_969 : vector<16xf32> to vector<1x16xf32>
      tpu.vector_store %arg8[%swap3A_1255, %swap3A_1256], %swap3A_1259 {strides = array<i32>} : memref<513x128xf32, #tpu.memory_space<vmem>>, vector<1x16xf32>,
      %swap3A_1260 = arith.index_cast %squeeze3A_1254 : i32 to index
      %swap3A_1261 = arith.constant 16 : index
      %swap3A_1262 = tpu.vector_load %arg8[%swap3A_1260, %swap3A_1261] {strides = array<i32>} : memref<513x128xf32, #tpu.memory_space<vmem>>, vector<1x16xf32>,
      %swap3A_1263 = vector.shape_cast %swap3A_1262 : vector<1x16xf32> to vector<16xf32>
      %swap3A_1264 = vector.shape_cast %get3A_974 : vector<16xf32> to vector<1x16xf32>
      tpu.vector_store %arg8[%swap3A_1260, %swap3A_1261], %swap3A_1264 {strides = array<i32>} : memref<513x128xf32, #tpu.memory_space<vmem>>, vector<1x16xf32>,
      %swap3A_1265 = arith.index_cast %squeeze3A_1254 : i32 to index
      %swap3A_1266 = arith.constant 32 : index
      %swap3A_1267 = tpu.vector_load %arg8[%swap3A_1265, %swap3A_1266] {strides = array<i32>} : memref<513x128xf32, #tpu.memory_space<vmem>>, vector<1x16xf32>,
      %swap3A_1268 = vector.shape_cast %swap3A_1267 : vector<1x16xf32> to vector<16xf32>
      %swap3A_1269 = vector.shape_cast %get3A_979 : vector<16xf32> to vector<1x16xf32>
      tpu.vector_store %arg8[%swap3A_1265, %swap3A_1266], %swap3A_1269 {strides = array<i32>} : memref<513x128xf32, #tpu.memory_space<vmem>>, vector<1x16xf32>,
      %swap3A_1270 = arith.index_cast %squeeze3A_1254 : i32 to index
      %swap3A_1271 = arith.constant 48 : index
      %swap3A_1272 = tpu.vector_load %arg8[%swap3A_1270, %swap3A_1271] {strides = array<i32>} : memref<513x128xf32, #tpu.memory_space<vmem>>, vector<1x16xf32>,
      %swap3A_1273 = vector.shape_cast %swap3A_1272 : vector<1x16xf32> to vector<16xf32>
      %swap3A_1274 = vector.shape_cast %get3A_984 : vector<16xf32> to vector<1x16xf32>
      tpu.vector_store %arg8[%swap3A_1270, %swap3A_1271], %swap3A_1274 {strides = array<i32>} : memref<513x128xf32, #tpu.memory_space<vmem>>, vector<1x16xf32>,
      %swap3A_1275 = arith.index_cast %squeeze3A_1254 : i32 to index
      %swap3A_1276 = arith.constant 64 : index
      %swap3A_1277 = tpu.vector_load %arg8[%swap3A_1275, %swap3A_1276] {strides = array<i32>} : memref<513x128xf32, #tpu.memory_space<vmem>>, vector<1x16xf32>,
      %swap3A_1278 = vector.shape_cast %swap3A_1277 : vector<1x16xf32> to vector<16xf32>
      %swap3A_1279 = vector.shape_cast %get3A_989 : vector<16xf32> to vector<1x16xf32>
      tpu.vector_store %arg8[%swap3A_1275, %swap3A_1276], %swap3A_1279 {strides = array<i32>} : memref<513x128xf32, #tpu.memory_space<vmem>>, vector<1x16xf32>,
      %swap3A_1280 = arith.index_cast %squeeze3A_1254 : i32 to index
      %swap3A_1281 = arith.constant 80 : index
      %swap3A_1282 = tpu.vector_load %arg8[%swap3A_1280, %swap3A_1281] {strides = array<i32>} : memref<513x128xf32, #tpu.memory_space<vmem>>, vector<1x16xf32>,
      %swap3A_1283 = vector.shape_cast %swap3A_1282 : vector<1x16xf32> to vector<16xf32>
      %swap3A_1284 = vector.shape_cast %get3A_994 : vector<16xf32> to vector<1x16xf32>
      tpu.vector_store %arg8[%swap3A_1280, %swap3A_1281], %swap3A_1284 {strides = array<i32>} : memref<513x128xf32, #tpu.memory_space<vmem>>, vector<1x16xf32>,
      %swap3A_1285 = arith.index_cast %squeeze3A_1254 : i32 to index
      %swap3A_1286 = arith.constant 96 : index
      %swap3A_1287 = tpu.vector_load %arg8[%swap3A_1285, %swap3A_1286] {strides = array<i32>} : memref<513x128xf32, #tpu.memory_space<vmem>>, vector<1x16xf32>,
      %swap3A_1288 = vector.shape_cast %swap3A_1287 : vector<1x16xf32> to vector<16xf32>
      %swap3A_1289 = vector.shape_cast %get3A_999 : vector<16xf32> to vector<1x16xf32>
      tpu.vector_store %arg8[%swap3A_1285, %swap3A_1286], %swap3A_1289 {strides = array<i32>} : memref<513x128xf32, #tpu.memory_space<vmem>>, vector<1x16xf32>,
      %swap3A_1290 = arith.index_cast %squeeze3A_1254 : i32 to index
      %swap3A_1291 = arith.constant 112 : index
      %swap3A_1292 = tpu.vector_load %arg8[%swap3A_1290, %swap3A_1291] {strides = array<i32>} : memref<513x128xf32, #tpu.memory_space<vmem>>, vector<1x16xf32>,
      %swap3A_1293 = vector.shape_cast %swap3A_1292 : vector<1x16xf32> to vector<16xf32>
      %swap3A_1294 = vector.shape_cast %get3A_1004 : vector<16xf32> to vector<1x16xf32>
      tpu.vector_store %arg8[%swap3A_1290, %swap3A_1291], %swap3A_1294 {strides = array<i32>} : memref<513x128xf32, #tpu.memory_space<vmem>>, vector<1x16xf32>,
      %slice3A_1295 = vector.extract_strided_slice %select_n3A_1170 {offsets = [3], sizes = [1], strides = [1]} : vector<16xi32> to vector<1xi32>
      %squeeze3A_1296 = vector.extract %slice3A_1295[0] : i32 from vector<1xi32>
      %swap3A_1297 = arith.index_cast %squeeze3A_1296 : i32 to index
      %swap3A_1298 = arith.constant 0 : index
      %swap3A_1299 = tpu.vector_load %arg8[%swap3A_1297, %swap3A_1298] {strides = array<i32>} : memref<513x128xf32, #tpu.memory_space<vmem>>, vector<1x16xf32>,
      %swap3A_1300 = vector.shape_cast %swap3A_1299 : vector<1x16xf32> to vector<16xf32>
      %swap3A_1301 = vector.shape_cast %get3A_969 : vector<16xf32> to vector<1x16xf32>
      tpu.vector_store %arg8[%swap3A_1297, %swap3A_1298], %swap3A_1301 {strides = array<i32>} : memref<513x128xf32, #tpu.memory_space<vmem>>, vector<1x16xf32>,
      %swap3A_1302 = arith.index_cast %squeeze3A_1296 : i32 to index
      %swap3A_1303 = arith.constant 16 : index
      %swap3A_1304 = tpu.vector_load %arg8[%swap3A_1302, %swap3A_1303] {strides = array<i32>} : memref<513x128xf32, #tpu.memory_space<vmem>>, vector<1x16xf32>,
      %swap3A_1305 = vector.shape_cast %swap3A_1304 : vector<1x16xf32> to vector<16xf32>
      %swap3A_1306 = vector.shape_cast %get3A_974 : vector<16xf32> to vector<1x16xf32>
      tpu.vector_store %arg8[%swap3A_1302, %swap3A_1303], %swap3A_1306 {strides = array<i32>} : memref<513x128xf32, #tpu.memory_space<vmem>>, vector<1x16xf32>,
      %swap3A_1307 = arith.index_cast %squeeze3A_1296 : i32 to index
      %swap3A_1308 = arith.constant 32 : index
      %swap3A_1309 = tpu.vector_load %arg8[%swap3A_1307, %swap3A_1308] {strides = array<i32>} : memref<513x128xf32, #tpu.memory_space<vmem>>, vector<1x16xf32>,
      %swap3A_1310 = vector.shape_cast %swap3A_1309 : vector<1x16xf32> to vector<16xf32>
      %swap3A_1311 = vector.shape_cast %get3A_979 : vector<16xf32> to vector<1x16xf32>
      tpu.vector_store %arg8[%swap3A_1307, %swap3A_1308], %swap3A_1311 {strides = array<i32>} : memref<513x128xf32, #tpu.memory_space<vmem>>, vector<1x16xf32>,
      %swap3A_1312 = arith.index_cast %squeeze3A_1296 : i32 to index
      %swap3A_1313 = arith.constant 48 : index
      %swap3A_1314 = tpu.vector_load %arg8[%swap3A_1312, %swap3A_1313] {strides = array<i32>} : memref<513x128xf32, #tpu.memory_space<vmem>>, vector<1x16xf32>,
      %swap3A_1315 = vector.shape_cast %swap3A_1314 : vector<1x16xf32> to vector<16xf32>
      %swap3A_1316 = vector.shape_cast %get3A_984 : vector<16xf32> to vector<1x16xf32>
      tpu.vector_store %arg8[%swap3A_1312, %swap3A_1313], %swap3A_1316 {strides = array<i32>} : memref<513x128xf32, #tpu.memory_space<vmem>>, vector<1x16xf32>,
      %swap3A_1317 = arith.index_cast %squeeze3A_1296 : i32 to index
      %swap3A_1318 = arith.constant 64 : index
      %swap3A_1319 = tpu.vector_load %arg8[%swap3A_1317, %swap3A_1318] {strides = array<i32>} : memref<513x128xf32, #tpu.memory_space<vmem>>, vector<1x16xf32>,
      %swap3A_1320 = vector.shape_cast %swap3A_1319 : vector<1x16xf32> to vector<16xf32>
      %swap3A_1321 = vector.shape_cast %get3A_989 : vector<16xf32> to vector<1x16xf32>
      tpu.vector_store %arg8[%swap3A_1317, %swap3A_1318], %swap3A_1321 {strides = array<i32>} : memref<513x128xf32, #tpu.memory_space<vmem>>, vector<1x16xf32>,
      %swap3A_1322 = arith.index_cast %squeeze3A_1296 : i32 to index
      %swap3A_1323 = arith.constant 80 : index
      %swap3A_1324 = tpu.vector_load %arg8[%swap3A_1322, %swap3A_1323] {strides = array<i32>} : memref<513x128xf32, #tpu.memory_space<vmem>>, vector<1x16xf32>,
      %swap3A_1325 = vector.shape_cast %swap3A_1324 : vector<1x16xf32> to vector<16xf32>
      %swap3A_1326 = vector.shape_cast %get3A_994 : vector<16xf32> to vector<1x16xf32>
      tpu.vector_store %arg8[%swap3A_1322, %swap3A_1323], %swap3A_1326 {strides = array<i32>} : memref<513x128xf32, #tpu.memory_space<vmem>>, vector<1x16xf32>,
      %swap3A_1327 = arith.index_cast %squeeze3A_1296 : i32 to index
      %swap3A_1328 = arith.constant 96 : index
      %swap3A_1329 = tpu.vector_load %arg8[%swap3A_1327, %swap3A_1328] {strides = array<i32>} : memref<513x128xf32, #tpu.memory_space<vmem>>, vector<1x16xf32>,
      %swap3A_1330 = vector.shape_cast %swap3A_1329 : vector<1x16xf32> to vector<16xf32>
      %swap3A_1331 = vector.shape_cast %get3A_999 : vector<16xf32> to vector<1x16xf32>
      tpu.vector_store %arg8[%swap3A_1327, %swap3A_1328], %swap3A_1331 {strides = array<i32>} : memref<513x128xf32, #tpu.memory_space<vmem>>, vector<1x16xf32>,
      %swap3A_1332 = arith.index_cast %squeeze3A_1296 : i32 to index
      %swap3A_1333 = arith.constant 112 : index
      %swap3A_1334 = tpu.vector_load %arg8[%swap3A_1332, %swap3A_1333] {strides = array<i32>} : memref<513x128xf32, #tpu.memory_space<vmem>>, vector<1x16xf32>,
      %swap3A_1335 = vector.shape_cast %swap3A_1334 : vector<1x16xf32> to vector<16xf32>
      %swap3A_1336 = vector.shape_cast %get3A_1004 : vector<16xf32> to vector<1x16xf32>
      tpu.vector_store %arg8[%swap3A_1332, %swap3A_1333], %swap3A_1336 {strides = array<i32>} : memref<513x128xf32, #tpu.memory_space<vmem>>, vector<1x16xf32>,
      %slice3A_1337 = vector.extract_strided_slice %select_n3A_1170 {offsets = [4], sizes = [1], strides = [1]} : vector<16xi32> to vector<1xi32>
      %squeeze3A_1338 = vector.extract %slice3A_1337[0] : i32 from vector<1xi32>
      %swap3A_1339 = arith.index_cast %squeeze3A_1338 : i32 to index
      %swap3A_1340 = arith.constant 0 : index
      %swap3A_1341 = tpu.vector_load %arg8[%swap3A_1339, %swap3A_1340] {strides = array<i32>} : memref<513x128xf32, #tpu.memory_space<vmem>>, vector<1x16xf32>,
      %swap3A_1342 = vector.shape_cast %swap3A_1341 : vector<1x16xf32> to vector<16xf32>
      %swap3A_1343 = vector.shape_cast %get3A_969 : vector<16xf32> to vector<1x16xf32>
      tpu.vector_store %arg8[%swap3A_1339, %swap3A_1340], %swap3A_1343 {strides = array<i32>} : memref<513x128xf32, #tpu.memory_space<vmem>>, vector<1x16xf32>,
      %swap3A_1344 = arith.index_cast %squeeze3A_1338 : i32 to index
      %swap3A_1345 = arith.constant 16 : index
      %swap3A_1346 = tpu.vector_load %arg8[%swap3A_1344, %swap3A_1345] {strides = array<i32>} : memref<513x128xf32, #tpu.memory_space<vmem>>, vector<1x16xf32>,
      %swap3A_1347 = vector.shape_cast %swap3A_1346 : vector<1x16xf32> to vector<16xf32>
      %swap3A_1348 = vector.shape_cast %get3A_974 : vector<16xf32> to vector<1x16xf32>
      tpu.vector_store %arg8[%swap3A_1344, %swap3A_1345], %swap3A_1348 {strides = array<i32>} : memref<513x128xf32, #tpu.memory_space<vmem>>, vector<1x16xf32>,
      %swap3A_1349 = arith.index_cast %squeeze3A_1338 : i32 to index
      %swap3A_1350 = arith.constant 32 : index
      %swap3A_1351 = tpu.vector_load %arg8[%swap3A_1349, %swap3A_1350] {strides = array<i32>} : memref<513x128xf32, #tpu.memory_space<vmem>>, vector<1x16xf32>,
      %swap3A_1352 = vector.shape_cast %swap3A_1351 : vector<1x16xf32> to vector<16xf32>
      %swap3A_1353 = vector.shape_cast %get3A_979 : vector<16xf32> to vector<1x16xf32>
      tpu.vector_store %arg8[%swap3A_1349, %swap3A_1350], %swap3A_1353 {strides = array<i32>} : memref<513x128xf32, #tpu.memory_space<vmem>>, vector<1x16xf32>,
      %swap3A_1354 = arith.index_cast %squeeze3A_1338 : i32 to index
      %swap3A_1355 = arith.constant 48 : index
      %swap3A_1356 = tpu.vector_load %arg8[%swap3A_1354, %swap3A_1355] {strides = array<i32>} : memref<513x128xf32, #tpu.memory_space<vmem>>, vector<1x16xf32>,
      %swap3A_1357 = vector.shape_cast %swap3A_1356 : vector<1x16xf32> to vector<16xf32>
      %swap3A_1358 = vector.shape_cast %get3A_984 : vector<16xf32> to vector<1x16xf32>
      tpu.vector_store %arg8[%swap3A_1354, %swap3A_1355], %swap3A_1358 {strides = array<i32>} : memref<513x128xf32, #tpu.memory_space<vmem>>, vector<1x16xf32>,
      %swap3A_1359 = arith.index_cast %squeeze3A_1338 : i32 to index
      %swap3A_1360 = arith.constant 64 : index
      %swap3A_1361 = tpu.vector_load %arg8[%swap3A_1359, %swap3A_1360] {strides = array<i32>} : memref<513x128xf32, #tpu.memory_space<vmem>>, vector<1x16xf32>,
      %swap3A_1362 = vector.shape_cast %swap3A_1361 : vector<1x16xf32> to vector<16xf32>
      %swap3A_1363 = vector.shape_cast %get3A_989 : vector<16xf32> to vector<1x16xf32>
      tpu.vector_store %arg8[%swap3A_1359, %swap3A_1360], %swap3A_1363 {strides = array<i32>} : memref<513x128xf32, #tpu.memory_space<vmem>>, vector<1x16xf32>,
      %swap3A_1364 = arith.index_cast %squeeze3A_1338 : i32 to index
      %swap3A_1365 = arith.constant 80 : index
      %swap3A_1366 = tpu.vector_load %arg8[%swap3A_1364, %swap3A_1365] {strides = array<i32>} : memref<513x128xf32, #tpu.memory_space<vmem>>, vector<1x16xf32>,
      %swap3A_1367 = vector.shape_cast %swap3A_1366 : vector<1x16xf32> to vector<16xf32>
      %swap3A_1368 = vector.shape_cast %get3A_994 : vector<16xf32> to vector<1x16xf32>
      tpu.vector_store %arg8[%swap3A_1364, %swap3A_1365], %swap3A_1368 {strides = array<i32>} : memref<513x128xf32, #tpu.memory_space<vmem>>, vector<1x16xf32>,
      %swap3A_1369 = arith.index_cast %squeeze3A_1338 : i32 to index
      %swap3A_1370 = arith.constant 96 : index
      %swap3A_1371 = tpu.vector_load %arg8[%swap3A_1369, %swap3A_1370] {strides = array<i32>} : memref<513x128xf32, #tpu.memory_space<vmem>>, vector<1x16xf32>,
      %swap3A_1372 = vector.shape_cast %swap3A_1371 : vector<1x16xf32> to vector<16xf32>
      %swap3A_1373 = vector.shape_cast %get3A_999 : vector<16xf32> to vector<1x16xf32>
      tpu.vector_store %arg8[%swap3A_1369, %swap3A_1370], %swap3A_1373 {strides = array<i32>} : memref<513x128xf32, #tpu.memory_space<vmem>>, vector<1x16xf32>,
      %swap3A_1374 = arith.index_cast %squeeze3A_1338 : i32 to index
      %swap3A_1375 = arith.constant 112 : index
      %swap3A_1376 = tpu.vector_load %arg8[%swap3A_1374, %swap3A_1375] {strides = array<i32>} : memref<513x128xf32, #tpu.memory_space<vmem>>, vector<1x16xf32>,
      %swap3A_1377 = vector.shape_cast %swap3A_1376 : vector<1x16xf32> to vector<16xf32>
      %swap3A_1378 = vector.shape_cast %get3A_1004 : vector<16xf32> to vector<1x16xf32>
      tpu.vector_store %arg8[%swap3A_1374, %swap3A_1375], %swap3A_1378 {strides = array<i32>} : memref<513x128xf32, #tpu.memory_space<vmem>>, vector<1x16xf32>,
      %slice3A_1379 = vector.extract_strided_slice %select_n3A_1170 {offsets = [5], sizes = [1], strides = [1]} : vector<16xi32> to vector<1xi32>
      %squeeze3A_1380 = vector.extract %slice3A_1379[0] : i32 from vector<1xi32>
      %swap3A_1381 = arith.index_cast %squeeze3A_1380 : i32 to index
      %swap3A_1382 = arith.constant 0 : index
      %swap3A_1383 = tpu.vector_load %arg8[%swap3A_1381, %swap3A_1382] {strides = array<i32>} : memref<513x128xf32, #tpu.memory_space<vmem>>, vector<1x16xf32>,
      %swap3A_1384 = vector.shape_cast %swap3A_1383 : vector<1x16xf32> to vector<16xf32>
      %swap3A_1385 = vector.shape_cast %get3A_969 : vector<16xf32> to vector<1x16xf32>
      tpu.vector_store %arg8[%swap3A_1381, %swap3A_1382], %swap3A_1385 {strides = array<i32>} : memref<513x128xf32, #tpu.memory_space<vmem>>, vector<1x16xf32>,
      %swap3A_1386 = arith.index_cast %squeeze3A_1380 : i32 to index
      %swap3A_1387 = arith.constant 16 : index
      %swap3A_1388 = tpu.vector_load %arg8[%swap3A_1386, %swap3A_1387] {strides = array<i32>} : memref<513x128xf32, #tpu.memory_space<vmem>>, vector<1x16xf32>,
      %swap3A_1389 = vector.shape_cast %swap3A_1388 : vector<1x16xf32> to vector<16xf32>
      %swap3A_1390 = vector.shape_cast %get3A_974 : vector<16xf32> to vector<1x16xf32>
      tpu.vector_store %arg8[%swap3A_1386, %swap3A_1387], %swap3A_1390 {strides = array<i32>} : memref<513x128xf32, #tpu.memory_space<vmem>>, vector<1x16xf32>,
      %swap3A_1391 = arith.index_cast %squeeze3A_1380 : i32 to index
      %swap3A_1392 = arith.constant 32 : index
      %swap3A_1393 = tpu.vector_load %arg8[%swap3A_1391, %swap3A_1392] {strides = array<i32>} : memref<513x128xf32, #tpu.memory_space<vmem>>, vector<1x16xf32>,
      %swap3A_1394 = vector.shape_cast %swap3A_1393 : vector<1x16xf32> to vector<16xf32>
      %swap3A_1395 = vector.shape_cast %get3A_979 : vector<16xf32> to vector<1x16xf32>
      tpu.vector_store %arg8[%swap3A_1391, %swap3A_1392], %swap3A_1395 {strides = array<i32>} : memref<513x128xf32, #tpu.memory_space<vmem>>, vector<1x16xf32>,
      %swap3A_1396 = arith.index_cast %squeeze3A_1380 : i32 to index
      %swap3A_1397 = arith.constant 48 : index
      %swap3A_1398 = tpu.vector_load %arg8[%swap3A_1396, %swap3A_1397] {strides = array<i32>} : memref<513x128xf32, #tpu.memory_space<vmem>>, vector<1x16xf32>,
      %swap3A_1399 = vector.shape_cast %swap3A_1398 : vector<1x16xf32> to vector<16xf32>
      %swap3A_1400 = vector.shape_cast %get3A_984 : vector<16xf32> to vector<1x16xf32>
      tpu.vector_store %arg8[%swap3A_1396, %swap3A_1397], %swap3A_1400 {strides = array<i32>} : memref<513x128xf32, #tpu.memory_space<vmem>>, vector<1x16xf32>,
      %swap3A_1401 = arith.index_cast %squeeze3A_1380 : i32 to index
      %swap3A_1402 = arith.constant 64 : index
      %swap3A_1403 = tpu.vector_load %arg8[%swap3A_1401, %swap3A_1402] {strides = array<i32>} : memref<513x128xf32, #tpu.memory_space<vmem>>, vector<1x16xf32>,
      %swap3A_1404 = vector.shape_cast %swap3A_1403 : vector<1x16xf32> to vector<16xf32>
      %swap3A_1405 = vector.shape_cast %get3A_989 : vector<16xf32> to vector<1x16xf32>
      tpu.vector_store %arg8[%swap3A_1401, %swap3A_1402], %swap3A_1405 {strides = array<i32>} : memref<513x128xf32, #tpu.memory_space<vmem>>, vector<1x16xf32>,
      %swap3A_1406 = arith.index_cast %squeeze3A_1380 : i32 to index
      %swap3A_1407 = arith.constant 80 : index
      %swap3A_1408 = tpu.vector_load %arg8[%swap3A_1406, %swap3A_1407] {strides = array<i32>} : memref<513x128xf32, #tpu.memory_space<vmem>>, vector<1x16xf32>,
      %swap3A_1409 = vector.shape_cast %swap3A_1408 : vector<1x16xf32> to vector<16xf32>
      %swap3A_1410 = vector.shape_cast %get3A_994 : vector<16xf32> to vector<1x16xf32>
      tpu.vector_store %arg8[%swap3A_1406, %swap3A_1407], %swap3A_1410 {strides = array<i32>} : memref<513x128xf32, #tpu.memory_space<vmem>>, vector<1x16xf32>,
      %swap3A_1411 = arith.index_cast %squeeze3A_1380 : i32 to index
      %swap3A_1412 = arith.constant 96 : index
      %swap3A_1413 = tpu.vector_load %arg8[%swap3A_1411, %swap3A_1412] {strides = array<i32>} : memref<513x128xf32, #tpu.memory_space<vmem>>, vector<1x16xf32>,
      %swap3A_1414 = vector.shape_cast %swap3A_1413 : vector<1x16xf32> to vector<16xf32>
      %swap3A_1415 = vector.shape_cast %get3A_999 : vector<16xf32> to vector<1x16xf32>
      tpu.vector_store %arg8[%swap3A_1411, %swap3A_1412], %swap3A_1415 {strides = array<i32>} : memref<513x128xf32, #tpu.memory_space<vmem>>, vector<1x16xf32>,
      %swap3A_1416 = arith.index_cast %squeeze3A_1380 : i32 to index
      %swap3A_1417 = arith.constant 112 : index
      %swap3A_1418 = tpu.vector_load %arg8[%swap3A_1416, %swap3A_1417] {strides = array<i32>} : memref<513x128xf32, #tpu.memory_space<vmem>>, vector<1x16xf32>,
      %swap3A_1419 = vector.shape_cast %swap3A_1418 : vector<1x16xf32> to vector<16xf32>
      %swap3A_1420 = vector.shape_cast %get3A_1004 : vector<16xf32> to vector<1x16xf32>
      tpu.vector_store %arg8[%swap3A_1416, %swap3A_1417], %swap3A_1420 {strides = array<i32>} : memref<513x128xf32, #tpu.memory_space<vmem>>, vector<1x16xf32>,
      %slice3A_1421 = vector.extract_strided_slice %select_n3A_1170 {offsets = [6], sizes = [1], strides = [1]} : vector<16xi32> to vector<1xi32>
      %squeeze3A_1422 = vector.extract %slice3A_1421[0] : i32 from vector<1xi32>
      %swap3A_1423 = arith.index_cast %squeeze3A_1422 : i32 to index
      %swap3A_1424 = arith.constant 0 : index
      %swap3A_1425 = tpu.vector_load %arg8[%swap3A_1423, %swap3A_1424] {strides = array<i32>} : memref<513x128xf32, #tpu.memory_space<vmem>>, vector<1x16xf32>,
      %swap3A_1426 = vector.shape_cast %swap3A_1425 : vector<1x16xf32> to vector<16xf32>
      %swap3A_1427 = vector.shape_cast %get3A_969 : vector<16xf32> to vector<1x16xf32>
      tpu.vector_store %arg8[%swap3A_1423, %swap3A_1424], %swap3A_1427 {strides = array<i32>} : memref<513x128xf32, #tpu.memory_space<vmem>>, vector<1x16xf32>,
      %swap3A_1428 = arith.index_cast %squeeze3A_1422 : i32 to index
      %swap3A_1429 = arith.constant 16 : index
      %swap3A_1430 = tpu.vector_load %arg8[%swap3A_1428, %swap3A_1429] {strides = array<i32>} : memref<513x128xf32, #tpu.memory_space<vmem>>, vector<1x16xf32>,
      %swap3A_1431 = vector.shape_cast %swap3A_1430 : vector<1x16xf32> to vector<16xf32>
      %swap3A_1432 = vector.shape_cast %get3A_974 : vector<16xf32> to vector<1x16xf32>
      tpu.vector_store %arg8[%swap3A_1428, %swap3A_1429], %swap3A_1432 {strides = array<i32>} : memref<513x128xf32, #tpu.memory_space<vmem>>, vector<1x16xf32>,
      %swap3A_1433 = arith.index_cast %squeeze3A_1422 : i32 to index
      %swap3A_1434 = arith.constant 32 : index
      %swap3A_1435 = tpu.vector_load %arg8[%swap3A_1433, %swap3A_1434] {strides = array<i32>} : memref<513x128xf32, #tpu.memory_space<vmem>>, vector<1x16xf32>,
      %swap3A_1436 = vector.shape_cast %swap3A_1435 : vector<1x16xf32> to vector<16xf32>
      %swap3A_1437 = vector.shape_cast %get3A_979 : vector<16xf32> to vector<1x16xf32>
      tpu.vector_store %arg8[%swap3A_1433, %swap3A_1434], %swap3A_1437 {strides = array<i32>} : memref<513x128xf32, #tpu.memory_space<vmem>>, vector<1x16xf32>,
      %swap3A_1438 = arith.index_cast %squeeze3A_1422 : i32 to index
      %swap3A_1439 = arith.constant 48 : index
      %swap3A_1440 = tpu.vector_load %arg8[%swap3A_1438, %swap3A_1439] {strides = array<i32>} : memref<513x128xf32, #tpu.memory_space<vmem>>, vector<1x16xf32>,
      %swap3A_1441 = vector.shape_cast %swap3A_1440 : vector<1x16xf32> to vector<16xf32>
      %swap3A_1442 = vector.shape_cast %get3A_984 : vector<16xf32> to vector<1x16xf32>
      tpu.vector_store %arg8[%swap3A_1438, %swap3A_1439], %swap3A_1442 {strides = array<i32>} : memref<513x128xf32, #tpu.memory_space<vmem>>, vector<1x16xf32>,
      %swap3A_1443 = arith.index_cast %squeeze3A_1422 : i32 to index
      %swap3A_1444 = arith.constant 64 : index
      %swap3A_1445 = tpu.vector_load %arg8[%swap3A_1443, %swap3A_1444] {strides = array<i32>} : memref<513x128xf32, #tpu.memory_space<vmem>>, vector<1x16xf32>,
      %swap3A_1446 = vector.shape_cast %swap3A_1445 : vector<1x16xf32> to vector<16xf32>
      %swap3A_1447 = vector.shape_cast %get3A_989 : vector<16xf32> to vector<1x16xf32>
      tpu.vector_store %arg8[%swap3A_1443, %swap3A_1444], %swap3A_1447 {strides = array<i32>} : memref<513x128xf32, #tpu.memory_space<vmem>>, vector<1x16xf32>,
      %swap3A_1448 = arith.index_cast %squeeze3A_1422 : i32 to index
      %swap3A_1449 = arith.constant 80 : index
      %swap3A_1450 = tpu.vector_load %arg8[%swap3A_1448, %swap3A_1449] {strides = array<i32>} : memref<513x128xf32, #tpu.memory_space<vmem>>, vector<1x16xf32>,
      %swap3A_1451 = vector.shape_cast %swap3A_1450 : vector<1x16xf32> to vector<16xf32>
      %swap3A_1452 = vector.shape_cast %get3A_994 : vector<16xf32> to vector<1x16xf32>
      tpu.vector_store %arg8[%swap3A_1448, %swap3A_1449], %swap3A_1452 {strides = array<i32>} : memref<513x128xf32, #tpu.memory_space<vmem>>, vector<1x16xf32>,
      %swap3A_1453 = arith.index_cast %squeeze3A_1422 : i32 to index
      %swap3A_1454 = arith.constant 96 : index
      %swap3A_1455 = tpu.vector_load %arg8[%swap3A_1453, %swap3A_1454] {strides = array<i32>} : memref<513x128xf32, #tpu.memory_space<vmem>>, vector<1x16xf32>,
      %swap3A_1456 = vector.shape_cast %swap3A_1455 : vector<1x16xf32> to vector<16xf32>
      %swap3A_1457 = vector.shape_cast %get3A_999 : vector<16xf32> to vector<1x16xf32>
      tpu.vector_store %arg8[%swap3A_1453, %swap3A_1454], %swap3A_1457 {strides = array<i32>} : memref<513x128xf32, #tpu.memory_space<vmem>>, vector<1x16xf32>,
      %swap3A_1458 = arith.index_cast %squeeze3A_1422 : i32 to index
      %swap3A_1459 = arith.constant 112 : index
      %swap3A_1460 = tpu.vector_load %arg8[%swap3A_1458, %swap3A_1459] {strides = array<i32>} : memref<513x128xf32, #tpu.memory_space<vmem>>, vector<1x16xf32>,
      %swap3A_1461 = vector.shape_cast %swap3A_1460 : vector<1x16xf32> to vector<16xf32>
      %swap3A_1462 = vector.shape_cast %get3A_1004 : vector<16xf32> to vector<1x16xf32>
      tpu.vector_store %arg8[%swap3A_1458, %swap3A_1459], %swap3A_1462 {strides = array<i32>} : memref<513x128xf32, #tpu.memory_space<vmem>>, vector<1x16xf32>,
      %slice3A_1463 = vector.extract_strided_slice %select_n3A_1170 {offsets = [7], sizes = [1], strides = [1]} : vector<16xi32> to vector<1xi32>
      %squeeze3A_1464 = vector.extract %slice3A_1463[0] : i32 from vector<1xi32>
      %swap3A_1465 = arith.index_cast %squeeze3A_1464 : i32 to index
      %swap3A_1466 = arith.constant 0 : index
      %swap3A_1467 = tpu.vector_load %arg8[%swap3A_1465, %swap3A_1466] {strides = array<i32>} : memref<513x128xf32, #tpu.memory_space<vmem>>, vector<1x16xf32>,
      %swap3A_1468 = vector.shape_cast %swap3A_1467 : vector<1x16xf32> to vector<16xf32>
      %swap3A_1469 = vector.shape_cast %get3A_969 : vector<16xf32> to vector<1x16xf32>
      tpu.vector_store %arg8[%swap3A_1465, %swap3A_1466], %swap3A_1469 {strides = array<i32>} : memref<513x128xf32, #tpu.memory_space<vmem>>, vector<1x16xf32>,
      %swap3A_1470 = arith.index_cast %squeeze3A_1464 : i32 to index
      %swap3A_1471 = arith.constant 16 : index
      %swap3A_1472 = tpu.vector_load %arg8[%swap3A_1470, %swap3A_1471] {strides = array<i32>} : memref<513x128xf32, #tpu.memory_space<vmem>>, vector<1x16xf32>,
      %swap3A_1473 = vector.shape_cast %swap3A_1472 : vector<1x16xf32> to vector<16xf32>
      %swap3A_1474 = vector.shape_cast %get3A_974 : vector<16xf32> to vector<1x16xf32>
      tpu.vector_store %arg8[%swap3A_1470, %swap3A_1471], %swap3A_1474 {strides = array<i32>} : memref<513x128xf32, #tpu.memory_space<vmem>>, vector<1x16xf32>,
      %swap3A_1475 = arith.index_cast %squeeze3A_1464 : i32 to index
      %swap3A_1476 = arith.constant 32 : index
      %swap3A_1477 = tpu.vector_load %arg8[%swap3A_1475, %swap3A_1476] {strides = array<i32>} : memref<513x128xf32, #tpu.memory_space<vmem>>, vector<1x16xf32>,
      %swap3A_1478 = vector.shape_cast %swap3A_1477 : vector<1x16xf32> to vector<16xf32>
      %swap3A_1479 = vector.shape_cast %get3A_979 : vector<16xf32> to vector<1x16xf32>
      tpu.vector_store %arg8[%swap3A_1475, %swap3A_1476], %swap3A_1479 {strides = array<i32>} : memref<513x128xf32, #tpu.memory_space<vmem>>, vector<1x16xf32>,
      %swap3A_1480 = arith.index_cast %squeeze3A_1464 : i32 to index
      %swap3A_1481 = arith.constant 48 : index
      %swap3A_1482 = tpu.vector_load %arg8[%swap3A_1480, %swap3A_1481] {strides = array<i32>} : memref<513x128xf32, #tpu.memory_space<vmem>>, vector<1x16xf32>,
      %swap3A_1483 = vector.shape_cast %swap3A_1482 : vector<1x16xf32> to vector<16xf32>
      %swap3A_1484 = vector.shape_cast %get3A_984 : vector<16xf32> to vector<1x16xf32>
      tpu.vector_store %arg8[%swap3A_1480, %swap3A_1481], %swap3A_1484 {strides = array<i32>} : memref<513x128xf32, #tpu.memory_space<vmem>>, vector<1x16xf32>,
      %swap3A_1485 = arith.index_cast %squeeze3A_1464 : i32 to index
      %swap3A_1486 = arith.constant 64 : index
      %swap3A_1487 = tpu.vector_load %arg8[%swap3A_1485, %swap3A_1486] {strides = array<i32>} : memref<513x128xf32, #tpu.memory_space<vmem>>, vector<1x16xf32>,
      %swap3A_1488 = vector.shape_cast %swap3A_1487 : vector<1x16xf32> to vector<16xf32>
      %swap3A_1489 = vector.shape_cast %get3A_989 : vector<16xf32> to vector<1x16xf32>
      tpu.vector_store %arg8[%swap3A_1485, %swap3A_1486], %swap3A_1489 {strides = array<i32>} : memref<513x128xf32, #tpu.memory_space<vmem>>, vector<1x16xf32>,
      %swap3A_1490 = arith.index_cast %squeeze3A_1464 : i32 to index
      %swap3A_1491 = arith.constant 80 : index
      %swap3A_1492 = tpu.vector_load %arg8[%swap3A_1490, %swap3A_1491] {strides = array<i32>} : memref<513x128xf32, #tpu.memory_space<vmem>>, vector<1x16xf32>,
      %swap3A_1493 = vector.shape_cast %swap3A_1492 : vector<1x16xf32> to vector<16xf32>
      %swap3A_1494 = vector.shape_cast %get3A_994 : vector<16xf32> to vector<1x16xf32>
      tpu.vector_store %arg8[%swap3A_1490, %swap3A_1491], %swap3A_1494 {strides = array<i32>} : memref<513x128xf32, #tpu.memory_space<vmem>>, vector<1x16xf32>,
      %swap3A_1495 = arith.index_cast %squeeze3A_1464 : i32 to index
      %swap3A_1496 = arith.constant 96 : index
      %swap3A_1497 = tpu.vector_load %arg8[%swap3A_1495, %swap3A_1496] {strides = array<i32>} : memref<513x128xf32, #tpu.memory_space<vmem>>, vector<1x16xf32>,
      %swap3A_1498 = vector.shape_cast %swap3A_1497 : vector<1x16xf32> to vector<16xf32>
      %swap3A_1499 = vector.shape_cast %get3A_999 : vector<16xf32> to vector<1x16xf32>
      tpu.vector_store %arg8[%swap3A_1495, %swap3A_1496], %swap3A_1499 {strides = array<i32>} : memref<513x128xf32, #tpu.memory_space<vmem>>, vector<1x16xf32>,
      %swap3A_1500 = arith.index_cast %squeeze3A_1464 : i32 to index
      %swap3A_1501 = arith.constant 112 : index
      %swap3A_1502 = tpu.vector_load %arg8[%swap3A_1500, %swap3A_1501] {strides = array<i32>} : memref<513x128xf32, #tpu.memory_space<vmem>>, vector<1x16xf32>,
      %swap3A_1503 = vector.shape_cast %swap3A_1502 : vector<1x16xf32> to vector<16xf32>
      %swap3A_1504 = vector.shape_cast %get3A_1004 : vector<16xf32> to vector<1x16xf32>
      tpu.vector_store %arg8[%swap3A_1500, %swap3A_1501], %swap3A_1504 {strides = array<i32>} : memref<513x128xf32, #tpu.memory_space<vmem>>, vector<1x16xf32>,
      %slice3A_1505 = vector.extract_strided_slice %select_n3A_1170 {offsets = [8], sizes = [1], strides = [1]} : vector<16xi32> to vector<1xi32>
      %squeeze3A_1506 = vector.extract %slice3A_1505[0] : i32 from vector<1xi32>
      %swap3A_1507 = arith.index_cast %squeeze3A_1506 : i32 to index
      %swap3A_1508 = arith.constant 0 : index
      %swap3A_1509 = tpu.vector_load %arg8[%swap3A_1507, %swap3A_1508] {strides = array<i32>} : memref<513x128xf32, #tpu.memory_space<vmem>>, vector<1x16xf32>,
      %swap3A_1510 = vector.shape_cast %swap3A_1509 : vector<1x16xf32> to vector<16xf32>
      %swap3A_1511 = vector.shape_cast %get3A_969 : vector<16xf32> to vector<1x16xf32>
      tpu.vector_store %arg8[%swap3A_1507, %swap3A_1508], %swap3A_1511 {strides = array<i32>} : memref<513x128xf32, #tpu.memory_space<vmem>>, vector<1x16xf32>,
      %swap3A_1512 = arith.index_cast %squeeze3A_1506 : i32 to index
      %swap3A_1513 = arith.constant 16 : index
      %swap3A_1514 = tpu.vector_load %arg8[%swap3A_1512, %swap3A_1513] {strides = array<i32>} : memref<513x128xf32, #tpu.memory_space<vmem>>, vector<1x16xf32>,
      %swap3A_1515 = vector.shape_cast %swap3A_1514 : vector<1x16xf32> to vector<16xf32>
      %swap3A_1516 = vector.shape_cast %get3A_974 : vector<16xf32> to vector<1x16xf32>
      tpu.vector_store %arg8[%swap3A_1512, %swap3A_1513], %swap3A_1516 {strides = array<i32>} : memref<513x128xf32, #tpu.memory_space<vmem>>, vector<1x16xf32>,
      %swap3A_1517 = arith.index_cast %squeeze3A_1506 : i32 to index
      %swap3A_1518 = arith.constant 32 : index
      %swap3A_1519 = tpu.vector_load %arg8[%swap3A_1517, %swap3A_1518] {strides = array<i32>} : memref<513x128xf32, #tpu.memory_space<vmem>>, vector<1x16xf32>,
      %swap3A_1520 = vector.shape_cast %swap3A_1519 : vector<1x16xf32> to vector<16xf32>
      %swap3A_1521 = vector.shape_cast %get3A_979 : vector<16xf32> to vector<1x16xf32>
      tpu.vector_store %arg8[%swap3A_1517, %swap3A_1518], %swap3A_1521 {strides = array<i32>} : memref<513x128xf32, #tpu.memory_space<vmem>>, vector<1x16xf32>,
      %swap3A_1522 = arith.index_cast %squeeze3A_1506 : i32 to index
      %swap3A_1523 = arith.constant 48 : index
      %swap3A_1524 = tpu.vector_load %arg8[%swap3A_1522, %swap3A_1523] {strides = array<i32>} : memref<513x128xf32, #tpu.memory_space<vmem>>, vector<1x16xf32>,
      %swap3A_1525 = vector.shape_cast %swap3A_1524 : vector<1x16xf32> to vector<16xf32>
      %swap3A_1526 = vector.shape_cast %get3A_984 : vector<16xf32> to vector<1x16xf32>
      tpu.vector_store %arg8[%swap3A_1522, %swap3A_1523], %swap3A_1526 {strides = array<i32>} : memref<513x128xf32, #tpu.memory_space<vmem>>, vector<1x16xf32>,
      %swap3A_1527 = arith.index_cast %squeeze3A_1506 : i32 to index
      %swap3A_1528 = arith.constant 64 : index
      %swap3A_1529 = tpu.vector_load %arg8[%swap3A_1527, %swap3A_1528] {strides = array<i32>} : memref<513x128xf32, #tpu.memory_space<vmem>>, vector<1x16xf32>,
      %swap3A_1530 = vector.shape_cast %swap3A_1529 : vector<1x16xf32> to vector<16xf32>
      %swap3A_1531 = vector.shape_cast %get3A_989 : vector<16xf32> to vector<1x16xf32>
      tpu.vector_store %arg8[%swap3A_1527, %swap3A_1528], %swap3A_1531 {strides = array<i32>} : memref<513x128xf32, #tpu.memory_space<vmem>>, vector<1x16xf32>,
      %swap3A_1532 = arith.index_cast %squeeze3A_1506 : i32 to index
      %swap3A_1533 = arith.constant 80 : index
      %swap3A_1534 = tpu.vector_load %arg8[%swap3A_1532, %swap3A_1533] {strides = array<i32>} : memref<513x128xf32, #tpu.memory_space<vmem>>, vector<1x16xf32>,
      %swap3A_1535 = vector.shape_cast %swap3A_1534 : vector<1x16xf32> to vector<16xf32>
      %swap3A_1536 = vector.shape_cast %get3A_994 : vector<16xf32> to vector<1x16xf32>
      tpu.vector_store %arg8[%swap3A_1532, %swap3A_1533], %swap3A_1536 {strides = array<i32>} : memref<513x128xf32, #tpu.memory_space<vmem>>, vector<1x16xf32>,
      %swap3A_1537 = arith.index_cast %squeeze3A_1506 : i32 to index
      %swap3A_1538 = arith.constant 96 : index
      %swap3A_1539 = tpu.vector_load %arg8[%swap3A_1537, %swap3A_1538] {strides = array<i32>} : memref<513x128xf32, #tpu.memory_space<vmem>>, vector<1x16xf32>,
      %swap3A_1540 = vector.shape_cast %swap3A_1539 : vector<1x16xf32> to vector<16xf32>
      %swap3A_1541 = vector.shape_cast %get3A_999 : vector<16xf32> to vector<1x16xf32>
      tpu.vector_store %arg8[%swap3A_1537, %swap3A_1538], %swap3A_1541 {strides = array<i32>} : memref<513x128xf32, #tpu.memory_space<vmem>>, vector<1x16xf32>,
      %swap3A_1542 = arith.index_cast %squeeze3A_1506 : i32 to index
      %swap3A_1543 = arith.constant 112 : index
      %swap3A_1544 = tpu.vector_load %arg8[%swap3A_1542, %swap3A_1543] {strides = array<i32>} : memref<513x128xf32, #tpu.memory_space<vmem>>, vector<1x16xf32>,
      %swap3A_1545 = vector.shape_cast %swap3A_1544 : vector<1x16xf32> to vector<16xf32>
      %swap3A_1546 = vector.shape_cast %get3A_1004 : vector<16xf32> to vector<1x16xf32>
      tpu.vector_store %arg8[%swap3A_1542, %swap3A_1543], %swap3A_1546 {strides = array<i32>} : memref<513x128xf32, #tpu.memory_space<vmem>>, vector<1x16xf32>,
      %slice3A_1547 = vector.extract_strided_slice %select_n3A_1170 {offsets = [9], sizes = [1], strides = [1]} : vector<16xi32> to vector<1xi32>
      %squeeze3A_1548 = vector.extract %slice3A_1547[0] : i32 from vector<1xi32>
      %swap3A_1549 = arith.index_cast %squeeze3A_1548 : i32 to index
      %swap3A_1550 = arith.constant 0 : index
      %swap3A_1551 = tpu.vector_load %arg8[%swap3A_1549, %swap3A_1550] {strides = array<i32>} : memref<513x128xf32, #tpu.memory_space<vmem>>, vector<1x16xf32>,
      %swap3A_1552 = vector.shape_cast %swap3A_1551 : vector<1x16xf32> to vector<16xf32>
      %swap3A_1553 = vector.shape_cast %get3A_969 : vector<16xf32> to vector<1x16xf32>
      tpu.vector_store %arg8[%swap3A_1549, %swap3A_1550], %swap3A_1553 {strides = array<i32>} : memref<513x128xf32, #tpu.memory_space<vmem>>, vector<1x16xf32>,
      %swap3A_1554 = arith.index_cast %squeeze3A_1548 : i32 to index
      %swap3A_1555 = arith.constant 16 : index
      %swap3A_1556 = tpu.vector_load %arg8[%swap3A_1554, %swap3A_1555] {strides = array<i32>} : memref<513x128xf32, #tpu.memory_space<vmem>>, vector<1x16xf32>,
      %swap3A_1557 = vector.shape_cast %swap3A_1556 : vector<1x16xf32> to vector<16xf32>
      %swap3A_1558 = vector.shape_cast %get3A_974 : vector<16xf32> to vector<1x16xf32>
      tpu.vector_store %arg8[%swap3A_1554, %swap3A_1555], %swap3A_1558 {strides = array<i32>} : memref<513x128xf32, #tpu.memory_space<vmem>>, vector<1x16xf32>,
      %swap3A_1559 = arith.index_cast %squeeze3A_1548 : i32 to index
      %swap3A_1560 = arith.constant 32 : index
      %swap3A_1561 = tpu.vector_load %arg8[%swap3A_1559, %swap3A_1560] {strides = array<i32>} : memref<513x128xf32, #tpu.memory_space<vmem>>, vector<1x16xf32>,
      %swap3A_1562 = vector.shape_cast %swap3A_1561 : vector<1x16xf32> to vector<16xf32>
      %swap3A_1563 = vector.shape_cast %get3A_979 : vector<16xf32> to vector<1x16xf32>
      tpu.vector_store %arg8[%swap3A_1559, %swap3A_1560], %swap3A_1563 {strides = array<i32>} : memref<513x128xf32, #tpu.memory_space<vmem>>, vector<1x16xf32>,
      %swap3A_1564 = arith.index_cast %squeeze3A_1548 : i32 to index
      %swap3A_1565 = arith.constant 48 : index
      %swap3A_1566 = tpu.vector_load %arg8[%swap3A_1564, %swap3A_1565] {strides = array<i32>} : memref<513x128xf32, #tpu.memory_space<vmem>>, vector<1x16xf32>,
      %swap3A_1567 = vector.shape_cast %swap3A_1566 : vector<1x16xf32> to vector<16xf32>
      %swap3A_1568 = vector.shape_cast %get3A_984 : vector<16xf32> to vector<1x16xf32>
      tpu.vector_store %arg8[%swap3A_1564, %swap3A_1565], %swap3A_1568 {strides = array<i32>} : memref<513x128xf32, #tpu.memory_space<vmem>>, vector<1x16xf32>,
      %swap3A_1569 = arith.index_cast %squeeze3A_1548 : i32 to index
      %swap3A_1570 = arith.constant 64 : index
      %swap3A_1571 = tpu.vector_load %arg8[%swap3A_1569, %swap3A_1570] {strides = array<i32>} : memref<513x128xf32, #tpu.memory_space<vmem>>, vector<1x16xf32>,
      %swap3A_1572 = vector.shape_cast %swap3A_1571 : vector<1x16xf32> to vector<16xf32>
      %swap3A_1573 = vector.shape_cast %get3A_989 : vector<16xf32> to vector<1x16xf32>
      tpu.vector_store %arg8[%swap3A_1569, %swap3A_1570], %swap3A_1573 {strides = array<i32>} : memref<513x128xf32, #tpu.memory_space<vmem>>, vector<1x16xf32>,
      %swap3A_1574 = arith.index_cast %squeeze3A_1548 : i32 to index
      %swap3A_1575 = arith.constant 80 : index
      %swap3A_1576 = tpu.vector_load %arg8[%swap3A_1574, %swap3A_1575] {strides = array<i32>} : memref<513x128xf32, #tpu.memory_space<vmem>>, vector<1x16xf32>,
      %swap3A_1577 = vector.shape_cast %swap3A_1576 : vector<1x16xf32> to vector<16xf32>
      %swap3A_1578 = vector.shape_cast %get3A_994 : vector<16xf32> to vector<1x16xf32>
      tpu.vector_store %arg8[%swap3A_1574, %swap3A_1575], %swap3A_1578 {strides = array<i32>} : memref<513x128xf32, #tpu.memory_space<vmem>>, vector<1x16xf32>,
      %swap3A_1579 = arith.index_cast %squeeze3A_1548 : i32 to index
      %swap3A_1580 = arith.constant 96 : index
      %swap3A_1581 = tpu.vector_load %arg8[%swap3A_1579, %swap3A_1580] {strides = array<i32>} : memref<513x128xf32, #tpu.memory_space<vmem>>, vector<1x16xf32>,
      %swap3A_1582 = vector.shape_cast %swap3A_1581 : vector<1x16xf32> to vector<16xf32>
      %swap3A_1583 = vector.shape_cast %get3A_999 : vector<16xf32> to vector<1x16xf32>
      tpu.vector_store %arg8[%swap3A_1579, %swap3A_1580], %swap3A_1583 {strides = array<i32>} : memref<513x128xf32, #tpu.memory_space<vmem>>, vector<1x16xf32>,
      %swap3A_1584 = arith.index_cast %squeeze3A_1548 : i32 to index
      %swap3A_1585 = arith.constant 112 : index
      %swap3A_1586 = tpu.vector_load %arg8[%swap3A_1584, %swap3A_1585] {strides = array<i32>} : memref<513x128xf32, #tpu.memory_space<vmem>>, vector<1x16xf32>,
      %swap3A_1587 = vector.shape_cast %swap3A_1586 : vector<1x16xf32> to vector<16xf32>
      %swap3A_1588 = vector.shape_cast %get3A_1004 : vector<16xf32> to vector<1x16xf32>
      tpu.vector_store %arg8[%swap3A_1584, %swap3A_1585], %swap3A_1588 {strides = array<i32>} : memref<513x128xf32, #tpu.memory_space<vmem>>, vector<1x16xf32>,
      %slice3A_1589 = vector.extract_strided_slice %select_n3A_1170 {offsets = [10], sizes = [1], strides = [1]} : vector<16xi32> to vector<1xi32>
      %squeeze3A_1590 = vector.extract %slice3A_1589[0] : i32 from vector<1xi32>
      %swap3A_1591 = arith.index_cast %squeeze3A_1590 : i32 to index
      %swap3A_1592 = arith.constant 0 : index
      %swap3A_1593 = tpu.vector_load %arg8[%swap3A_1591, %swap3A_1592] {strides = array<i32>} : memref<513x128xf32, #tpu.memory_space<vmem>>, vector<1x16xf32>,
      %swap3A_1594 = vector.shape_cast %swap3A_1593 : vector<1x16xf32> to vector<16xf32>
      %swap3A_1595 = vector.shape_cast %get3A_969 : vector<16xf32> to vector<1x16xf32>
      tpu.vector_store %arg8[%swap3A_1591, %swap3A_1592], %swap3A_1595 {strides = array<i32>} : memref<513x128xf32, #tpu.memory_space<vmem>>, vector<1x16xf32>,
      %swap3A_1596 = arith.index_cast %squeeze3A_1590 : i32 to index
      %swap3A_1597 = arith.constant 16 : index
      %swap3A_1598 = tpu.vector_load %arg8[%swap3A_1596, %swap3A_1597] {strides = array<i32>} : memref<513x128xf32, #tpu.memory_space<vmem>>, vector<1x16xf32>,
      %swap3A_1599 = vector.shape_cast %swap3A_1598 : vector<1x16xf32> to vector<16xf32>
      %swap3A_1600 = vector.shape_cast %get3A_974 : vector<16xf32> to vector<1x16xf32>
      tpu.vector_store %arg8[%swap3A_1596, %swap3A_1597], %swap3A_1600 {strides = array<i32>} : memref<513x128xf32, #tpu.memory_space<vmem>>, vector<1x16xf32>,
      %swap3A_1601 = arith.index_cast %squeeze3A_1590 : i32 to index
      %swap3A_1602 = arith.constant 32 : index
      %swap3A_1603 = tpu.vector_load %arg8[%swap3A_1601, %swap3A_1602] {strides = array<i32>} : memref<513x128xf32, #tpu.memory_space<vmem>>, vector<1x16xf32>,
      %swap3A_1604 = vector.shape_cast %swap3A_1603 : vector<1x16xf32> to vector<16xf32>
      %swap3A_1605 = vector.shape_cast %get3A_979 : vector<16xf32> to vector<1x16xf32>
      tpu.vector_store %arg8[%swap3A_1601, %swap3A_1602], %swap3A_1605 {strides = array<i32>} : memref<513x128xf32, #tpu.memory_space<vmem>>, vector<1x16xf32>,
      %swap3A_1606 = arith.index_cast %squeeze3A_1590 : i32 to index
      %swap3A_1607 = arith.constant 48 : index
      %swap3A_1608 = tpu.vector_load %arg8[%swap3A_1606, %swap3A_1607] {strides = array<i32>} : memref<513x128xf32, #tpu.memory_space<vmem>>, vector<1x16xf32>,
      %swap3A_1609 = vector.shape_cast %swap3A_1608 : vector<1x16xf32> to vector<16xf32>
      %swap3A_1610 = vector.shape_cast %get3A_984 : vector<16xf32> to vector<1x16xf32>
      tpu.vector_store %arg8[%swap3A_1606, %swap3A_1607], %swap3A_1610 {strides = array<i32>} : memref<513x128xf32, #tpu.memory_space<vmem>>, vector<1x16xf32>,
      %swap3A_1611 = arith.index_cast %squeeze3A_1590 : i32 to index
      %swap3A_1612 = arith.constant 64 : index
      %swap3A_1613 = tpu.vector_load %arg8[%swap3A_1611, %swap3A_1612] {strides = array<i32>} : memref<513x128xf32, #tpu.memory_space<vmem>>, vector<1x16xf32>,
      %swap3A_1614 = vector.shape_cast %swap3A_1613 : vector<1x16xf32> to vector<16xf32>
      %swap3A_1615 = vector.shape_cast %get3A_989 : vector<16xf32> to vector<1x16xf32>
      tpu.vector_store %arg8[%swap3A_1611, %swap3A_1612], %swap3A_1615 {strides = array<i32>} : memref<513x128xf32, #tpu.memory_space<vmem>>, vector<1x16xf32>,
      %swap3A_1616 = arith.index_cast %squeeze3A_1590 : i32 to index
      %swap3A_1617 = arith.constant 80 : index
      %swap3A_1618 = tpu.vector_load %arg8[%swap3A_1616, %swap3A_1617] {strides = array<i32>} : memref<513x128xf32, #tpu.memory_space<vmem>>, vector<1x16xf32>,
      %swap3A_1619 = vector.shape_cast %swap3A_1618 : vector<1x16xf32> to vector<16xf32>
      %swap3A_1620 = vector.shape_cast %get3A_994 : vector<16xf32> to vector<1x16xf32>
      tpu.vector_store %arg8[%swap3A_1616, %swap3A_1617], %swap3A_1620 {strides = array<i32>} : memref<513x128xf32, #tpu.memory_space<vmem>>, vector<1x16xf32>,
      %swap3A_1621 = arith.index_cast %squeeze3A_1590 : i32 to index
      %swap3A_1622 = arith.constant 96 : index
      %swap3A_1623 = tpu.vector_load %arg8[%swap3A_1621, %swap3A_1622] {strides = array<i32>} : memref<513x128xf32, #tpu.memory_space<vmem>>, vector<1x16xf32>,
      %swap3A_1624 = vector.shape_cast %swap3A_1623 : vector<1x16xf32> to vector<16xf32>
      %swap3A_1625 = vector.shape_cast %get3A_999 : vector<16xf32> to vector<1x16xf32>
      tpu.vector_store %arg8[%swap3A_1621, %swap3A_1622], %swap3A_1625 {strides = array<i32>} : memref<513x128xf32, #tpu.memory_space<vmem>>, vector<1x16xf32>,
      %swap3A_1626 = arith.index_cast %squeeze3A_1590 : i32 to index
      %swap3A_1627 = arith.constant 112 : index
      %swap3A_1628 = tpu.vector_load %arg8[%swap3A_1626, %swap3A_1627] {strides = array<i32>} : memref<513x128xf32, #tpu.memory_space<vmem>>, vector<1x16xf32>,
      %swap3A_1629 = vector.shape_cast %swap3A_1628 : vector<1x16xf32> to vector<16xf32>
      %swap3A_1630 = vector.shape_cast %get3A_1004 : vector<16xf32> to vector<1x16xf32>
      tpu.vector_store %arg8[%swap3A_1626, %swap3A_1627], %swap3A_1630 {strides = array<i32>} : memref<513x128xf32, #tpu.memory_space<vmem>>, vector<1x16xf32>,
      %slice3A_1631 = vector.extract_strided_slice %select_n3A_1170 {offsets = [11], sizes = [1], strides = [1]} : vector<16xi32> to vector<1xi32>
      %squeeze3A_1632 = vector.extract %slice3A_1631[0] : i32 from vector<1xi32>
      %swap3A_1633 = arith.index_cast %squeeze3A_1632 : i32 to index
      %swap3A_1634 = arith.constant 0 : index
      %swap3A_1635 = tpu.vector_load %arg8[%swap3A_1633, %swap3A_1634] {strides = array<i32>} : memref<513x128xf32, #tpu.memory_space<vmem>>, vector<1x16xf32>,
      %swap3A_1636 = vector.shape_cast %swap3A_1635 : vector<1x16xf32> to vector<16xf32>
      %swap3A_1637 = vector.shape_cast %get3A_969 : vector<16xf32> to vector<1x16xf32>
      tpu.vector_store %arg8[%swap3A_1633, %swap3A_1634], %swap3A_1637 {strides = array<i32>} : memref<513x128xf32, #tpu.memory_space<vmem>>, vector<1x16xf32>,
      %swap3A_1638 = arith.index_cast %squeeze3A_1632 : i32 to index
      %swap3A_1639 = arith.constant 16 : index
      %swap3A_1640 = tpu.vector_load %arg8[%swap3A_1638, %swap3A_1639] {strides = array<i32>} : memref<513x128xf32, #tpu.memory_space<vmem>>, vector<1x16xf32>,
      %swap3A_1641 = vector.shape_cast %swap3A_1640 : vector<1x16xf32> to vector<16xf32>
      %swap3A_1642 = vector.shape_cast %get3A_974 : vector<16xf32> to vector<1x16xf32>
      tpu.vector_store %arg8[%swap3A_1638, %swap3A_1639], %swap3A_1642 {strides = array<i32>} : memref<513x128xf32, #tpu.memory_space<vmem>>, vector<1x16xf32>,
      %swap3A_1643 = arith.index_cast %squeeze3A_1632 : i32 to index
      %swap3A_1644 = arith.constant 32 : index
      %swap3A_1645 = tpu.vector_load %arg8[%swap3A_1643, %swap3A_1644] {strides = array<i32>} : memref<513x128xf32, #tpu.memory_space<vmem>>, vector<1x16xf32>,
      %swap3A_1646 = vector.shape_cast %swap3A_1645 : vector<1x16xf32> to vector<16xf32>
      %swap3A_1647 = vector.shape_cast %get3A_979 : vector<16xf32> to vector<1x16xf32>
      tpu.vector_store %arg8[%swap3A_1643, %swap3A_1644], %swap3A_1647 {strides = array<i32>} : memref<513x128xf32, #tpu.memory_space<vmem>>, vector<1x16xf32>,
      %swap3A_1648 = arith.index_cast %squeeze3A_1632 : i32 to index
      %swap3A_1649 = arith.constant 48 : index
      %swap3A_1650 = tpu.vector_load %arg8[%swap3A_1648, %swap3A_1649] {strides = array<i32>} : memref<513x128xf32, #tpu.memory_space<vmem>>, vector<1x16xf32>,
      %swap3A_1651 = vector.shape_cast %swap3A_1650 : vector<1x16xf32> to vector<16xf32>
      %swap3A_1652 = vector.shape_cast %get3A_984 : vector<16xf32> to vector<1x16xf32>
      tpu.vector_store %arg8[%swap3A_1648, %swap3A_1649], %swap3A_1652 {strides = array<i32>} : memref<513x128xf32, #tpu.memory_space<vmem>>, vector<1x16xf32>,
      %swap3A_1653 = arith.index_cast %squeeze3A_1632 : i32 to index
      %swap3A_1654 = arith.constant 64 : index
      %swap3A_1655 = tpu.vector_load %arg8[%swap3A_1653, %swap3A_1654] {strides = array<i32>} : memref<513x128xf32, #tpu.memory_space<vmem>>, vector<1x16xf32>,
      %swap3A_1656 = vector.shape_cast %swap3A_1655 : vector<1x16xf32> to vector<16xf32>
      %swap3A_1657 = vector.shape_cast %get3A_989 : vector<16xf32> to vector<1x16xf32>
      tpu.vector_store %arg8[%swap3A_1653, %swap3A_1654], %swap3A_1657 {strides = array<i32>} : memref<513x128xf32, #tpu.memory_space<vmem>>, vector<1x16xf32>,
      %swap3A_1658 = arith.index_cast %squeeze3A_1632 : i32 to index
      %swap3A_1659 = arith.constant 80 : index
      %swap3A_1660 = tpu.vector_load %arg8[%swap3A_1658, %swap3A_1659] {strides = array<i32>} : memref<513x128xf32, #tpu.memory_space<vmem>>, vector<1x16xf32>,
      %swap3A_1661 = vector.shape_cast %swap3A_1660 : vector<1x16xf32> to vector<16xf32>
      %swap3A_1662 = vector.shape_cast %get3A_994 : vector<16xf32> to vector<1x16xf32>
      tpu.vector_store %arg8[%swap3A_1658, %swap3A_1659], %swap3A_1662 {strides = array<i32>} : memref<513x128xf32, #tpu.memory_space<vmem>>, vector<1x16xf32>,
      %swap3A_1663 = arith.index_cast %squeeze3A_1632 : i32 to index
      %swap3A_1664 = arith.constant 96 : index
      %swap3A_1665 = tpu.vector_load %arg8[%swap3A_1663, %swap3A_1664] {strides = array<i32>} : memref<513x128xf32, #tpu.memory_space<vmem>>, vector<1x16xf32>,
      %swap3A_1666 = vector.shape_cast %swap3A_1665 : vector<1x16xf32> to vector<16xf32>
      %swap3A_1667 = vector.shape_cast %get3A_999 : vector<16xf32> to vector<1x16xf32>
      tpu.vector_store %arg8[%swap3A_1663, %swap3A_1664], %swap3A_1667 {strides = array<i32>} : memref<513x128xf32, #tpu.memory_space<vmem>>, vector<1x16xf32>,
      %swap3A_1668 = arith.index_cast %squeeze3A_1632 : i32 to index
      %swap3A_1669 = arith.constant 112 : index
      %swap3A_1670 = tpu.vector_load %arg8[%swap3A_1668, %swap3A_1669] {strides = array<i32>} : memref<513x128xf32, #tpu.memory_space<vmem>>, vector<1x16xf32>,
      %swap3A_1671 = vector.shape_cast %swap3A_1670 : vector<1x16xf32> to vector<16xf32>
      %swap3A_1672 = vector.shape_cast %get3A_1004 : vector<16xf32> to vector<1x16xf32>
      tpu.vector_store %arg8[%swap3A_1668, %swap3A_1669], %swap3A_1672 {strides = array<i32>} : memref<513x128xf32, #tpu.memory_space<vmem>>, vector<1x16xf32>,
      %slice3A_1673 = vector.extract_strided_slice %select_n3A_1170 {offsets = [12], sizes = [1], strides = [1]} : vector<16xi32> to vector<1xi32>
      %squeeze3A_1674 = vector.extract %slice3A_1673[0] : i32 from vector<1xi32>
      %swap3A_1675 = arith.index_cast %squeeze3A_1674 : i32 to index
      %swap3A_1676 = arith.constant 0 : index
      %swap3A_1677 = tpu.vector_load %arg8[%swap3A_1675, %swap3A_1676] {strides = array<i32>} : memref<513x128xf32, #tpu.memory_space<vmem>>, vector<1x16xf32>,
      %swap3A_1678 = vector.shape_cast %swap3A_1677 : vector<1x16xf32> to vector<16xf32>
      %swap3A_1679 = vector.shape_cast %get3A_969 : vector<16xf32> to vector<1x16xf32>
      tpu.vector_store %arg8[%swap3A_1675, %swap3A_1676], %swap3A_1679 {strides = array<i32>} : memref<513x128xf32, #tpu.memory_space<vmem>>, vector<1x16xf32>,
      %swap3A_1680 = arith.index_cast %squeeze3A_1674 : i32 to index
      %swap3A_1681 = arith.constant 16 : index
      %swap3A_1682 = tpu.vector_load %arg8[%swap3A_1680, %swap3A_1681] {strides = array<i32>} : memref<513x128xf32, #tpu.memory_space<vmem>>, vector<1x16xf32>,
      %swap3A_1683 = vector.shape_cast %swap3A_1682 : vector<1x16xf32> to vector<16xf32>
      %swap3A_1684 = vector.shape_cast %get3A_974 : vector<16xf32> to vector<1x16xf32>
      tpu.vector_store %arg8[%swap3A_1680, %swap3A_1681], %swap3A_1684 {strides = array<i32>} : memref<513x128xf32, #tpu.memory_space<vmem>>, vector<1x16xf32>,
      %swap3A_1685 = arith.index_cast %squeeze3A_1674 : i32 to index
      %swap3A_1686 = arith.constant 32 : index
      %swap3A_1687 = tpu.vector_load %arg8[%swap3A_1685, %swap3A_1686] {strides = array<i32>} : memref<513x128xf32, #tpu.memory_space<vmem>>, vector<1x16xf32>,
      %swap3A_1688 = vector.shape_cast %swap3A_1687 : vector<1x16xf32> to vector<16xf32>
      %swap3A_1689 = vector.shape_cast %get3A_979 : vector<16xf32> to vector<1x16xf32>
      tpu.vector_store %arg8[%swap3A_1685, %swap3A_1686], %swap3A_1689 {strides = array<i32>} : memref<513x128xf32, #tpu.memory_space<vmem>>, vector<1x16xf32>,
      %swap3A_1690 = arith.index_cast %squeeze3A_1674 : i32 to index
      %swap3A_1691 = arith.constant 48 : index
      %swap3A_1692 = tpu.vector_load %arg8[%swap3A_1690, %swap3A_1691] {strides = array<i32>} : memref<513x128xf32, #tpu.memory_space<vmem>>, vector<1x16xf32>,
      %swap3A_1693 = vector.shape_cast %swap3A_1692 : vector<1x16xf32> to vector<16xf32>
      %swap3A_1694 = vector.shape_cast %get3A_984 : vector<16xf32> to vector<1x16xf32>
      tpu.vector_store %arg8[%swap3A_1690, %swap3A_1691], %swap3A_1694 {strides = array<i32>} : memref<513x128xf32, #tpu.memory_space<vmem>>, vector<1x16xf32>,
      %swap3A_1695 = arith.index_cast %squeeze3A_1674 : i32 to index
      %swap3A_1696 = arith.constant 64 : index
      %swap3A_1697 = tpu.vector_load %arg8[%swap3A_1695, %swap3A_1696] {strides = array<i32>} : memref<513x128xf32, #tpu.memory_space<vmem>>, vector<1x16xf32>,
      %swap3A_1698 = vector.shape_cast %swap3A_1697 : vector<1x16xf32> to vector<16xf32>
      %swap3A_1699 = vector.shape_cast %get3A_989 : vector<16xf32> to vector<1x16xf32>
      tpu.vector_store %arg8[%swap3A_1695, %swap3A_1696], %swap3A_1699 {strides = array<i32>} : memref<513x128xf32, #tpu.memory_space<vmem>>, vector<1x16xf32>,
      %swap3A_1700 = arith.index_cast %squeeze3A_1674 : i32 to index
      %swap3A_1701 = arith.constant 80 : index
      %swap3A_1702 = tpu.vector_load %arg8[%swap3A_1700, %swap3A_1701] {strides = array<i32>} : memref<513x128xf32, #tpu.memory_space<vmem>>, vector<1x16xf32>,
      %swap3A_1703 = vector.shape_cast %swap3A_1702 : vector<1x16xf32> to vector<16xf32>
      %swap3A_1704 = vector.shape_cast %get3A_994 : vector<16xf32> to vector<1x16xf32>
      tpu.vector_store %arg8[%swap3A_1700, %swap3A_1701], %swap3A_1704 {strides = array<i32>} : memref<513x128xf32, #tpu.memory_space<vmem>>, vector<1x16xf32>,
      %swap3A_1705 = arith.index_cast %squeeze3A_1674 : i32 to index
      %swap3A_1706 = arith.constant 96 : index
      %swap3A_1707 = tpu.vector_load %arg8[%swap3A_1705, %swap3A_1706] {strides = array<i32>} : memref<513x128xf32, #tpu.memory_space<vmem>>, vector<1x16xf32>,
      %swap3A_1708 = vector.shape_cast %swap3A_1707 : vector<1x16xf32> to vector<16xf32>
      %swap3A_1709 = vector.shape_cast %get3A_999 : vector<16xf32> to vector<1x16xf32>
      tpu.vector_store %arg8[%swap3A_1705, %swap3A_1706], %swap3A_1709 {strides = array<i32>} : memref<513x128xf32, #tpu.memory_space<vmem>>, vector<1x16xf32>,
      %swap3A_1710 = arith.index_cast %squeeze3A_1674 : i32 to index
      %swap3A_1711 = arith.constant 112 : index
      %swap3A_1712 = tpu.vector_load %arg8[%swap3A_1710, %swap3A_1711] {strides = array<i32>} : memref<513x128xf32, #tpu.memory_space<vmem>>, vector<1x16xf32>,
      %swap3A_1713 = vector.shape_cast %swap3A_1712 : vector<1x16xf32> to vector<16xf32>
      %swap3A_1714 = vector.shape_cast %get3A_1004 : vector<16xf32> to vector<1x16xf32>
      tpu.vector_store %arg8[%swap3A_1710, %swap3A_1711], %swap3A_1714 {strides = array<i32>} : memref<513x128xf32, #tpu.memory_space<vmem>>, vector<1x16xf32>,
      %slice3A_1715 = vector.extract_strided_slice %select_n3A_1170 {offsets = [13], sizes = [1], strides = [1]} : vector<16xi32> to vector<1xi32>
      %squeeze3A_1716 = vector.extract %slice3A_1715[0] : i32 from vector<1xi32>
      %swap3A_1717 = arith.index_cast %squeeze3A_1716 : i32 to index
      %swap3A_1718 = arith.constant 0 : index
      %swap3A_1719 = tpu.vector_load %arg8[%swap3A_1717, %swap3A_1718] {strides = array<i32>} : memref<513x128xf32, #tpu.memory_space<vmem>>, vector<1x16xf32>,
      %swap3A_1720 = vector.shape_cast %swap3A_1719 : vector<1x16xf32> to vector<16xf32>
      %swap3A_1721 = vector.shape_cast %get3A_969 : vector<16xf32> to vector<1x16xf32>
      tpu.vector_store %arg8[%swap3A_1717, %swap3A_1718], %swap3A_1721 {strides = array<i32>} : memref<513x128xf32, #tpu.memory_space<vmem>>, vector<1x16xf32>,
      %swap3A_1722 = arith.index_cast %squeeze3A_1716 : i32 to index
      %swap3A_1723 = arith.constant 16 : index
      %swap3A_1724 = tpu.vector_load %arg8[%swap3A_1722, %swap3A_1723] {strides = array<i32>} : memref<513x128xf32, #tpu.memory_space<vmem>>, vector<1x16xf32>,
      %swap3A_1725 = vector.shape_cast %swap3A_1724 : vector<1x16xf32> to vector<16xf32>
      %swap3A_1726 = vector.shape_cast %get3A_974 : vector<16xf32> to vector<1x16xf32>
      tpu.vector_store %arg8[%swap3A_1722, %swap3A_1723], %swap3A_1726 {strides = array<i32>} : memref<513x128xf32, #tpu.memory_space<vmem>>, vector<1x16xf32>,
      %swap3A_1727 = arith.index_cast %squeeze3A_1716 : i32 to index
      %swap3A_1728 = arith.constant 32 : index
      %swap3A_1729 = tpu.vector_load %arg8[%swap3A_1727, %swap3A_1728] {strides = array<i32>} : memref<513x128xf32, #tpu.memory_space<vmem>>, vector<1x16xf32>,
      %swap3A_1730 = vector.shape_cast %swap3A_1729 : vector<1x16xf32> to vector<16xf32>
      %swap3A_1731 = vector.shape_cast %get3A_979 : vector<16xf32> to vector<1x16xf32>
      tpu.vector_store %arg8[%swap3A_1727, %swap3A_1728], %swap3A_1731 {strides = array<i32>} : memref<513x128xf32, #tpu.memory_space<vmem>>, vector<1x16xf32>,
      %swap3A_1732 = arith.index_cast %squeeze3A_1716 : i32 to index
      %swap3A_1733 = arith.constant 48 : index
      %swap3A_1734 = tpu.vector_load %arg8[%swap3A_1732, %swap3A_1733] {strides = array<i32>} : memref<513x128xf32, #tpu.memory_space<vmem>>, vector<1x16xf32>,
      %swap3A_1735 = vector.shape_cast %swap3A_1734 : vector<1x16xf32> to vector<16xf32>
      %swap3A_1736 = vector.shape_cast %get3A_984 : vector<16xf32> to vector<1x16xf32>
      tpu.vector_store %arg8[%swap3A_1732, %swap3A_1733], %swap3A_1736 {strides = array<i32>} : memref<513x128xf32, #tpu.memory_space<vmem>>, vector<1x16xf32>,
      %swap3A_1737 = arith.index_cast %squeeze3A_1716 : i32 to index
      %swap3A_1738 = arith.constant 64 : index
      %swap3A_1739 = tpu.vector_load %arg8[%swap3A_1737, %swap3A_1738] {strides = array<i32>} : memref<513x128xf32, #tpu.memory_space<vmem>>, vector<1x16xf32>,
      %swap3A_1740 = vector.shape_cast %swap3A_1739 : vector<1x16xf32> to vector<16xf32>
      %swap3A_1741 = vector.shape_cast %get3A_989 : vector<16xf32> to vector<1x16xf32>
      tpu.vector_store %arg8[%swap3A_1737, %swap3A_1738], %swap3A_1741 {strides = array<i32>} : memref<513x128xf32, #tpu.memory_space<vmem>>, vector<1x16xf32>,
      %swap3A_1742 = arith.index_cast %squeeze3A_1716 : i32 to index
      %swap3A_1743 = arith.constant 80 : index
      %swap3A_1744 = tpu.vector_load %arg8[%swap3A_1742, %swap3A_1743] {strides = array<i32>} : memref<513x128xf32, #tpu.memory_space<vmem>>, vector<1x16xf32>,
      %swap3A_1745 = vector.shape_cast %swap3A_1744 : vector<1x16xf32> to vector<16xf32>
      %swap3A_1746 = vector.shape_cast %get3A_994 : vector<16xf32> to vector<1x16xf32>
      tpu.vector_store %arg8[%swap3A_1742, %swap3A_1743], %swap3A_1746 {strides = array<i32>} : memref<513x128xf32, #tpu.memory_space<vmem>>, vector<1x16xf32>,
      %swap3A_1747 = arith.index_cast %squeeze3A_1716 : i32 to index
      %swap3A_1748 = arith.constant 96 : index
      %swap3A_1749 = tpu.vector_load %arg8[%swap3A_1747, %swap3A_1748] {strides = array<i32>} : memref<513x128xf32, #tpu.memory_space<vmem>>, vector<1x16xf32>,
      %swap3A_1750 = vector.shape_cast %swap3A_1749 : vector<1x16xf32> to vector<16xf32>
      %swap3A_1751 = vector.shape_cast %get3A_999 : vector<16xf32> to vector<1x16xf32>
      tpu.vector_store %arg8[%swap3A_1747, %swap3A_1748], %swap3A_1751 {strides = array<i32>} : memref<513x128xf32, #tpu.memory_space<vmem>>, vector<1x16xf32>,
      %swap3A_1752 = arith.index_cast %squeeze3A_1716 : i32 to index
      %swap3A_1753 = arith.constant 112 : index
      %swap3A_1754 = tpu.vector_load %arg8[%swap3A_1752, %swap3A_1753] {strides = array<i32>} : memref<513x128xf32, #tpu.memory_space<vmem>>, vector<1x16xf32>,
      %swap3A_1755 = vector.shape_cast %swap3A_1754 : vector<1x16xf32> to vector<16xf32>
      %swap3A_1756 = vector.shape_cast %get3A_1004 : vector<16xf32> to vector<1x16xf32>
      tpu.vector_store %arg8[%swap3A_1752, %swap3A_1753], %swap3A_1756 {strides = array<i32>} : memref<513x128xf32, #tpu.memory_space<vmem>>, vector<1x16xf32>,
      %slice3A_1757 = vector.extract_strided_slice %select_n3A_1170 {offsets = [14], sizes = [1], strides = [1]} : vector<16xi32> to vector<1xi32>
      %squeeze3A_1758 = vector.extract %slice3A_1757[0] : i32 from vector<1xi32>
      %swap3A_1759 = arith.index_cast %squeeze3A_1758 : i32 to index
      %swap3A_1760 = arith.constant 0 : index
      %swap3A_1761 = tpu.vector_load %arg8[%swap3A_1759, %swap3A_1760] {strides = array<i32>} : memref<513x128xf32, #tpu.memory_space<vmem>>, vector<1x16xf32>,
      %swap3A_1762 = vector.shape_cast %swap3A_1761 : vector<1x16xf32> to vector<16xf32>
      %swap3A_1763 = vector.shape_cast %get3A_969 : vector<16xf32> to vector<1x16xf32>
      tpu.vector_store %arg8[%swap3A_1759, %swap3A_1760], %swap3A_1763 {strides = array<i32>} : memref<513x128xf32, #tpu.memory_space<vmem>>, vector<1x16xf32>,
      %swap3A_1764 = arith.index_cast %squeeze3A_1758 : i32 to index
      %swap3A_1765 = arith.constant 16 : index
      %swap3A_1766 = tpu.vector_load %arg8[%swap3A_1764, %swap3A_1765] {strides = array<i32>} : memref<513x128xf32, #tpu.memory_space<vmem>>, vector<1x16xf32>,
      %swap3A_1767 = vector.shape_cast %swap3A_1766 : vector<1x16xf32> to vector<16xf32>
      %swap3A_1768 = vector.shape_cast %get3A_974 : vector<16xf32> to vector<1x16xf32>
      tpu.vector_store %arg8[%swap3A_1764, %swap3A_1765], %swap3A_1768 {strides = array<i32>} : memref<513x128xf32, #tpu.memory_space<vmem>>, vector<1x16xf32>,
      %swap3A_1769 = arith.index_cast %squeeze3A_1758 : i32 to index
      %swap3A_1770 = arith.constant 32 : index
      %swap3A_1771 = tpu.vector_load %arg8[%swap3A_1769, %swap3A_1770] {strides = array<i32>} : memref<513x128xf32, #tpu.memory_space<vmem>>, vector<1x16xf32>,
      %swap3A_1772 = vector.shape_cast %swap3A_1771 : vector<1x16xf32> to vector<16xf32>
      %swap3A_1773 = vector.shape_cast %get3A_979 : vector<16xf32> to vector<1x16xf32>
      tpu.vector_store %arg8[%swap3A_1769, %swap3A_1770], %swap3A_1773 {strides = array<i32>} : memref<513x128xf32, #tpu.memory_space<vmem>>, vector<1x16xf32>,
      %swap3A_1774 = arith.index_cast %squeeze3A_1758 : i32 to index
      %swap3A_1775 = arith.constant 48 : index
      %swap3A_1776 = tpu.vector_load %arg8[%swap3A_1774, %swap3A_1775] {strides = array<i32>} : memref<513x128xf32, #tpu.memory_space<vmem>>, vector<1x16xf32>,
      %swap3A_1777 = vector.shape_cast %swap3A_1776 : vector<1x16xf32> to vector<16xf32>
      %swap3A_1778 = vector.shape_cast %get3A_984 : vector<16xf32> to vector<1x16xf32>
      tpu.vector_store %arg8[%swap3A_1774, %swap3A_1775], %swap3A_1778 {strides = array<i32>} : memref<513x128xf32, #tpu.memory_space<vmem>>, vector<1x16xf32>,
      %swap3A_1779 = arith.index_cast %squeeze3A_1758 : i32 to index
      %swap3A_1780 = arith.constant 64 : index
      %swap3A_1781 = tpu.vector_load %arg8[%swap3A_1779, %swap3A_1780] {strides = array<i32>} : memref<513x128xf32, #tpu.memory_space<vmem>>, vector<1x16xf32>,
      %swap3A_1782 = vector.shape_cast %swap3A_1781 : vector<1x16xf32> to vector<16xf32>
      %swap3A_1783 = vector.shape_cast %get3A_989 : vector<16xf32> to vector<1x16xf32>
      tpu.vector_store %arg8[%swap3A_1779, %swap3A_1780], %swap3A_1783 {strides = array<i32>} : memref<513x128xf32, #tpu.memory_space<vmem>>, vector<1x16xf32>,
      %swap3A_1784 = arith.index_cast %squeeze3A_1758 : i32 to index
      %swap3A_1785 = arith.constant 80 : index
      %swap3A_1786 = tpu.vector_load %arg8[%swap3A_1784, %swap3A_1785] {strides = array<i32>} : memref<513x128xf32, #tpu.memory_space<vmem>>, vector<1x16xf32>,
      %swap3A_1787 = vector.shape_cast %swap3A_1786 : vector<1x16xf32> to vector<16xf32>
      %swap3A_1788 = vector.shape_cast %get3A_994 : vector<16xf32> to vector<1x16xf32>
      tpu.vector_store %arg8[%swap3A_1784, %swap3A_1785], %swap3A_1788 {strides = array<i32>} : memref<513x128xf32, #tpu.memory_space<vmem>>, vector<1x16xf32>,
      %swap3A_1789 = arith.index_cast %squeeze3A_1758 : i32 to index
      %swap3A_1790 = arith.constant 96 : index
      %swap3A_1791 = tpu.vector_load %arg8[%swap3A_1789, %swap3A_1790] {strides = array<i32>} : memref<513x128xf32, #tpu.memory_space<vmem>>, vector<1x16xf32>,
      %swap3A_1792 = vector.shape_cast %swap3A_1791 : vector<1x16xf32> to vector<16xf32>
      %swap3A_1793 = vector.shape_cast %get3A_999 : vector<16xf32> to vector<1x16xf32>
      tpu.vector_store %arg8[%swap3A_1789, %swap3A_1790], %swap3A_1793 {strides = array<i32>} : memref<513x128xf32, #tpu.memory_space<vmem>>, vector<1x16xf32>,
      %swap3A_1794 = arith.index_cast %squeeze3A_1758 : i32 to index
      %swap3A_1795 = arith.constant 112 : index
      %swap3A_1796 = tpu.vector_load %arg8[%swap3A_1794, %swap3A_1795] {strides = array<i32>} : memref<513x128xf32, #tpu.memory_space<vmem>>, vector<1x16xf32>,
      %swap3A_1797 = vector.shape_cast %swap3A_1796 : vector<1x16xf32> to vector<16xf32>
      %swap3A_1798 = vector.shape_cast %get3A_1004 : vector<16xf32> to vector<1x16xf32>
      tpu.vector_store %arg8[%swap3A_1794, %swap3A_1795], %swap3A_1798 {strides = array<i32>} : memref<513x128xf32, #tpu.memory_space<vmem>>, vector<1x16xf32>,
      %slice3A_1799 = vector.extract_strided_slice %select_n3A_1170 {offsets = [15], sizes = [1], strides = [1]} : vector<16xi32> to vector<1xi32>
      %squeeze3A_1800 = vector.extract %slice3A_1799[0] : i32 from vector<1xi32>
      %swap3A_1801 = arith.index_cast %squeeze3A_1800 : i32 to index
      %swap3A_1802 = arith.constant 0 : index
      %swap3A_1803 = tpu.vector_load %arg8[%swap3A_1801, %swap3A_1802] {strides = array<i32>} : memref<513x128xf32, #tpu.memory_space<vmem>>, vector<1x16xf32>,
      %swap3A_1804 = vector.shape_cast %swap3A_1803 : vector<1x16xf32> to vector<16xf32>
      %swap3A_1805 = vector.shape_cast %get3A_969 : vector<16xf32> to vector<1x16xf32>
      tpu.vector_store %arg8[%swap3A_1801, %swap3A_1802], %swap3A_1805 {strides = array<i32>} : memref<513x128xf32, #tpu.memory_space<vmem>>, vector<1x16xf32>,
      %swap3A_1806 = arith.index_cast %squeeze3A_1800 : i32 to index
      %swap3A_1807 = arith.constant 16 : index
      %swap3A_1808 = tpu.vector_load %arg8[%swap3A_1806, %swap3A_1807] {strides = array<i32>} : memref<513x128xf32, #tpu.memory_space<vmem>>, vector<1x16xf32>,
      %swap3A_1809 = vector.shape_cast %swap3A_1808 : vector<1x16xf32> to vector<16xf32>
      %swap3A_1810 = vector.shape_cast %get3A_974 : vector<16xf32> to vector<1x16xf32>
      tpu.vector_store %arg8[%swap3A_1806, %swap3A_1807], %swap3A_1810 {strides = array<i32>} : memref<513x128xf32, #tpu.memory_space<vmem>>, vector<1x16xf32>,
      %swap3A_1811 = arith.index_cast %squeeze3A_1800 : i32 to index
      %swap3A_1812 = arith.constant 32 : index
      %swap3A_1813 = tpu.vector_load %arg8[%swap3A_1811, %swap3A_1812] {strides = array<i32>} : memref<513x128xf32, #tpu.memory_space<vmem>>, vector<1x16xf32>,
      %swap3A_1814 = vector.shape_cast %swap3A_1813 : vector<1x16xf32> to vector<16xf32>
      %swap3A_1815 = vector.shape_cast %get3A_979 : vector<16xf32> to vector<1x16xf32>
      tpu.vector_store %arg8[%swap3A_1811, %swap3A_1812], %swap3A_1815 {strides = array<i32>} : memref<513x128xf32, #tpu.memory_space<vmem>>, vector<1x16xf32>,
      %swap3A_1816 = arith.index_cast %squeeze3A_1800 : i32 to index
      %swap3A_1817 = arith.constant 48 : index
      %swap3A_1818 = tpu.vector_load %arg8[%swap3A_1816, %swap3A_1817] {strides = array<i32>} : memref<513x128xf32, #tpu.memory_space<vmem>>, vector<1x16xf32>,
      %swap3A_1819 = vector.shape_cast %swap3A_1818 : vector<1x16xf32> to vector<16xf32>
      %swap3A_1820 = vector.shape_cast %get3A_984 : vector<16xf32> to vector<1x16xf32>
      tpu.vector_store %arg8[%swap3A_1816, %swap3A_1817], %swap3A_1820 {strides = array<i32>} : memref<513x128xf32, #tpu.memory_space<vmem>>, vector<1x16xf32>,
      %swap3A_1821 = arith.index_cast %squeeze3A_1800 : i32 to index
      %swap3A_1822 = arith.constant 64 : index
      %swap3A_1823 = tpu.vector_load %arg8[%swap3A_1821, %swap3A_1822] {strides = array<i32>} : memref<513x128xf32, #tpu.memory_space<vmem>>, vector<1x16xf32>,
      %swap3A_1824 = vector.shape_cast %swap3A_1823 : vector<1x16xf32> to vector<16xf32>
      %swap3A_1825 = vector.shape_cast %get3A_989 : vector<16xf32> to vector<1x16xf32>
      tpu.vector_store %arg8[%swap3A_1821, %swap3A_1822], %swap3A_1825 {strides = array<i32>} : memref<513x128xf32, #tpu.memory_space<vmem>>, vector<1x16xf32>,
      %swap3A_1826 = arith.index_cast %squeeze3A_1800 : i32 to index
      %swap3A_1827 = arith.constant 80 : index
      %swap3A_1828 = tpu.vector_load %arg8[%swap3A_1826, %swap3A_1827] {strides = array<i32>} : memref<513x128xf32, #tpu.memory_space<vmem>>, vector<1x16xf32>,
      %swap3A_1829 = vector.shape_cast %swap3A_1828 : vector<1x16xf32> to vector<16xf32>
      %swap3A_1830 = vector.shape_cast %get3A_994 : vector<16xf32> to vector<1x16xf32>
      tpu.vector_store %arg8[%swap3A_1826, %swap3A_1827], %swap3A_1830 {strides = array<i32>} : memref<513x128xf32, #tpu.memory_space<vmem>>, vector<1x16xf32>,
      %swap3A_1831 = arith.index_cast %squeeze3A_1800 : i32 to index
      %swap3A_1832 = arith.constant 96 : index
      %swap3A_1833 = tpu.vector_load %arg8[%swap3A_1831, %swap3A_1832] {strides = array<i32>} : memref<513x128xf32, #tpu.memory_space<vmem>>, vector<1x16xf32>,
      %swap3A_1834 = vector.shape_cast %swap3A_1833 : vector<1x16xf32> to vector<16xf32>
      %swap3A_1835 = vector.shape_cast %get3A_999 : vector<16xf32> to vector<1x16xf32>
      tpu.vector_store %arg8[%swap3A_1831, %swap3A_1832], %swap3A_1835 {strides = array<i32>} : memref<513x128xf32, #tpu.memory_space<vmem>>, vector<1x16xf32>,
      %swap3A_1836 = arith.index_cast %squeeze3A_1800 : i32 to index
      %swap3A_1837 = arith.constant 112 : index
      %swap3A_1838 = tpu.vector_load %arg8[%swap3A_1836, %swap3A_1837] {strides = array<i32>} : memref<513x128xf32, #tpu.memory_space<vmem>>, vector<1x16xf32>,
      %swap3A_1839 = vector.shape_cast %swap3A_1838 : vector<1x16xf32> to vector<16xf32>
      %swap3A_1840 = vector.shape_cast %get3A_1004 : vector<16xf32> to vector<1x16xf32>
      tpu.vector_store %arg8[%swap3A_1836, %swap3A_1837], %swap3A_1840 {strides = array<i32>} : memref<513x128xf32, #tpu.memory_space<vmem>>, vector<1x16xf32>,
    }
    %scan3A_1099 = arith.constant 8 : i32
    %add3A_1100 = arith.constant 384 : i32
    %add3A_1101 = arith.addi %mul3A_2, %add3A_1100 : i32
    %dma_start3A_1102 = arith.constant 384 : i32
    %dma_start3A_1103 = arith.constant 0 : i32
    %dma_start3A_1104 = tpu.memref_slice %arg8[%dma_start3A_1102, %dma_start3A_1103] : memref<513x128xf32, #tpu.memory_space<vmem>> -> memref<128x128xf32, #tpu.memory_space<vmem>>
    %dma_start3A_1105 = arith.constant 0 : i32
    %dma_start3A_1106 = tpu.memref_slice %arg5[%add3A_1101, %dma_start3A_1105] : memref<16384x128xf32, #tpu.memory_space<hbm>> -> memref<128x128xf32, #tpu.memory_space<hbm>>
    %dma_start3A_1107 = arith.constant 0 : i32
    %dma_start3A_1108 = tpu.memref_slice %arg5[%add3A_1101, %dma_start3A_1107] : memref<16384x128xf32, #tpu.memory_space<hbm>> -> memref<128x128xf32, #tpu.memory_space<hbm>>
    %dma_start3A_1109 = arith.constant 384 : i32
    %dma_start3A_1110 = arith.constant 0 : i32
    %dma_start3A_1111 = tpu.memref_slice %arg8[%dma_start3A_1109, %dma_start3A_1110] : memref<513x128xf32, #tpu.memory_space<vmem>> -> memref<128x128xf32, #tpu.memory_space<vmem>>
    tpu.enqueue_dma source(%dma_start3A_1111 : memref<128x128xf32, #tpu.memory_space<vmem>>) target(%dma_start3A_1108 : memref<128x128xf32, #tpu.memory_space<hbm>>) target_semaphore(%arg14 : memref<!tpu.dma_semaphore, #tpu.memory_space<semaphore_mem>>)
    %dma_wait3A_1112 = arith.constant 0 : i32
    %dma_wait3A_1113 = arith.constant 0 : i32
    %dma_wait3A_1114 = tpu.memref_slice %arg8[%dma_wait3A_1112, %dma_wait3A_1113] : memref<513x128xf32, #tpu.memory_space<vmem>> -> memref<128x128xf32, #tpu.memory_space<vmem>>
    %dma_wait3A_1115 = arith.constant 0 : i32
    %dma_wait3A_1116 = tpu.memref_slice %arg5[%add3A_1020, %dma_wait3A_1115] : memref<16384x128xf32, #tpu.memory_space<hbm>> -> memref<128x128xf32, #tpu.memory_space<hbm>>
    %dma_wait3A_1117 = arith.constant 0 : i32
    %dma_wait3A_1118 = tpu.memref_slice %arg5[%add3A_1020, %dma_wait3A_1117] : memref<16384x128xf32, #tpu.memory_space<hbm>> -> memref<128x128xf32, #tpu.memory_space<hbm>>
    %dma_wait3A_1119 = arith.constant 0 : i32
    %dma_wait3A_1120 = arith.constant 0 : i32
    %dma_wait3A_1121 = tpu.memref_slice %arg8[%dma_wait3A_1119, %dma_wait3A_1120] : memref<513x128xf32, #tpu.memory_space<vmem>> -> memref<128x128xf32, #tpu.memory_space<vmem>>
    tpu.wait_dma2 semaphore(%arg14 : memref<!tpu.dma_semaphore, #tpu.memory_space<semaphore_mem>>) src(%dma_wait3A_1121 : memref<128x128xf32, #tpu.memory_space<vmem>>) dst(%dma_wait3A_1118 : memref<128x128xf32, #tpu.memory_space<hbm>>)
    %dma_wait3A_1122 = arith.constant 128 : i32
    %dma_wait3A_1123 = arith.constant 0 : i32
    %dma_wait3A_1124 = tpu.memref_slice %arg8[%dma_wait3A_1122, %dma_wait3A_1123] : memref<513x128xf32, #tpu.memory_space<vmem>> -> memref<128x128xf32, #tpu.memory_space<vmem>>
    %dma_wait3A_1125 = arith.constant 0 : i32
    %dma_wait3A_1126 = tpu.memref_slice %arg5[%add3A_1047, %dma_wait3A_1125] : memref<16384x128xf32, #tpu.memory_space<hbm>> -> memref<128x128xf32, #tpu.memory_space<hbm>>
    %dma_wait3A_1127 = arith.constant 0 : i32
    %dma_wait3A_1128 = tpu.memref_slice %arg5[%add3A_1047, %dma_wait3A_1127] : memref<16384x128xf32, #tpu.memory_space<hbm>> -> memref<128x128xf32, #tpu.memory_space<hbm>>
    %dma_wait3A_1129 = arith.constant 128 : i32
    %dma_wait3A_1130 = arith.constant 0 : i32
    %dma_wait3A_1131 = tpu.memref_slice %arg8[%dma_wait3A_1129, %dma_wait3A_1130] : memref<513x128xf32, #tpu.memory_space<vmem>> -> memref<128x128xf32, #tpu.memory_space<vmem>>
    tpu.wait_dma2 semaphore(%arg14 : memref<!tpu.dma_semaphore, #tpu.memory_space<semaphore_mem>>) src(%dma_wait3A_1131 : memref<128x128xf32, #tpu.memory_space<vmem>>) dst(%dma_wait3A_1128 : memref<128x128xf32, #tpu.memory_space<hbm>>)
    %dma_wait3A_1132 = arith.constant 256 : i32
    %dma_wait3A_1133 = arith.constant 0 : i32
    %dma_wait3A_1134 = tpu.memref_slice %arg8[%dma_wait3A_1132, %dma_wait3A_1133] : memref<513x128xf32, #tpu.memory_space<vmem>> -> memref<128x128xf32, #tpu.memory_space<vmem>>
    %dma_wait3A_1135 = arith.constant 0 : i32
    %dma_wait3A_1136 = tpu.memref_slice %arg5[%add3A_1074, %dma_wait3A_1135] : memref<16384x128xf32, #tpu.memory_space<hbm>> -> memref<128x128xf32, #tpu.memory_space<hbm>>
    %dma_wait3A_1137 = arith.constant 0 : i32
    %dma_wait3A_1138 = tpu.memref_slice %arg5[%add3A_1074, %dma_wait3A_1137] : memref<16384x128xf32, #tpu.memory_space<hbm>> -> memref<128x128xf32, #tpu.memory_space<hbm>>
    %dma_wait3A_1139 = arith.constant 256 : i32
    %dma_wait3A_1140 = arith.constant 0 : i32
    %dma_wait3A_1141 = tpu.memref_slice %arg8[%dma_wait3A_1139, %dma_wait3A_1140] : memref<513x128xf32, #tpu.memory_space<vmem>> -> memref<128x128xf32, #tpu.memory_space<vmem>>
    tpu.wait_dma2 semaphore(%arg14 : memref<!tpu.dma_semaphore, #tpu.memory_space<semaphore_mem>>) src(%dma_wait3A_1141 : memref<128x128xf32, #tpu.memory_space<vmem>>) dst(%dma_wait3A_1138 : memref<128x128xf32, #tpu.memory_space<hbm>>)
    %dma_wait3A_1142 = arith.constant 384 : i32
    %dma_wait3A_1143 = arith.constant 0 : i32
    %dma_wait3A_1144 = tpu.memref_slice %arg8[%dma_wait3A_1142, %dma_wait3A_1143] : memref<513x128xf32, #tpu.memory_space<vmem>> -> memref<128x128xf32, #tpu.memory_space<vmem>>
    %dma_wait3A_1145 = arith.constant 0 : i32
    %dma_wait3A_1146 = tpu.memref_slice %arg5[%add3A_1101, %dma_wait3A_1145] : memref<16384x128xf32, #tpu.memory_space<hbm>> -> memref<128x128xf32, #tpu.memory_space<hbm>>
    %dma_wait3A_1147 = arith.constant 0 : i32
    %dma_wait3A_1148 = tpu.memref_slice %arg5[%add3A_1101, %dma_wait3A_1147] : memref<16384x128xf32, #tpu.memory_space<hbm>> -> memref<128x128xf32, #tpu.memory_space<hbm>>
    %dma_wait3A_1149 = arith.constant 384 : i32
    %dma_wait3A_1150 = arith.constant 0 : i32
    %dma_wait3A_1151 = tpu.memref_slice %arg8[%dma_wait3A_1149, %dma_wait3A_1150] : memref<513x128xf32, #tpu.memory_space<vmem>> -> memref<128x128xf32, #tpu.memory_space<vmem>>
    tpu.wait_dma2 semaphore(%arg14 : memref<!tpu.dma_semaphore, #tpu.memory_space<semaphore_mem>>) src(%dma_wait3A_1151 : memref<128x128xf32, #tpu.memory_space<vmem>>) dst(%dma_wait3A_1148 : memref<128x128xf32, #tpu.memory_space<hbm>>)
    return
  }
}

</mosaic_0001>

<sc_bundles>
// kernel: _embed.3.cloned.1.call-start
scs
__scs_entry_jumppad:
0x0: {  	(pc) =	sbr.rel $0x88, $3  }
0x1: {  	(tag) =	ssettag $0x0;
	lr =	simm.s32 $0x1  }
0x2: {  	[smem:$0x3F9E] =	sst lr;
	_ =	strace $0xD0000000  }
0x3: {  	_ = 	snop  }
0x4: {  	_ = 	snop  }
0x5: {  	_ = 	snop  }
0x6: {  	_ = 	snop  }
0x7: {  	_ = 	snop  }
__scs_overlays_trampoline_lowered:
0x8: {  	[smem:$0x3FAD] =	sst s0  }
0x9: {  	[smem:$0x3FAE] =	sst s1  }
0xa: {  	[smem:$0x3FAF] =	sst s2  }
0xb: {  	[smem:$0x3FB0] =	sst s3  }
0xc: {  	[smem:$0x3FB1] =	sst s4  }
0xd: {  	[smem:$0x3FB2] =	sst s5  }
0xe: {  	[smem:$0x3FB3] =	sst s6  }
0xf: {  	[smem:$0x3FB4] =	sst s7  }
0x10: {  	[smem:$0x3FB5] =	sst s8  }
0x11: {  	[smem:$0x3FB6] =	sst s9;
	s0 =	simm.s32 @!p0 $0x0  }
0x12: {  	s1 =	sld [smem:$0x3F9C];
	s0 =	simm.s32 @p0 $0x1  }
0x13: {  	[smem:$0x3FB7] =	sst s0;
	s0 =	simm.s32 @!p1 $0x0  }
0x14: {  	s2 =	sld [smem:$0x3F9B];
	s0 =	simm.s32 @p1 $0x1  }
0x15: {  	[smem:$0x3FB8] =	sst s0;
	s0 =	simm.s32 @!p2 $0x0  }
0x16: {  	s3 =	sld [smem:$0x3FDB];
	s0 =	simm.s32 @p2 $0x1  }
0x17: {  	s4 =	simm.s32 $0x1BF5;
	[smem:$0x3FBA] =	sst s0  }
0x18: {  	s0 =	sld [smem:$0x3F9D];
	_ =	swait.ge [sflag:s4], $0x0  }
0x19: {  	s7 =	sld [smem:$0x3F9E]  }
0x1a: {  	s8 =	sadd.s32 $0xFFFFE003, lr  }
0x1b: {  	s9 =	sadd.s32 $0xFFFFFEF7, lr;
	s5 =	simm.s32 $0xFFFFFFFF;
	p2 =	slt.u32 s8, $0xFFFFF086  }
0x1c: {  	p1 =	slt.u32 s9, $0xF7A;
	s5 =	simm.s32 @!p2 $0x0  }
0x1d: {  	s5 =	simm.s32 @p1 $0x1;
	p0 =	seq.s32 s7, s2  }
0x1e: {  	s7 =	smul.u32 @!p0 $0xF7A, s2;
	p2 =	seq.s32 @!p0 s5, $0x0  }
0x1f: {  	s9 =	smul.u32 $0xF7A, s1;
	s8 =	simm.s32 @!p0 $0x1BF5;
	p2 =	por !p2, p0  }
0x20: {  	[sflag:s8] =	ssyncset.s32 @!p0 $0xFFFFF086;
	s6 =	sadd.s32 @!p0 s3, s7;
	s7 =	simm.s32 @!p0 $0x108  }
0x21: {  	s3 =	sadd.s32 s3, s9;
	s6 =	sadd.s32 @!p0 $0x88, s6;
	s7 =	simm.s32 @p2 $0x1082  }
0x22: {  	[simem:s7], [sflag:s8] =	dma.local @!p0 [hbm:s6], $0xF7A  }
0x23: {  	s9 =	sor.u32 $0xD0000000, s2;
	s6 =	simm.s32 $0x108;
	_ =	swait.ge @!p0 [sflag:s8], $0x0  }
0x24: {  	s3 =	sadd.s32 $0x88, s3;
	s6 =	simm.s32 @!p1 $0x1082;
	[sflag:s4] =	ssyncset.s32 $0xFFFFF086  }
0x25: {  	[simem:s6], [sflag:s4] =	dma.local [hbm:s3], $0xF7A  }
0x26: {  	[smem:$0x3F9E] =	sst s1;
	(tag) =	ssettag s2;
	_ =	strace s9  }
0x27: {  	s1 =	sld [smem:$0x3FAE]  }
0x28: {  	s2 =	sld [smem:$0x3FAF]  }
0x29: {  	s4 =	sld [smem:$0x3FB1]  }
0x2a: {  	p0 =	seq.s32 s5, $0x0;
	s5 =	sld [smem:$0x3FB2]  }
0x2b: {  	s6 =	sld [smem:$0x3FB3]  }
0x2c: {  	s7 =	sld [smem:$0x3FB4]  }
0x2d: {  	s3 =	simm.s32 $0x108;
	s8 =	sld [smem:$0x3FB5]  }
0x2e: {  	s3 =	simm.s32 @!p0 $0x1082;
	s9 =	sld [smem:$0x3FB6]  }
0x2f: {  	lr =	sadd.s32 s0, s3;
	s0 =	sld [smem:$0x3FAD]  }
0x30: {  	s3 =	sld [smem:$0x3FB0]  }
0x31: {  	[smem:$0x3FB9] =	sst s10  }
0x32: {  	s10 =	sld [smem:$0x3FB7];
	_ =	sdelay $0x3  }
0x33: {  	p0 =	seq.s32 s10, $0x1;
	s10 =	sld [smem:$0x3FB9];
	_ =	sdelay $0x3  }
0x34: {  	[smem:$0x3FB9] =	sst s10  }
0x35: {  	s10 =	sld [smem:$0x3FB8];
	_ =	sdelay $0x3  }
0x36: {  	p1 =	seq.s32 s10, $0x1;
	s10 =	sld [smem:$0x3FB9];
	_ =	sdelay $0x3  }
0x37: {  	[smem:$0x3FB9] =	sst s10  }
0x38: {  	s10 =	sld [smem:$0x3FBA]  }
0x39: {  	_ = 	snop;
	(pc) =	sbr.ind lr, $3  }
0x3a: {  	_ = 	snop  }
0x3b: {  	_ = 	snop  }
0x3c: {  	p2 =	seq.s32 s10, $0x1;
	s10 =	sld [smem:$0x3FB9]  }
0x3d: {  	_ =	shalt  }
0x3e: {  	_ =	shalt  }
0x3f: {  	_ =	shalt  }
0x40: {  	_ =	shalt  }
0x41: {  	_ =	shalt  }
0x42: {  	_ =	shalt  }
0x43: {  	_ =	shalt  }
0x44: {  	_ =	shalt  }
0x45: {  	_ =	shalt  }
0x46: {  	_ =	shalt  }
0x47: {  	_ =	shalt  }
0x48: {  	_ =	shalt  }
0x49: {  	_ =	shalt  }
0x4a: {  	_ =	shalt  }
0x4b: {  	_ =	shalt  }
0x4c: {  	_ =	shalt  }
0x4d: {  	_ =	shalt  }
0x4e: {  	_ =	shalt  }
0x4f: {  	_ =	shalt  }
0x50: {  	_ =	shalt  }
0x51: {  	_ =	shalt  }
0x52: {  	_ =	shalt  }
0x53: {  	_ =	shalt  }
0x54: {  	_ =	shalt  }
0x55: {  	_ =	shalt  }
0x56: {  	_ =	shalt  }
0x57: {  	_ =	shalt  }
0x58: {  	_ =	shalt  }
0x59: {  	_ =	shalt  }
0x5a: {  	_ =	shalt  }
0x5b: {  	_ =	shalt  }
0x5c: {  	_ =	shalt  }
0x5d: {  	_ =	shalt  }
0x5e: {  	_ =	shalt  }
0x5f: {  	_ =	shalt  }
0x60: {  	_ =	shalt  }
0x61: {  	_ =	shalt  }
0x62: {  	_ =	shalt  }
0x63: {  	_ =	shalt  }
0x64: {  	_ =	shalt  }
0x65: {  	_ =	shalt  }
0x66: {  	_ =	shalt  }
0x67: {  	_ =	shalt  }
0x68: {  	_ =	shalt  }
0x69: {  	_ =	shalt  }
0x6a: {  	_ =	shalt  }
0x6b: {  	_ =	shalt  }
0x6c: {  	_ =	shalt  }
0x6d: {  	_ =	shalt  }
0x6e: {  	_ =	shalt  }
0x6f: {  	_ =	shalt  }
0x70: {  	_ =	shalt  }
0x71: {  	_ =	shalt  }
0x72: {  	_ =	shalt  }
0x73: {  	_ =	shalt  }
0x74: {  	_ =	shalt  }
0x75: {  	_ =	shalt  }
0x76: {  	_ =	shalt  }
0x77: {  	_ =	shalt  }
0x78: {  	_ =	shalt  }
0x79: {  	_ =	shalt  }
0x7a: {  	_ =	shalt  }
0x7b: {  	_ =	shalt  }
0x7c: {  	_ =	shalt  }
0x7d: {  	_ =	shalt  }
0x7e: {  	_ =	shalt  }
0x7f: {  	_ =	shalt  }
0x80: {  	_ =	shalt  }
0x81: {  	_ =	shalt  }
0x82: {  	_ =	shalt  }
0x83: {  	_ =	shalt  }
0x84: {  	_ =	shalt  }
0x85: {  	_ =	shalt  }
0x86: {  	_ =	shalt  }
0x87: {  	_ =	shalt  }
.Lfunc_end0:
.L_simem_size_0:
called_computation_lowered:
.L_overlay_start_0:
0x88: {  	s2 =	sld [smem:$0x3FD9]  }
0x89: {  	s3 =	sld [smem:$0x3FFE];
	_ =	sdelay $0x1  }
0x8a: {  	s1 =	srdreg.scid  }
0x8b: {  	s0 =	sand.u32 $0x1, s1  }
0x8c: {  	s18 =	sshll.u32 s0, $0xA;
	s2 =	sadd.s32 s3, s2  }
0x8d: {  	s2 =	sadd.s32 s2, s18  }
0x8e: {  	[smem:$0x3FC5] =	sst s2  }
0x8f: {  	_ = 	snop  }
0x90: {  	s2 =	sld [smem:$0x3FC9]  }
0x91: {  	s19 =	sld [smem:$0x3FC8]  }
0x92: {  	s4 =	sld [smem:$0x3FC7]  }
0x93: {  	s5 =	sld [smem:$0x3FD0];
	(tm) =	ssettm $0x1  }
0x94: {  	s6 =	sld [smem:$0x3FFB];
	_ =	sdelay $0x3  }
0x95: {  	_ =	strace s6  }
0x96: {  	s6 =	sld [smem:$0x3FFC];
	_ =	sdelay $0x3  }
0x97: {  	_ =	strace s6  }
0x98: {  	s6 =	sld [smem:$0x3FFD];
	_ =	sdelay $0x3  }
0x99: {  	_ =	strace s6  }
0x9a: {  	_ =	strace $0x8FFFFFFF  }
0x9b: {  	s20 =	sld [smem:$0x3FDB];
	_ =	sdelay $0x1  }
0x9c: {  	s7 =	simm.s32 $_scs_section_size  }
0x9d: {  	s8 =	simm.s32 $_size__tile_overlayer_lowered;
	s9 =	simm.s32 $_tile_overlayer_lowered  }
0x9e: {  	s23 =	simm.s32 $0x1BFF;
	s22 =	sshll.u32 s9, $0x1;
	s6 =	sadd.s32 s7, s20  }
0x9f: {  	s10 =	simm.s32 $0x0;
	s21 =	sshll.u32 s8, $0x1;
	s8 =	sadd.s32 s22, s6  }
0xa0: {  	[timem:s10], [sflag:s23] =	dma.local [hbm:s8], s21  }
0xa1: {  	_ =	swait.ge [sflag:s23], s21  }
0xa2: {  	s7 =	ssub.s32 $0x0, s21;
	[sflag:s23] =	ssyncset.done $0x0  }
0xa3: {  	[sflag:s23] =	ssyncadd.s32 s7;
	_ =	sdelay $0x1  }
0xa4: {  	s24 =	simm.s32 $0x1B8B  }
0xa5: {  	_ =	swait.ge [sflag:s24], $0x1  }
0xa6: {  	[sflag:s24] =	ssyncset.done $0x0  }
0xa7: {  	s25 =	simm.s32 $0x1B8E;
	[sflag:s24] =	ssyncadd.s32 $0xFFFFFFFF  }
0xa8: {  	s26 =	simm.s32 $execute0_lowered;
	[smem:$0x3FD2] =	sst s25  }
0xa9: {  	s7 =	sshll.u32 s26, $0x1;
	_ =	strace $0x80000046;
	[dreg:$0x1] =	wrdreg $0xFFFFFFFF  }
0xaa: {  	s28 =	simm.s32 $_size_execute0_lowered;
	s6 =	sadd.s32 s6, s7;
	[dreg:$0x0] =	wrdreg $0x0  }
0xab: {  	s7 =	sshll.u32 s28, $0x1;
	[dreg:$0x2] =	wrdreg s6  }
0xac: {  	[dreg:$0x3] =	wrdreg s7  }
0xad: {  	[dreg:$0x4] =	wrdreg $0xC0  }
0xae: {  	_ =	task [dreg:s10], $0x5FFFF  }
0xaf: {  	[dreg:$0x1] =	wrdreg $0xFFFFFFFF  }
0xb0: {  	[dreg:$0x0] =	wrdreg $0x60  }
0xb1: {  	[dreg:$0x2] =	wrdreg s2  }
0xb2: {  	[dreg:$0x3] =	wrdreg s19  }
0xb3: {  	[dreg:$0x4] =	wrdreg s4  }
0xb4: {  	[dreg:$0x5] =	wrdreg s5  }
0xb5: {  	[dreg:$0x6] =	wrdreg $0x9  }
0xb6: {  	_ =	task.clear_ibuf [dreg:s10], $0x7FFFF;
	_ =	strace $0x90000046  }
0xb7: {  	s29 =	simm.s32 $0x9;
	_ =	strace $0x80000048  }
0xb8: {  	_ =	swait.ge [sflag:s29], $0x1  }
0xb9: {  	[sflag:s29] =	ssyncadd.s32 $0xFFFFFFFF  }
0xba: {  	_ =	strace $0x90000048  }
0xbb: {  	_ =	sfence  }
0xbc: {  	s30 =	sld [smem:$0x0];
	_ =	sdelay $0x2  }
0xbd: {  	s31 =	sshll.u32 s1, $0xD;
	s1 =	sshrl.u32 s1, $0x2  }
0xbe: {  	s3 =	sand.u32 $0x4000, s31;
	s1 =	sadd.s32 s1, s30  }
0xbf: {  	s0 =	sor.u32 s3, s0;
	s1 =	sshll.u32 s1, $0x11  }
0xc0: {  	s0 =	sor.u32 s1, s0  }
0xc1: {  	s0 =	sadd.s32 $0x8F2B, s0  }
0xc2: {  	[sflag:s0] =	ssyncadd.remote.s32 $0x1  }
0xc3: {  	_ =	sfence.sel $0xFFFF  }
0xc4: {  	[dreg:$0x0] =	wrdreg $0xFFFFFFFF;
	(pc) =	sbr.abs _section_cstart, $3  }
0xc5: {  	[dreg:$0x1] =	wrdreg $0xFFFFFFFF  }
0xc6: {  	_ =	task.clear_ibuf [dreg:s10], $0x2FFFF;
	_ =	strace $0x9FFFFFFF  }
0xc7: {  	(tm) =	ssettm $0x7FFFFFFF  }
tec
execute0_lowered:
.L_overlay_start_1:
0x0: {  	(tag) =	ssettag $0x1  }
0x1: {  	v0 =	vlaneseq.u32  }
0x2: {  	v2 =	vor.u32 $0x10, v0;
	v3 =	vor.u32 $0x20, v0;
	v4 =	vor.u32 $0x30, v0  }
0x3: {  	v5 =	vor.u32 $0x40, v0;
	v6 =	vor.u32 $0x50, v0;
	v7 =	vor.u32 $0x60, v0  }
0x4: {  	v8 =	vor.u32 $0x70, v0;
	v9 =	vor.u32 $0x80, v0;
	v11 =	vor.u32 $0x90, v0  }
0x5: {  	v12 =	vor.u32 $0xA0, v0;
	v13 =	vor.u32 $0xB0, v0;
	v14 =	vor.u32 $0xC0, v0  }
0x6: {  	v15 =	vor.u32 $0xD0, v0;
	v17 =	vor.u32 $0xE0, v0;
	v18 =	vor.u32 $0xF0, v0  }
0x7: {  	v16 =	vor.u32 $0x100, v0;
	v20 =	vor.u32 $0x110, v0;
	v21 =	vor.u32 $0x120, v0  }
0x8: {  	s1 =	srdreg.scid;
	s0 =	stileid.u32;
	v22 =	vor.u32 $0x130, v0;
	v23 =	vor.u32 $0x140, v0;
	v24 =	vor.u32 $0x150, v0  }
0x9: {  	s4 =	sand.u32 $0x1, s1;
	s28 =	sshll.u32 s0, $0x1;
	v25 =	vor.u32 $0x160, v0;
	v27 =	vor.u32 $0x170, v0;
	v26 =	vor.u32 $0x180, v0  }
0xa: {  	s6 =	rddreg [dreg:$0x0];
	v29 =	vor.u32 $0x190, v0;
	v30 =	vor.u32 $0x1A0, v0;
	v31 =	vor.u32 $0x1B0, v0;
	s5 =	sor.u32 s4, s28  }
0xb: {  	s7 =	rddreg [dreg:$0x1];
	v32 =	vor.u32 $0x1C0, v0;
	v33 =	vor.u32 $0x1D0, v0;
	v34 =	vor.u32 $0x1E0, v0;
	s22 =	sshll.u32 s5, $0x9  }
0xc: {  	s8 =	rddreg [dreg:$0x3];
	v35 =	vor.u32 $0x1F0, v0;
	v1 =	vor.u32 s22, v0;
	v2 =	vor.u32 s22, v2  }
0xd: {  	s2 =	rddreg [dreg:$0x4];
	v3 =	vor.u32 s22, v3;
	v4 =	vor.u32 s22, v4;
	v5 =	vor.u32 s22, v5  }
0xe: {  	s3 =	simm.s32 $0x0;
	s12 =	simm.s32 $0x1;
	s13 =	simm.s32 $0x2;
	v6 =	vor.u32 s22, v6;
	v7 =	vor.u32 s22, v7;
	v8 =	vor.u32 s22, v8  }
0xf: {  	s14 =	simm.s32 $0x80;
	s15 =	simm.s32 $0x400;
	s16 =	simm.s32 $0x4400;
	v10 =	vor.u32 s22, v9;
	v11 =	vor.u32 s22, v11;
	v12 =	vor.u32 s22, v12  }
0x10: {  	s17 =	simm.s32 $0x100;
	s18 =	simm.s32 $0x8400;
	s19 =	simm.s32 $0x180;
	v13 =	vor.u32 s22, v13;
	v14 =	vor.u32 s22, v14;
	v15 =	vor.u32 s22, v15  }
0x11: {  	s20 =	simm.s32 $0xC400;
	s21 =	simm.s32 $0x5;
	s1 =	rddreg [dreg:$0x2];
	v17 =	vor.u32 s22, v17;
	v18 =	vor.u32 s22, v18;
	v19 =	vor.u32 s22, v16  }
0x12: {  	s23 =	simm.s32 $0x4;
	s24 =	simm.s32 $0x0;
	[smem:$0x7FF] =	sst s3;
	v20 =	vor.u32 s22, v20;
	v21 =	vor.u32 s22, v21;
	v22 =	vor.u32 s22, v22  }
0x13: {  	s9 =	ssub.s32 $0x2, s4;
	s4 =	sshll.u32 s4, $0x9;
	_ =	strace $0x80000047;
	v23 =	vor.u32 s22, v23;
	v24 =	vor.u32 s22, v24;
	v25 =	vor.u32 s22, v25  }
0x14: {  	s11 =	sshrl.u32 s9, $0x1;
	s31 =	sshll.u32 s5, $0xD;
	s10 =	sand.u32 $0x3C00, s22;
	v27 =	vor.u32 s22, v27;
	v28 =	vor.u32 s22, v26;
	v29 =	vor.u32 s22, v29  }
0x15: {  	s29 =	ssub.s32 s9, s11;
	s11 =	simm.s32 $0x10800;
	v30 =	vor.u32 s22, v30;
	v31 =	vor.u32 s22, v31;
	v32 =	vor.u32 s22, v32;
	s4 =	sor.u32 s4, s10  }
0x16: {  	v33 =	vor.u32 s22, v33;
	v34 =	vor.u32 s22, v34;
	v35 =	vor.u32 s22, v35;
	s22 =	simm.s32 $0x3;
	s10 =	smax.u32 s29, $0x1;
	s30 =	sshrl.u32 s4, $0x3  }
0x17: {  	s4 =	sadd.s32 s6, s30;
	s5 =	sadd.s32 s7, s30;
	s6 =	sadd.s32 s8, s31  }
0x18: {  	s7 =	sadd.s32 $0x800, s6;
	s8 =	sadd.s32 $0x1000, s6;
	s9 =	sadd.s32 $0x1800, s6  }
.LBB2_1:
0x19: {  	[tilespmem:s3], [sflag:$0x1] =	stream.linear.gather [hbm4b:s4+s3], $0x200, $0x38;
	[tilespmem:$0x10880] =	vst v63  }
0x1a: {  	s25 =	simm.s32 $0x200  }
0x1b: {  	[tilespmem:s25], [sflag:$0x2] =	stream.linear.gather [hbm4b:s5+s3], $0x200, $0x38;
	[tilespmem:$0x10880] =	vst v63  }
0x1c: {  	_ = 	snop  }
0x1d: {  	[tilespmem:s11], [sflag:$0x5] =	stream.linear.gather [hbm4b:s1+s3], $0x80, $0x38;
	[tilespmem:$0x10880] =	vst v63  }
0x1e: {  	_ =	swait.ge [sflag:s12], $0x200  }
0x1f: {  	[sflag:s12] =	ssyncset.done $0x0  }
0x20: {  	[sflag:s12] =	ssyncadd.s32 $0xFFFFFE00  }
0x21: {  	_ =	swait.ge [sflag:s13], $0x200  }
0x22: {  	[sflag:s13] =	ssyncset.done $0x0  }
0x23: {  	[sflag:s13] =	ssyncadd.s32 $0xFFFFFE00  }
0x24: {  	v36 =	vld [tilespmem:$0x200]  }
0x25: {  	v37 =	vld [tilespmem:$0x0]  }
0x26: {  	v38 =	vld [tilespmem:$0x210]  }
0x27: {  	v39 =	vld [tilespmem:$0x10]  }
0x28: {  	v40 =	vld [tilespmem:$0x220]  }
0x29: {  	v41 =	vld [tilespmem:$0x20]  }
0x2a: {  	v42 =	vld [tilespmem:$0x230]  }
0x2b: {  	v43 =	vld [tilespmem:$0x30]  }
0x2c: {  	v44 =	vld [tilespmem:$0x240]  }
0x2d: {  	v45 =	vld [tilespmem:$0x40]  }
0x2e: {  	v46 =	vld [tilespmem:$0x250]  }
0x2f: {  	v47 =	vld [tilespmem:$0x50]  }
0x30: {  	v52 =	vld [tilespmem:$0x260];
	vm0 =	veq.s32 v36, $0x1  }
0x31: {  	v53 =	vld [tilespmem:$0x60];
	vm9 =	veq.s32 v38, $0x1;
	v37 =	vsel vm0, v1, v37  }
0x32: {  	v55 =	vld [tilespmem:$0x270];
	vm10 =	veq.s32 v40, $0x1;
	v54 =	vsel vm9, v2, v39;
	[tilespmem:$0x0] =	vst v37  }
0x33: {  	v57 =	vld [tilespmem:$0x70];
	vm11 =	veq.s32 v42, $0x1;
	v56 =	vsel vm10, v3, v41;
	[tilespmem:$0x10] =	vst v54  }
0x34: {  	vm12 =	veq.s32 v44, $0x1;
	v58 =	vsel vm11, v4, v43;
	[tilespmem:$0x20] =	vst v56  }
0x35: {  	vm13 =	veq.s32 v46, $0x1;
	v59 =	vsel vm12, v5, v45;
	[tilespmem:$0x30] =	vst v58  }
0x36: {  	vm14 =	veq.s32 v52, $0x1;
	v60 =	vsel vm13, v6, v47;
	[tilespmem:$0x40] =	vst v59  }
0x37: {  	vm15 =	veq.s32 v55, $0x1;
	v36 =	vsel vm14, v7, v53;
	[tilespmem:$0x50] =	vst v60  }
0x38: {  	v61 =	vsel vm15, v8, v57;
	[tilespmem:$0x60] =	vst v36  }
0x39: {  	[tilespmem:$0x70] =	vst v61  }
0x3a: {  	[tilespmem:s15], [sflag:$0x1] =	stream.indirect.gather [hbm4b:s1+s14], $0x80, s3, s14, $0xb8;
	[tilespmem:$0x10880] =	vst v63  }
0x3b: {  	v62 =	vld [tilespmem:$0x280]  }
0x3c: {  	v63 =	vld [tilespmem:$0x80]  }
0x3d: {  	v48 =	vld [tilespmem:$0x290]  }
0x3e: {  	v49 =	vld [tilespmem:$0x90]  }
0x3f: {  	v50 =	vld [tilespmem:$0x2A0]  }
0x40: {  	v51 =	vld [tilespmem:$0xA0]  }
0x41: {  	v52 =	vld [tilespmem:$0x2B0]  }
0x42: {  	v53 =	vld [tilespmem:$0xB0]  }
0x43: {  	v54 =	vld [tilespmem:$0x2C0]  }
0x44: {  	v55 =	vld [tilespmem:$0xC0]  }
0x45: {  	v56 =	vld [tilespmem:$0x2D0]  }
0x46: {  	v57 =	vld [tilespmem:$0xD0]  }
0x47: {  	v58 =	vld [tilespmem:$0x2E0];
	vm4 =	veq.s32 v62, $0x1  }
0x48: {  	v59 =	vld [tilespmem:$0xE0];
	vm5 =	veq.s32 v48, $0x1;
	v37 =	vsel vm4, v10, v63  }
0x49: {  	v61 =	vld [tilespmem:$0x2F0];
	vm6 =	veq.s32 v50, $0x1;
	v60 =	vsel vm5, v11, v49;
	[tilespmem:$0x80] =	vst v37  }
0x4a: {  	vm7 =	veq.s32 v52, $0x1;
	v62 =	vsel vm6, v12, v51;
	v63 =	vld [tilespmem:$0xF0];
	[tilespmem:$0x90] =	vst v60  }
0x4b: {  	vm8 =	veq.s32 v54, $0x1;
	v48 =	vsel vm7, v13, v53;
	[tilespmem:$0xA0] =	vst v62  }
0x4c: {  	vm9 =	veq.s32 v56, $0x1;
	v49 =	vsel vm8, v14, v55;
	[tilespmem:$0xB0] =	vst v48  }
0x4d: {  	vm10 =	veq.s32 v58, $0x1;
	v50 =	vsel vm9, v15, v57;
	[tilespmem:$0xC0] =	vst v49  }
0x4e: {  	vm11 =	veq.s32 v61, $0x1;
	v36 =	vsel vm10, v17, v59;
	[tilespmem:$0xD0] =	vst v50  }
0x4f: {  	[tilespmem:$0xE0] =	vst v36;
	v51 =	vsel vm11, v18, v63  }
0x50: {  	[tilespmem:$0xF0] =	vst v51  }
0x51: {  	[tilespmem:s16], [sflag:$0x2] =	stream.indirect.gather [hbm4b:s1+s14], $0x80, s14, s14, $0xb8;
	[tilespmem:$0x10880] =	vst v63  }
0x52: {  	v52 =	vld [tilespmem:$0x300]  }
0x53: {  	v53 =	vld [tilespmem:$0x100]  }
0x54: {  	v54 =	vld [tilespmem:$0x310]  }
0x55: {  	v55 =	vld [tilespmem:$0x110]  }
0x56: {  	v56 =	vld [tilespmem:$0x320]  }
0x57: {  	v57 =	vld [tilespmem:$0x120]  }
0x58: {  	v58 =	vld [tilespmem:$0x330]  }
0x59: {  	v59 =	vld [tilespmem:$0x130]  }
0x5a: {  	v60 =	vld [tilespmem:$0x340]  }
0x5b: {  	v61 =	vld [tilespmem:$0x140]  }
0x5c: {  	v62 =	vld [tilespmem:$0x350]  }
0x5d: {  	v63 =	vld [tilespmem:$0x150]  }
0x5e: {  	v48 =	vld [tilespmem:$0x360];
	vm12 =	veq.s32 v52, $0x1  }
0x5f: {  	v49 =	vld [tilespmem:$0x160];
	vm13 =	veq.s32 v54, $0x1;
	v37 =	vsel vm12, v19, v53  }
0x60: {  	v51 =	vld [tilespmem:$0x370];
	vm14 =	veq.s32 v56, $0x1;
	v50 =	vsel vm13, v20, v55;
	[tilespmem:$0x100] =	vst v37  }
0x61: {  	vm15 =	veq.s32 v58, $0x1;
	v52 =	vsel vm14, v21, v57;
	v53 =	vld [tilespmem:$0x170];
	[tilespmem:$0x110] =	vst v50  }
0x62: {  	vm4 =	veq.s32 v60, $0x1;
	v54 =	vsel vm15, v22, v59;
	[tilespmem:$0x120] =	vst v52  }
0x63: {  	vm5 =	veq.s32 v62, $0x1;
	v55 =	vsel vm4, v23, v61;
	[tilespmem:$0x130] =	vst v54  }
0x64: {  	vm6 =	veq.s32 v48, $0x1;
	v56 =	vsel vm5, v24, v63;
	[tilespmem:$0x140] =	vst v55  }
0x65: {  	vm7 =	veq.s32 v51, $0x1;
	v36 =	vsel vm6, v25, v49;
	[tilespmem:$0x150] =	vst v56  }
0x66: {  	[tilespmem:$0x160] =	vst v36;
	v57 =	vsel vm7, v27, v53  }
0x67: {  	[tilespmem:$0x170] =	vst v57  }
0x68: {  	[tilespmem:s18], [sflag:$0x3] =	stream.indirect.gather [hbm4b:s1+s14], $0x80, s17, s14, $0xb8;
	[tilespmem:$0x10880] =	vst v63  }
0x69: {  	v58 =	vld [tilespmem:$0x380]  }
0x6a: {  	v59 =	vld [tilespmem:$0x180]  }
0x6b: {  	v60 =	vld [tilespmem:$0x390]  }
0x6c: {  	v61 =	vld [tilespmem:$0x190]  }
0x6d: {  	v62 =	vld [tilespmem:$0x3A0]  }
0x6e: {  	v63 =	vld [tilespmem:$0x1A0]  }
0x6f: {  	v48 =	vld [tilespmem:$0x3B0]  }
0x70: {  	v49 =	vld [tilespmem:$0x1B0]  }
0x71: {  	v50 =	vld [tilespmem:$0x3C0]  }
0x72: {  	v51 =	vld [tilespmem:$0x1C0]  }
0x73: {  	v52 =	vld [tilespmem:$0x3D0]  }
0x74: {  	v53 =	vld [tilespmem:$0x1D0]  }
0x75: {  	v54 =	vld [tilespmem:$0x3E0];
	vm8 =	veq.s32 v58, $0x1  }
0x76: {  	v55 =	vld [tilespmem:$0x1E0];
	vm9 =	veq.s32 v60, $0x1;
	v37 =	vsel vm8, v28, v59  }
0x77: {  	v57 =	vld [tilespmem:$0x3F0];
	vm10 =	veq.s32 v62, $0x1;
	v56 =	vsel vm9, v29, v61;
	[tilespmem:$0x180] =	vst v37  }
0x78: {  	vm11 =	veq.s32 v48, $0x1;
	v58 =	vsel vm10, v30, v63;
	v59 =	vld [tilespmem:$0x1F0];
	[tilespmem:$0x190] =	vst v56  }
0x79: {  	vm12 =	veq.s32 v50, $0x1;
	v60 =	vsel vm11, v31, v49;
	[tilespmem:$0x1A0] =	vst v58  }
0x7a: {  	vm13 =	veq.s32 v52, $0x1;
	v61 =	vsel vm12, v32, v51;
	[tilespmem:$0x1B0] =	vst v60  }
0x7b: {  	vm14 =	veq.s32 v54, $0x1;
	v62 =	vsel vm13, v33, v53;
	[tilespmem:$0x1C0] =	vst v61  }
0x7c: {  	vm15 =	veq.s32 v57, $0x1;
	v36 =	vsel vm14, v34, v55;
	[tilespmem:$0x1D0] =	vst v62  }
0x7d: {  	[tilespmem:$0x1E0] =	vst v36;
	v63 =	vsel vm15, v35, v59  }
0x7e: {  	[tilespmem:$0x1F0] =	vst v63  }
0x7f: {  	[tilespmem:s20], [sflag:$0x4] =	stream.indirect.gather [hbm4b:s1+s14], $0x80, s19, s14, $0xb8;
	[tilespmem:$0x10880] =	vst v63  }
0x80: {  	_ =	swait.ge [sflag:s21], $0x80  }
0x81: {  	[sflag:s21] =	ssyncset.done $0x0  }
0x82: {  	[sflag:s21] =	ssyncadd.s32 $0xFFFFFF80  }
0x83: {  	v36 =	vld [tilespmem:$0x10800]  }
0x84: {  	v37 =	vld [tilespmem:$0x10810]  }
0x85: {  	v38 =	vld [tilespmem:$0x10820]  }
0x86: {  	v39 =	vld [tilespmem:$0x10830]  }
0x87: {  	v40 =	vld [tilespmem:$0x10840]  }
0x88: {  	v41 =	vld [tilespmem:$0x10850]  }
0x89: {  	v42 =	vld [tilespmem:$0x10860]  }
0x8a: {  	v43 =	vld [tilespmem:$0x10870];
	_ =	swait.ge [sflag:s12], $0x4000  }
0x8b: {  	[sflag:s12] =	ssyncset.done $0x0  }
0x8c: {  	s26 =	simm.s32 $0x0;
	[sflag:s12] =	ssyncadd.s32 $0xFFFFC000  }
.LBB2_2:
0x8d: {  	v44 =	vld [tilespmem:s25+$0x0];
	_ =	sdelay $0x4  }
0x8e: {  	v45 =	vor.u32 s26, v0;
	vm0 =	veq.s32 v44, $0x1  }
0x8f: {  	v44 =	vnsel vm0, $0x200, v45  }
0x90: {  	v44 =	vshll.u32 v44, $0x7  }
0x91: {  	(v2sf) =	vpush v44, $0x1  }
0x92: {  	(v2sf) =	vpush v44, $0x0;
	_ =	sdelay $0xd  }
0x93: {  	s28 =	spop (v2sf)  }
0x94: {  	(v2sf) =	vpush v44, $0x3;
	s29 =	spop (v2sf)  }
0x95: {  	(v2sf) =	vpush v44, $0x2;
	s29 =	sand.u32 $0x3FFFFF80, s29  }
0x96: {  	[tilespmem:s29+$0x400] =	vst v36  }
0x97: {  	[tilespmem:s29+$0x410] =	vst v37  }
0x98: {  	[tilespmem:s29+$0x420] =	vst v38  }
0x99: {  	[tilespmem:s29+$0x430] =	vst v39  }
0x9a: {  	[tilespmem:s29+$0x440] =	vst v40  }
0x9b: {  	[tilespmem:s29+$0x450] =	vst v41  }
0x9c: {  	[tilespmem:s29+$0x460] =	vst v42  }
0x9d: {  	s28 =	sand.u32 $0x3FFFFF80, s28;
	[tilespmem:s29+$0x470] =	vst v43  }
0x9e: {  	[tilespmem:s28+$0x400] =	vst v36  }
0x9f: {  	[tilespmem:s28+$0x410] =	vst v37  }
0xa0: {  	[tilespmem:s28+$0x420] =	vst v38  }
0xa1: {  	[tilespmem:s28+$0x430] =	vst v39  }
0xa2: {  	[tilespmem:s28+$0x440] =	vst v40  }
0xa3: {  	[tilespmem:s28+$0x450] =	vst v41;
	s31 =	spop (v2sf)  }
0xa4: {  	[tilespmem:s28+$0x460] =	vst v42;
	(v2sf) =	vpush v44, $0x5;
	s30 =	spop (v2sf)  }
0xa5: {  	[tilespmem:s28+$0x470] =	vst v43;
	(v2sf) =	vpush v44, $0x4;
	s30 =	sand.u32 $0x3FFFFF80, s30  }
0xa6: {  	[tilespmem:s30+$0x400] =	vst v36  }
0xa7: {  	[tilespmem:s30+$0x410] =	vst v37  }
0xa8: {  	[tilespmem:s30+$0x420] =	vst v38  }
0xa9: {  	[tilespmem:s30+$0x430] =	vst v39  }
0xaa: {  	[tilespmem:s30+$0x440] =	vst v40  }
0xab: {  	[tilespmem:s30+$0x450] =	vst v41  }
0xac: {  	[tilespmem:s30+$0x460] =	vst v42  }
0xad: {  	s28 =	sand.u32 $0x3FFFFF80, s31;
	[tilespmem:s30+$0x470] =	vst v43  }
0xae: {  	[tilespmem:s28+$0x400] =	vst v36  }
0xaf: {  	[tilespmem:s28+$0x410] =	vst v37  }
0xb0: {  	[tilespmem:s28+$0x420] =	vst v38  }
0xb1: {  	[tilespmem:s28+$0x430] =	vst v39  }
0xb2: {  	[tilespmem:s28+$0x440] =	vst v40  }
0xb3: {  	[tilespmem:s28+$0x450] =	vst v41;
	s29 =	spop (v2sf)  }
0xb4: {  	[tilespmem:s28+$0x460] =	vst v42;
	(v2sf) =	vpush v44, $0x7;
	s31 =	spop (v2sf)  }
0xb5: {  	[tilespmem:s28+$0x470] =	vst v43;
	(v2sf) =	vpush v44, $0x6;
	s30 =	sand.u32 $0x3FFFFF80, s31  }
0xb6: {  	[tilespmem:s30+$0x400] =	vst v36  }
0xb7: {  	[tilespmem:s30+$0x410] =	vst v37  }
0xb8: {  	[tilespmem:s30+$0x420] =	vst v38  }
0xb9: {  	[tilespmem:s30+$0x430] =	vst v39  }
0xba: {  	[tilespmem:s30+$0x440] =	vst v40  }
0xbb: {  	[tilespmem:s30+$0x450] =	vst v41  }
0xbc: {  	[tilespmem:s30+$0x460] =	vst v42  }
0xbd: {  	s28 =	sand.u32 $0x3FFFFF80, s29;
	[tilespmem:s30+$0x470] =	vst v43  }
0xbe: {  	[tilespmem:s28+$0x400] =	vst v36  }
0xbf: {  	[tilespmem:s28+$0x410] =	vst v37  }
0xc0: {  	[tilespmem:s28+$0x420] =	vst v38  }
0xc1: {  	[tilespmem:s28+$0x430] =	vst v39  }
0xc2: {  	[tilespmem:s28+$0x440] =	vst v40  }
0xc3: {  	[tilespmem:s28+$0x450] =	vst v41;
	s29 =	spop (v2sf)  }
0xc4: {  	[tilespmem:s28+$0x460] =	vst v42;
	(v2sf) =	vpush v44, $0x9;
	s31 =	spop (v2sf)  }
0xc5: {  	[tilespmem:s28+$0x470] =	vst v43;
	(v2sf) =	vpush v44, $0x8;
	s30 =	sand.u32 $0x3FFFFF80, s31  }
0xc6: {  	[tilespmem:s30+$0x400] =	vst v36  }
0xc7: {  	[tilespmem:s30+$0x410] =	vst v37  }
0xc8: {  	[tilespmem:s30+$0x420] =	vst v38  }
0xc9: {  	[tilespmem:s30+$0x430] =	vst v39  }
0xca: {  	[tilespmem:s30+$0x440] =	vst v40  }
0xcb: {  	[tilespmem:s30+$0x450] =	vst v41  }
0xcc: {  	[tilespmem:s30+$0x460] =	vst v42  }
0xcd: {  	s28 =	sand.u32 $0x3FFFFF80, s29;
	[tilespmem:s30+$0x470] =	vst v43  }
0xce: {  	[tilespmem:s28+$0x400] =	vst v36  }
0xcf: {  	[tilespmem:s28+$0x410] =	vst v37  }
0xd0: {  	[tilespmem:s28+$0x420] =	vst v38  }
0xd1: {  	[tilespmem:s28+$0x430] =	vst v39  }
0xd2: {  	[tilespmem:s28+$0x440] =	vst v40  }
0xd3: {  	[tilespmem:s28+$0x450] =	vst v41;
	s29 =	spop (v2sf)  }
0xd4: {  	[tilespmem:s28+$0x460] =	vst v42;
	(v2sf) =	vpush v44, $0xB;
	s31 =	spop (v2sf)  }
0xd5: {  	[tilespmem:s28+$0x470] =	vst v43;
	(v2sf) =	vpush v44, $0xA;
	s30 =	sand.u32 $0x3FFFFF80, s31  }
0xd6: {  	[tilespmem:s30+$0x400] =	vst v36  }
0xd7: {  	[tilespmem:s30+$0x410] =	vst v37  }
0xd8: {  	[tilespmem:s30+$0x420] =	vst v38  }
0xd9: {  	[tilespmem:s30+$0x430] =	vst v39  }
0xda: {  	[tilespmem:s30+$0x440] =	vst v40  }
0xdb: {  	[tilespmem:s30+$0x450] =	vst v41  }
0xdc: {  	[tilespmem:s30+$0x460] =	vst v42  }
0xdd: {  	s28 =	sand.u32 $0x3FFFFF80, s29;
	[tilespmem:s30+$0x470] =	vst v43  }
0xde: {  	[tilespmem:s28+$0x400] =	vst v36  }
0xdf: {  	[tilespmem:s28+$0x410] =	vst v37  }
0xe0: {  	[tilespmem:s28+$0x420] =	vst v38  }
0xe1: {  	[tilespmem:s28+$0x430] =	vst v39  }
0xe2: {  	[tilespmem:s28+$0x440] =	vst v40  }
0xe3: {  	[tilespmem:s28+$0x450] =	vst v41;
	s29 =	spop (v2sf)  }
0xe4: {  	[tilespmem:s28+$0x460] =	vst v42;
	(v2sf) =	vpush v44, $0xD;
	s31 =	spop (v2sf)  }
0xe5: {  	[tilespmem:s28+$0x470] =	vst v43;
	(v2sf) =	vpush v44, $0xC;
	s30 =	sand.u32 $0x3FFFFF80, s31  }
0xe6: {  	[tilespmem:s30+$0x400] =	vst v36  }
0xe7: {  	[tilespmem:s30+$0x410] =	vst v37  }
0xe8: {  	[tilespmem:s30+$0x420] =	vst v38  }
0xe9: {  	[tilespmem:s30+$0x430] =	vst v39  }
0xea: {  	[tilespmem:s30+$0x440] =	vst v40  }
0xeb: {  	[tilespmem:s30+$0x450] =	vst v41  }
0xec: {  	[tilespmem:s30+$0x460] =	vst v42  }
0xed: {  	s28 =	sand.u32 $0x3FFFFF80, s29;
	[tilespmem:s30+$0x470] =	vst v43  }
0xee: {  	[tilespmem:s28+$0x400] =	vst v36  }
0xef: {  	[tilespmem:s28+$0x410] =	vst v37  }
0xf0: {  	[tilespmem:s28+$0x420] =	vst v38  }
0xf1: {  	[tilespmem:s28+$0x430] =	vst v39  }
0xf2: {  	[tilespmem:s28+$0x440] =	vst v40  }
0xf3: {  	[tilespmem:s28+$0x450] =	vst v41;
	s29 =	spop (v2sf)  }
0xf4: {  	[tilespmem:s28+$0x460] =	vst v42;
	(v2sf) =	vpush v44, $0xF;
	s31 =	spop (v2sf)  }
0xf5: {  	[tilespmem:s28+$0x470] =	vst v43;
	(v2sf) =	vpush v44, $0xE;
	s30 =	sand.u32 $0x3FFFFF80, s31  }
0xf6: {  	[tilespmem:s30+$0x400] =	vst v36  }
0xf7: {  	[tilespmem:s30+$0x410] =	vst v37  }
0xf8: {  	[tilespmem:s30+$0x420] =	vst v38  }
0xf9: {  	[tilespmem:s30+$0x430] =	vst v39  }
0xfa: {  	[tilespmem:s30+$0x440] =	vst v40  }
0xfb: {  	[tilespmem:s30+$0x450] =	vst v41  }
0xfc: {  	[tilespmem:s30+$0x460] =	vst v42  }
0xfd: {  	s28 =	sand.u32 $0x3FFFFF80, s29;
	[tilespmem:s30+$0x470] =	vst v43  }
0xfe: {  	[tilespmem:s28+$0x400] =	vst v36  }
0xff: {  	[tilespmem:s28+$0x410] =	vst v37  }
0x100: {  	[tilespmem:s28+$0x420] =	vst v38  }
0x101: {  	[tilespmem:s28+$0x430] =	vst v39  }
0x102: {  	[tilespmem:s28+$0x440] =	vst v40  }
0x103: {  	[tilespmem:s28+$0x450] =	vst v41;
	s29 =	spop (v2sf)  }
0x104: {  	[tilespmem:s28+$0x460] =	vst v42;
	s31 =	spop (v2sf)  }
0x105: {  	[tilespmem:s28+$0x470] =	vst v43;
	s30 =	sand.u32 $0x3FFFFF80, s31  }
0x106: {  	[tilespmem:s30+$0x400] =	vst v36  }
0x107: {  	[tilespmem:s30+$0x410] =	vst v37  }
0x108: {  	[tilespmem:s30+$0x420] =	vst v38  }
0x109: {  	[tilespmem:s30+$0x430] =	vst v39  }
0x10a: {  	[tilespmem:s30+$0x440] =	vst v40  }
0x10b: {  	[tilespmem:s30+$0x450] =	vst v41  }
0x10c: {  	[tilespmem:s30+$0x460] =	vst v42  }
0x10d: {  	s31 =	sand.u32 $0x3FFFFF80, s29;
	[tilespmem:s30+$0x470] =	vst v43  }
0x10e: {  	[tilespmem:s31+$0x400] =	vst v36  }
0x10f: {  	[tilespmem:s31+$0x410] =	vst v37  }
0x110: {  	p0 =	sne.s32 s26, $0x70;
	[tilespmem:s31+$0x420] =	vst v38  }
.Ltmp0:
0x111: {  	[tilespmem:s31+$0x430] =	vst v39;
	(pc) =	sbr.rel @p0 .LBB2_2-.Ltmp0, $4  }
0x112: {  	[tilespmem:s31+$0x440] =	vst v40  }
0x113: {  	[tilespmem:s31+$0x450] =	vst v41  }
0x114: {  	[tilespmem:s31+$0x460] =	vst v42  }
0x115: {  	s25 =	sadd.s32 $0x10, s25;
	s26 =	sadd.s32 $0x10, s26;
	[tilespmem:s31+$0x470] =	vst v43  }
0x116: {  	s25 =	simm.s32 $0x0  }
0x117: {  	[hbm4b:s6+s25] =	stream.linear.scatter [tilespmem:s15], [sflag:$0x5], $0x4000, $0x38;
	[tilespmem:$0x10880] =	vst v63  }
0x118: {  	_ =	swait.ge [sflag:s13], $0x4000  }
0x119: {  	[sflag:s13] =	ssyncset.done $0x0  }
0x11a: {  	s26 =	simm.s32 $0x280;
	[sflag:s13] =	ssyncadd.s32 $0xFFFFC000  }
.LBB2_4:
0x11b: {  	v44 =	vld [tilespmem:s26+$0x0];
	_ =	sdelay $0x4  }
0x11c: {  	v45 =	vor.u32 s25, v9;
	vm0 =	veq.s32 v44, $0x1  }
0x11d: {  	v44 =	vnsel vm0, $0x200, v45  }
0x11e: {  	v44 =	vshll.u32 v44, $0x7  }
0x11f: {  	(v2sf) =	vpush v44, $0x1  }
0x120: {  	(v2sf) =	vpush v44, $0x0;
	_ =	sdelay $0xd  }
0x121: {  	s28 =	spop (v2sf)  }
0x122: {  	(v2sf) =	vpush v44, $0x3;
	s29 =	spop (v2sf)  }
0x123: {  	(v2sf) =	vpush v44, $0x2;
	s29 =	sand.u32 $0x3FFFFF80, s29  }
0x124: {  	[tilespmem:s29+$0x400] =	vst v36  }
0x125: {  	[tilespmem:s29+$0x410] =	vst v37  }
0x126: {  	[tilespmem:s29+$0x420] =	vst v38  }
0x127: {  	[tilespmem:s29+$0x430] =	vst v39  }
0x128: {  	[tilespmem:s29+$0x440] =	vst v40  }
0x129: {  	[tilespmem:s29+$0x450] =	vst v41  }
0x12a: {  	[tilespmem:s29+$0x460] =	vst v42  }
0x12b: {  	s28 =	sand.u32 $0x3FFFFF80, s28;
	[tilespmem:s29+$0x470] =	vst v43  }
0x12c: {  	[tilespmem:s28+$0x400] =	vst v36  }
0x12d: {  	[tilespmem:s28+$0x410] =	vst v37  }
0x12e: {  	[tilespmem:s28+$0x420] =	vst v38  }
0x12f: {  	[tilespmem:s28+$0x430] =	vst v39  }
0x130: {  	[tilespmem:s28+$0x440] =	vst v40  }
0x131: {  	[tilespmem:s28+$0x450] =	vst v41;
	s31 =	spop (v2sf)  }
0x132: {  	[tilespmem:s28+$0x460] =	vst v42;
	(v2sf) =	vpush v44, $0x5;
	s30 =	spop (v2sf)  }
0x133: {  	[tilespmem:s28+$0x470] =	vst v43;
	(v2sf) =	vpush v44, $0x4;
	s30 =	sand.u32 $0x3FFFFF80, s30  }
0x134: {  	[tilespmem:s30+$0x400] =	vst v36  }
0x135: {  	[tilespmem:s30+$0x410] =	vst v37  }
0x136: {  	[tilespmem:s30+$0x420] =	vst v38  }
0x137: {  	[tilespmem:s30+$0x430] =	vst v39  }
0x138: {  	[tilespmem:s30+$0x440] =	vst v40  }
0x139: {  	[tilespmem:s30+$0x450] =	vst v41  }
0x13a: {  	[tilespmem:s30+$0x460] =	vst v42  }
0x13b: {  	s28 =	sand.u32 $0x3FFFFF80, s31;
	[tilespmem:s30+$0x470] =	vst v43  }
0x13c: {  	[tilespmem:s28+$0x400] =	vst v36  }
0x13d: {  	[tilespmem:s28+$0x410] =	vst v37  }
0x13e: {  	[tilespmem:s28+$0x420] =	vst v38  }
0x13f: {  	[tilespmem:s28+$0x430] =	vst v39  }
0x140: {  	[tilespmem:s28+$0x440] =	vst v40  }
0x141: {  	[tilespmem:s28+$0x450] =	vst v41;
	s29 =	spop (v2sf)  }
0x142: {  	[tilespmem:s28+$0x460] =	vst v42;
	(v2sf) =	vpush v44, $0x7;
	s31 =	spop (v2sf)  }
0x143: {  	[tilespmem:s28+$0x470] =	vst v43;
	(v2sf) =	vpush v44, $0x6;
	s30 =	sand.u32 $0x3FFFFF80, s31  }
0x144: {  	[tilespmem:s30+$0x400] =	vst v36  }
0x145: {  	[tilespmem:s30+$0x410] =	vst v37  }
0x146: {  	[tilespmem:s30+$0x420] =	vst v38  }
0x147: {  	[tilespmem:s30+$0x430] =	vst v39  }
0x148: {  	[tilespmem:s30+$0x440] =	vst v40  }
0x149: {  	[tilespmem:s30+$0x450] =	vst v41  }
0x14a: {  	[tilespmem:s30+$0x460] =	vst v42  }
0x14b: {  	s28 =	sand.u32 $0x3FFFFF80, s29;
	[tilespmem:s30+$0x470] =	vst v43  }
0x14c: {  	[tilespmem:s28+$0x400] =	vst v36  }
0x14d: {  	[tilespmem:s28+$0x410] =	vst v37  }
0x14e: {  	[tilespmem:s28+$0x420] =	vst v38  }
0x14f: {  	[tilespmem:s28+$0x430] =	vst v39  }
0x150: {  	[tilespmem:s28+$0x440] =	vst v40  }
0x151: {  	[tilespmem:s28+$0x450] =	vst v41;
	s29 =	spop (v2sf)  }
0x152: {  	[tilespmem:s28+$0x460] =	vst v42;
	(v2sf) =	vpush v44, $0x9;
	s31 =	spop (v2sf)  }
0x153: {  	[tilespmem:s28+$0x470] =	vst v43;
	(v2sf) =	vpush v44, $0x8;
	s30 =	sand.u32 $0x3FFFFF80, s31  }
0x154: {  	[tilespmem:s30+$0x400] =	vst v36  }
0x155: {  	[tilespmem:s30+$0x410] =	vst v37  }
0x156: {  	[tilespmem:s30+$0x420] =	vst v38  }
0x157: {  	[tilespmem:s30+$0x430] =	vst v39  }
0x158: {  	[tilespmem:s30+$0x440] =	vst v40  }
0x159: {  	[tilespmem:s30+$0x450] =	vst v41  }
0x15a: {  	[tilespmem:s30+$0x460] =	vst v42  }
0x15b: {  	s28 =	sand.u32 $0x3FFFFF80, s29;
	[tilespmem:s30+$0x470] =	vst v43  }
0x15c: {  	[tilespmem:s28+$0x400] =	vst v36  }
0x15d: {  	[tilespmem:s28+$0x410] =	vst v37  }
0x15e: {  	[tilespmem:s28+$0x420] =	vst v38  }
0x15f: {  	[tilespmem:s28+$0x430] =	vst v39  }
0x160: {  	[tilespmem:s28+$0x440] =	vst v40  }
0x161: {  	[tilespmem:s28+$0x450] =	vst v41;
	s29 =	spop (v2sf)  }
0x162: {  	[tilespmem:s28+$0x460] =	vst v42;
	(v2sf) =	vpush v44, $0xB;
	s31 =	spop (v2sf)  }
0x163: {  	[tilespmem:s28+$0x470] =	vst v43;
	(v2sf) =	vpush v44, $0xA;
	s30 =	sand.u32 $0x3FFFFF80, s31  }
0x164: {  	[tilespmem:s30+$0x400] =	vst v36  }
0x165: {  	[tilespmem:s30+$0x410] =	vst v37  }
0x166: {  	[tilespmem:s30+$0x420] =	vst v38  }
0x167: {  	[tilespmem:s30+$0x430] =	vst v39  }
0x168: {  	[tilespmem:s30+$0x440] =	vst v40  }
0x169: {  	[tilespmem:s30+$0x450] =	vst v41  }
0x16a: {  	[tilespmem:s30+$0x460] =	vst v42  }
0x16b: {  	s28 =	sand.u32 $0x3FFFFF80, s29;
	[tilespmem:s30+$0x470] =	vst v43  }
0x16c: {  	[tilespmem:s28+$0x400] =	vst v36  }
0x16d: {  	[tilespmem:s28+$0x410] =	vst v37  }
0x16e: {  	[tilespmem:s28+$0x420] =	vst v38  }
0x16f: {  	[tilespmem:s28+$0x430] =	vst v39  }
0x170: {  	[tilespmem:s28+$0x440] =	vst v40  }
0x171: {  	[tilespmem:s28+$0x450] =	vst v41;
	s29 =	spop (v2sf)  }
0x172: {  	[tilespmem:s28+$0x460] =	vst v42;
	(v2sf) =	vpush v44, $0xD;
	s31 =	spop (v2sf)  }
0x173: {  	[tilespmem:s28+$0x470] =	vst v43;
	(v2sf) =	vpush v44, $0xC;
	s30 =	sand.u32 $0x3FFFFF80, s31  }
0x174: {  	[tilespmem:s30+$0x400] =	vst v36  }
0x175: {  	[tilespmem:s30+$0x410] =	vst v37  }
0x176: {  	[tilespmem:s30+$0x420] =	vst v38  }
0x177: {  	[tilespmem:s30+$0x430] =	vst v39  }
0x178: {  	[tilespmem:s30+$0x440] =	vst v40  }
0x179: {  	[tilespmem:s30+$0x450] =	vst v41  }
0x17a: {  	[tilespmem:s30+$0x460] =	vst v42  }
0x17b: {  	s28 =	sand.u32 $0x3FFFFF80, s29;
	[tilespmem:s30+$0x470] =	vst v43  }
0x17c: {  	[tilespmem:s28+$0x400] =	vst v36  }
0x17d: {  	[tilespmem:s28+$0x410] =	vst v37  }
0x17e: {  	[tilespmem:s28+$0x420] =	vst v38  }
0x17f: {  	[tilespmem:s28+$0x430] =	vst v39  }
0x180: {  	[tilespmem:s28+$0x440] =	vst v40  }
0x181: {  	[tilespmem:s28+$0x450] =	vst v41;
	s29 =	spop (v2sf)  }
0x182: {  	[tilespmem:s28+$0x460] =	vst v42;
	(v2sf) =	vpush v44, $0xF;
	s31 =	spop (v2sf)  }
0x183: {  	[tilespmem:s28+$0x470] =	vst v43;
	(v2sf) =	vpush v44, $0xE;
	s30 =	sand.u32 $0x3FFFFF80, s31  }
0x184: {  	[tilespmem:s30+$0x400] =	vst v36  }
0x185: {  	[tilespmem:s30+$0x410] =	vst v37  }
0x186: {  	[tilespmem:s30+$0x420] =	vst v38  }
0x187: {  	[tilespmem:s30+$0x430] =	vst v39  }
0x188: {  	[tilespmem:s30+$0x440] =	vst v40  }
0x189: {  	[tilespmem:s30+$0x450] =	vst v41  }
0x18a: {  	[tilespmem:s30+$0x460] =	vst v42  }
0x18b: {  	s28 =	sand.u32 $0x3FFFFF80, s29;
	[tilespmem:s30+$0x470] =	vst v43  }
0x18c: {  	[tilespmem:s28+$0x400] =	vst v36  }
0x18d: {  	[tilespmem:s28+$0x410] =	vst v37  }
0x18e: {  	[tilespmem:s28+$0x420] =	vst v38  }
0x18f: {  	[tilespmem:s28+$0x430] =	vst v39  }
0x190: {  	[tilespmem:s28+$0x440] =	vst v40  }
0x191: {  	[tilespmem:s28+$0x450] =	vst v41;
	s29 =	spop (v2sf)  }
0x192: {  	[tilespmem:s28+$0x460] =	vst v42;
	s31 =	spop (v2sf)  }
0x193: {  	[tilespmem:s28+$0x470] =	vst v43;
	s30 =	sand.u32 $0x3FFFFF80, s31  }
0x194: {  	[tilespmem:s30+$0x400] =	vst v36  }
0x195: {  	[tilespmem:s30+$0x410] =	vst v37  }
0x196: {  	[tilespmem:s30+$0x420] =	vst v38  }
0x197: {  	[tilespmem:s30+$0x430] =	vst v39  }
0x198: {  	[tilespmem:s30+$0x440] =	vst v40  }
0x199: {  	[tilespmem:s30+$0x450] =	vst v41  }
0x19a: {  	[tilespmem:s30+$0x460] =	vst v42  }
0x19b: {  	s31 =	sand.u32 $0x3FFFFF80, s29;
	[tilespmem:s30+$0x470] =	vst v43  }
0x19c: {  	[tilespmem:s31+$0x400] =	vst v36  }
0x19d: {  	[tilespmem:s31+$0x410] =	vst v37  }
0x19e: {  	p0 =	sne.s32 s25, $0x70;
	[tilespmem:s31+$0x420] =	vst v38  }
.Ltmp1:
0x19f: {  	[tilespmem:s31+$0x430] =	vst v39;
	(pc) =	sbr.rel @p0 .LBB2_4-.Ltmp1, $4  }
0x1a0: {  	[tilespmem:s31+$0x440] =	vst v40  }
0x1a1: {  	[tilespmem:s31+$0x450] =	vst v41  }
0x1a2: {  	[tilespmem:s31+$0x460] =	vst v42  }
0x1a3: {  	s26 =	sadd.s32 $0x10, s26;
	s25 =	sadd.s32 $0x10, s25;
	[tilespmem:s31+$0x470] =	vst v43  }
0x1a4: {  	s25 =	simm.s32 $0x0  }
0x1a5: {  	[hbm4b:s7+s25] =	stream.linear.scatter [tilespmem:s16], [sflag:$0x5], $0x4000, $0x38;
	[tilespmem:$0x10880] =	vst v63  }
0x1a6: {  	_ =	swait.ge [sflag:s22], $0x4000  }
0x1a7: {  	[sflag:s22] =	ssyncset.done $0x0  }
0x1a8: {  	s26 =	simm.s32 $0x300;
	[sflag:s22] =	ssyncadd.s32 $0xFFFFC000  }
.LBB2_6:
0x1a9: {  	v44 =	vld [tilespmem:s26+$0x0];
	_ =	sdelay $0x4  }
0x1aa: {  	v45 =	vor.u32 s25, v16;
	vm0 =	veq.s32 v44, $0x1  }
0x1ab: {  	v44 =	vnsel vm0, $0x200, v45  }
0x1ac: {  	v44 =	vshll.u32 v44, $0x7  }
0x1ad: {  	(v2sf) =	vpush v44, $0x1  }
0x1ae: {  	(v2sf) =	vpush v44, $0x0;
	_ =	sdelay $0xd  }
0x1af: {  	s28 =	spop (v2sf)  }
0x1b0: {  	(v2sf) =	vpush v44, $0x3;
	s29 =	spop (v2sf)  }
0x1b1: {  	(v2sf) =	vpush v44, $0x2;
	s29 =	sand.u32 $0x3FFFFF80, s29  }
0x1b2: {  	[tilespmem:s29+$0x400] =	vst v36  }
0x1b3: {  	[tilespmem:s29+$0x410] =	vst v37  }
0x1b4: {  	[tilespmem:s29+$0x420] =	vst v38  }
0x1b5: {  	[tilespmem:s29+$0x430] =	vst v39  }
0x1b6: {  	[tilespmem:s29+$0x440] =	vst v40  }
0x1b7: {  	[tilespmem:s29+$0x450] =	vst v41  }
0x1b8: {  	[tilespmem:s29+$0x460] =	vst v42  }
0x1b9: {  	s28 =	sand.u32 $0x3FFFFF80, s28;
	[tilespmem:s29+$0x470] =	vst v43  }
0x1ba: {  	[tilespmem:s28+$0x400] =	vst v36  }
0x1bb: {  	[tilespmem:s28+$0x410] =	vst v37  }
0x1bc: {  	[tilespmem:s28+$0x420] =	vst v38  }
0x1bd: {  	[tilespmem:s28+$0x430] =	vst v39  }
0x1be: {  	[tilespmem:s28+$0x440] =	vst v40  }
0x1bf: {  	[tilespmem:s28+$0x450] =	vst v41;
	s31 =	spop (v2sf)  }
0x1c0: {  	[tilespmem:s28+$0x460] =	vst v42;
	(v2sf) =	vpush v44, $0x5;
	s30 =	spop (v2sf)  }
0x1c1: {  	[tilespmem:s28+$0x470] =	vst v43;
	(v2sf) =	vpush v44, $0x4;
	s30 =	sand.u32 $0x3FFFFF80, s30  }
0x1c2: {  	[tilespmem:s30+$0x400] =	vst v36  }
0x1c3: {  	[tilespmem:s30+$0x410] =	vst v37  }
0x1c4: {  	[tilespmem:s30+$0x420] =	vst v38  }
0x1c5: {  	[tilespmem:s30+$0x430] =	vst v39  }
0x1c6: {  	[tilespmem:s30+$0x440] =	vst v40  }
0x1c7: {  	[tilespmem:s30+$0x450] =	vst v41  }
0x1c8: {  	[tilespmem:s30+$0x460] =	vst v42  }
0x1c9: {  	s28 =	sand.u32 $0x3FFFFF80, s31;
	[tilespmem:s30+$0x470] =	vst v43  }
0x1ca: {  	[tilespmem:s28+$0x400] =	vst v36  }
0x1cb: {  	[tilespmem:s28+$0x410] =	vst v37  }
0x1cc: {  	[tilespmem:s28+$0x420] =	vst v38  }
0x1cd: {  	[tilespmem:s28+$0x430] =	vst v39  }
0x1ce: {  	[tilespmem:s28+$0x440] =	vst v40  }
0x1cf: {  	[tilespmem:s28+$0x450] =	vst v41;
	s29 =	spop (v2sf)  }
0x1d0: {  	[tilespmem:s28+$0x460] =	vst v42;
	(v2sf) =	vpush v44, $0x7;
	s31 =	spop (v2sf)  }
0x1d1: {  	[tilespmem:s28+$0x470] =	vst v43;
	(v2sf) =	vpush v44, $0x6;
	s30 =	sand.u32 $0x3FFFFF80, s31  }
0x1d2: {  	[tilespmem:s30+$0x400] =	vst v36  }
0x1d3: {  	[tilespmem:s30+$0x410] =	vst v37  }
0x1d4: {  	[tilespmem:s30+$0x420] =	vst v38  }
0x1d5: {  	[tilespmem:s30+$0x430] =	vst v39  }
0x1d6: {  	[tilespmem:s30+$0x440] =	vst v40  }
0x1d7: {  	[tilespmem:s30+$0x450] =	vst v41  }
0x1d8: {  	[tilespmem:s30+$0x460] =	vst v42  }
0x1d9: {  	s28 =	sand.u32 $0x3FFFFF80, s29;
	[tilespmem:s30+$0x470] =	vst v43  }
0x1da: {  	[tilespmem:s28+$0x400] =	vst v36  }
0x1db: {  	[tilespmem:s28+$0x410] =	vst v37  }
0x1dc: {  	[tilespmem:s28+$0x420] =	vst v38  }
0x1dd: {  	[tilespmem:s28+$0x430] =	vst v39  }
0x1de: {  	[tilespmem:s28+$0x440] =	vst v40  }
0x1df: {  	[tilespmem:s28+$0x450] =	vst v41;
	s29 =	spop (v2sf)  }
0x1e0: {  	[tilespmem:s28+$0x460] =	vst v42;
	(v2sf) =	vpush v44, $0x9;
	s31 =	spop (v2sf)  }
0x1e1: {  	[tilespmem:s28+$0x470] =	vst v43;
	(v2sf) =	vpush v44, $0x8;
	s30 =	sand.u32 $0x3FFFFF80, s31  }
0x1e2: {  	[tilespmem:s30+$0x400] =	vst v36  }
0x1e3: {  	[tilespmem:s30+$0x410] =	vst v37  }
0x1e4: {  	[tilespmem:s30+$0x420] =	vst v38  }
0x1e5: {  	[tilespmem:s30+$0x430] =	vst v39  }
0x1e6: {  	[tilespmem:s30+$0x440] =	vst v40  }
0x1e7: {  	[tilespmem:s30+$0x450] =	vst v41  }
0x1e8: {  	[tilespmem:s30+$0x460] =	vst v42  }
0x1e9: {  	s28 =	sand.u32 $0x3FFFFF80, s29;
	[tilespmem:s30+$0x470] =	vst v43  }
0x1ea: {  	[tilespmem:s28+$0x400] =	vst v36  }
0x1eb: {  	[tilespmem:s28+$0x410] =	vst v37  }
0x1ec: {  	[tilespmem:s28+$0x420] =	vst v38  }
0x1ed: {  	[tilespmem:s28+$0x430] =	vst v39  }
0x1ee: {  	[tilespmem:s28+$0x440] =	vst v40  }
0x1ef: {  	[tilespmem:s28+$0x450] =	vst v41;
	s29 =	spop (v2sf)  }
0x1f0: {  	[tilespmem:s28+$0x460] =	vst v42;
	(v2sf) =	vpush v44, $0xB;
	s31 =	spop (v2sf)  }
0x1f1: {  	[tilespmem:s28+$0x470] =	vst v43;
	(v2sf) =	vpush v44, $0xA;
	s30 =	sand.u32 $0x3FFFFF80, s31  }
0x1f2: {  	[tilespmem:s30+$0x400] =	vst v36  }
0x1f3: {  	[tilespmem:s30+$0x410] =	vst v37  }
0x1f4: {  	[tilespmem:s30+$0x420] =	vst v38  }
0x1f5: {  	[tilespmem:s30+$0x430] =	vst v39  }
0x1f6: {  	[tilespmem:s30+$0x440] =	vst v40  }
0x1f7: {  	[tilespmem:s30+$0x450] =	vst v41  }
0x1f8: {  	[tilespmem:s30+$0x460] =	vst v42  }
0x1f9: {  	s28 =	sand.u32 $0x3FFFFF80, s29;
	[tilespmem:s30+$0x470] =	vst v43  }
0x1fa: {  	[tilespmem:s28+$0x400] =	vst v36  }
0x1fb: {  	[tilespmem:s28+$0x410] =	vst v37  }
0x1fc: {  	[tilespmem:s28+$0x420] =	vst v38  }
0x1fd: {  	[tilespmem:s28+$0x430] =	vst v39  }
0x1fe: {  	[tilespmem:s28+$0x440] =	vst v40  }
0x1ff: {  	[tilespmem:s28+$0x450] =	vst v41;
	s29 =	spop (v2sf)  }
0x200: {  	[tilespmem:s28+$0x460] =	vst v42;
	(v2sf) =	vpush v44, $0xD;
	s31 =	spop (v2sf)  }
0x201: {  	[tilespmem:s28+$0x470] =	vst v43;
	(v2sf) =	vpush v44, $0xC;
	s30 =	sand.u32 $0x3FFFFF80, s31  }
0x202: {  	[tilespmem:s30+$0x400] =	vst v36  }
0x203: {  	[tilespmem:s30+$0x410] =	vst v37  }
0x204: {  	[tilespmem:s30+$0x420] =	vst v38  }
0x205: {  	[tilespmem:s30+$0x430] =	vst v39  }
0x206: {  	[tilespmem:s30+$0x440] =	vst v40  }
0x207: {  	[tilespmem:s30+$0x450] =	vst v41  }
0x208: {  	[tilespmem:s30+$0x460] =	vst v42  }
0x209: {  	s28 =	sand.u32 $0x3FFFFF80, s29;
	[tilespmem:s30+$0x470] =	vst v43  }
0x20a: {  	[tilespmem:s28+$0x400] =	vst v36  }
0x20b: {  	[tilespmem:s28+$0x410] =	vst v37  }
0x20c: {  	[tilespmem:s28+$0x420] =	vst v38  }
0x20d: {  	[tilespmem:s28+$0x430] =	vst v39  }
0x20e: {  	[tilespmem:s28+$0x440] =	vst v40  }
0x20f: {  	[tilespmem:s28+$0x450] =	vst v41;
	s29 =	spop (v2sf)  }
0x210: {  	[tilespmem:s28+$0x460] =	vst v42;
	(v2sf) =	vpush v44, $0xF;
	s31 =	spop (v2sf)  }
0x211: {  	[tilespmem:s28+$0x470] =	vst v43;
	(v2sf) =	vpush v44, $0xE;
	s30 =	sand.u32 $0x3FFFFF80, s31  }
0x212: {  	[tilespmem:s30+$0x400] =	vst v36  }
0x213: {  	[tilespmem:s30+$0x410] =	vst v37  }
0x214: {  	[tilespmem:s30+$0x420] =	vst v38  }
0x215: {  	[tilespmem:s30+$0x430] =	vst v39  }
0x216: {  	[tilespmem:s30+$0x440] =	vst v40  }
0x217: {  	[tilespmem:s30+$0x450] =	vst v41  }
0x218: {  	[tilespmem:s30+$0x460] =	vst v42  }
0x219: {  	s28 =	sand.u32 $0x3FFFFF80, s29;
	[tilespmem:s30+$0x470] =	vst v43  }
0x21a: {  	[tilespmem:s28+$0x400] =	vst v36  }
0x21b: {  	[tilespmem:s28+$0x410] =	vst v37  }
0x21c: {  	[tilespmem:s28+$0x420] =	vst v38  }
0x21d: {  	[tilespmem:s28+$0x430] =	vst v39  }
0x21e: {  	[tilespmem:s28+$0x440] =	vst v40  }
0x21f: {  	[tilespmem:s28+$0x450] =	vst v41;
	s29 =	spop (v2sf)  }
0x220: {  	[tilespmem:s28+$0x460] =	vst v42;
	s31 =	spop (v2sf)  }
0x221: {  	[tilespmem:s28+$0x470] =	vst v43;
	s30 =	sand.u32 $0x3FFFFF80, s31  }
0x222: {  	[tilespmem:s30+$0x400] =	vst v36  }
0x223: {  	[tilespmem:s30+$0x410] =	vst v37  }
0x224: {  	[tilespmem:s30+$0x420] =	vst v38  }
0x225: {  	[tilespmem:s30+$0x430] =	vst v39  }
0x226: {  	[tilespmem:s30+$0x440] =	vst v40  }
0x227: {  	[tilespmem:s30+$0x450] =	vst v41  }
0x228: {  	[tilespmem:s30+$0x460] =	vst v42  }
0x229: {  	s31 =	sand.u32 $0x3FFFFF80, s29;
	[tilespmem:s30+$0x470] =	vst v43  }
0x22a: {  	[tilespmem:s31+$0x400] =	vst v36  }
0x22b: {  	[tilespmem:s31+$0x410] =	vst v37  }
0x22c: {  	p0 =	sne.s32 s25, $0x70;
	[tilespmem:s31+$0x420] =	vst v38  }
.Ltmp2:
0x22d: {  	[tilespmem:s31+$0x430] =	vst v39;
	(pc) =	sbr.rel @p0 .LBB2_6-.Ltmp2, $4  }
0x22e: {  	[tilespmem:s31+$0x440] =	vst v40  }
0x22f: {  	[tilespmem:s31+$0x450] =	vst v41  }
0x230: {  	[tilespmem:s31+$0x460] =	vst v42  }
0x231: {  	s26 =	sadd.s32 $0x10, s26;
	s25 =	sadd.s32 $0x10, s25;
	[tilespmem:s31+$0x470] =	vst v43  }
0x232: {  	s25 =	simm.s32 $0x0  }
0x233: {  	[hbm4b:s8+s25] =	stream.linear.scatter [tilespmem:s18], [sflag:$0x5], $0x4000, $0x38;
	[tilespmem:$0x10880] =	vst v63  }
0x234: {  	_ =	swait.ge [sflag:s23], $0x4000  }
0x235: {  	[sflag:s23] =	ssyncset.done $0x0  }
0x236: {  	s26 =	simm.s32 $0x380;
	[sflag:s23] =	ssyncadd.s32 $0xFFFFC000  }
.LBB2_8:
0x237: {  	v44 =	vld [tilespmem:s26+$0x0];
	_ =	sdelay $0x4  }
0x238: {  	v45 =	vor.u32 s25, v26;
	vm0 =	veq.s32 v44, $0x1  }
0x239: {  	v44 =	vnsel vm0, $0x200, v45  }
0x23a: {  	v44 =	vshll.u32 v44, $0x7  }
0x23b: {  	(v2sf) =	vpush v44, $0x1  }
0x23c: {  	(v2sf) =	vpush v44, $0x0;
	_ =	sdelay $0xd  }
0x23d: {  	s28 =	spop (v2sf)  }
0x23e: {  	(v2sf) =	vpush v44, $0x3;
	s29 =	spop (v2sf)  }
0x23f: {  	(v2sf) =	vpush v44, $0x2;
	s29 =	sand.u32 $0x3FFFFF80, s29  }
0x240: {  	[tilespmem:s29+$0x400] =	vst v36  }
0x241: {  	[tilespmem:s29+$0x410] =	vst v37  }
0x242: {  	[tilespmem:s29+$0x420] =	vst v38  }
0x243: {  	[tilespmem:s29+$0x430] =	vst v39  }
0x244: {  	[tilespmem:s29+$0x440] =	vst v40  }
0x245: {  	[tilespmem:s29+$0x450] =	vst v41  }
0x246: {  	[tilespmem:s29+$0x460] =	vst v42  }
0x247: {  	s28 =	sand.u32 $0x3FFFFF80, s28;
	[tilespmem:s29+$0x470] =	vst v43  }
0x248: {  	[tilespmem:s28+$0x400] =	vst v36  }
0x249: {  	[tilespmem:s28+$0x410] =	vst v37  }
0x24a: {  	[tilespmem:s28+$0x420] =	vst v38  }
0x24b: {  	[tilespmem:s28+$0x430] =	vst v39  }
0x24c: {  	[tilespmem:s28+$0x440] =	vst v40  }
0x24d: {  	[tilespmem:s28+$0x450] =	vst v41;
	s31 =	spop (v2sf)  }
0x24e: {  	[tilespmem:s28+$0x460] =	vst v42;
	(v2sf) =	vpush v44, $0x5;
	s30 =	spop (v2sf)  }
0x24f: {  	[tilespmem:s28+$0x470] =	vst v43;
	(v2sf) =	vpush v44, $0x4;
	s30 =	sand.u32 $0x3FFFFF80, s30  }
0x250: {  	[tilespmem:s30+$0x400] =	vst v36  }
0x251: {  	[tilespmem:s30+$0x410] =	vst v37  }
0x252: {  	[tilespmem:s30+$0x420] =	vst v38  }
0x253: {  	[tilespmem:s30+$0x430] =	vst v39  }
0x254: {  	[tilespmem:s30+$0x440] =	vst v40  }
0x255: {  	[tilespmem:s30+$0x450] =	vst v41  }
0x256: {  	[tilespmem:s30+$0x460] =	vst v42  }
0x257: {  	s28 =	sand.u32 $0x3FFFFF80, s31;
	[tilespmem:s30+$0x470] =	vst v43  }
0x258: {  	[tilespmem:s28+$0x400] =	vst v36  }
0x259: {  	[tilespmem:s28+$0x410] =	vst v37  }
0x25a: {  	[tilespmem:s28+$0x420] =	vst v38  }
0x25b: {  	[tilespmem:s28+$0x430] =	vst v39  }
0x25c: {  	[tilespmem:s28+$0x440] =	vst v40  }
0x25d: {  	[tilespmem:s28+$0x450] =	vst v41;
	s29 =	spop (v2sf)  }
0x25e: {  	[tilespmem:s28+$0x460] =	vst v42;
	(v2sf) =	vpush v44, $0x7;
	s31 =	spop (v2sf)  }
0x25f: {  	[tilespmem:s28+$0x470] =	vst v43;
	(v2sf) =	vpush v44, $0x6;
	s30 =	sand.u32 $0x3FFFFF80, s31  }
0x260: {  	[tilespmem:s30+$0x400] =	vst v36  }
0x261: {  	[tilespmem:s30+$0x410] =	vst v37  }
0x262: {  	[tilespmem:s30+$0x420] =	vst v38  }
0x263: {  	[tilespmem:s30+$0x430] =	vst v39  }
0x264: {  	[tilespmem:s30+$0x440] =	vst v40  }
0x265: {  	[tilespmem:s30+$0x450] =	vst v41  }
0x266: {  	[tilespmem:s30+$0x460] =	vst v42  }
0x267: {  	s28 =	sand.u32 $0x3FFFFF80, s29;
	[tilespmem:s30+$0x470] =	vst v43  }
0x268: {  	[tilespmem:s28+$0x400] =	vst v36  }
0x269: {  	[tilespmem:s28+$0x410] =	vst v37  }
0x26a: {  	[tilespmem:s28+$0x420] =	vst v38  }
0x26b: {  	[tilespmem:s28+$0x430] =	vst v39  }
0x26c: {  	[tilespmem:s28+$0x440] =	vst v40  }
0x26d: {  	[tilespmem:s28+$0x450] =	vst v41;
	s29 =	spop (v2sf)  }
0x26e: {  	[tilespmem:s28+$0x460] =	vst v42;
	(v2sf) =	vpush v44, $0x9;
	s31 =	spop (v2sf)  }
0x26f: {  	[tilespmem:s28+$0x470] =	vst v43;
	(v2sf) =	vpush v44, $0x8;
	s30 =	sand.u32 $0x3FFFFF80, s31  }
0x270: {  	[tilespmem:s30+$0x400] =	vst v36  }
0x271: {  	[tilespmem:s30+$0x410] =	vst v37  }
0x272: {  	[tilespmem:s30+$0x420] =	vst v38  }
0x273: {  	[tilespmem:s30+$0x430] =	vst v39  }
0x274: {  	[tilespmem:s30+$0x440] =	vst v40  }
0x275: {  	[tilespmem:s30+$0x450] =	vst v41  }
0x276: {  	[tilespmem:s30+$0x460] =	vst v42  }
0x277: {  	s28 =	sand.u32 $0x3FFFFF80, s29;
	[tilespmem:s30+$0x470] =	vst v43  }
0x278: {  	[tilespmem:s28+$0x400] =	vst v36  }
0x279: {  	[tilespmem:s28+$0x410] =	vst v37  }
0x27a: {  	[tilespmem:s28+$0x420] =	vst v38  }
0x27b: {  	[tilespmem:s28+$0x430] =	vst v39  }
0x27c: {  	[tilespmem:s28+$0x440] =	vst v40  }
0x27d: {  	[tilespmem:s28+$0x450] =	vst v41;
	s29 =	spop (v2sf)  }
0x27e: {  	[tilespmem:s28+$0x460] =	vst v42;
	(v2sf) =	vpush v44, $0xB;
	s31 =	spop (v2sf)  }
0x27f: {  	[tilespmem:s28+$0x470] =	vst v43;
	(v2sf) =	vpush v44, $0xA;
	s30 =	sand.u32 $0x3FFFFF80, s31  }
0x280: {  	[tilespmem:s30+$0x400] =	vst v36  }
0x281: {  	[tilespmem:s30+$0x410] =	vst v37  }
0x282: {  	[tilespmem:s30+$0x420] =	vst v38  }
0x283: {  	[tilespmem:s30+$0x430] =	vst v39  }
0x284: {  	[tilespmem:s30+$0x440] =	vst v40  }
0x285: {  	[tilespmem:s30+$0x450] =	vst v41  }
0x286: {  	[tilespmem:s30+$0x460] =	vst v42  }
0x287: {  	s28 =	sand.u32 $0x3FFFFF80, s29;
	[tilespmem:s30+$0x470] =	vst v43  }
0x288: {  	[tilespmem:s28+$0x400] =	vst v36  }
0x289: {  	[tilespmem:s28+$0x410] =	vst v37  }
0x28a: {  	[tilespmem:s28+$0x420] =	vst v38  }
0x28b: {  	[tilespmem:s28+$0x430] =	vst v39  }
0x28c: {  	[tilespmem:s28+$0x440] =	vst v40  }
0x28d: {  	[tilespmem:s28+$0x450] =	vst v41;
	s29 =	spop (v2sf)  }
0x28e: {  	[tilespmem:s28+$0x460] =	vst v42;
	(v2sf) =	vpush v44, $0xD;
	s31 =	spop (v2sf)  }
0x28f: {  	[tilespmem:s28+$0x470] =	vst v43;
	(v2sf) =	vpush v44, $0xC;
	s30 =	sand.u32 $0x3FFFFF80, s31  }
0x290: {  	[tilespmem:s30+$0x400] =	vst v36  }
0x291: {  	[tilespmem:s30+$0x410] =	vst v37  }
0x292: {  	[tilespmem:s30+$0x420] =	vst v38  }
0x293: {  	[tilespmem:s30+$0x430] =	vst v39  }
0x294: {  	[tilespmem:s30+$0x440] =	vst v40  }
0x295: {  	[tilespmem:s30+$0x450] =	vst v41  }
0x296: {  	[tilespmem:s30+$0x460] =	vst v42  }
0x297: {  	s28 =	sand.u32 $0x3FFFFF80, s29;
	[tilespmem:s30+$0x470] =	vst v43  }
0x298: {  	[tilespmem:s28+$0x400] =	vst v36  }
0x299: {  	[tilespmem:s28+$0x410] =	vst v37  }
0x29a: {  	[tilespmem:s28+$0x420] =	vst v38  }
0x29b: {  	[tilespmem:s28+$0x430] =	vst v39  }
0x29c: {  	[tilespmem:s28+$0x440] =	vst v40  }
0x29d: {  	[tilespmem:s28+$0x450] =	vst v41;
	s29 =	spop (v2sf)  }
0x29e: {  	[tilespmem:s28+$0x460] =	vst v42;
	(v2sf) =	vpush v44, $0xF;
	s31 =	spop (v2sf)  }
0x29f: {  	[tilespmem:s28+$0x470] =	vst v43;
	(v2sf) =	vpush v44, $0xE;
	s30 =	sand.u32 $0x3FFFFF80, s31  }
0x2a0: {  	[tilespmem:s30+$0x400] =	vst v36  }
0x2a1: {  	[tilespmem:s30+$0x410] =	vst v37  }
0x2a2: {  	[tilespmem:s30+$0x420] =	vst v38  }
0x2a3: {  	[tilespmem:s30+$0x430] =	vst v39  }
0x2a4: {  	[tilespmem:s30+$0x440] =	vst v40  }
0x2a5: {  	[tilespmem:s30+$0x450] =	vst v41  }
0x2a6: {  	[tilespmem:s30+$0x460] =	vst v42  }
0x2a7: {  	s28 =	sand.u32 $0x3FFFFF80, s29;
	[tilespmem:s30+$0x470] =	vst v43  }
0x2a8: {  	[tilespmem:s28+$0x400] =	vst v36  }
0x2a9: {  	[tilespmem:s28+$0x410] =	vst v37  }
0x2aa: {  	[tilespmem:s28+$0x420] =	vst v38  }
0x2ab: {  	[tilespmem:s28+$0x430] =	vst v39  }
0x2ac: {  	[tilespmem:s28+$0x440] =	vst v40  }
0x2ad: {  	[tilespmem:s28+$0x450] =	vst v41;
	s29 =	spop (v2sf)  }
0x2ae: {  	[tilespmem:s28+$0x460] =	vst v42;
	s31 =	spop (v2sf)  }
0x2af: {  	[tilespmem:s28+$0x470] =	vst v43;
	s30 =	sand.u32 $0x3FFFFF80, s31  }
0x2b0: {  	[tilespmem:s30+$0x400] =	vst v36  }
0x2b1: {  	[tilespmem:s30+$0x410] =	vst v37  }
0x2b2: {  	[tilespmem:s30+$0x420] =	vst v38  }
0x2b3: {  	[tilespmem:s30+$0x430] =	vst v39  }
0x2b4: {  	[tilespmem:s30+$0x440] =	vst v40  }
0x2b5: {  	[tilespmem:s30+$0x450] =	vst v41  }
0x2b6: {  	[tilespmem:s30+$0x460] =	vst v42  }
0x2b7: {  	s31 =	sand.u32 $0x3FFFFF80, s29;
	[tilespmem:s30+$0x470] =	vst v43  }
0x2b8: {  	[tilespmem:s31+$0x400] =	vst v36  }
0x2b9: {  	[tilespmem:s31+$0x410] =	vst v37  }
0x2ba: {  	p0 =	sne.s32 s25, $0x70;
	[tilespmem:s31+$0x420] =	vst v38  }
.Ltmp3:
0x2bb: {  	[tilespmem:s31+$0x430] =	vst v39;
	(pc) =	sbr.rel @p0 .LBB2_8-.Ltmp3, $4  }
0x2bc: {  	[tilespmem:s31+$0x440] =	vst v40  }
0x2bd: {  	[tilespmem:s31+$0x450] =	vst v41  }
0x2be: {  	[tilespmem:s31+$0x460] =	vst v42  }
0x2bf: {  	s26 =	sadd.s32 $0x10, s26;
	s25 =	sadd.s32 $0x10, s25;
	[tilespmem:s31+$0x470] =	vst v43  }
0x2c0: {  	[hbm4b:s9+s3] =	stream.linear.scatter [tilespmem:s20], [sflag:$0x5], $0x4000, $0x38;
	[tilespmem:$0x10880] =	vst v63  }
0x2c1: {  	_ =	swait.ge [sflag:s21], $0x4000  }
0x2c2: {  	[sflag:s21] =	ssyncset.done $0x0  }
0x2c3: {  	[sflag:s21] =	ssyncadd.s32 $0xFFFFC000  }
0x2c4: {  	_ =	swait.ge [sflag:s21], $0x4000  }
0x2c5: {  	[sflag:s21] =	ssyncset.done $0x0  }
0x2c6: {  	s24 =	sadd.s32 $0x1, s24;
	[sflag:s21] =	ssyncadd.s32 $0xFFFFC000  }
0x2c7: {  	p0 =	sne.s32 s24, s10;
	_ =	swait.ge [sflag:s21], $0x4000  }
.Ltmp4:
0x2c8: {  	[sflag:s21] =	ssyncset.done $0x0;
	(pc) =	sbr.rel @p0 .LBB2_1-.Ltmp4, $4  }
0x2c9: {  	[sflag:s21] =	ssyncadd.s32 $0xFFFFC000  }
0x2ca: {  	_ =	swait.ge [sflag:s21], $0x4000  }
0x2cb: {  	[sflag:s21] =	ssyncset.done $0x0  }
0x2cc: {  	[sflag:s21] =	ssyncadd.s32 $0xFFFFC000  }
0x2cd: {  	_ =	sfence.sel $0x180000  }
0x2ce: {  	[bflag:$0x0] =	sbarrier.arrive $0xFFFF  }
0x2cf: {  	p0 =	sne.s32 s0, $0x0;
	_ =	strace $0x90000047  }
0x2d0: {  	s0 =	sadd.s32 @!p0 $0x100000, s2;
	[bflag:$0x2] =	sbarrier.arrive $0xFFFF  }
0x2d1: {  	[sflag:s0] =	ssyncadd.tile.s32 @!p0 $0x1;
	_ =	shalt  }
.Lfunc_end2:
_tile_overlayer_lowered:
.L_overlay_start_2:
0x2d2: {  	(tag) =	ssettag $0x2  }
0x2d3: {  	s0 =	rddreg [dreg:$0x0];
	s2 =	stileid.u32  }
0x2d4: {  	s1 =	rddreg [dreg:$0x1];
	p0 =	sne.s32 s2, $0x0  }
0x2d5: {  	s3 =	rddreg [dreg:$0x2];
	[bflag:$0x3] =	sbarrier.arrive $0xFFFF;
	s2 =	simm.s32 @!p0 $0x1C06  }
0x2d6: {  	[timem:s3], [sflag:s2] =	dma.local @!p0 [hbm:s0], s1  }
0x2d7: {  	s0 =	simm.s32 @!p0 $0x6  }
0x2d8: {  	_ =	swait.ge @!p0 [sflag:s0], s1  }
0x2d9: {  	s1 =	ssub.s32 @!p0 $0x0, s1;
	[sflag:s0] =	ssyncset.done @!p0 $0x0  }
0x2da: {  	[sflag:s0] =	ssyncadd.s32 @!p0 s1  }
0x2db: {  	[bflag:$0x3] =	sbarrier.arrive $0xFFFF  }
0x2dc: {  	_ =	shalt  }

</sc_bundles>
